<compile_context>
chip_gen: v7x
topology: tpu7x:2x2x1
jax: 0.10.2.dev20260603
libtpu: 0.0.44.dev20260713+nightly
codegen_flags: <defaults>
</compile_context>

<pallas_src>
import functools

import numpy as np
import jax
import jax.numpy as jnp
from jax import lax
from jax.experimental import pallas as pl
from jax.experimental.pallas import tpu as pltpu
from jax.experimental.pallas import tpu_sc as plsc

N = 4096
NT = 2 * N
D = 128
E = 131072
ET = 2 * E
G = 64
NH = 4
HD = D // NH
DV = NH * (HD + 1)
DT = 144
NC, NS, L = 2, 16, 16
NW = NC * NS
CH = 128
NCHUNK = E // (NS * CH)
RPS = N // NS
BQ = 512
GPB = N // BQ
NBUF = 4


def _build_segsum(interpret=False):
    mesh = plsc.VectorSubcoreMesh(
        core_axis_name="c", subcore_axis_name="s",
        num_cores=NC, num_subcores=NS)

    @functools.partial(
        pl.kernel,
        out_type=jax.ShapeDtypeStruct((NC, N, DT), jnp.float32),
        mesh=mesh,
        scratch_types=[
            pltpu.VMEM((NCHUNK, CH), jnp.int32),
            pltpu.VMEM((NCHUNK, CH), jnp.int32),
            pltpu.VMEM((NBUF, CH, DT), jnp.float32),
            pltpu.VMEM((16, DT), jnp.float32),
            pltpu.VMEM_SHARED((N, DT), jnp.float32),
        ] + [pltpu.SemaphoreType.DMA] * (2 * NBUF),
        compiler_params=pltpu.CompilerParams(use_tc_tiling_on_sc=False),
        interpret=interpret,
    )
    def segsum(table_hbm, src_hbm, dst_hbm, out_hbm,
               sidx_v, didx_v, rows_v, zrow_v, acc_sh, *sems):
        gsems, ssems = sems[:NBUF], sems[NBUF:]
        cid = lax.axis_index("c")
        sid = lax.axis_index("s")
        base = cid * (E // CH) + sid * NCHUNK

        for i in range(16):
            for j in range(DT // L):
                zrow_v[i, pl.ds(j * L, L)] = jnp.zeros((L,), jnp.float32)
        for r in range(RPS // 16):
            pltpu.sync_copy(zrow_v, acc_sh.at[pl.ds(sid * RPS + r * 16, 16), :])

        pltpu.sync_copy(src_hbm.at[pl.ds(base, NCHUNK), :], sidx_v)
        pltpu.sync_copy(dst_hbm.at[pl.ds(base, NCHUNK), :], didx_v)
        for b in range(NBUF):
            pltpu.async_copy(table_hbm.at[sidx_v.at[b]], rows_v.at[b], gsems[b])
        plsc.subcore_barrier()

        def group(g, carry):
            for b in range(NBUF):
                i = g * NBUF + b
                pltpu.make_async_copy(table_hbm.at[pl.ds(0, CH), :],
                                      rows_v.at[b], gsems[b]).wait()
                pltpu.async_copy(rows_v.at[b], acc_sh.at[didx_v.at[i]],
                                 ssems[b], add=True).wait()
                nxt = i + NBUF

                @pl.when(nxt < NCHUNK)
                def _():
                    pltpu.async_copy(table_hbm.at[sidx_v.at[nxt]],
                                     rows_v.at[b], gsems[b])
            return carry

        lax.fori_loop(0, NCHUNK // NBUF, group, 0)
        plsc.subcore_barrier()
        pltpu.sync_copy(acc_sh.at[pl.ds(sid * RPS, RPS), :],
                        out_hbm.at[cid, pl.ds(sid * RPS, RPS), :])

    return segsum


def _dot_t(x, w):
    return lax.dot_general(x, w, (((1,), (1,)), ((), ())),
                           preferred_element_type=jnp.float32)


def _build_sage_linear(aug_out, interpret=False):
    dout = DT if aug_out else D

    def body(sums_ref, xaug_ref, wl_ref, bl_ref, wr_ref, o_ref):
        s = sums_ref[...]
        cnt = jnp.maximum(s[:, D:D + 1], 1.0)
        agg = s[:, :D] / cnt
        x = xaug_ref[:, :D]
        h = jax.nn.relu(_dot_t(agg, wl_ref[0]) + bl_ref[0]
                        + _dot_t(x, wr_ref[0]))
        if aug_out:
            lane = lax.broadcasted_iota(jnp.int32, (BQ, DT - D), 1)
            o_ref[:, :D] = h
            o_ref[:, D:] = jnp.where(lane == 0, 1.0, 0.0)
        else:
            o_ref[...] = h

    return pl.pallas_call(
        body,
        grid=(NT // BQ,),
        in_specs=[
            pl.BlockSpec((BQ, DT), lambda i: (i, 0)),
            pl.BlockSpec((BQ, DT), lambda i: (i, 0)),
            pl.BlockSpec((1, D, D), lambda i: (i // GPB, 0, 0)),
            pl.BlockSpec((1, 1, D), lambda i: (i // GPB, 0, 0)),
            pl.BlockSpec((1, D, D), lambda i: (i // GPB, 0, 0)),
        ],
        out_specs=pl.BlockSpec((BQ, dout), lambda i: (i, 0)),
        out_shape=jax.ShapeDtypeStruct((NT, dout), jnp.float32),
        interpret=interpret,
    )


def _build_attn(interpret=False):
    scale = 1.0 / np.sqrt(HD)

    def body(a_ref, hkv_ref, wq, bq, wk, bk, wv, bv, o_ref, k_sc, v_sc):
        blk = pl.program_id(1)

        @pl.when(blk == 0)
        def _():
            kn = hkv_ref[0]
            k_sc[...] = (_dot_t(kn, wk[0]) + bk[0]).astype(jnp.bfloat16)
            vfull = _dot_t(kn, wv[0]) + bv[0]
            one = jnp.ones((N, 1), jnp.float32)
            parts = []
            for h in range(NH):
                parts += [vfull[:, h * HD:(h + 1) * HD], one]
            v_sc[...] = jnp.concatenate(parts, axis=1).astype(jnp.bfloat16)

        a = a_ref[...]
        q = ((_dot_t(a, wq[0]) + bq[0]) * scale).astype(jnp.bfloat16)
        k = k_sc[...]
        v = v_sc[...]
        outs = []
        for h in range(NH):
            sl = slice(h * HD, (h + 1) * HD)
            slv = slice(h * (HD + 1), (h + 1) * (HD + 1))
            s = _dot_t(q[:, sl], k[:, sl]).astype(jnp.bfloat16)
            m = jnp.max(s, axis=1, keepdims=True)
            p16 = jnp.exp((s - m).astype(jnp.float32)).astype(jnp.bfloat16)
            oc = lax.dot_general(p16, v[:, slv], (((1,), (0,)), ((), ())),
                                 preferred_element_type=jnp.float32)
            outs.append(oc[:, :HD] / oc[:, HD:HD + 1])
        o_ref[...] = a + jnp.concatenate(outs, axis=1)

    return pl.pallas_call(
        body,
        grid=(2, GPB),
        in_specs=[
            pl.BlockSpec((BQ, D), lambda d, i: (d * GPB + i, 0)),
            pl.BlockSpec((1, N, D), lambda d, i: (1 - d, 0, 0)),
            pl.BlockSpec((1, D, D), lambda d, i: (d, 0, 0)),
            pl.BlockSpec((1, 1, D), lambda d, i: (d, 0, 0)),
            pl.BlockSpec((1, D, D), lambda d, i: (d, 0, 0)),
            pl.BlockSpec((1, 1, D), lambda d, i: (d, 0, 0)),
            pl.BlockSpec((1, D, D), lambda d, i: (d, 0, 0)),
            pl.BlockSpec((1, 1, D), lambda d, i: (d, 0, 0)),
        ],
        out_specs=pl.BlockSpec((BQ, D), lambda d, i: (d * GPB + i, 0)),
        out_shape=jax.ShapeDtypeStruct((NT, D), jnp.float32),
        scratch_shapes=[
            pltpu.VMEM((N, D), jnp.bfloat16),
            pltpu.VMEM((N, DV), jnp.bfloat16),
        ],
        interpret=interpret,
    )


def _build_pool_mlp(interpret=False):
    def body(hm_ref, hp_ref, mb_ref, pb_ref,
             w1_ref, b1_ref, w2_ref, b2_ref, o_ref):
        gids = lax.broadcasted_iota(jnp.int32, (G, N), 0)

        def seg_mean(h, ids):
            mask = (gids == ids).astype(jnp.float32)
            s = lax.dot_general(mask, h, (((1,), (0,)), ((), ())),
                                preferred_element_type=jnp.float32)
            c = jnp.maximum(jnp.sum(mask, axis=1, keepdims=True), 1.0)
            return s / c

        zm = seg_mean(hm_ref[0], mb_ref[...])
        zp = seg_mean(hp_ref[0], pb_ref[...])
        z = jnp.concatenate([zm, zp], axis=1)
        h1 = jax.nn.relu(_dot_t(z, w1_ref[...]) + b1_ref[...])
        logits = jnp.sum(h1 * w2_ref[...], axis=1, keepdims=True) + b2_ref[0, 0]
        o_ref[...] = 1.0 / (1.0 + jnp.exp(-logits))

    return pl.pallas_call(
        body,
        grid=(1,),
        in_specs=[
            pl.BlockSpec((1, N, D), lambda i: (0, 0, 0)),
            pl.BlockSpec((1, N, D), lambda i: (1, 0, 0)),
            pl.BlockSpec((1, N), lambda i: (0, 0)),
            pl.BlockSpec((1, N), lambda i: (0, 0)),
            pl.BlockSpec((D, 2 * D), lambda i: (0, 0)),
            pl.BlockSpec((1, D), lambda i: (0, 0)),
            pl.BlockSpec((1, D), lambda i: (0, 0)),
            pl.BlockSpec((1, 1), lambda i: (0, 0)),
        ],
        out_specs=pl.BlockSpec((G, 1), lambda i: (0, 0)),
        out_shape=jax.ShapeDtypeStruct((G, 1), jnp.float32),
        interpret=interpret,
    )


_SEGSUM = None
_SAGE_AUG = _build_sage_linear(aug_out=True)
_SAGE_PLAIN = _build_sage_linear(aug_out=False)
_ATTN = _build_attn()
_POOL = _build_pool_mlp()


def _augment(x):
    one = jnp.ones((x.shape[0], 1), jnp.float32)
    pad = jnp.zeros((x.shape[0], DT - D - 1), jnp.float32)
    return jnp.concatenate([x, one, pad], axis=1)


def kernel(x_mol, x_prot, params, edge_index_mol, edge_index_prot,
           mol_batch, prot_batch):
    global _SEGSUM
    if _SEGSUM is None:
        _SEGSUM = _build_segsum()
    p = params

    src = jnp.concatenate([edge_index_mol[0].astype(jnp.int32),
                           edge_index_prot[0].astype(jnp.int32) + N]
                          ).reshape(ET // CH, CH)
    dst = jnp.concatenate([edge_index_mol[1].astype(jnp.int32),
                           edge_index_prot[1].astype(jnp.int32)]
                          ).reshape(ET // CH, CH)
    x_all = jnp.concatenate([_augment(x_mol.astype(jnp.float32)),
                             _augment(x_prot.astype(jnp.float32))], axis=0)

    def stk(*names):
        return jnp.stack([p[n] for n in names])

    h1 = _SAGE_AUG(_SEGSUM(x_all, src, dst).reshape(NT, DT), x_all,
                   stk("mol1_Wl", "prot1_Wl"),
                   stk("mol1_bl", "prot1_bl").reshape(2, 1, D),
                   stk("mol1_Wr", "prot1_Wr"))
    h2 = _SAGE_PLAIN(_SEGSUM(h1, src, dst).reshape(NT, DT), h1,
                     stk("mol2_Wl", "prot2_Wl"),
                     stk("mol2_bl", "prot2_bl").reshape(2, 1, D),
                     stk("mol2_Wr", "prot2_Wr"))

    h2attn = _ATTN(h2, h2.reshape(2, N, D),
                   stk("mp_WQ", "pm_WQ"), stk("mp_bQ", "pm_bQ").reshape(2, 1, D),
                   stk("mp_WK", "pm_WK"), stk("mp_bK", "pm_bK").reshape(2, 1, D),
                   stk("mp_WV", "pm_WV"), stk("mp_bV", "pm_bV").reshape(2, 1, D))

    hst = h2attn.reshape(2, N, D)
    out = _POOL(hst, hst,
                mol_batch.reshape(1, N).astype(jnp.int32),
                prot_batch.reshape(1, N).astype(jnp.int32),
                p["fc1_W"], p["fc1_b"].reshape(1, D),
                p["fc2_W"], p["fc2_b"].reshape(1, 1))
    return out.reshape(G)

# --- scband reference (transcript-rebuilt; emitter-appended) ---
"""Pipeline reference for scband-cross-graph-attention-model-56650618634652 (READ-ONLY COPY).

The authoritative reference and input builder live on the scoring server;
editing this copy changes nothing except your own understanding.
"""

import jax, jax.numpy as jnp
import numpy as np

N_MOL = 4096
N_PROT = 4096
E_MOL = 131072
E_PROT = 131072
D_IN = 128
HID = 128
NH = 4
G = 64


def _lin(key, fin, fout, bias=True):
    k1, k2 = jax.random.split(key)
    lim = 1.0 / np.sqrt(fin)
    W = jax.random.uniform(k1, (fout, fin), jnp.float32, -lim, lim)
    b = jax.random.uniform(k2, (fout,), jnp.float32, -lim, lim) if bias else None
    return W, b


def setup_inputs(seed: int = 0):
    key = jax.random.key(seed)
    ks = jax.random.split(key, 40)
    x_mol = jax.random.normal(ks[0], (N_MOL, D_IN), jnp.float32)
    x_prot = jax.random.normal(ks[1], (N_PROT, D_IN), jnp.float32)
    edge_index_mol = jax.random.randint(ks[2], (2, E_MOL), 0, N_MOL)
    edge_index_prot = jax.random.randint(ks[3], (2, E_PROT), 0, N_PROT)
    mol_batch = jnp.sort(jax.random.randint(ks[4], (N_MOL,), 0, G))
    prot_batch = jnp.sort(jax.random.randint(ks[5], (N_PROT,), 0, G))
    p = {}
    i = 6
    for name, fin in (("mol1", D_IN), ("mol2", HID), ("prot1", D_IN), ("prot2", HID)):
        Wl, bl = _lin(ks[i], fin, HID); i += 1
        Wr, _ = _lin(ks[i], fin, HID, bias=False); i += 1
        p[name + "_Wl"] = Wl; p[name + "_bl"] = bl; p[name + "_Wr"] = Wr
    for pre in ("mp", "pm"):
        for nm in ("Q", "K", "V"):
            W, b = _lin(ks[i], HID, HID); i += 1
            p[pre + "_W" + nm] = W; p[pre + "_b" + nm] = b
    W, b = _lin(ks[i], 2 * HID, HID); i += 1
    p["fc1_W"] = W; p["fc1_b"] = b
    W, b = _lin(ks[i], HID, 1); i += 1
    p["fc2_W"] = W; p["fc2_b"] = b
    return {"x_mol": x_mol, "x_prot": x_prot, "params": p,
            "edge_index_mol": edge_index_mol, "edge_index_prot": edge_index_prot,
            "mol_batch": mol_batch, "prot_batch": prot_batch}


def _sage(x, ei, Wl, bl, Wr, n):
    src, dst = ei[0], ei[1]
    s = jax.ops.segment_sum(x[src], dst, num_segments=n)
    cnt = jax.ops.segment_sum(jnp.ones((ei.shape[1],), x.dtype), dst, num_segments=n)
    agg = s / jnp.maximum(cnt, 1.0)[:, None]
    return agg @ Wl.T + bl + x @ Wr.T


def _cross(qn, kn, p, pre):
    hd = HID // NH
    Q = (qn @ p[pre + "_WQ"].T + p[pre + "_bQ"]).reshape(-1, NH, hd).transpose(1, 0, 2)
    K = (kn @ p[pre + "_WK"].T + p[pre + "_bK"]).reshape(-1, NH, hd).transpose(1, 0, 2)
    V = (kn @ p[pre + "_WV"].T + p[pre + "_bV"]).reshape(-1, NH, hd).transpose(1, 0, 2)
    scores = jnp.einsum("hqd,hkd->hqk", Q, K) / np.sqrt(hd)
    w = jax.nn.softmax(scores, axis=-1)
    o = jnp.einsum("hqk,hkd->hqd", w, V)
    return o.transpose(1, 0, 2).reshape(qn.shape[0], HID)


def _seg_mean(x, ids, g):
    s = jax.ops.segment_sum(x, ids, num_segments=g)
    c = jax.ops.segment_sum(jnp.ones((x.shape[0],), x.dtype), ids, num_segments=g)
    return s / jnp.maximum(c, 1.0)[:, None]


def _forward(x_mol, x_prot, params, ei_m, ei_p, mb, pb):
    h = jax.nn.relu(_sage(x_mol, ei_m, params["mol1_Wl"], params["mol1_bl"], params["mol1_Wr"], N_MOL))
    Hm = jax.nn.relu(_sage(h, ei_m, params["mol2_Wl"], params["mol2_bl"], params["mol2_Wr"], N_MOL))
    h = jax.nn.relu(_sage(x_prot, ei_p, params["prot1_Wl"], params["prot1_bl"], params["prot1_Wr"], N_PROT))
    Hp = jax.nn.relu(_sage(h, ei_p, params["prot2_Wl"], params["prot2_bl"], params["prot2_Wr"], N_PROT))
    Hm2 = Hm + _cross(Hm, Hp, params, "mp")
    Hp2 = Hp + _cross(Hp, Hm, params, "pm")
    zm = _seg_mean(Hm2, mb, G)
    zp = _seg_mean(Hp2, pb, G)
    z = jnp.concatenate([zm, zp], axis=1)
    x = jax.nn.relu(z @ params["fc1_W"].T + params["fc1_b"])
    out = jax.nn.sigmoid(x @ params["fc2_W"].T + params["fc2_b"])
    return out.squeeze()


def reference(x_mol, x_prot, params, edge_index_mol, edge_index_prot, mol_batch, prot_batch):
    return _forward(x_mol, x_prot, params, edge_index_mol, edge_index_prot, mol_batch, prot_batch)

if __name__ == "__main__":
    import jax
    _d = setup_inputs()
    print(jax.jit(kernel)(*tuple(_d.values())))

</pallas_src>

<mosaic_0001>
#map = affine_map<(d0, d1) -> (0, 0)>
#map1 = affine_map<(d0, d1) -> (0, 0, 0)>
module attributes {stable_mosaic.version = 14 : i64} {
  func.func @segsum(%arg0: i32, %arg1: i32, %arg2: memref<8192x144xf32, #tpu.memory_space<hbm>>, %arg3: memref<2048x128xi32, #tpu.memory_space<hbm>>, %arg4: memref<2048x128xi32, #tpu.memory_space<hbm>>, %arg5: memref<2x4096x144xf32, #tpu.memory_space<hbm>>, %arg6: memref<64x128xi32, #tpu.memory_space<vmem>>, %arg7: memref<64x128xi32, #tpu.memory_space<vmem>>, %arg8: memref<4x128x144xf32, #tpu.memory_space<vmem>>, %arg9: memref<16x144xf32, #tpu.memory_space<vmem>>, %arg10: memref<4096x144xf32, #tpu.memory_space<vmem_shared>>, %arg11: memref<!tpu.dma_semaphore, #tpu.memory_space<semaphore_mem>>, %arg12: memref<!tpu.dma_semaphore, #tpu.memory_space<semaphore_mem>>, %arg13: memref<!tpu.dma_semaphore, #tpu.memory_space<semaphore_mem>>, %arg14: memref<!tpu.dma_semaphore, #tpu.memory_space<semaphore_mem>>, %arg15: memref<!tpu.dma_semaphore, #tpu.memory_space<semaphore_mem>>, %arg16: memref<!tpu.dma_semaphore, #tpu.memory_space<semaphore_mem>>, %arg17: memref<!tpu.dma_semaphore, #tpu.memory_space<semaphore_mem>>, %arg18: memref<!tpu.dma_semaphore, #tpu.memory_space<semaphore_mem>>) attributes {dimension_semantics = [#tpu.dimension_semantics<core_parallel>, #tpu.dimension_semantics<subcore_parallel>], iteration_bounds = array<i64: 2, 16>, scalar_prefetch = 0 : i64, scratch_operands = 13 : i64, tpu.core_type = #tpu.core_type<sc_vector_subcore>, window_params = [{transform_indices = #map}, {transform_indices = #map}, {transform_indices = #map}, {transform_indices = #map1}]} {
    %mul3A = arith.constant 1024 : i32
    %mul3A_0 = arith.muli %arg0, %mul3A : i32
    %mul3A_1 = arith.constant 64 : i32
    %mul3A_2 = arith.muli %arg1, %mul3A_1 : i32
    %add3A = arith.addi %mul3A_0, %mul3A_2 : i32
    %broadcast_in_dim3A = arith.constant 0.000000e+00 : f32
    %broadcast_in_dim3A_3 = vector.broadcast %broadcast_in_dim3A : f32 to vector<16xf32>
    %swap3A = arith.constant 0 : i32
    %swap3A_4 = arith.index_cast %swap3A : i32 to index
    %swap3A_5 = arith.constant 0 : index
    %swap3A_6 = tpu.vector_load %arg9[%swap3A_4, %swap3A_5] {strides = array<i32>} : memref<16x144xf32, #tpu.memory_space<vmem>>, vector<1x16xf32>,
    %swap3A_7 = vector.shape_cast %swap3A_6 : vector<1x16xf32> to vector<16xf32>
    %swap3A_8 = vector.shape_cast %broadcast_in_dim3A_3 : vector<16xf32> to vector<1x16xf32>
    tpu.vector_store %arg9[%swap3A_4, %swap3A_5], %swap3A_8 {strides = array<i32>} : memref<16x144xf32, #tpu.memory_space<vmem>>, vector<1x16xf32>,
    %broadcast_in_dim3A_9 = arith.constant 0.000000e+00 : f32
    %broadcast_in_dim3A_10 = vector.broadcast %broadcast_in_dim3A_9 : f32 to vector<16xf32>
    %swap3A_11 = arith.constant 0 : i32
    %swap3A_12 = arith.index_cast %swap3A_11 : i32 to index
    %swap3A_13 = arith.constant 16 : index
    %swap3A_14 = tpu.vector_load %arg9[%swap3A_12, %swap3A_13] {strides = array<i32>} : memref<16x144xf32, #tpu.memory_space<vmem>>, vector<1x16xf32>,
    %swap3A_15 = vector.shape_cast %swap3A_14 : vector<1x16xf32> to vector<16xf32>
    %swap3A_16 = vector.shape_cast %broadcast_in_dim3A_10 : vector<16xf32> to vector<1x16xf32>
    tpu.vector_store %arg9[%swap3A_12, %swap3A_13], %swap3A_16 {strides = array<i32>} : memref<16x144xf32, #tpu.memory_space<vmem>>, vector<1x16xf32>,
    %broadcast_in_dim3A_17 = arith.constant 0.000000e+00 : f32
    %broadcast_in_dim3A_18 = vector.broadcast %broadcast_in_dim3A_17 : f32 to vector<16xf32>
    %swap3A_19 = arith.constant 0 : i32
    %swap3A_20 = arith.index_cast %swap3A_19 : i32 to index
    %swap3A_21 = arith.constant 32 : index
    %swap3A_22 = tpu.vector_load %arg9[%swap3A_20, %swap3A_21] {strides = array<i32>} : memref<16x144xf32, #tpu.memory_space<vmem>>, vector<1x16xf32>,
    %swap3A_23 = vector.shape_cast %swap3A_22 : vector<1x16xf32> to vector<16xf32>
    %swap3A_24 = vector.shape_cast %broadcast_in_dim3A_18 : vector<16xf32> to vector<1x16xf32>
    tpu.vector_store %arg9[%swap3A_20, %swap3A_21], %swap3A_24 {strides = array<i32>} : memref<16x144xf32, #tpu.memory_space<vmem>>, vector<1x16xf32>,
    %broadcast_in_dim3A_25 = arith.constant 0.000000e+00 : f32
    %broadcast_in_dim3A_26 = vector.broadcast %broadcast_in_dim3A_25 : f32 to vector<16xf32>
    %swap3A_27 = arith.constant 0 : i32
    %swap3A_28 = arith.index_cast %swap3A_27 : i32 to index
    %swap3A_29 = arith.constant 48 : index
    %swap3A_30 = tpu.vector_load %arg9[%swap3A_28, %swap3A_29] {strides = array<i32>} : memref<16x144xf32, #tpu.memory_space<vmem>>, vector<1x16xf32>,
    %swap3A_31 = vector.shape_cast %swap3A_30 : vector<1x16xf32> to vector<16xf32>
    %swap3A_32 = vector.shape_cast %broadcast_in_dim3A_26 : vector<16xf32> to vector<1x16xf32>
    tpu.vector_store %arg9[%swap3A_28, %swap3A_29], %swap3A_32 {strides = array<i32>} : memref<16x144xf32, #tpu.memory_space<vmem>>, vector<1x16xf32>,
    %broadcast_in_dim3A_33 = arith.constant 0.000000e+00 : f32
    %broadcast_in_dim3A_34 = vector.broadcast %broadcast_in_dim3A_33 : f32 to vector<16xf32>
    %swap3A_35 = arith.constant 0 : i32
    %swap3A_36 = arith.index_cast %swap3A_35 : i32 to index
    %swap3A_37 = arith.constant 64 : index
    %swap3A_38 = tpu.vector_load %arg9[%swap3A_36, %swap3A_37] {strides = array<i32>} : memref<16x144xf32, #tpu.memory_space<vmem>>, vector<1x16xf32>,
    %swap3A_39 = vector.shape_cast %swap3A_38 : vector<1x16xf32> to vector<16xf32>
    %swap3A_40 = vector.shape_cast %broadcast_in_dim3A_34 : vector<16xf32> to vector<1x16xf32>
    tpu.vector_store %arg9[%swap3A_36, %swap3A_37], %swap3A_40 {strides = array<i32>} : memref<16x144xf32, #tpu.memory_space<vmem>>, vector<1x16xf32>,
    %broadcast_in_dim3A_41 = arith.constant 0.000000e+00 : f32
    %broadcast_in_dim3A_42 = vector.broadcast %broadcast_in_dim3A_41 : f32 to vector<16xf32>
    %swap3A_43 = arith.constant 0 : i32
    %swap3A_44 = arith.index_cast %swap3A_43 : i32 to index
    %swap3A_45 = arith.constant 80 : index
    %swap3A_46 = tpu.vector_load %arg9[%swap3A_44, %swap3A_45] {strides = array<i32>} : memref<16x144xf32, #tpu.memory_space<vmem>>, vector<1x16xf32>,
    %swap3A_47 = vector.shape_cast %swap3A_46 : vector<1x16xf32> to vector<16xf32>
    %swap3A_48 = vector.shape_cast %broadcast_in_dim3A_42 : vector<16xf32> to vector<1x16xf32>
    tpu.vector_store %arg9[%swap3A_44, %swap3A_45], %swap3A_48 {strides = array<i32>} : memref<16x144xf32, #tpu.memory_space<vmem>>, vector<1x16xf32>,
    %broadcast_in_dim3A_49 = arith.constant 0.000000e+00 : f32
    %broadcast_in_dim3A_50 = vector.broadcast %broadcast_in_dim3A_49 : f32 to vector<16xf32>
    %swap3A_51 = arith.constant 0 : i32
    %swap3A_52 = arith.index_cast %swap3A_51 : i32 to index
    %swap3A_53 = arith.constant 96 : index
    %swap3A_54 = tpu.vector_load %arg9[%swap3A_52, %swap3A_53] {strides = array<i32>} : memref<16x144xf32, #tpu.memory_space<vmem>>, vector<1x16xf32>,
    %swap3A_55 = vector.shape_cast %swap3A_54 : vector<1x16xf32> to vector<16xf32>
    %swap3A_56 = vector.shape_cast %broadcast_in_dim3A_50 : vector<16xf32> to vector<1x16xf32>
    tpu.vector_store %arg9[%swap3A_52, %swap3A_53], %swap3A_56 {strides = array<i32>} : memref<16x144xf32, #tpu.memory_space<vmem>>, vector<1x16xf32>,
    %broadcast_in_dim3A_57 = arith.constant 0.000000e+00 : f32
    %broadcast_in_dim3A_58 = vector.broadcast %broadcast_in_dim3A_57 : f32 to vector<16xf32>
    %swap3A_59 = arith.constant 0 : i32
    %swap3A_60 = arith.index_cast %swap3A_59 : i32 to index
    %swap3A_61 = arith.constant 112 : index
    %swap3A_62 = tpu.vector_load %arg9[%swap3A_60, %swap3A_61] {strides = array<i32>} : memref<16x144xf32, #tpu.memory_space<vmem>>, vector<1x16xf32>,
    %swap3A_63 = vector.shape_cast %swap3A_62 : vector<1x16xf32> to vector<16xf32>
    %swap3A_64 = vector.shape_cast %broadcast_in_dim3A_58 : vector<16xf32> to vector<1x16xf32>
    tpu.vector_store %arg9[%swap3A_60, %swap3A_61], %swap3A_64 {strides = array<i32>} : memref<16x144xf32, #tpu.memory_space<vmem>>, vector<1x16xf32>,
    %broadcast_in_dim3A_65 = arith.constant 0.000000e+00 : f32
    %broadcast_in_dim3A_66 = vector.broadcast %broadcast_in_dim3A_65 : f32 to vector<16xf32>
    %swap3A_67 = arith.constant 0 : i32
    %swap3A_68 = arith.index_cast %swap3A_67 : i32 to index
    %swap3A_69 = arith.constant 128 : index
    %swap3A_70 = tpu.vector_load %arg9[%swap3A_68, %swap3A_69] {strides = array<i32>} : memref<16x144xf32, #tpu.memory_space<vmem>>, vector<1x16xf32>,
    %swap3A_71 = vector.shape_cast %swap3A_70 : vector<1x16xf32> to vector<16xf32>
    %swap3A_72 = vector.shape_cast %broadcast_in_dim3A_66 : vector<16xf32> to vector<1x16xf32>
    tpu.vector_store %arg9[%swap3A_68, %swap3A_69], %swap3A_72 {strides = array<i32>} : memref<16x144xf32, #tpu.memory_space<vmem>>, vector<1x16xf32>,
    %broadcast_in_dim3A_73 = arith.constant 0.000000e+00 : f32
    %broadcast_in_dim3A_74 = vector.broadcast %broadcast_in_dim3A_73 : f32 to vector<16xf32>
    %swap3A_75 = arith.constant 1 : i32
    %swap3A_76 = arith.index_cast %swap3A_75 : i32 to index
    %swap3A_77 = arith.constant 0 : index
    %swap3A_78 = tpu.vector_load %arg9[%swap3A_76, %swap3A_77] {strides = array<i32>} : memref<16x144xf32, #tpu.memory_space<vmem>>, vector<1x16xf32>,
    %swap3A_79 = vector.shape_cast %swap3A_78 : vector<1x16xf32> to vector<16xf32>
    %swap3A_80 = vector.shape_cast %broadcast_in_dim3A_74 : vector<16xf32> to vector<1x16xf32>
    tpu.vector_store %arg9[%swap3A_76, %swap3A_77], %swap3A_80 {strides = array<i32>} : memref<16x144xf32, #tpu.memory_space<vmem>>, vector<1x16xf32>,
    %broadcast_in_dim3A_81 = arith.constant 0.000000e+00 : f32
    %broadcast_in_dim3A_82 = vector.broadcast %broadcast_in_dim3A_81 : f32 to vector<16xf32>
    %swap3A_83 = arith.constant 1 : i32
    %swap3A_84 = arith.index_cast %swap3A_83 : i32 to index
    %swap3A_85 = arith.constant 16 : index
    %swap3A_86 = tpu.vector_load %arg9[%swap3A_84, %swap3A_85] {strides = array<i32>} : memref<16x144xf32, #tpu.memory_space<vmem>>, vector<1x16xf32>,
    %swap3A_87 = vector.shape_cast %swap3A_86 : vector<1x16xf32> to vector<16xf32>
    %swap3A_88 = vector.shape_cast %broadcast_in_dim3A_82 : vector<16xf32> to vector<1x16xf32>
    tpu.vector_store %arg9[%swap3A_84, %swap3A_85], %swap3A_88 {strides = array<i32>} : memref<16x144xf32, #tpu.memory_space<vmem>>, vector<1x16xf32>,
    %broadcast_in_dim3A_89 = arith.constant 0.000000e+00 : f32
    %broadcast_in_dim3A_90 = vector.broadcast %broadcast_in_dim3A_89 : f32 to vector<16xf32>
    %swap3A_91 = arith.constant 1 : i32
    %swap3A_92 = arith.index_cast %swap3A_91 : i32 to index
    %swap3A_93 = arith.constant 32 : index
    %swap3A_94 = tpu.vector_load %arg9[%swap3A_92, %swap3A_93] {strides = array<i32>} : memref<16x144xf32, #tpu.memory_space<vmem>>, vector<1x16xf32>,
    %swap3A_95 = vector.shape_cast %swap3A_94 : vector<1x16xf32> to vector<16xf32>
    %swap3A_96 = vector.shape_cast %broadcast_in_dim3A_90 : vector<16xf32> to vector<1x16xf32>
    tpu.vector_store %arg9[%swap3A_92, %swap3A_93], %swap3A_96 {strides = array<i32>} : memref<16x144xf32, #tpu.memory_space<vmem>>, vector<1x16xf32>,
    %broadcast_in_dim3A_97 = arith.constant 0.000000e+00 : f32
    %broadcast_in_dim3A_98 = vector.broadcast %broadcast_in_dim3A_97 : f32 to vector<16xf32>
    %swap3A_99 = arith.constant 1 : i32
    %swap3A_100 = arith.index_cast %swap3A_99 : i32 to index
    %swap3A_101 = arith.constant 48 : index
    %swap3A_102 = tpu.vector_load %arg9[%swap3A_100, %swap3A_101] {strides = array<i32>} : memref<16x144xf32, #tpu.memory_space<vmem>>, vector<1x16xf32>,
    %swap3A_103 = vector.shape_cast %swap3A_102 : vector<1x16xf32> to vector<16xf32>
    %swap3A_104 = vector.shape_cast %broadcast_in_dim3A_98 : vector<16xf32> to vector<1x16xf32>
    tpu.vector_store %arg9[%swap3A_100, %swap3A_101], %swap3A_104 {strides = array<i32>} : memref<16x144xf32, #tpu.memory_space<vmem>>, vector<1x16xf32>,
    %broadcast_in_dim3A_105 = arith.constant 0.000000e+00 : f32
    %broadcast_in_dim3A_106 = vector.broadcast %broadcast_in_dim3A_105 : f32 to vector<16xf32>
    %swap3A_107 = arith.constant 1 : i32
    %swap3A_108 = arith.index_cast %swap3A_107 : i32 to index
    %swap3A_109 = arith.constant 64 : index
    %swap3A_110 = tpu.vector_load %arg9[%swap3A_108, %swap3A_109] {strides = array<i32>} : memref<16x144xf32, #tpu.memory_space<vmem>>, vector<1x16xf32>,
    %swap3A_111 = vector.shape_cast %swap3A_110 : vector<1x16xf32> to vector<16xf32>
    %swap3A_112 = vector.shape_cast %broadcast_in_dim3A_106 : vector<16xf32> to vector<1x16xf32>
    tpu.vector_store %arg9[%swap3A_108, %swap3A_109], %swap3A_112 {strides = array<i32>} : memref<16x144xf32, #tpu.memory_space<vmem>>, vector<1x16xf32>,
    %broadcast_in_dim3A_113 = arith.constant 0.000000e+00 : f32
    %broadcast_in_dim3A_114 = vector.broadcast %broadcast_in_dim3A_113 : f32 to vector<16xf32>
    %swap3A_115 = arith.constant 1 : i32
    %swap3A_116 = arith.index_cast %swap3A_115 : i32 to index
    %swap3A_117 = arith.constant 80 : index
    %swap3A_118 = tpu.vector_load %arg9[%swap3A_116, %swap3A_117] {strides = array<i32>} : memref<16x144xf32, #tpu.memory_space<vmem>>, vector<1x16xf32>,
    %swap3A_119 = vector.shape_cast %swap3A_118 : vector<1x16xf32> to vector<16xf32>
    %swap3A_120 = vector.shape_cast %broadcast_in_dim3A_114 : vector<16xf32> to vector<1x16xf32>
    tpu.vector_store %arg9[%swap3A_116, %swap3A_117], %swap3A_120 {strides = array<i32>} : memref<16x144xf32, #tpu.memory_space<vmem>>, vector<1x16xf32>,
    %broadcast_in_dim3A_121 = arith.constant 0.000000e+00 : f32
    %broadcast_in_dim3A_122 = vector.broadcast %broadcast_in_dim3A_121 : f32 to vector<16xf32>
    %swap3A_123 = arith.constant 1 : i32
    %swap3A_124 = arith.index_cast %swap3A_123 : i32 to index
    %swap3A_125 = arith.constant 96 : index
    %swap3A_126 = tpu.vector_load %arg9[%swap3A_124, %swap3A_125] {strides = array<i32>} : memref<16x144xf32, #tpu.memory_space<vmem>>, vector<1x16xf32>,
    %swap3A_127 = vector.shape_cast %swap3A_126 : vector<1x16xf32> to vector<16xf32>
    %swap3A_128 = vector.shape_cast %broadcast_in_dim3A_122 : vector<16xf32> to vector<1x16xf32>
    tpu.vector_store %arg9[%swap3A_124, %swap3A_125], %swap3A_128 {strides = array<i32>} : memref<16x144xf32, #tpu.memory_space<vmem>>, vector<1x16xf32>,
    %broadcast_in_dim3A_129 = arith.constant 0.000000e+00 : f32
    %broadcast_in_dim3A_130 = vector.broadcast %broadcast_in_dim3A_129 : f32 to vector<16xf32>
    %swap3A_131 = arith.constant 1 : i32
    %swap3A_132 = arith.index_cast %swap3A_131 : i32 to index
    %swap3A_133 = arith.constant 112 : index
    %swap3A_134 = tpu.vector_load %arg9[%swap3A_132, %swap3A_133] {strides = array<i32>} : memref<16x144xf32, #tpu.memory_space<vmem>>, vector<1x16xf32>,
    %swap3A_135 = vector.shape_cast %swap3A_134 : vector<1x16xf32> to vector<16xf32>
    %swap3A_136 = vector.shape_cast %broadcast_in_dim3A_130 : vector<16xf32> to vector<1x16xf32>
    tpu.vector_store %arg9[%swap3A_132, %swap3A_133], %swap3A_136 {strides = array<i32>} : memref<16x144xf32, #tpu.memory_space<vmem>>, vector<1x16xf32>,
    %broadcast_in_dim3A_137 = arith.constant 0.000000e+00 : f32
    %broadcast_in_dim3A_138 = vector.broadcast %broadcast_in_dim3A_137 : f32 to vector<16xf32>
    %swap3A_139 = arith.constant 1 : i32
    %swap3A_140 = arith.index_cast %swap3A_139 : i32 to index
    %swap3A_141 = arith.constant 128 : index
    %swap3A_142 = tpu.vector_load %arg9[%swap3A_140, %swap3A_141] {strides = array<i32>} : memref<16x144xf32, #tpu.memory_space<vmem>>, vector<1x16xf32>,
    %swap3A_143 = vector.shape_cast %swap3A_142 : vector<1x16xf32> to vector<16xf32>
    %swap3A_144 = vector.shape_cast %broadcast_in_dim3A_138 : vector<16xf32> to vector<1x16xf32>
    tpu.vector_store %arg9[%swap3A_140, %swap3A_141], %swap3A_144 {strides = array<i32>} : memref<16x144xf32, #tpu.memory_space<vmem>>, vector<1x16xf32>,
    %broadcast_in_dim3A_145 = arith.constant 0.000000e+00 : f32
    %broadcast_in_dim3A_146 = vector.broadcast %broadcast_in_dim3A_145 : f32 to vector<16xf32>
    %swap3A_147 = arith.constant 2 : i32
    %swap3A_148 = arith.index_cast %swap3A_147 : i32 to index
    %swap3A_149 = arith.constant 0 : index
    %swap3A_150 = tpu.vector_load %arg9[%swap3A_148, %swap3A_149] {strides = array<i32>} : memref<16x144xf32, #tpu.memory_space<vmem>>, vector<1x16xf32>,
    %swap3A_151 = vector.shape_cast %swap3A_150 : vector<1x16xf32> to vector<16xf32>
    %swap3A_152 = vector.shape_cast %broadcast_in_dim3A_146 : vector<16xf32> to vector<1x16xf32>
    tpu.vector_store %arg9[%swap3A_148, %swap3A_149], %swap3A_152 {strides = array<i32>} : memref<16x144xf32, #tpu.memory_space<vmem>>, vector<1x16xf32>,
    %broadcast_in_dim3A_153 = arith.constant 0.000000e+00 : f32
    %broadcast_in_dim3A_154 = vector.broadcast %broadcast_in_dim3A_153 : f32 to vector<16xf32>
    %swap3A_155 = arith.constant 2 : i32
    %swap3A_156 = arith.index_cast %swap3A_155 : i32 to index
    %swap3A_157 = arith.constant 16 : index
    %swap3A_158 = tpu.vector_load %arg9[%swap3A_156, %swap3A_157] {strides = array<i32>} : memref<16x144xf32, #tpu.memory_space<vmem>>, vector<1x16xf32>,
    %swap3A_159 = vector.shape_cast %swap3A_158 : vector<1x16xf32> to vector<16xf32>
    %swap3A_160 = vector.shape_cast %broadcast_in_dim3A_154 : vector<16xf32> to vector<1x16xf32>
    tpu.vector_store %arg9[%swap3A_156, %swap3A_157], %swap3A_160 {strides = array<i32>} : memref<16x144xf32, #tpu.memory_space<vmem>>, vector<1x16xf32>,
    %broadcast_in_dim3A_161 = arith.constant 0.000000e+00 : f32
    %broadcast_in_dim3A_162 = vector.broadcast %broadcast_in_dim3A_161 : f32 to vector<16xf32>
    %swap3A_163 = arith.constant 2 : i32
    %swap3A_164 = arith.index_cast %swap3A_163 : i32 to index
    %swap3A_165 = arith.constant 32 : index
    %swap3A_166 = tpu.vector_load %arg9[%swap3A_164, %swap3A_165] {strides = array<i32>} : memref<16x144xf32, #tpu.memory_space<vmem>>, vector<1x16xf32>,
    %swap3A_167 = vector.shape_cast %swap3A_166 : vector<1x16xf32> to vector<16xf32>
    %swap3A_168 = vector.shape_cast %broadcast_in_dim3A_162 : vector<16xf32> to vector<1x16xf32>
    tpu.vector_store %arg9[%swap3A_164, %swap3A_165], %swap3A_168 {strides = array<i32>} : memref<16x144xf32, #tpu.memory_space<vmem>>, vector<1x16xf32>,
    %broadcast_in_dim3A_169 = arith.constant 0.000000e+00 : f32
    %broadcast_in_dim3A_170 = vector.broadcast %broadcast_in_dim3A_169 : f32 to vector<16xf32>
    %swap3A_171 = arith.constant 2 : i32
    %swap3A_172 = arith.index_cast %swap3A_171 : i32 to index
    %swap3A_173 = arith.constant 48 : index
    %swap3A_174 = tpu.vector_load %arg9[%swap3A_172, %swap3A_173] {strides = array<i32>} : memref<16x144xf32, #tpu.memory_space<vmem>>, vector<1x16xf32>,
    %swap3A_175 = vector.shape_cast %swap3A_174 : vector<1x16xf32> to vector<16xf32>
    %swap3A_176 = vector.shape_cast %broadcast_in_dim3A_170 : vector<16xf32> to vector<1x16xf32>
    tpu.vector_store %arg9[%swap3A_172, %swap3A_173], %swap3A_176 {strides = array<i32>} : memref<16x144xf32, #tpu.memory_space<vmem>>, vector<1x16xf32>,
    %broadcast_in_dim3A_177 = arith.constant 0.000000e+00 : f32
    %broadcast_in_dim3A_178 = vector.broadcast %broadcast_in_dim3A_177 : f32 to vector<16xf32>
    %swap3A_179 = arith.constant 2 : i32
    %swap3A_180 = arith.index_cast %swap3A_179 : i32 to index
    %swap3A_181 = arith.constant 64 : index
    %swap3A_182 = tpu.vector_load %arg9[%swap3A_180, %swap3A_181] {strides = array<i32>} : memref<16x144xf32, #tpu.memory_space<vmem>>, vector<1x16xf32>,
    %swap3A_183 = vector.shape_cast %swap3A_182 : vector<1x16xf32> to vector<16xf32>
    %swap3A_184 = vector.shape_cast %broadcast_in_dim3A_178 : vector<16xf32> to vector<1x16xf32>
    tpu.vector_store %arg9[%swap3A_180, %swap3A_181], %swap3A_184 {strides = array<i32>} : memref<16x144xf32, #tpu.memory_space<vmem>>, vector<1x16xf32>,
    %broadcast_in_dim3A_185 = arith.constant 0.000000e+00 : f32
    %broadcast_in_dim3A_186 = vector.broadcast %broadcast_in_dim3A_185 : f32 to vector<16xf32>
    %swap3A_187 = arith.constant 2 : i32
    %swap3A_188 = arith.index_cast %swap3A_187 : i32 to index
    %swap3A_189 = arith.constant 80 : index
    %swap3A_190 = tpu.vector_load %arg9[%swap3A_188, %swap3A_189] {strides = array<i32>} : memref<16x144xf32, #tpu.memory_space<vmem>>, vector<1x16xf32>,
    %swap3A_191 = vector.shape_cast %swap3A_190 : vector<1x16xf32> to vector<16xf32>
    %swap3A_192 = vector.shape_cast %broadcast_in_dim3A_186 : vector<16xf32> to vector<1x16xf32>
    tpu.vector_store %arg9[%swap3A_188, %swap3A_189], %swap3A_192 {strides = array<i32>} : memref<16x144xf32, #tpu.memory_space<vmem>>, vector<1x16xf32>,
    %broadcast_in_dim3A_193 = arith.constant 0.000000e+00 : f32
    %broadcast_in_dim3A_194 = vector.broadcast %broadcast_in_dim3A_193 : f32 to vector<16xf32>
    %swap3A_195 = arith.constant 2 : i32
    %swap3A_196 = arith.index_cast %swap3A_195 : i32 to index
    %swap3A_197 = arith.constant 96 : index
    %swap3A_198 = tpu.vector_load %arg9[%swap3A_196, %swap3A_197] {strides = array<i32>} : memref<16x144xf32, #tpu.memory_space<vmem>>, vector<1x16xf32>,
    %swap3A_199 = vector.shape_cast %swap3A_198 : vector<1x16xf32> to vector<16xf32>
    %swap3A_200 = vector.shape_cast %broadcast_in_dim3A_194 : vector<16xf32> to vector<1x16xf32>
    tpu.vector_store %arg9[%swap3A_196, %swap3A_197], %swap3A_200 {strides = array<i32>} : memref<16x144xf32, #tpu.memory_space<vmem>>, vector<1x16xf32>,
    %broadcast_in_dim3A_201 = arith.constant 0.000000e+00 : f32
    %broadcast_in_dim3A_202 = vector.broadcast %broadcast_in_dim3A_201 : f32 to vector<16xf32>
    %swap3A_203 = arith.constant 2 : i32
    %swap3A_204 = arith.index_cast %swap3A_203 : i32 to index
    %swap3A_205 = arith.constant 112 : index
    %swap3A_206 = tpu.vector_load %arg9[%swap3A_204, %swap3A_205] {strides = array<i32>} : memref<16x144xf32, #tpu.memory_space<vmem>>, vector<1x16xf32>,
    %swap3A_207 = vector.shape_cast %swap3A_206 : vector<1x16xf32> to vector<16xf32>
    %swap3A_208 = vector.shape_cast %broadcast_in_dim3A_202 : vector<16xf32> to vector<1x16xf32>
    tpu.vector_store %arg9[%swap3A_204, %swap3A_205], %swap3A_208 {strides = array<i32>} : memref<16x144xf32, #tpu.memory_space<vmem>>, vector<1x16xf32>,
    %broadcast_in_dim3A_209 = arith.constant 0.000000e+00 : f32
    %broadcast_in_dim3A_210 = vector.broadcast %broadcast_in_dim3A_209 : f32 to vector<16xf32>
    %swap3A_211 = arith.constant 2 : i32
    %swap3A_212 = arith.index_cast %swap3A_211 : i32 to index
    %swap3A_213 = arith.constant 128 : index
    %swap3A_214 = tpu.vector_load %arg9[%swap3A_212, %swap3A_213] {strides = array<i32>} : memref<16x144xf32, #tpu.memory_space<vmem>>, vector<1x16xf32>,
    %swap3A_215 = vector.shape_cast %swap3A_214 : vector<1x16xf32> to vector<16xf32>
    %swap3A_216 = vector.shape_cast %broadcast_in_dim3A_210 : vector<16xf32> to vector<1x16xf32>
    tpu.vector_store %arg9[%swap3A_212, %swap3A_213], %swap3A_216 {strides = array<i32>} : memref<16x144xf32, #tpu.memory_space<vmem>>, vector<1x16xf32>,
    %broadcast_in_dim3A_217 = arith.constant 0.000000e+00 : f32
    %broadcast_in_dim3A_218 = vector.broadcast %broadcast_in_dim3A_217 : f32 to vector<16xf32>
    %swap3A_219 = arith.constant 3 : i32
    %swap3A_220 = arith.index_cast %swap3A_219 : i32 to index
    %swap3A_221 = arith.constant 0 : index
    %swap3A_222 = tpu.vector_load %arg9[%swap3A_220, %swap3A_221] {strides = array<i32>} : memref<16x144xf32, #tpu.memory_space<vmem>>, vector<1x16xf32>,
    %swap3A_223 = vector.shape_cast %swap3A_222 : vector<1x16xf32> to vector<16xf32>
    %swap3A_224 = vector.shape_cast %broadcast_in_dim3A_218 : vector<16xf32> to vector<1x16xf32>
    tpu.vector_store %arg9[%swap3A_220, %swap3A_221], %swap3A_224 {strides = array<i32>} : memref<16x144xf32, #tpu.memory_space<vmem>>, vector<1x16xf32>,
    %broadcast_in_dim3A_225 = arith.constant 0.000000e+00 : f32
    %broadcast_in_dim3A_226 = vector.broadcast %broadcast_in_dim3A_225 : f32 to vector<16xf32>
    %swap3A_227 = arith.constant 3 : i32
    %swap3A_228 = arith.index_cast %swap3A_227 : i32 to index
    %swap3A_229 = arith.constant 16 : index
    %swap3A_230 = tpu.vector_load %arg9[%swap3A_228, %swap3A_229] {strides = array<i32>} : memref<16x144xf32, #tpu.memory_space<vmem>>, vector<1x16xf32>,
    %swap3A_231 = vector.shape_cast %swap3A_230 : vector<1x16xf32> to vector<16xf32>
    %swap3A_232 = vector.shape_cast %broadcast_in_dim3A_226 : vector<16xf32> to vector<1x16xf32>
    tpu.vector_store %arg9[%swap3A_228, %swap3A_229], %swap3A_232 {strides = array<i32>} : memref<16x144xf32, #tpu.memory_space<vmem>>, vector<1x16xf32>,
    %broadcast_in_dim3A_233 = arith.constant 0.000000e+00 : f32
    %broadcast_in_dim3A_234 = vector.broadcast %broadcast_in_dim3A_233 : f32 to vector<16xf32>
    %swap3A_235 = arith.constant 3 : i32
    %swap3A_236 = arith.index_cast %swap3A_235 : i32 to index
    %swap3A_237 = arith.constant 32 : index
    %swap3A_238 = tpu.vector_load %arg9[%swap3A_236, %swap3A_237] {strides = array<i32>} : memref<16x144xf32, #tpu.memory_space<vmem>>, vector<1x16xf32>,
    %swap3A_239 = vector.shape_cast %swap3A_238 : vector<1x16xf32> to vector<16xf32>
    %swap3A_240 = vector.shape_cast %broadcast_in_dim3A_234 : vector<16xf32> to vector<1x16xf32>
    tpu.vector_store %arg9[%swap3A_236, %swap3A_237], %swap3A_240 {strides = array<i32>} : memref<16x144xf32, #tpu.memory_space<vmem>>, vector<1x16xf32>,
    %broadcast_in_dim3A_241 = arith.constant 0.000000e+00 : f32
    %broadcast_in_dim3A_242 = vector.broadcast %broadcast_in_dim3A_241 : f32 to vector<16xf32>
    %swap3A_243 = arith.constant 3 : i32
    %swap3A_244 = arith.index_cast %swap3A_243 : i32 to index
    %swap3A_245 = arith.constant 48 : index
    %swap3A_246 = tpu.vector_load %arg9[%swap3A_244, %swap3A_245] {strides = array<i32>} : memref<16x144xf32, #tpu.memory_space<vmem>>, vector<1x16xf32>,
    %swap3A_247 = vector.shape_cast %swap3A_246 : vector<1x16xf32> to vector<16xf32>
    %swap3A_248 = vector.shape_cast %broadcast_in_dim3A_242 : vector<16xf32> to vector<1x16xf32>
    tpu.vector_store %arg9[%swap3A_244, %swap3A_245], %swap3A_248 {strides = array<i32>} : memref<16x144xf32, #tpu.memory_space<vmem>>, vector<1x16xf32>,
    %broadcast_in_dim3A_249 = arith.constant 0.000000e+00 : f32
    %broadcast_in_dim3A_250 = vector.broadcast %broadcast_in_dim3A_249 : f32 to vector<16xf32>
    %swap3A_251 = arith.constant 3 : i32
    %swap3A_252 = arith.index_cast %swap3A_251 : i32 to index
    %swap3A_253 = arith.constant 64 : index
    %swap3A_254 = tpu.vector_load %arg9[%swap3A_252, %swap3A_253] {strides = array<i32>} : memref<16x144xf32, #tpu.memory_space<vmem>>, vector<1x16xf32>,
    %swap3A_255 = vector.shape_cast %swap3A_254 : vector<1x16xf32> to vector<16xf32>
    %swap3A_256 = vector.shape_cast %broadcast_in_dim3A_250 : vector<16xf32> to vector<1x16xf32>
    tpu.vector_store %arg9[%swap3A_252, %swap3A_253], %swap3A_256 {strides = array<i32>} : memref<16x144xf32, #tpu.memory_space<vmem>>, vector<1x16xf32>,
    %broadcast_in_dim3A_257 = arith.constant 0.000000e+00 : f32
    %broadcast_in_dim3A_258 = vector.broadcast %broadcast_in_dim3A_257 : f32 to vector<16xf32>
    %swap3A_259 = arith.constant 3 : i32
    %swap3A_260 = arith.index_cast %swap3A_259 : i32 to index
    %swap3A_261 = arith.constant 80 : index
    %swap3A_262 = tpu.vector_load %arg9[%swap3A_260, %swap3A_261] {strides = array<i32>} : memref<16x144xf32, #tpu.memory_space<vmem>>, vector<1x16xf32>,
    %swap3A_263 = vector.shape_cast %swap3A_262 : vector<1x16xf32> to vector<16xf32>
    %swap3A_264 = vector.shape_cast %broadcast_in_dim3A_258 : vector<16xf32> to vector<1x16xf32>
    tpu.vector_store %arg9[%swap3A_260, %swap3A_261], %swap3A_264 {strides = array<i32>} : memref<16x144xf32, #tpu.memory_space<vmem>>, vector<1x16xf32>,
    %broadcast_in_dim3A_265 = arith.constant 0.000000e+00 : f32
    %broadcast_in_dim3A_266 = vector.broadcast %broadcast_in_dim3A_265 : f32 to vector<16xf32>
    %swap3A_267 = arith.constant 3 : i32
    %swap3A_268 = arith.index_cast %swap3A_267 : i32 to index
    %swap3A_269 = arith.constant 96 : index
    %swap3A_270 = tpu.vector_load %arg9[%swap3A_268, %swap3A_269] {strides = array<i32>} : memref<16x144xf32, #tpu.memory_space<vmem>>, vector<1x16xf32>,
    %swap3A_271 = vector.shape_cast %swap3A_270 : vector<1x16xf32> to vector<16xf32>
    %swap3A_272 = vector.shape_cast %broadcast_in_dim3A_266 : vector<16xf32> to vector<1x16xf32>
    tpu.vector_store %arg9[%swap3A_268, %swap3A_269], %swap3A_272 {strides = array<i32>} : memref<16x144xf32, #tpu.memory_space<vmem>>, vector<1x16xf32>,
    %broadcast_in_dim3A_273 = arith.constant 0.000000e+00 : f32
    %broadcast_in_dim3A_274 = vector.broadcast %broadcast_in_dim3A_273 : f32 to vector<16xf32>
    %swap3A_275 = arith.constant 3 : i32
    %swap3A_276 = arith.index_cast %swap3A_275 : i32 to index
    %swap3A_277 = arith.constant 112 : index
    %swap3A_278 = tpu.vector_load %arg9[%swap3A_276, %swap3A_277] {strides = array<i32>} : memref<16x144xf32, #tpu.memory_space<vmem>>, vector<1x16xf32>,
    %swap3A_279 = vector.shape_cast %swap3A_278 : vector<1x16xf32> to vector<16xf32>
    %swap3A_280 = vector.shape_cast %broadcast_in_dim3A_274 : vector<16xf32> to vector<1x16xf32>
    tpu.vector_store %arg9[%swap3A_276, %swap3A_277], %swap3A_280 {strides = array<i32>} : memref<16x144xf32, #tpu.memory_space<vmem>>, vector<1x16xf32>,
    %broadcast_in_dim3A_281 = arith.constant 0.000000e+00 : f32
    %broadcast_in_dim3A_282 = vector.broadcast %broadcast_in_dim3A_281 : f32 to vector<16xf32>
    %swap3A_283 = arith.constant 3 : i32
    %swap3A_284 = arith.index_cast %swap3A_283 : i32 to index
    %swap3A_285 = arith.constant 128 : index
    %swap3A_286 = tpu.vector_load %arg9[%swap3A_284, %swap3A_285] {strides = array<i32>} : memref<16x144xf32, #tpu.memory_space<vmem>>, vector<1x16xf32>,
    %swap3A_287 = vector.shape_cast %swap3A_286 : vector<1x16xf32> to vector<16xf32>
    %swap3A_288 = vector.shape_cast %broadcast_in_dim3A_282 : vector<16xf32> to vector<1x16xf32>
    tpu.vector_store %arg9[%swap3A_284, %swap3A_285], %swap3A_288 {strides = array<i32>} : memref<16x144xf32, #tpu.memory_space<vmem>>, vector<1x16xf32>,
    %broadcast_in_dim3A_289 = arith.constant 0.000000e+00 : f32
    %broadcast_in_dim3A_290 = vector.broadcast %broadcast_in_dim3A_289 : f32 to vector<16xf32>
    %swap3A_291 = arith.constant 4 : i32
    %swap3A_292 = arith.index_cast %swap3A_291 : i32 to index
    %swap3A_293 = arith.constant 0 : index
    %swap3A_294 = tpu.vector_load %arg9[%swap3A_292, %swap3A_293] {strides = array<i32>} : memref<16x144xf32, #tpu.memory_space<vmem>>, vector<1x16xf32>,
    %swap3A_295 = vector.shape_cast %swap3A_294 : vector<1x16xf32> to vector<16xf32>
    %swap3A_296 = vector.shape_cast %broadcast_in_dim3A_290 : vector<16xf32> to vector<1x16xf32>
    tpu.vector_store %arg9[%swap3A_292, %swap3A_293], %swap3A_296 {strides = array<i32>} : memref<16x144xf32, #tpu.memory_space<vmem>>, vector<1x16xf32>,
    %broadcast_in_dim3A_297 = arith.constant 0.000000e+00 : f32
    %broadcast_in_dim3A_298 = vector.broadcast %broadcast_in_dim3A_297 : f32 to vector<16xf32>
    %swap3A_299 = arith.constant 4 : i32
    %swap3A_300 = arith.index_cast %swap3A_299 : i32 to index
    %swap3A_301 = arith.constant 16 : index
    %swap3A_302 = tpu.vector_load %arg9[%swap3A_300, %swap3A_301] {strides = array<i32>} : memref<16x144xf32, #tpu.memory_space<vmem>>, vector<1x16xf32>,
    %swap3A_303 = vector.shape_cast %swap3A_302 : vector<1x16xf32> to vector<16xf32>
    %swap3A_304 = vector.shape_cast %broadcast_in_dim3A_298 : vector<16xf32> to vector<1x16xf32>
    tpu.vector_store %arg9[%swap3A_300, %swap3A_301], %swap3A_304 {strides = array<i32>} : memref<16x144xf32, #tpu.memory_space<vmem>>, vector<1x16xf32>,
    %broadcast_in_dim3A_305 = arith.constant 0.000000e+00 : f32
    %broadcast_in_dim3A_306 = vector.broadcast %broadcast_in_dim3A_305 : f32 to vector<16xf32>
    %swap3A_307 = arith.constant 4 : i32
    %swap3A_308 = arith.index_cast %swap3A_307 : i32 to index
    %swap3A_309 = arith.constant 32 : index
    %swap3A_310 = tpu.vector_load %arg9[%swap3A_308, %swap3A_309] {strides = array<i32>} : memref<16x144xf32, #tpu.memory_space<vmem>>, vector<1x16xf32>,
    %swap3A_311 = vector.shape_cast %swap3A_310 : vector<1x16xf32> to vector<16xf32>
    %swap3A_312 = vector.shape_cast %broadcast_in_dim3A_306 : vector<16xf32> to vector<1x16xf32>
    tpu.vector_store %arg9[%swap3A_308, %swap3A_309], %swap3A_312 {strides = array<i32>} : memref<16x144xf32, #tpu.memory_space<vmem>>, vector<1x16xf32>,
    %broadcast_in_dim3A_313 = arith.constant 0.000000e+00 : f32
    %broadcast_in_dim3A_314 = vector.broadcast %broadcast_in_dim3A_313 : f32 to vector<16xf32>
    %swap3A_315 = arith.constant 4 : i32
    %swap3A_316 = arith.index_cast %swap3A_315 : i32 to index
    %swap3A_317 = arith.constant 48 : index
    %swap3A_318 = tpu.vector_load %arg9[%swap3A_316, %swap3A_317] {strides = array<i32>} : memref<16x144xf32, #tpu.memory_space<vmem>>, vector<1x16xf32>,
    %swap3A_319 = vector.shape_cast %swap3A_318 : vector<1x16xf32> to vector<16xf32>
    %swap3A_320 = vector.shape_cast %broadcast_in_dim3A_314 : vector<16xf32> to vector<1x16xf32>
    tpu.vector_store %arg9[%swap3A_316, %swap3A_317], %swap3A_320 {strides = array<i32>} : memref<16x144xf32, #tpu.memory_space<vmem>>, vector<1x16xf32>,
    %broadcast_in_dim3A_321 = arith.constant 0.000000e+00 : f32
    %broadcast_in_dim3A_322 = vector.broadcast %broadcast_in_dim3A_321 : f32 to vector<16xf32>
    %swap3A_323 = arith.constant 4 : i32
    %swap3A_324 = arith.index_cast %swap3A_323 : i32 to index
    %swap3A_325 = arith.constant 64 : index
    %swap3A_326 = tpu.vector_load %arg9[%swap3A_324, %swap3A_325] {strides = array<i32>} : memref<16x144xf32, #tpu.memory_space<vmem>>, vector<1x16xf32>,
    %swap3A_327 = vector.shape_cast %swap3A_326 : vector<1x16xf32> to vector<16xf32>
    %swap3A_328 = vector.shape_cast %broadcast_in_dim3A_322 : vector<16xf32> to vector<1x16xf32>
    tpu.vector_store %arg9[%swap3A_324, %swap3A_325], %swap3A_328 {strides = array<i32>} : memref<16x144xf32, #tpu.memory_space<vmem>>, vector<1x16xf32>,
    %broadcast_in_dim3A_329 = arith.constant 0.000000e+00 : f32
    %broadcast_in_dim3A_330 = vector.broadcast %broadcast_in_dim3A_329 : f32 to vector<16xf32>
    %swap3A_331 = arith.constant 4 : i32
    %swap3A_332 = arith.index_cast %swap3A_331 : i32 to index
    %swap3A_333 = arith.constant 80 : index
    %swap3A_334 = tpu.vector_load %arg9[%swap3A_332, %swap3A_333] {strides = array<i32>} : memref<16x144xf32, #tpu.memory_space<vmem>>, vector<1x16xf32>,
    %swap3A_335 = vector.shape_cast %swap3A_334 : vector<1x16xf32> to vector<16xf32>
    %swap3A_336 = vector.shape_cast %broadcast_in_dim3A_330 : vector<16xf32> to vector<1x16xf32>
    tpu.vector_store %arg9[%swap3A_332, %swap3A_333], %swap3A_336 {strides = array<i32>} : memref<16x144xf32, #tpu.memory_space<vmem>>, vector<1x16xf32>,
    %broadcast_in_dim3A_337 = arith.constant 0.000000e+00 : f32
    %broadcast_in_dim3A_338 = vector.broadcast %broadcast_in_dim3A_337 : f32 to vector<16xf32>
    %swap3A_339 = arith.constant 4 : i32
    %swap3A_340 = arith.index_cast %swap3A_339 : i32 to index
    %swap3A_341 = arith.constant 96 : index
    %swap3A_342 = tpu.vector_load %arg9[%swap3A_340, %swap3A_341] {strides = array<i32>} : memref<16x144xf32, #tpu.memory_space<vmem>>, vector<1x16xf32>,
    %swap3A_343 = vector.shape_cast %swap3A_342 : vector<1x16xf32> to vector<16xf32>
    %swap3A_344 = vector.shape_cast %broadcast_in_dim3A_338 : vector<16xf32> to vector<1x16xf32>
    tpu.vector_store %arg9[%swap3A_340, %swap3A_341], %swap3A_344 {strides = array<i32>} : memref<16x144xf32, #tpu.memory_space<vmem>>, vector<1x16xf32>,
    %broadcast_in_dim3A_345 = arith.constant 0.000000e+00 : f32
    %broadcast_in_dim3A_346 = vector.broadcast %broadcast_in_dim3A_345 : f32 to vector<16xf32>
    %swap3A_347 = arith.constant 4 : i32
    %swap3A_348 = arith.index_cast %swap3A_347 : i32 to index
    %swap3A_349 = arith.constant 112 : index
    %swap3A_350 = tpu.vector_load %arg9[%swap3A_348, %swap3A_349] {strides = array<i32>} : memref<16x144xf32, #tpu.memory_space<vmem>>, vector<1x16xf32>,
    %swap3A_351 = vector.shape_cast %swap3A_350 : vector<1x16xf32> to vector<16xf32>
    %swap3A_352 = vector.shape_cast %broadcast_in_dim3A_346 : vector<16xf32> to vector<1x16xf32>
    tpu.vector_store %arg9[%swap3A_348, %swap3A_349], %swap3A_352 {strides = array<i32>} : memref<16x144xf32, #tpu.memory_space<vmem>>, vector<1x16xf32>,
    %broadcast_in_dim3A_353 = arith.constant 0.000000e+00 : f32
    %broadcast_in_dim3A_354 = vector.broadcast %broadcast_in_dim3A_353 : f32 to vector<16xf32>
    %swap3A_355 = arith.constant 4 : i32
    %swap3A_356 = arith.index_cast %swap3A_355 : i32 to index
    %swap3A_357 = arith.constant 128 : index
    %swap3A_358 = tpu.vector_load %arg9[%swap3A_356, %swap3A_357] {strides = array<i32>} : memref<16x144xf32, #tpu.memory_space<vmem>>, vector<1x16xf32>,
    %swap3A_359 = vector.shape_cast %swap3A_358 : vector<1x16xf32> to vector<16xf32>
    %swap3A_360 = vector.shape_cast %broadcast_in_dim3A_354 : vector<16xf32> to vector<1x16xf32>
    tpu.vector_store %arg9[%swap3A_356, %swap3A_357], %swap3A_360 {strides = array<i32>} : memref<16x144xf32, #tpu.memory_space<vmem>>, vector<1x16xf32>,
    %broadcast_in_dim3A_361 = arith.constant 0.000000e+00 : f32
    %broadcast_in_dim3A_362 = vector.broadcast %broadcast_in_dim3A_361 : f32 to vector<16xf32>
    %swap3A_363 = arith.constant 5 : i32
    %swap3A_364 = arith.index_cast %swap3A_363 : i32 to index
    %swap3A_365 = arith.constant 0 : index
    %swap3A_366 = tpu.vector_load %arg9[%swap3A_364, %swap3A_365] {strides = array<i32>} : memref<16x144xf32, #tpu.memory_space<vmem>>, vector<1x16xf32>,
    %swap3A_367 = vector.shape_cast %swap3A_366 : vector<1x16xf32> to vector<16xf32>
    %swap3A_368 = vector.shape_cast %broadcast_in_dim3A_362 : vector<16xf32> to vector<1x16xf32>
    tpu.vector_store %arg9[%swap3A_364, %swap3A_365], %swap3A_368 {strides = array<i32>} : memref<16x144xf32, #tpu.memory_space<vmem>>, vector<1x16xf32>,
    %broadcast_in_dim3A_369 = arith.constant 0.000000e+00 : f32
    %broadcast_in_dim3A_370 = vector.broadcast %broadcast_in_dim3A_369 : f32 to vector<16xf32>
    %swap3A_371 = arith.constant 5 : i32
    %swap3A_372 = arith.index_cast %swap3A_371 : i32 to index
    %swap3A_373 = arith.constant 16 : index
    %swap3A_374 = tpu.vector_load %arg9[%swap3A_372, %swap3A_373] {strides = array<i32>} : memref<16x144xf32, #tpu.memory_space<vmem>>, vector<1x16xf32>,
    %swap3A_375 = vector.shape_cast %swap3A_374 : vector<1x16xf32> to vector<16xf32>
    %swap3A_376 = vector.shape_cast %broadcast_in_dim3A_370 : vector<16xf32> to vector<1x16xf32>
    tpu.vector_store %arg9[%swap3A_372, %swap3A_373], %swap3A_376 {strides = array<i32>} : memref<16x144xf32, #tpu.memory_space<vmem>>, vector<1x16xf32>,
    %broadcast_in_dim3A_377 = arith.constant 0.000000e+00 : f32
    %broadcast_in_dim3A_378 = vector.broadcast %broadcast_in_dim3A_377 : f32 to vector<16xf32>
    %swap3A_379 = arith.constant 5 : i32
    %swap3A_380 = arith.index_cast %swap3A_379 : i32 to index
    %swap3A_381 = arith.constant 32 : index
    %swap3A_382 = tpu.vector_load %arg9[%swap3A_380, %swap3A_381] {strides = array<i32>} : memref<16x144xf32, #tpu.memory_space<vmem>>, vector<1x16xf32>,
    %swap3A_383 = vector.shape_cast %swap3A_382 : vector<1x16xf32> to vector<16xf32>
    %swap3A_384 = vector.shape_cast %broadcast_in_dim3A_378 : vector<16xf32> to vector<1x16xf32>
    tpu.vector_store %arg9[%swap3A_380, %swap3A_381], %swap3A_384 {strides = array<i32>} : memref<16x144xf32, #tpu.memory_space<vmem>>, vector<1x16xf32>,
    %broadcast_in_dim3A_385 = arith.constant 0.000000e+00 : f32
    %broadcast_in_dim3A_386 = vector.broadcast %broadcast_in_dim3A_385 : f32 to vector<16xf32>
    %swap3A_387 = arith.constant 5 : i32
    %swap3A_388 = arith.index_cast %swap3A_387 : i32 to index
    %swap3A_389 = arith.constant 48 : index
    %swap3A_390 = tpu.vector_load %arg9[%swap3A_388, %swap3A_389] {strides = array<i32>} : memref<16x144xf32, #tpu.memory_space<vmem>>, vector<1x16xf32>,
    %swap3A_391 = vector.shape_cast %swap3A_390 : vector<1x16xf32> to vector<16xf32>
    %swap3A_392 = vector.shape_cast %broadcast_in_dim3A_386 : vector<16xf32> to vector<1x16xf32>
    tpu.vector_store %arg9[%swap3A_388, %swap3A_389], %swap3A_392 {strides = array<i32>} : memref<16x144xf32, #tpu.memory_space<vmem>>, vector<1x16xf32>,
    %broadcast_in_dim3A_393 = arith.constant 0.000000e+00 : f32
    %broadcast_in_dim3A_394 = vector.broadcast %broadcast_in_dim3A_393 : f32 to vector<16xf32>
    %swap3A_395 = arith.constant 5 : i32
    %swap3A_396 = arith.index_cast %swap3A_395 : i32 to index
    %swap3A_397 = arith.constant 64 : index
    %swap3A_398 = tpu.vector_load %arg9[%swap3A_396, %swap3A_397] {strides = array<i32>} : memref<16x144xf32, #tpu.memory_space<vmem>>, vector<1x16xf32>,
    %swap3A_399 = vector.shape_cast %swap3A_398 : vector<1x16xf32> to vector<16xf32>
    %swap3A_400 = vector.shape_cast %broadcast_in_dim3A_394 : vector<16xf32> to vector<1x16xf32>
    tpu.vector_store %arg9[%swap3A_396, %swap3A_397], %swap3A_400 {strides = array<i32>} : memref<16x144xf32, #tpu.memory_space<vmem>>, vector<1x16xf32>,
    %broadcast_in_dim3A_401 = arith.constant 0.000000e+00 : f32
    %broadcast_in_dim3A_402 = vector.broadcast %broadcast_in_dim3A_401 : f32 to vector<16xf32>
    %swap3A_403 = arith.constant 5 : i32
    %swap3A_404 = arith.index_cast %swap3A_403 : i32 to index
    %swap3A_405 = arith.constant 80 : index
    %swap3A_406 = tpu.vector_load %arg9[%swap3A_404, %swap3A_405] {strides = array<i32>} : memref<16x144xf32, #tpu.memory_space<vmem>>, vector<1x16xf32>,
    %swap3A_407 = vector.shape_cast %swap3A_406 : vector<1x16xf32> to vector<16xf32>
    %swap3A_408 = vector.shape_cast %broadcast_in_dim3A_402 : vector<16xf32> to vector<1x16xf32>
    tpu.vector_store %arg9[%swap3A_404, %swap3A_405], %swap3A_408 {strides = array<i32>} : memref<16x144xf32, #tpu.memory_space<vmem>>, vector<1x16xf32>,
    %broadcast_in_dim3A_409 = arith.constant 0.000000e+00 : f32
    %broadcast_in_dim3A_410 = vector.broadcast %broadcast_in_dim3A_409 : f32 to vector<16xf32>
    %swap3A_411 = arith.constant 5 : i32
    %swap3A_412 = arith.index_cast %swap3A_411 : i32 to index
    %swap3A_413 = arith.constant 96 : index
    %swap3A_414 = tpu.vector_load %arg9[%swap3A_412, %swap3A_413] {strides = array<i32>} : memref<16x144xf32, #tpu.memory_space<vmem>>, vector<1x16xf32>,
    %swap3A_415 = vector.shape_cast %swap3A_414 : vector<1x16xf32> to vector<16xf32>
    %swap3A_416 = vector.shape_cast %broadcast_in_dim3A_410 : vector<16xf32> to vector<1x16xf32>
    tpu.vector_store %arg9[%swap3A_412, %swap3A_413], %swap3A_416 {strides = array<i32>} : memref<16x144xf32, #tpu.memory_space<vmem>>, vector<1x16xf32>,
    %broadcast_in_dim3A_417 = arith.constant 0.000000e+00 : f32
    %broadcast_in_dim3A_418 = vector.broadcast %broadcast_in_dim3A_417 : f32 to vector<16xf32>
    %swap3A_419 = arith.constant 5 : i32
    %swap3A_420 = arith.index_cast %swap3A_419 : i32 to index
    %swap3A_421 = arith.constant 112 : index
    %swap3A_422 = tpu.vector_load %arg9[%swap3A_420, %swap3A_421] {strides = array<i32>} : memref<16x144xf32, #tpu.memory_space<vmem>>, vector<1x16xf32>,
    %swap3A_423 = vector.shape_cast %swap3A_422 : vector<1x16xf32> to vector<16xf32>
    %swap3A_424 = vector.shape_cast %broadcast_in_dim3A_418 : vector<16xf32> to vector<1x16xf32>
    tpu.vector_store %arg9[%swap3A_420, %swap3A_421], %swap3A_424 {strides = array<i32>} : memref<16x144xf32, #tpu.memory_space<vmem>>, vector<1x16xf32>,
    %broadcast_in_dim3A_425 = arith.constant 0.000000e+00 : f32
    %broadcast_in_dim3A_426 = vector.broadcast %broadcast_in_dim3A_425 : f32 to vector<16xf32>
    %swap3A_427 = arith.constant 5 : i32
    %swap3A_428 = arith.index_cast %swap3A_427 : i32 to index
    %swap3A_429 = arith.constant 128 : index
    %swap3A_430 = tpu.vector_load %arg9[%swap3A_428, %swap3A_429] {strides = array<i32>} : memref<16x144xf32, #tpu.memory_space<vmem>>, vector<1x16xf32>,
    %swap3A_431 = vector.shape_cast %swap3A_430 : vector<1x16xf32> to vector<16xf32>
    %swap3A_432 = vector.shape_cast %broadcast_in_dim3A_426 : vector<16xf32> to vector<1x16xf32>
    tpu.vector_store %arg9[%swap3A_428, %swap3A_429], %swap3A_432 {strides = array<i32>} : memref<16x144xf32, #tpu.memory_space<vmem>>, vector<1x16xf32>,
    %broadcast_in_dim3A_433 = arith.constant 0.000000e+00 : f32
    %broadcast_in_dim3A_434 = vector.broadcast %broadcast_in_dim3A_433 : f32 to vector<16xf32>
    %swap3A_435 = arith.constant 6 : i32
    %swap3A_436 = arith.index_cast %swap3A_435 : i32 to index
    %swap3A_437 = arith.constant 0 : index
    %swap3A_438 = tpu.vector_load %arg9[%swap3A_436, %swap3A_437] {strides = array<i32>} : memref<16x144xf32, #tpu.memory_space<vmem>>, vector<1x16xf32>,
    %swap3A_439 = vector.shape_cast %swap3A_438 : vector<1x16xf32> to vector<16xf32>
    %swap3A_440 = vector.shape_cast %broadcast_in_dim3A_434 : vector<16xf32> to vector<1x16xf32>
    tpu.vector_store %arg9[%swap3A_436, %swap3A_437], %swap3A_440 {strides = array<i32>} : memref<16x144xf32, #tpu.memory_space<vmem>>, vector<1x16xf32>,
    %broadcast_in_dim3A_441 = arith.constant 0.000000e+00 : f32
    %broadcast_in_dim3A_442 = vector.broadcast %broadcast_in_dim3A_441 : f32 to vector<16xf32>
    %swap3A_443 = arith.constant 6 : i32
    %swap3A_444 = arith.index_cast %swap3A_443 : i32 to index
    %swap3A_445 = arith.constant 16 : index
    %swap3A_446 = tpu.vector_load %arg9[%swap3A_444, %swap3A_445] {strides = array<i32>} : memref<16x144xf32, #tpu.memory_space<vmem>>, vector<1x16xf32>,
    %swap3A_447 = vector.shape_cast %swap3A_446 : vector<1x16xf32> to vector<16xf32>
    %swap3A_448 = vector.shape_cast %broadcast_in_dim3A_442 : vector<16xf32> to vector<1x16xf32>
    tpu.vector_store %arg9[%swap3A_444, %swap3A_445], %swap3A_448 {strides = array<i32>} : memref<16x144xf32, #tpu.memory_space<vmem>>, vector<1x16xf32>,
    %broadcast_in_dim3A_449 = arith.constant 0.000000e+00 : f32
    %broadcast_in_dim3A_450 = vector.broadcast %broadcast_in_dim3A_449 : f32 to vector<16xf32>
    %swap3A_451 = arith.constant 6 : i32
    %swap3A_452 = arith.index_cast %swap3A_451 : i32 to index
    %swap3A_453 = arith.constant 32 : index
    %swap3A_454 = tpu.vector_load %arg9[%swap3A_452, %swap3A_453] {strides = array<i32>} : memref<16x144xf32, #tpu.memory_space<vmem>>, vector<1x16xf32>,
    %swap3A_455 = vector.shape_cast %swap3A_454 : vector<1x16xf32> to vector<16xf32>
    %swap3A_456 = vector.shape_cast %broadcast_in_dim3A_450 : vector<16xf32> to vector<1x16xf32>
    tpu.vector_store %arg9[%swap3A_452, %swap3A_453], %swap3A_456 {strides = array<i32>} : memref<16x144xf32, #tpu.memory_space<vmem>>, vector<1x16xf32>,
    %broadcast_in_dim3A_457 = arith.constant 0.000000e+00 : f32
    %broadcast_in_dim3A_458 = vector.broadcast %broadcast_in_dim3A_457 : f32 to vector<16xf32>
    %swap3A_459 = arith.constant 6 : i32
    %swap3A_460 = arith.index_cast %swap3A_459 : i32 to index
    %swap3A_461 = arith.constant 48 : index
    %swap3A_462 = tpu.vector_load %arg9[%swap3A_460, %swap3A_461] {strides = array<i32>} : memref<16x144xf32, #tpu.memory_space<vmem>>, vector<1x16xf32>,
    %swap3A_463 = vector.shape_cast %swap3A_462 : vector<1x16xf32> to vector<16xf32>
    %swap3A_464 = vector.shape_cast %broadcast_in_dim3A_458 : vector<16xf32> to vector<1x16xf32>
    tpu.vector_store %arg9[%swap3A_460, %swap3A_461], %swap3A_464 {strides = array<i32>} : memref<16x144xf32, #tpu.memory_space<vmem>>, vector<1x16xf32>,
    %broadcast_in_dim3A_465 = arith.constant 0.000000e+00 : f32
    %broadcast_in_dim3A_466 = vector.broadcast %broadcast_in_dim3A_465 : f32 to vector<16xf32>
    %swap3A_467 = arith.constant 6 : i32
    %swap3A_468 = arith.index_cast %swap3A_467 : i32 to index
    %swap3A_469 = arith.constant 64 : index
    %swap3A_470 = tpu.vector_load %arg9[%swap3A_468, %swap3A_469] {strides = array<i32>} : memref<16x144xf32, #tpu.memory_space<vmem>>, vector<1x16xf32>,
    %swap3A_471 = vector.shape_cast %swap3A_470 : vector<1x16xf32> to vector<16xf32>
    %swap3A_472 = vector.shape_cast %broadcast_in_dim3A_466 : vector<16xf32> to vector<1x16xf32>
    tpu.vector_store %arg9[%swap3A_468, %swap3A_469], %swap3A_472 {strides = array<i32>} : memref<16x144xf32, #tpu.memory_space<vmem>>, vector<1x16xf32>,
    %broadcast_in_dim3A_473 = arith.constant 0.000000e+00 : f32
    %broadcast_in_dim3A_474 = vector.broadcast %broadcast_in_dim3A_473 : f32 to vector<16xf32>
    %swap3A_475 = arith.constant 6 : i32
    %swap3A_476 = arith.index_cast %swap3A_475 : i32 to index
    %swap3A_477 = arith.constant 80 : index
    %swap3A_478 = tpu.vector_load %arg9[%swap3A_476, %swap3A_477] {strides = array<i32>} : memref<16x144xf32, #tpu.memory_space<vmem>>, vector<1x16xf32>,
    %swap3A_479 = vector.shape_cast %swap3A_478 : vector<1x16xf32> to vector<16xf32>
    %swap3A_480 = vector.shape_cast %broadcast_in_dim3A_474 : vector<16xf32> to vector<1x16xf32>
    tpu.vector_store %arg9[%swap3A_476, %swap3A_477], %swap3A_480 {strides = array<i32>} : memref<16x144xf32, #tpu.memory_space<vmem>>, vector<1x16xf32>,
    %broadcast_in_dim3A_481 = arith.constant 0.000000e+00 : f32
    %broadcast_in_dim3A_482 = vector.broadcast %broadcast_in_dim3A_481 : f32 to vector<16xf32>
    %swap3A_483 = arith.constant 6 : i32
    %swap3A_484 = arith.index_cast %swap3A_483 : i32 to index
    %swap3A_485 = arith.constant 96 : index
    %swap3A_486 = tpu.vector_load %arg9[%swap3A_484, %swap3A_485] {strides = array<i32>} : memref<16x144xf32, #tpu.memory_space<vmem>>, vector<1x16xf32>,
    %swap3A_487 = vector.shape_cast %swap3A_486 : vector<1x16xf32> to vector<16xf32>
    %swap3A_488 = vector.shape_cast %broadcast_in_dim3A_482 : vector<16xf32> to vector<1x16xf32>
    tpu.vector_store %arg9[%swap3A_484, %swap3A_485], %swap3A_488 {strides = array<i32>} : memref<16x144xf32, #tpu.memory_space<vmem>>, vector<1x16xf32>,
    %broadcast_in_dim3A_489 = arith.constant 0.000000e+00 : f32
    %broadcast_in_dim3A_490 = vector.broadcast %broadcast_in_dim3A_489 : f32 to vector<16xf32>
    %swap3A_491 = arith.constant 6 : i32
    %swap3A_492 = arith.index_cast %swap3A_491 : i32 to index
    %swap3A_493 = arith.constant 112 : index
    %swap3A_494 = tpu.vector_load %arg9[%swap3A_492, %swap3A_493] {strides = array<i32>} : memref<16x144xf32, #tpu.memory_space<vmem>>, vector<1x16xf32>,
    %swap3A_495 = vector.shape_cast %swap3A_494 : vector<1x16xf32> to vector<16xf32>
    %swap3A_496 = vector.shape_cast %broadcast_in_dim3A_490 : vector<16xf32> to vector<1x16xf32>
    tpu.vector_store %arg9[%swap3A_492, %swap3A_493], %swap3A_496 {strides = array<i32>} : memref<16x144xf32, #tpu.memory_space<vmem>>, vector<1x16xf32>,
    %broadcast_in_dim3A_497 = arith.constant 0.000000e+00 : f32
    %broadcast_in_dim3A_498 = vector.broadcast %broadcast_in_dim3A_497 : f32 to vector<16xf32>
    %swap3A_499 = arith.constant 6 : i32
    %swap3A_500 = arith.index_cast %swap3A_499 : i32 to index
    %swap3A_501 = arith.constant 128 : index
    %swap3A_502 = tpu.vector_load %arg9[%swap3A_500, %swap3A_501] {strides = array<i32>} : memref<16x144xf32, #tpu.memory_space<vmem>>, vector<1x16xf32>,
    %swap3A_503 = vector.shape_cast %swap3A_502 : vector<1x16xf32> to vector<16xf32>
    %swap3A_504 = vector.shape_cast %broadcast_in_dim3A_498 : vector<16xf32> to vector<1x16xf32>
    tpu.vector_store %arg9[%swap3A_500, %swap3A_501], %swap3A_504 {strides = array<i32>} : memref<16x144xf32, #tpu.memory_space<vmem>>, vector<1x16xf32>,
    %broadcast_in_dim3A_505 = arith.constant 0.000000e+00 : f32
    %broadcast_in_dim3A_506 = vector.broadcast %broadcast_in_dim3A_505 : f32 to vector<16xf32>
    %swap3A_507 = arith.constant 7 : i32
    %swap3A_508 = arith.index_cast %swap3A_507 : i32 to index
    %swap3A_509 = arith.constant 0 : index
    %swap3A_510 = tpu.vector_load %arg9[%swap3A_508, %swap3A_509] {strides = array<i32>} : memref<16x144xf32, #tpu.memory_space<vmem>>, vector<1x16xf32>,
    %swap3A_511 = vector.shape_cast %swap3A_510 : vector<1x16xf32> to vector<16xf32>
    %swap3A_512 = vector.shape_cast %broadcast_in_dim3A_506 : vector<16xf32> to vector<1x16xf32>
    tpu.vector_store %arg9[%swap3A_508, %swap3A_509], %swap3A_512 {strides = array<i32>} : memref<16x144xf32, #tpu.memory_space<vmem>>, vector<1x16xf32>,
    %broadcast_in_dim3A_513 = arith.constant 0.000000e+00 : f32
    %broadcast_in_dim3A_514 = vector.broadcast %broadcast_in_dim3A_513 : f32 to vector<16xf32>
    %swap3A_515 = arith.constant 7 : i32
    %swap3A_516 = arith.index_cast %swap3A_515 : i32 to index
    %swap3A_517 = arith.constant 16 : index
    %swap3A_518 = tpu.vector_load %arg9[%swap3A_516, %swap3A_517] {strides = array<i32>} : memref<16x144xf32, #tpu.memory_space<vmem>>, vector<1x16xf32>,
    %swap3A_519 = vector.shape_cast %swap3A_518 : vector<1x16xf32> to vector<16xf32>
    %swap3A_520 = vector.shape_cast %broadcast_in_dim3A_514 : vector<16xf32> to vector<1x16xf32>
    tpu.vector_store %arg9[%swap3A_516, %swap3A_517], %swap3A_520 {strides = array<i32>} : memref<16x144xf32, #tpu.memory_space<vmem>>, vector<1x16xf32>,
    %broadcast_in_dim3A_521 = arith.constant 0.000000e+00 : f32
    %broadcast_in_dim3A_522 = vector.broadcast %broadcast_in_dim3A_521 : f32 to vector<16xf32>
    %swap3A_523 = arith.constant 7 : i32
    %swap3A_524 = arith.index_cast %swap3A_523 : i32 to index
    %swap3A_525 = arith.constant 32 : index
    %swap3A_526 = tpu.vector_load %arg9[%swap3A_524, %swap3A_525] {strides = array<i32>} : memref<16x144xf32, #tpu.memory_space<vmem>>, vector<1x16xf32>,
    %swap3A_527 = vector.shape_cast %swap3A_526 : vector<1x16xf32> to vector<16xf32>
    %swap3A_528 = vector.shape_cast %broadcast_in_dim3A_522 : vector<16xf32> to vector<1x16xf32>
    tpu.vector_store %arg9[%swap3A_524, %swap3A_525], %swap3A_528 {strides = array<i32>} : memref<16x144xf32, #tpu.memory_space<vmem>>, vector<1x16xf32>,
    %broadcast_in_dim3A_529 = arith.constant 0.000000e+00 : f32
    %broadcast_in_dim3A_530 = vector.broadcast %broadcast_in_dim3A_529 : f32 to vector<16xf32>
    %swap3A_531 = arith.constant 7 : i32
    %swap3A_532 = arith.index_cast %swap3A_531 : i32 to index
    %swap3A_533 = arith.constant 48 : index
    %swap3A_534 = tpu.vector_load %arg9[%swap3A_532, %swap3A_533] {strides = array<i32>} : memref<16x144xf32, #tpu.memory_space<vmem>>, vector<1x16xf32>,
    %swap3A_535 = vector.shape_cast %swap3A_534 : vector<1x16xf32> to vector<16xf32>
    %swap3A_536 = vector.shape_cast %broadcast_in_dim3A_530 : vector<16xf32> to vector<1x16xf32>
    tpu.vector_store %arg9[%swap3A_532, %swap3A_533], %swap3A_536 {strides = array<i32>} : memref<16x144xf32, #tpu.memory_space<vmem>>, vector<1x16xf32>,
    %broadcast_in_dim3A_537 = arith.constant 0.000000e+00 : f32
    %broadcast_in_dim3A_538 = vector.broadcast %broadcast_in_dim3A_537 : f32 to vector<16xf32>
    %swap3A_539 = arith.constant 7 : i32
    %swap3A_540 = arith.index_cast %swap3A_539 : i32 to index
    %swap3A_541 = arith.constant 64 : index
    %swap3A_542 = tpu.vector_load %arg9[%swap3A_540, %swap3A_541] {strides = array<i32>} : memref<16x144xf32, #tpu.memory_space<vmem>>, vector<1x16xf32>,
    %swap3A_543 = vector.shape_cast %swap3A_542 : vector<1x16xf32> to vector<16xf32>
    %swap3A_544 = vector.shape_cast %broadcast_in_dim3A_538 : vector<16xf32> to vector<1x16xf32>
    tpu.vector_store %arg9[%swap3A_540, %swap3A_541], %swap3A_544 {strides = array<i32>} : memref<16x144xf32, #tpu.memory_space<vmem>>, vector<1x16xf32>,
    %broadcast_in_dim3A_545 = arith.constant 0.000000e+00 : f32
    %broadcast_in_dim3A_546 = vector.broadcast %broadcast_in_dim3A_545 : f32 to vector<16xf32>
    %swap3A_547 = arith.constant 7 : i32
    %swap3A_548 = arith.index_cast %swap3A_547 : i32 to index
    %swap3A_549 = arith.constant 80 : index
    %swap3A_550 = tpu.vector_load %arg9[%swap3A_548, %swap3A_549] {strides = array<i32>} : memref<16x144xf32, #tpu.memory_space<vmem>>, vector<1x16xf32>,
    %swap3A_551 = vector.shape_cast %swap3A_550 : vector<1x16xf32> to vector<16xf32>
    %swap3A_552 = vector.shape_cast %broadcast_in_dim3A_546 : vector<16xf32> to vector<1x16xf32>
    tpu.vector_store %arg9[%swap3A_548, %swap3A_549], %swap3A_552 {strides = array<i32>} : memref<16x144xf32, #tpu.memory_space<vmem>>, vector<1x16xf32>,
    %broadcast_in_dim3A_553 = arith.constant 0.000000e+00 : f32
    %broadcast_in_dim3A_554 = vector.broadcast %broadcast_in_dim3A_553 : f32 to vector<16xf32>
    %swap3A_555 = arith.constant 7 : i32
    %swap3A_556 = arith.index_cast %swap3A_555 : i32 to index
    %swap3A_557 = arith.constant 96 : index
    %swap3A_558 = tpu.vector_load %arg9[%swap3A_556, %swap3A_557] {strides = array<i32>} : memref<16x144xf32, #tpu.memory_space<vmem>>, vector<1x16xf32>,
    %swap3A_559 = vector.shape_cast %swap3A_558 : vector<1x16xf32> to vector<16xf32>
    %swap3A_560 = vector.shape_cast %broadcast_in_dim3A_554 : vector<16xf32> to vector<1x16xf32>
    tpu.vector_store %arg9[%swap3A_556, %swap3A_557], %swap3A_560 {strides = array<i32>} : memref<16x144xf32, #tpu.memory_space<vmem>>, vector<1x16xf32>,
    %broadcast_in_dim3A_561 = arith.constant 0.000000e+00 : f32
    %broadcast_in_dim3A_562 = vector.broadcast %broadcast_in_dim3A_561 : f32 to vector<16xf32>
    %swap3A_563 = arith.constant 7 : i32
    %swap3A_564 = arith.index_cast %swap3A_563 : i32 to index
    %swap3A_565 = arith.constant 112 : index
    %swap3A_566 = tpu.vector_load %arg9[%swap3A_564, %swap3A_565] {strides = array<i32>} : memref<16x144xf32, #tpu.memory_space<vmem>>, vector<1x16xf32>,
    %swap3A_567 = vector.shape_cast %swap3A_566 : vector<1x16xf32> to vector<16xf32>
    %swap3A_568 = vector.shape_cast %broadcast_in_dim3A_562 : vector<16xf32> to vector<1x16xf32>
    tpu.vector_store %arg9[%swap3A_564, %swap3A_565], %swap3A_568 {strides = array<i32>} : memref<16x144xf32, #tpu.memory_space<vmem>>, vector<1x16xf32>,
    %broadcast_in_dim3A_569 = arith.constant 0.000000e+00 : f32
    %broadcast_in_dim3A_570 = vector.broadcast %broadcast_in_dim3A_569 : f32 to vector<16xf32>
    %swap3A_571 = arith.constant 7 : i32
    %swap3A_572 = arith.index_cast %swap3A_571 : i32 to index
    %swap3A_573 = arith.constant 128 : index
    %swap3A_574 = tpu.vector_load %arg9[%swap3A_572, %swap3A_573] {strides = array<i32>} : memref<16x144xf32, #tpu.memory_space<vmem>>, vector<1x16xf32>,
    %swap3A_575 = vector.shape_cast %swap3A_574 : vector<1x16xf32> to vector<16xf32>
    %swap3A_576 = vector.shape_cast %broadcast_in_dim3A_570 : vector<16xf32> to vector<1x16xf32>
    tpu.vector_store %arg9[%swap3A_572, %swap3A_573], %swap3A_576 {strides = array<i32>} : memref<16x144xf32, #tpu.memory_space<vmem>>, vector<1x16xf32>,
    %broadcast_in_dim3A_577 = arith.constant 0.000000e+00 : f32
    %broadcast_in_dim3A_578 = vector.broadcast %broadcast_in_dim3A_577 : f32 to vector<16xf32>
    %swap3A_579 = arith.constant 8 : i32
    %swap3A_580 = arith.index_cast %swap3A_579 : i32 to index
    %swap3A_581 = arith.constant 0 : index
    %swap3A_582 = tpu.vector_load %arg9[%swap3A_580, %swap3A_581] {strides = array<i32>} : memref<16x144xf32, #tpu.memory_space<vmem>>, vector<1x16xf32>,
    %swap3A_583 = vector.shape_cast %swap3A_582 : vector<1x16xf32> to vector<16xf32>
    %swap3A_584 = vector.shape_cast %broadcast_in_dim3A_578 : vector<16xf32> to vector<1x16xf32>
    tpu.vector_store %arg9[%swap3A_580, %swap3A_581], %swap3A_584 {strides = array<i32>} : memref<16x144xf32, #tpu.memory_space<vmem>>, vector<1x16xf32>,
    %broadcast_in_dim3A_585 = arith.constant 0.000000e+00 : f32
    %broadcast_in_dim3A_586 = vector.broadcast %broadcast_in_dim3A_585 : f32 to vector<16xf32>
    %swap3A_587 = arith.constant 8 : i32
    %swap3A_588 = arith.index_cast %swap3A_587 : i32 to index
    %swap3A_589 = arith.constant 16 : index
    %swap3A_590 = tpu.vector_load %arg9[%swap3A_588, %swap3A_589] {strides = array<i32>} : memref<16x144xf32, #tpu.memory_space<vmem>>, vector<1x16xf32>,
    %swap3A_591 = vector.shape_cast %swap3A_590 : vector<1x16xf32> to vector<16xf32>
    %swap3A_592 = vector.shape_cast %broadcast_in_dim3A_586 : vector<16xf32> to vector<1x16xf32>
    tpu.vector_store %arg9[%swap3A_588, %swap3A_589], %swap3A_592 {strides = array<i32>} : memref<16x144xf32, #tpu.memory_space<vmem>>, vector<1x16xf32>,
    %broadcast_in_dim3A_593 = arith.constant 0.000000e+00 : f32
    %broadcast_in_dim3A_594 = vector.broadcast %broadcast_in_dim3A_593 : f32 to vector<16xf32>
    %swap3A_595 = arith.constant 8 : i32
    %swap3A_596 = arith.index_cast %swap3A_595 : i32 to index
    %swap3A_597 = arith.constant 32 : index
    %swap3A_598 = tpu.vector_load %arg9[%swap3A_596, %swap3A_597] {strides = array<i32>} : memref<16x144xf32, #tpu.memory_space<vmem>>, vector<1x16xf32>,
    %swap3A_599 = vector.shape_cast %swap3A_598 : vector<1x16xf32> to vector<16xf32>
    %swap3A_600 = vector.shape_cast %broadcast_in_dim3A_594 : vector<16xf32> to vector<1x16xf32>
    tpu.vector_store %arg9[%swap3A_596, %swap3A_597], %swap3A_600 {strides = array<i32>} : memref<16x144xf32, #tpu.memory_space<vmem>>, vector<1x16xf32>,
    %broadcast_in_dim3A_601 = arith.constant 0.000000e+00 : f32
    %broadcast_in_dim3A_602 = vector.broadcast %broadcast_in_dim3A_601 : f32 to vector<16xf32>
    %swap3A_603 = arith.constant 8 : i32
    %swap3A_604 = arith.index_cast %swap3A_603 : i32 to index
    %swap3A_605 = arith.constant 48 : index
    %swap3A_606 = tpu.vector_load %arg9[%swap3A_604, %swap3A_605] {strides = array<i32>} : memref<16x144xf32, #tpu.memory_space<vmem>>, vector<1x16xf32>,
    %swap3A_607 = vector.shape_cast %swap3A_606 : vector<1x16xf32> to vector<16xf32>
    %swap3A_608 = vector.shape_cast %broadcast_in_dim3A_602 : vector<16xf32> to vector<1x16xf32>
    tpu.vector_store %arg9[%swap3A_604, %swap3A_605], %swap3A_608 {strides = array<i32>} : memref<16x144xf32, #tpu.memory_space<vmem>>, vector<1x16xf32>,
    %broadcast_in_dim3A_609 = arith.constant 0.000000e+00 : f32
    %broadcast_in_dim3A_610 = vector.broadcast %broadcast_in_dim3A_609 : f32 to vector<16xf32>
    %swap3A_611 = arith.constant 8 : i32
    %swap3A_612 = arith.index_cast %swap3A_611 : i32 to index
    %swap3A_613 = arith.constant 64 : index
    %swap3A_614 = tpu.vector_load %arg9[%swap3A_612, %swap3A_613] {strides = array<i32>} : memref<16x144xf32, #tpu.memory_space<vmem>>, vector<1x16xf32>,
    %swap3A_615 = vector.shape_cast %swap3A_614 : vector<1x16xf32> to vector<16xf32>
    %swap3A_616 = vector.shape_cast %broadcast_in_dim3A_610 : vector<16xf32> to vector<1x16xf32>
    tpu.vector_store %arg9[%swap3A_612, %swap3A_613], %swap3A_616 {strides = array<i32>} : memref<16x144xf32, #tpu.memory_space<vmem>>, vector<1x16xf32>,
    %broadcast_in_dim3A_617 = arith.constant 0.000000e+00 : f32
    %broadcast_in_dim3A_618 = vector.broadcast %broadcast_in_dim3A_617 : f32 to vector<16xf32>
    %swap3A_619 = arith.constant 8 : i32
    %swap3A_620 = arith.index_cast %swap3A_619 : i32 to index
    %swap3A_621 = arith.constant 80 : index
    %swap3A_622 = tpu.vector_load %arg9[%swap3A_620, %swap3A_621] {strides = array<i32>} : memref<16x144xf32, #tpu.memory_space<vmem>>, vector<1x16xf32>,
    %swap3A_623 = vector.shape_cast %swap3A_622 : vector<1x16xf32> to vector<16xf32>
    %swap3A_624 = vector.shape_cast %broadcast_in_dim3A_618 : vector<16xf32> to vector<1x16xf32>
    tpu.vector_store %arg9[%swap3A_620, %swap3A_621], %swap3A_624 {strides = array<i32>} : memref<16x144xf32, #tpu.memory_space<vmem>>, vector<1x16xf32>,
    %broadcast_in_dim3A_625 = arith.constant 0.000000e+00 : f32
    %broadcast_in_dim3A_626 = vector.broadcast %broadcast_in_dim3A_625 : f32 to vector<16xf32>
    %swap3A_627 = arith.constant 8 : i32
    %swap3A_628 = arith.index_cast %swap3A_627 : i32 to index
    %swap3A_629 = arith.constant 96 : index
    %swap3A_630 = tpu.vector_load %arg9[%swap3A_628, %swap3A_629] {strides = array<i32>} : memref<16x144xf32, #tpu.memory_space<vmem>>, vector<1x16xf32>,
    %swap3A_631 = vector.shape_cast %swap3A_630 : vector<1x16xf32> to vector<16xf32>
    %swap3A_632 = vector.shape_cast %broadcast_in_dim3A_626 : vector<16xf32> to vector<1x16xf32>
    tpu.vector_store %arg9[%swap3A_628, %swap3A_629], %swap3A_632 {strides = array<i32>} : memref<16x144xf32, #tpu.memory_space<vmem>>, vector<1x16xf32>,
    %broadcast_in_dim3A_633 = arith.constant 0.000000e+00 : f32
    %broadcast_in_dim3A_634 = vector.broadcast %broadcast_in_dim3A_633 : f32 to vector<16xf32>
    %swap3A_635 = arith.constant 8 : i32
    %swap3A_636 = arith.index_cast %swap3A_635 : i32 to index
    %swap3A_637 = arith.constant 112 : index
    %swap3A_638 = tpu.vector_load %arg9[%swap3A_636, %swap3A_637] {strides = array<i32>} : memref<16x144xf32, #tpu.memory_space<vmem>>, vector<1x16xf32>,
    %swap3A_639 = vector.shape_cast %swap3A_638 : vector<1x16xf32> to vector<16xf32>
    %swap3A_640 = vector.shape_cast %broadcast_in_dim3A_634 : vector<16xf32> to vector<1x16xf32>
    tpu.vector_store %arg9[%swap3A_636, %swap3A_637], %swap3A_640 {strides = array<i32>} : memref<16x144xf32, #tpu.memory_space<vmem>>, vector<1x16xf32>,
    %broadcast_in_dim3A_641 = arith.constant 0.000000e+00 : f32
    %broadcast_in_dim3A_642 = vector.broadcast %broadcast_in_dim3A_641 : f32 to vector<16xf32>
    %swap3A_643 = arith.constant 8 : i32
    %swap3A_644 = arith.index_cast %swap3A_643 : i32 to index
    %swap3A_645 = arith.constant 128 : index
    %swap3A_646 = tpu.vector_load %arg9[%swap3A_644, %swap3A_645] {strides = array<i32>} : memref<16x144xf32, #tpu.memory_space<vmem>>, vector<1x16xf32>,
    %swap3A_647 = vector.shape_cast %swap3A_646 : vector<1x16xf32> to vector<16xf32>
    %swap3A_648 = vector.shape_cast %broadcast_in_dim3A_642 : vector<16xf32> to vector<1x16xf32>
    tpu.vector_store %arg9[%swap3A_644, %swap3A_645], %swap3A_648 {strides = array<i32>} : memref<16x144xf32, #tpu.memory_space<vmem>>, vector<1x16xf32>,
    %broadcast_in_dim3A_649 = arith.constant 0.000000e+00 : f32
    %broadcast_in_dim3A_650 = vector.broadcast %broadcast_in_dim3A_649 : f32 to vector<16xf32>
    %swap3A_651 = arith.constant 9 : i32
    %swap3A_652 = arith.index_cast %swap3A_651 : i32 to index
    %swap3A_653 = arith.constant 0 : index
    %swap3A_654 = tpu.vector_load %arg9[%swap3A_652, %swap3A_653] {strides = array<i32>} : memref<16x144xf32, #tpu.memory_space<vmem>>, vector<1x16xf32>,
    %swap3A_655 = vector.shape_cast %swap3A_654 : vector<1x16xf32> to vector<16xf32>
    %swap3A_656 = vector.shape_cast %broadcast_in_dim3A_650 : vector<16xf32> to vector<1x16xf32>
    tpu.vector_store %arg9[%swap3A_652, %swap3A_653], %swap3A_656 {strides = array<i32>} : memref<16x144xf32, #tpu.memory_space<vmem>>, vector<1x16xf32>,
    %broadcast_in_dim3A_657 = arith.constant 0.000000e+00 : f32
    %broadcast_in_dim3A_658 = vector.broadcast %broadcast_in_dim3A_657 : f32 to vector<16xf32>
    %swap3A_659 = arith.constant 9 : i32
    %swap3A_660 = arith.index_cast %swap3A_659 : i32 to index
    %swap3A_661 = arith.constant 16 : index
    %swap3A_662 = tpu.vector_load %arg9[%swap3A_660, %swap3A_661] {strides = array<i32>} : memref<16x144xf32, #tpu.memory_space<vmem>>, vector<1x16xf32>,
    %swap3A_663 = vector.shape_cast %swap3A_662 : vector<1x16xf32> to vector<16xf32>
    %swap3A_664 = vector.shape_cast %broadcast_in_dim3A_658 : vector<16xf32> to vector<1x16xf32>
    tpu.vector_store %arg9[%swap3A_660, %swap3A_661], %swap3A_664 {strides = array<i32>} : memref<16x144xf32, #tpu.memory_space<vmem>>, vector<1x16xf32>,
    %broadcast_in_dim3A_665 = arith.constant 0.000000e+00 : f32
    %broadcast_in_dim3A_666 = vector.broadcast %broadcast_in_dim3A_665 : f32 to vector<16xf32>
    %swap3A_667 = arith.constant 9 : i32
    %swap3A_668 = arith.index_cast %swap3A_667 : i32 to index
    %swap3A_669 = arith.constant 32 : index
    %swap3A_670 = tpu.vector_load %arg9[%swap3A_668, %swap3A_669] {strides = array<i32>} : memref<16x144xf32, #tpu.memory_space<vmem>>, vector<1x16xf32>,
    %swap3A_671 = vector.shape_cast %swap3A_670 : vector<1x16xf32> to vector<16xf32>
    %swap3A_672 = vector.shape_cast %broadcast_in_dim3A_666 : vector<16xf32> to vector<1x16xf32>
    tpu.vector_store %arg9[%swap3A_668, %swap3A_669], %swap3A_672 {strides = array<i32>} : memref<16x144xf32, #tpu.memory_space<vmem>>, vector<1x16xf32>,
    %broadcast_in_dim3A_673 = arith.constant 0.000000e+00 : f32
    %broadcast_in_dim3A_674 = vector.broadcast %broadcast_in_dim3A_673 : f32 to vector<16xf32>
    %swap3A_675 = arith.constant 9 : i32
    %swap3A_676 = arith.index_cast %swap3A_675 : i32 to index
    %swap3A_677 = arith.constant 48 : index
    %swap3A_678 = tpu.vector_load %arg9[%swap3A_676, %swap3A_677] {strides = array<i32>} : memref<16x144xf32, #tpu.memory_space<vmem>>, vector<1x16xf32>,
    %swap3A_679 = vector.shape_cast %swap3A_678 : vector<1x16xf32> to vector<16xf32>
    %swap3A_680 = vector.shape_cast %broadcast_in_dim3A_674 : vector<16xf32> to vector<1x16xf32>
    tpu.vector_store %arg9[%swap3A_676, %swap3A_677], %swap3A_680 {strides = array<i32>} : memref<16x144xf32, #tpu.memory_space<vmem>>, vector<1x16xf32>,
    %broadcast_in_dim3A_681 = arith.constant 0.000000e+00 : f32
    %broadcast_in_dim3A_682 = vector.broadcast %broadcast_in_dim3A_681 : f32 to vector<16xf32>
    %swap3A_683 = arith.constant 9 : i32
    %swap3A_684 = arith.index_cast %swap3A_683 : i32 to index
    %swap3A_685 = arith.constant 64 : index
    %swap3A_686 = tpu.vector_load %arg9[%swap3A_684, %swap3A_685] {strides = array<i32>} : memref<16x144xf32, #tpu.memory_space<vmem>>, vector<1x16xf32>,
    %swap3A_687 = vector.shape_cast %swap3A_686 : vector<1x16xf32> to vector<16xf32>
    %swap3A_688 = vector.shape_cast %broadcast_in_dim3A_682 : vector<16xf32> to vector<1x16xf32>
    tpu.vector_store %arg9[%swap3A_684, %swap3A_685], %swap3A_688 {strides = array<i32>} : memref<16x144xf32, #tpu.memory_space<vmem>>, vector<1x16xf32>,
    %broadcast_in_dim3A_689 = arith.constant 0.000000e+00 : f32
    %broadcast_in_dim3A_690 = vector.broadcast %broadcast_in_dim3A_689 : f32 to vector<16xf32>
    %swap3A_691 = arith.constant 9 : i32
    %swap3A_692 = arith.index_cast %swap3A_691 : i32 to index
    %swap3A_693 = arith.constant 80 : index
    %swap3A_694 = tpu.vector_load %arg9[%swap3A_692, %swap3A_693] {strides = array<i32>} : memref<16x144xf32, #tpu.memory_space<vmem>>, vector<1x16xf32>,
    %swap3A_695 = vector.shape_cast %swap3A_694 : vector<1x16xf32> to vector<16xf32>
    %swap3A_696 = vector.shape_cast %broadcast_in_dim3A_690 : vector<16xf32> to vector<1x16xf32>
    tpu.vector_store %arg9[%swap3A_692, %swap3A_693], %swap3A_696 {strides = array<i32>} : memref<16x144xf32, #tpu.memory_space<vmem>>, vector<1x16xf32>,
    %broadcast_in_dim3A_697 = arith.constant 0.000000e+00 : f32
    %broadcast_in_dim3A_698 = vector.broadcast %broadcast_in_dim3A_697 : f32 to vector<16xf32>
    %swap3A_699 = arith.constant 9 : i32
    %swap3A_700 = arith.index_cast %swap3A_699 : i32 to index
    %swap3A_701 = arith.constant 96 : index
    %swap3A_702 = tpu.vector_load %arg9[%swap3A_700, %swap3A_701] {strides = array<i32>} : memref<16x144xf32, #tpu.memory_space<vmem>>, vector<1x16xf32>,
    %swap3A_703 = vector.shape_cast %swap3A_702 : vector<1x16xf32> to vector<16xf32>
    %swap3A_704 = vector.shape_cast %broadcast_in_dim3A_698 : vector<16xf32> to vector<1x16xf32>
    tpu.vector_store %arg9[%swap3A_700, %swap3A_701], %swap3A_704 {strides = array<i32>} : memref<16x144xf32, #tpu.memory_space<vmem>>, vector<1x16xf32>,
    %broadcast_in_dim3A_705 = arith.constant 0.000000e+00 : f32
    %broadcast_in_dim3A_706 = vector.broadcast %broadcast_in_dim3A_705 : f32 to vector<16xf32>
    %swap3A_707 = arith.constant 9 : i32
    %swap3A_708 = arith.index_cast %swap3A_707 : i32 to index
    %swap3A_709 = arith.constant 112 : index
    %swap3A_710 = tpu.vector_load %arg9[%swap3A_708, %swap3A_709] {strides = array<i32>} : memref<16x144xf32, #tpu.memory_space<vmem>>, vector<1x16xf32>,
    %swap3A_711 = vector.shape_cast %swap3A_710 : vector<1x16xf32> to vector<16xf32>
    %swap3A_712 = vector.shape_cast %broadcast_in_dim3A_706 : vector<16xf32> to vector<1x16xf32>
    tpu.vector_store %arg9[%swap3A_708, %swap3A_709], %swap3A_712 {strides = array<i32>} : memref<16x144xf32, #tpu.memory_space<vmem>>, vector<1x16xf32>,
    %broadcast_in_dim3A_713 = arith.constant 0.000000e+00 : f32
    %broadcast_in_dim3A_714 = vector.broadcast %broadcast_in_dim3A_713 : f32 to vector<16xf32>
    %swap3A_715 = arith.constant 9 : i32
    %swap3A_716 = arith.index_cast %swap3A_715 : i32 to index
    %swap3A_717 = arith.constant 128 : index
    %swap3A_718 = tpu.vector_load %arg9[%swap3A_716, %swap3A_717] {strides = array<i32>} : memref<16x144xf32, #tpu.memory_space<vmem>>, vector<1x16xf32>,
    %swap3A_719 = vector.shape_cast %swap3A_718 : vector<1x16xf32> to vector<16xf32>
    %swap3A_720 = vector.shape_cast %broadcast_in_dim3A_714 : vector<16xf32> to vector<1x16xf32>
    tpu.vector_store %arg9[%swap3A_716, %swap3A_717], %swap3A_720 {strides = array<i32>} : memref<16x144xf32, #tpu.memory_space<vmem>>, vector<1x16xf32>,
    %broadcast_in_dim3A_721 = arith.constant 0.000000e+00 : f32
    %broadcast_in_dim3A_722 = vector.broadcast %broadcast_in_dim3A_721 : f32 to vector<16xf32>
    %swap3A_723 = arith.constant 10 : i32
    %swap3A_724 = arith.index_cast %swap3A_723 : i32 to index
    %swap3A_725 = arith.constant 0 : index
    %swap3A_726 = tpu.vector_load %arg9[%swap3A_724, %swap3A_725] {strides = array<i32>} : memref<16x144xf32, #tpu.memory_space<vmem>>, vector<1x16xf32>,
    %swap3A_727 = vector.shape_cast %swap3A_726 : vector<1x16xf32> to vector<16xf32>
    %swap3A_728 = vector.shape_cast %broadcast_in_dim3A_722 : vector<16xf32> to vector<1x16xf32>
    tpu.vector_store %arg9[%swap3A_724, %swap3A_725], %swap3A_728 {strides = array<i32>} : memref<16x144xf32, #tpu.memory_space<vmem>>, vector<1x16xf32>,
    %broadcast_in_dim3A_729 = arith.constant 0.000000e+00 : f32
    %broadcast_in_dim3A_730 = vector.broadcast %broadcast_in_dim3A_729 : f32 to vector<16xf32>
    %swap3A_731 = arith.constant 10 : i32
    %swap3A_732 = arith.index_cast %swap3A_731 : i32 to index
    %swap3A_733 = arith.constant 16 : index
    %swap3A_734 = tpu.vector_load %arg9[%swap3A_732, %swap3A_733] {strides = array<i32>} : memref<16x144xf32, #tpu.memory_space<vmem>>, vector<1x16xf32>,
    %swap3A_735 = vector.shape_cast %swap3A_734 : vector<1x16xf32> to vector<16xf32>
    %swap3A_736 = vector.shape_cast %broadcast_in_dim3A_730 : vector<16xf32> to vector<1x16xf32>
    tpu.vector_store %arg9[%swap3A_732, %swap3A_733], %swap3A_736 {strides = array<i32>} : memref<16x144xf32, #tpu.memory_space<vmem>>, vector<1x16xf32>,
    %broadcast_in_dim3A_737 = arith.constant 0.000000e+00 : f32
    %broadcast_in_dim3A_738 = vector.broadcast %broadcast_in_dim3A_737 : f32 to vector<16xf32>
    %swap3A_739 = arith.constant 10 : i32
    %swap3A_740 = arith.index_cast %swap3A_739 : i32 to index
    %swap3A_741 = arith.constant 32 : index
    %swap3A_742 = tpu.vector_load %arg9[%swap3A_740, %swap3A_741] {strides = array<i32>} : memref<16x144xf32, #tpu.memory_space<vmem>>, vector<1x16xf32>,
    %swap3A_743 = vector.shape_cast %swap3A_742 : vector<1x16xf32> to vector<16xf32>
    %swap3A_744 = vector.shape_cast %broadcast_in_dim3A_738 : vector<16xf32> to vector<1x16xf32>
    tpu.vector_store %arg9[%swap3A_740, %swap3A_741], %swap3A_744 {strides = array<i32>} : memref<16x144xf32, #tpu.memory_space<vmem>>, vector<1x16xf32>,
    %broadcast_in_dim3A_745 = arith.constant 0.000000e+00 : f32
    %broadcast_in_dim3A_746 = vector.broadcast %broadcast_in_dim3A_745 : f32 to vector<16xf32>
    %swap3A_747 = arith.constant 10 : i32
    %swap3A_748 = arith.index_cast %swap3A_747 : i32 to index
    %swap3A_749 = arith.constant 48 : index
    %swap3A_750 = tpu.vector_load %arg9[%swap3A_748, %swap3A_749] {strides = array<i32>} : memref<16x144xf32, #tpu.memory_space<vmem>>, vector<1x16xf32>,
    %swap3A_751 = vector.shape_cast %swap3A_750 : vector<1x16xf32> to vector<16xf32>
    %swap3A_752 = vector.shape_cast %broadcast_in_dim3A_746 : vector<16xf32> to vector<1x16xf32>
    tpu.vector_store %arg9[%swap3A_748, %swap3A_749], %swap3A_752 {strides = array<i32>} : memref<16x144xf32, #tpu.memory_space<vmem>>, vector<1x16xf32>,
    %broadcast_in_dim3A_753 = arith.constant 0.000000e+00 : f32
    %broadcast_in_dim3A_754 = vector.broadcast %broadcast_in_dim3A_753 : f32 to vector<16xf32>
    %swap3A_755 = arith.constant 10 : i32
    %swap3A_756 = arith.index_cast %swap3A_755 : i32 to index
    %swap3A_757 = arith.constant 64 : index
    %swap3A_758 = tpu.vector_load %arg9[%swap3A_756, %swap3A_757] {strides = array<i32>} : memref<16x144xf32, #tpu.memory_space<vmem>>, vector<1x16xf32>,
    %swap3A_759 = vector.shape_cast %swap3A_758 : vector<1x16xf32> to vector<16xf32>
    %swap3A_760 = vector.shape_cast %broadcast_in_dim3A_754 : vector<16xf32> to vector<1x16xf32>
    tpu.vector_store %arg9[%swap3A_756, %swap3A_757], %swap3A_760 {strides = array<i32>} : memref<16x144xf32, #tpu.memory_space<vmem>>, vector<1x16xf32>,
    %broadcast_in_dim3A_761 = arith.constant 0.000000e+00 : f32
    %broadcast_in_dim3A_762 = vector.broadcast %broadcast_in_dim3A_761 : f32 to vector<16xf32>
    %swap3A_763 = arith.constant 10 : i32
    %swap3A_764 = arith.index_cast %swap3A_763 : i32 to index
    %swap3A_765 = arith.constant 80 : index
    %swap3A_766 = tpu.vector_load %arg9[%swap3A_764, %swap3A_765] {strides = array<i32>} : memref<16x144xf32, #tpu.memory_space<vmem>>, vector<1x16xf32>,
    %swap3A_767 = vector.shape_cast %swap3A_766 : vector<1x16xf32> to vector<16xf32>
    %swap3A_768 = vector.shape_cast %broadcast_in_dim3A_762 : vector<16xf32> to vector<1x16xf32>
    tpu.vector_store %arg9[%swap3A_764, %swap3A_765], %swap3A_768 {strides = array<i32>} : memref<16x144xf32, #tpu.memory_space<vmem>>, vector<1x16xf32>,
    %broadcast_in_dim3A_769 = arith.constant 0.000000e+00 : f32
    %broadcast_in_dim3A_770 = vector.broadcast %broadcast_in_dim3A_769 : f32 to vector<16xf32>
    %swap3A_771 = arith.constant 10 : i32
    %swap3A_772 = arith.index_cast %swap3A_771 : i32 to index
    %swap3A_773 = arith.constant 96 : index
    %swap3A_774 = tpu.vector_load %arg9[%swap3A_772, %swap3A_773] {strides = array<i32>} : memref<16x144xf32, #tpu.memory_space<vmem>>, vector<1x16xf32>,
    %swap3A_775 = vector.shape_cast %swap3A_774 : vector<1x16xf32> to vector<16xf32>
    %swap3A_776 = vector.shape_cast %broadcast_in_dim3A_770 : vector<16xf32> to vector<1x16xf32>
    tpu.vector_store %arg9[%swap3A_772, %swap3A_773], %swap3A_776 {strides = array<i32>} : memref<16x144xf32, #tpu.memory_space<vmem>>, vector<1x16xf32>,
    %broadcast_in_dim3A_777 = arith.constant 0.000000e+00 : f32
    %broadcast_in_dim3A_778 = vector.broadcast %broadcast_in_dim3A_777 : f32 to vector<16xf32>
    %swap3A_779 = arith.constant 10 : i32
    %swap3A_780 = arith.index_cast %swap3A_779 : i32 to index
    %swap3A_781 = arith.constant 112 : index
    %swap3A_782 = tpu.vector_load %arg9[%swap3A_780, %swap3A_781] {strides = array<i32>} : memref<16x144xf32, #tpu.memory_space<vmem>>, vector<1x16xf32>,
    %swap3A_783 = vector.shape_cast %swap3A_782 : vector<1x16xf32> to vector<16xf32>
    %swap3A_784 = vector.shape_cast %broadcast_in_dim3A_778 : vector<16xf32> to vector<1x16xf32>
    tpu.vector_store %arg9[%swap3A_780, %swap3A_781], %swap3A_784 {strides = array<i32>} : memref<16x144xf32, #tpu.memory_space<vmem>>, vector<1x16xf32>,
    %broadcast_in_dim3A_785 = arith.constant 0.000000e+00 : f32
    %broadcast_in_dim3A_786 = vector.broadcast %broadcast_in_dim3A_785 : f32 to vector<16xf32>
    %swap3A_787 = arith.constant 10 : i32
    %swap3A_788 = arith.index_cast %swap3A_787 : i32 to index
    %swap3A_789 = arith.constant 128 : index
    %swap3A_790 = tpu.vector_load %arg9[%swap3A_788, %swap3A_789] {strides = array<i32>} : memref<16x144xf32, #tpu.memory_space<vmem>>, vector<1x16xf32>,
    %swap3A_791 = vector.shape_cast %swap3A_790 : vector<1x16xf32> to vector<16xf32>
    %swap3A_792 = vector.shape_cast %broadcast_in_dim3A_786 : vector<16xf32> to vector<1x16xf32>
    tpu.vector_store %arg9[%swap3A_788, %swap3A_789], %swap3A_792 {strides = array<i32>} : memref<16x144xf32, #tpu.memory_space<vmem>>, vector<1x16xf32>,
    %broadcast_in_dim3A_793 = arith.constant 0.000000e+00 : f32
    %broadcast_in_dim3A_794 = vector.broadcast %broadcast_in_dim3A_793 : f32 to vector<16xf32>
    %swap3A_795 = arith.constant 11 : i32
    %swap3A_796 = arith.index_cast %swap3A_795 : i32 to index
    %swap3A_797 = arith.constant 0 : index
    %swap3A_798 = tpu.vector_load %arg9[%swap3A_796, %swap3A_797] {strides = array<i32>} : memref<16x144xf32, #tpu.memory_space<vmem>>, vector<1x16xf32>,
    %swap3A_799 = vector.shape_cast %swap3A_798 : vector<1x16xf32> to vector<16xf32>
    %swap3A_800 = vector.shape_cast %broadcast_in_dim3A_794 : vector<16xf32> to vector<1x16xf32>
    tpu.vector_store %arg9[%swap3A_796, %swap3A_797], %swap3A_800 {strides = array<i32>} : memref<16x144xf32, #tpu.memory_space<vmem>>, vector<1x16xf32>,
    %broadcast_in_dim3A_801 = arith.constant 0.000000e+00 : f32
    %broadcast_in_dim3A_802 = vector.broadcast %broadcast_in_dim3A_801 : f32 to vector<16xf32>
    %swap3A_803 = arith.constant 11 : i32
    %swap3A_804 = arith.index_cast %swap3A_803 : i32 to index
    %swap3A_805 = arith.constant 16 : index
    %swap3A_806 = tpu.vector_load %arg9[%swap3A_804, %swap3A_805] {strides = array<i32>} : memref<16x144xf32, #tpu.memory_space<vmem>>, vector<1x16xf32>,
    %swap3A_807 = vector.shape_cast %swap3A_806 : vector<1x16xf32> to vector<16xf32>
    %swap3A_808 = vector.shape_cast %broadcast_in_dim3A_802 : vector<16xf32> to vector<1x16xf32>
    tpu.vector_store %arg9[%swap3A_804, %swap3A_805], %swap3A_808 {strides = array<i32>} : memref<16x144xf32, #tpu.memory_space<vmem>>, vector<1x16xf32>,
    %broadcast_in_dim3A_809 = arith.constant 0.000000e+00 : f32
    %broadcast_in_dim3A_810 = vector.broadcast %broadcast_in_dim3A_809 : f32 to vector<16xf32>
    %swap3A_811 = arith.constant 11 : i32
    %swap3A_812 = arith.index_cast %swap3A_811 : i32 to index
    %swap3A_813 = arith.constant 32 : index
    %swap3A_814 = tpu.vector_load %arg9[%swap3A_812, %swap3A_813] {strides = array<i32>} : memref<16x144xf32, #tpu.memory_space<vmem>>, vector<1x16xf32>,
    %swap3A_815 = vector.shape_cast %swap3A_814 : vector<1x16xf32> to vector<16xf32>
    %swap3A_816 = vector.shape_cast %broadcast_in_dim3A_810 : vector<16xf32> to vector<1x16xf32>
    tpu.vector_store %arg9[%swap3A_812, %swap3A_813], %swap3A_816 {strides = array<i32>} : memref<16x144xf32, #tpu.memory_space<vmem>>, vector<1x16xf32>,
    %broadcast_in_dim3A_817 = arith.constant 0.000000e+00 : f32
    %broadcast_in_dim3A_818 = vector.broadcast %broadcast_in_dim3A_817 : f32 to vector<16xf32>
    %swap3A_819 = arith.constant 11 : i32
    %swap3A_820 = arith.index_cast %swap3A_819 : i32 to index
    %swap3A_821 = arith.constant 48 : index
    %swap3A_822 = tpu.vector_load %arg9[%swap3A_820, %swap3A_821] {strides = array<i32>} : memref<16x144xf32, #tpu.memory_space<vmem>>, vector<1x16xf32>,
    %swap3A_823 = vector.shape_cast %swap3A_822 : vector<1x16xf32> to vector<16xf32>
    %swap3A_824 = vector.shape_cast %broadcast_in_dim3A_818 : vector<16xf32> to vector<1x16xf32>
    tpu.vector_store %arg9[%swap3A_820, %swap3A_821], %swap3A_824 {strides = array<i32>} : memref<16x144xf32, #tpu.memory_space<vmem>>, vector<1x16xf32>,
    %broadcast_in_dim3A_825 = arith.constant 0.000000e+00 : f32
    %broadcast_in_dim3A_826 = vector.broadcast %broadcast_in_dim3A_825 : f32 to vector<16xf32>
    %swap3A_827 = arith.constant 11 : i32
    %swap3A_828 = arith.index_cast %swap3A_827 : i32 to index
    %swap3A_829 = arith.constant 64 : index
    %swap3A_830 = tpu.vector_load %arg9[%swap3A_828, %swap3A_829] {strides = array<i32>} : memref<16x144xf32, #tpu.memory_space<vmem>>, vector<1x16xf32>,
    %swap3A_831 = vector.shape_cast %swap3A_830 : vector<1x16xf32> to vector<16xf32>
    %swap3A_832 = vector.shape_cast %broadcast_in_dim3A_826 : vector<16xf32> to vector<1x16xf32>
    tpu.vector_store %arg9[%swap3A_828, %swap3A_829], %swap3A_832 {strides = array<i32>} : memref<16x144xf32, #tpu.memory_space<vmem>>, vector<1x16xf32>,
    %broadcast_in_dim3A_833 = arith.constant 0.000000e+00 : f32
    %broadcast_in_dim3A_834 = vector.broadcast %broadcast_in_dim3A_833 : f32 to vector<16xf32>
    %swap3A_835 = arith.constant 11 : i32
    %swap3A_836 = arith.index_cast %swap3A_835 : i32 to index
    %swap3A_837 = arith.constant 80 : index
    %swap3A_838 = tpu.vector_load %arg9[%swap3A_836, %swap3A_837] {strides = array<i32>} : memref<16x144xf32, #tpu.memory_space<vmem>>, vector<1x16xf32>,
    %swap3A_839 = vector.shape_cast %swap3A_838 : vector<1x16xf32> to vector<16xf32>
    %swap3A_840 = vector.shape_cast %broadcast_in_dim3A_834 : vector<16xf32> to vector<1x16xf32>
    tpu.vector_store %arg9[%swap3A_836, %swap3A_837], %swap3A_840 {strides = array<i32>} : memref<16x144xf32, #tpu.memory_space<vmem>>, vector<1x16xf32>,
    %broadcast_in_dim3A_841 = arith.constant 0.000000e+00 : f32
    %broadcast_in_dim3A_842 = vector.broadcast %broadcast_in_dim3A_841 : f32 to vector<16xf32>
    %swap3A_843 = arith.constant 11 : i32
    %swap3A_844 = arith.index_cast %swap3A_843 : i32 to index
    %swap3A_845 = arith.constant 96 : index
    %swap3A_846 = tpu.vector_load %arg9[%swap3A_844, %swap3A_845] {strides = array<i32>} : memref<16x144xf32, #tpu.memory_space<vmem>>, vector<1x16xf32>,
    %swap3A_847 = vector.shape_cast %swap3A_846 : vector<1x16xf32> to vector<16xf32>
    %swap3A_848 = vector.shape_cast %broadcast_in_dim3A_842 : vector<16xf32> to vector<1x16xf32>
    tpu.vector_store %arg9[%swap3A_844, %swap3A_845], %swap3A_848 {strides = array<i32>} : memref<16x144xf32, #tpu.memory_space<vmem>>, vector<1x16xf32>,
    %broadcast_in_dim3A_849 = arith.constant 0.000000e+00 : f32
    %broadcast_in_dim3A_850 = vector.broadcast %broadcast_in_dim3A_849 : f32 to vector<16xf32>
    %swap3A_851 = arith.constant 11 : i32
    %swap3A_852 = arith.index_cast %swap3A_851 : i32 to index
    %swap3A_853 = arith.constant 112 : index
    %swap3A_854 = tpu.vector_load %arg9[%swap3A_852, %swap3A_853] {strides = array<i32>} : memref<16x144xf32, #tpu.memory_space<vmem>>, vector<1x16xf32>,
    %swap3A_855 = vector.shape_cast %swap3A_854 : vector<1x16xf32> to vector<16xf32>
    %swap3A_856 = vector.shape_cast %broadcast_in_dim3A_850 : vector<16xf32> to vector<1x16xf32>
    tpu.vector_store %arg9[%swap3A_852, %swap3A_853], %swap3A_856 {strides = array<i32>} : memref<16x144xf32, #tpu.memory_space<vmem>>, vector<1x16xf32>,
    %broadcast_in_dim3A_857 = arith.constant 0.000000e+00 : f32
    %broadcast_in_dim3A_858 = vector.broadcast %broadcast_in_dim3A_857 : f32 to vector<16xf32>
    %swap3A_859 = arith.constant 11 : i32
    %swap3A_860 = arith.index_cast %swap3A_859 : i32 to index
    %swap3A_861 = arith.constant 128 : index
    %swap3A_862 = tpu.vector_load %arg9[%swap3A_860, %swap3A_861] {strides = array<i32>} : memref<16x144xf32, #tpu.memory_space<vmem>>, vector<1x16xf32>,
    %swap3A_863 = vector.shape_cast %swap3A_862 : vector<1x16xf32> to vector<16xf32>
    %swap3A_864 = vector.shape_cast %broadcast_in_dim3A_858 : vector<16xf32> to vector<1x16xf32>
    tpu.vector_store %arg9[%swap3A_860, %swap3A_861], %swap3A_864 {strides = array<i32>} : memref<16x144xf32, #tpu.memory_space<vmem>>, vector<1x16xf32>,
    %broadcast_in_dim3A_865 = arith.constant 0.000000e+00 : f32
    %broadcast_in_dim3A_866 = vector.broadcast %broadcast_in_dim3A_865 : f32 to vector<16xf32>
    %swap3A_867 = arith.constant 12 : i32
    %swap3A_868 = arith.index_cast %swap3A_867 : i32 to index
    %swap3A_869 = arith.constant 0 : index
    %swap3A_870 = tpu.vector_load %arg9[%swap3A_868, %swap3A_869] {strides = array<i32>} : memref<16x144xf32, #tpu.memory_space<vmem>>, vector<1x16xf32>,
    %swap3A_871 = vector.shape_cast %swap3A_870 : vector<1x16xf32> to vector<16xf32>
    %swap3A_872 = vector.shape_cast %broadcast_in_dim3A_866 : vector<16xf32> to vector<1x16xf32>
    tpu.vector_store %arg9[%swap3A_868, %swap3A_869], %swap3A_872 {strides = array<i32>} : memref<16x144xf32, #tpu.memory_space<vmem>>, vector<1x16xf32>,
    %broadcast_in_dim3A_873 = arith.constant 0.000000e+00 : f32
    %broadcast_in_dim3A_874 = vector.broadcast %broadcast_in_dim3A_873 : f32 to vector<16xf32>
    %swap3A_875 = arith.constant 12 : i32
    %swap3A_876 = arith.index_cast %swap3A_875 : i32 to index
    %swap3A_877 = arith.constant 16 : index
    %swap3A_878 = tpu.vector_load %arg9[%swap3A_876, %swap3A_877] {strides = array<i32>} : memref<16x144xf32, #tpu.memory_space<vmem>>, vector<1x16xf32>,
    %swap3A_879 = vector.shape_cast %swap3A_878 : vector<1x16xf32> to vector<16xf32>
    %swap3A_880 = vector.shape_cast %broadcast_in_dim3A_874 : vector<16xf32> to vector<1x16xf32>
    tpu.vector_store %arg9[%swap3A_876, %swap3A_877], %swap3A_880 {strides = array<i32>} : memref<16x144xf32, #tpu.memory_space<vmem>>, vector<1x16xf32>,
    %broadcast_in_dim3A_881 = arith.constant 0.000000e+00 : f32
    %broadcast_in_dim3A_882 = vector.broadcast %broadcast_in_dim3A_881 : f32 to vector<16xf32>
    %swap3A_883 = arith.constant 12 : i32
    %swap3A_884 = arith.index_cast %swap3A_883 : i32 to index
    %swap3A_885 = arith.constant 32 : index
    %swap3A_886 = tpu.vector_load %arg9[%swap3A_884, %swap3A_885] {strides = array<i32>} : memref<16x144xf32, #tpu.memory_space<vmem>>, vector<1x16xf32>,
    %swap3A_887 = vector.shape_cast %swap3A_886 : vector<1x16xf32> to vector<16xf32>
    %swap3A_888 = vector.shape_cast %broadcast_in_dim3A_882 : vector<16xf32> to vector<1x16xf32>
    tpu.vector_store %arg9[%swap3A_884, %swap3A_885], %swap3A_888 {strides = array<i32>} : memref<16x144xf32, #tpu.memory_space<vmem>>, vector<1x16xf32>,
    %broadcast_in_dim3A_889 = arith.constant 0.000000e+00 : f32
    %broadcast_in_dim3A_890 = vector.broadcast %broadcast_in_dim3A_889 : f32 to vector<16xf32>
    %swap3A_891 = arith.constant 12 : i32
    %swap3A_892 = arith.index_cast %swap3A_891 : i32 to index
    %swap3A_893 = arith.constant 48 : index
    %swap3A_894 = tpu.vector_load %arg9[%swap3A_892, %swap3A_893] {strides = array<i32>} : memref<16x144xf32, #tpu.memory_space<vmem>>, vector<1x16xf32>,
    %swap3A_895 = vector.shape_cast %swap3A_894 : vector<1x16xf32> to vector<16xf32>
    %swap3A_896 = vector.shape_cast %broadcast_in_dim3A_890 : vector<16xf32> to vector<1x16xf32>
    tpu.vector_store %arg9[%swap3A_892, %swap3A_893], %swap3A_896 {strides = array<i32>} : memref<16x144xf32, #tpu.memory_space<vmem>>, vector<1x16xf32>,
    %broadcast_in_dim3A_897 = arith.constant 0.000000e+00 : f32
    %broadcast_in_dim3A_898 = vector.broadcast %broadcast_in_dim3A_897 : f32 to vector<16xf32>
    %swap3A_899 = arith.constant 12 : i32
    %swap3A_900 = arith.index_cast %swap3A_899 : i32 to index
    %swap3A_901 = arith.constant 64 : index
    %swap3A_902 = tpu.vector_load %arg9[%swap3A_900, %swap3A_901] {strides = array<i32>} : memref<16x144xf32, #tpu.memory_space<vmem>>, vector<1x16xf32>,
    %swap3A_903 = vector.shape_cast %swap3A_902 : vector<1x16xf32> to vector<16xf32>
    %swap3A_904 = vector.shape_cast %broadcast_in_dim3A_898 : vector<16xf32> to vector<1x16xf32>
    tpu.vector_store %arg9[%swap3A_900, %swap3A_901], %swap3A_904 {strides = array<i32>} : memref<16x144xf32, #tpu.memory_space<vmem>>, vector<1x16xf32>,
    %broadcast_in_dim3A_905 = arith.constant 0.000000e+00 : f32
    %broadcast_in_dim3A_906 = vector.broadcast %broadcast_in_dim3A_905 : f32 to vector<16xf32>
    %swap3A_907 = arith.constant 12 : i32
    %swap3A_908 = arith.index_cast %swap3A_907 : i32 to index
    %swap3A_909 = arith.constant 80 : index
    %swap3A_910 = tpu.vector_load %arg9[%swap3A_908, %swap3A_909] {strides = array<i32>} : memref<16x144xf32, #tpu.memory_space<vmem>>, vector<1x16xf32>,
    %swap3A_911 = vector.shape_cast %swap3A_910 : vector<1x16xf32> to vector<16xf32>
    %swap3A_912 = vector.shape_cast %broadcast_in_dim3A_906 : vector<16xf32> to vector<1x16xf32>
    tpu.vector_store %arg9[%swap3A_908, %swap3A_909], %swap3A_912 {strides = array<i32>} : memref<16x144xf32, #tpu.memory_space<vmem>>, vector<1x16xf32>,
    %broadcast_in_dim3A_913 = arith.constant 0.000000e+00 : f32
    %broadcast_in_dim3A_914 = vector.broadcast %broadcast_in_dim3A_913 : f32 to vector<16xf32>
    %swap3A_915 = arith.constant 12 : i32
    %swap3A_916 = arith.index_cast %swap3A_915 : i32 to index
    %swap3A_917 = arith.constant 96 : index
    %swap3A_918 = tpu.vector_load %arg9[%swap3A_916, %swap3A_917] {strides = array<i32>} : memref<16x144xf32, #tpu.memory_space<vmem>>, vector<1x16xf32>,
    %swap3A_919 = vector.shape_cast %swap3A_918 : vector<1x16xf32> to vector<16xf32>
    %swap3A_920 = vector.shape_cast %broadcast_in_dim3A_914 : vector<16xf32> to vector<1x16xf32>
    tpu.vector_store %arg9[%swap3A_916, %swap3A_917], %swap3A_920 {strides = array<i32>} : memref<16x144xf32, #tpu.memory_space<vmem>>, vector<1x16xf32>,
    %broadcast_in_dim3A_921 = arith.constant 0.000000e+00 : f32
    %broadcast_in_dim3A_922 = vector.broadcast %broadcast_in_dim3A_921 : f32 to vector<16xf32>
    %swap3A_923 = arith.constant 12 : i32
    %swap3A_924 = arith.index_cast %swap3A_923 : i32 to index
    %swap3A_925 = arith.constant 112 : index
    %swap3A_926 = tpu.vector_load %arg9[%swap3A_924, %swap3A_925] {strides = array<i32>} : memref<16x144xf32, #tpu.memory_space<vmem>>, vector<1x16xf32>,
    %swap3A_927 = vector.shape_cast %swap3A_926 : vector<1x16xf32> to vector<16xf32>
    %swap3A_928 = vector.shape_cast %broadcast_in_dim3A_922 : vector<16xf32> to vector<1x16xf32>
    tpu.vector_store %arg9[%swap3A_924, %swap3A_925], %swap3A_928 {strides = array<i32>} : memref<16x144xf32, #tpu.memory_space<vmem>>, vector<1x16xf32>,
    %broadcast_in_dim3A_929 = arith.constant 0.000000e+00 : f32
    %broadcast_in_dim3A_930 = vector.broadcast %broadcast_in_dim3A_929 : f32 to vector<16xf32>
    %swap3A_931 = arith.constant 12 : i32
    %swap3A_932 = arith.index_cast %swap3A_931 : i32 to index
    %swap3A_933 = arith.constant 128 : index
    %swap3A_934 = tpu.vector_load %arg9[%swap3A_932, %swap3A_933] {strides = array<i32>} : memref<16x144xf32, #tpu.memory_space<vmem>>, vector<1x16xf32>,
    %swap3A_935 = vector.shape_cast %swap3A_934 : vector<1x16xf32> to vector<16xf32>
    %swap3A_936 = vector.shape_cast %broadcast_in_dim3A_930 : vector<16xf32> to vector<1x16xf32>
    tpu.vector_store %arg9[%swap3A_932, %swap3A_933], %swap3A_936 {strides = array<i32>} : memref<16x144xf32, #tpu.memory_space<vmem>>, vector<1x16xf32>,
    %broadcast_in_dim3A_937 = arith.constant 0.000000e+00 : f32
    %broadcast_in_dim3A_938 = vector.broadcast %broadcast_in_dim3A_937 : f32 to vector<16xf32>
    %swap3A_939 = arith.constant 13 : i32
    %swap3A_940 = arith.index_cast %swap3A_939 : i32 to index
    %swap3A_941 = arith.constant 0 : index
    %swap3A_942 = tpu.vector_load %arg9[%swap3A_940, %swap3A_941] {strides = array<i32>} : memref<16x144xf32, #tpu.memory_space<vmem>>, vector<1x16xf32>,
    %swap3A_943 = vector.shape_cast %swap3A_942 : vector<1x16xf32> to vector<16xf32>
    %swap3A_944 = vector.shape_cast %broadcast_in_dim3A_938 : vector<16xf32> to vector<1x16xf32>
    tpu.vector_store %arg9[%swap3A_940, %swap3A_941], %swap3A_944 {strides = array<i32>} : memref<16x144xf32, #tpu.memory_space<vmem>>, vector<1x16xf32>,
    %broadcast_in_dim3A_945 = arith.constant 0.000000e+00 : f32
    %broadcast_in_dim3A_946 = vector.broadcast %broadcast_in_dim3A_945 : f32 to vector<16xf32>
    %swap3A_947 = arith.constant 13 : i32
    %swap3A_948 = arith.index_cast %swap3A_947 : i32 to index
    %swap3A_949 = arith.constant 16 : index
    %swap3A_950 = tpu.vector_load %arg9[%swap3A_948, %swap3A_949] {strides = array<i32>} : memref<16x144xf32, #tpu.memory_space<vmem>>, vector<1x16xf32>,
    %swap3A_951 = vector.shape_cast %swap3A_950 : vector<1x16xf32> to vector<16xf32>
    %swap3A_952 = vector.shape_cast %broadcast_in_dim3A_946 : vector<16xf32> to vector<1x16xf32>
    tpu.vector_store %arg9[%swap3A_948, %swap3A_949], %swap3A_952 {strides = array<i32>} : memref<16x144xf32, #tpu.memory_space<vmem>>, vector<1x16xf32>,
    %broadcast_in_dim3A_953 = arith.constant 0.000000e+00 : f32
    %broadcast_in_dim3A_954 = vector.broadcast %broadcast_in_dim3A_953 : f32 to vector<16xf32>
    %swap3A_955 = arith.constant 13 : i32
    %swap3A_956 = arith.index_cast %swap3A_955 : i32 to index
    %swap3A_957 = arith.constant 32 : index
    %swap3A_958 = tpu.vector_load %arg9[%swap3A_956, %swap3A_957] {strides = array<i32>} : memref<16x144xf32, #tpu.memory_space<vmem>>, vector<1x16xf32>,
    %swap3A_959 = vector.shape_cast %swap3A_958 : vector<1x16xf32> to vector<16xf32>
    %swap3A_960 = vector.shape_cast %broadcast_in_dim3A_954 : vector<16xf32> to vector<1x16xf32>
    tpu.vector_store %arg9[%swap3A_956, %swap3A_957], %swap3A_960 {strides = array<i32>} : memref<16x144xf32, #tpu.memory_space<vmem>>, vector<1x16xf32>,
    %broadcast_in_dim3A_961 = arith.constant 0.000000e+00 : f32
    %broadcast_in_dim3A_962 = vector.broadcast %broadcast_in_dim3A_961 : f32 to vector<16xf32>
    %swap3A_963 = arith.constant 13 : i32
    %swap3A_964 = arith.index_cast %swap3A_963 : i32 to index
    %swap3A_965 = arith.constant 48 : index
    %swap3A_966 = tpu.vector_load %arg9[%swap3A_964, %swap3A_965] {strides = array<i32>} : memref<16x144xf32, #tpu.memory_space<vmem>>, vector<1x16xf32>,
    %swap3A_967 = vector.shape_cast %swap3A_966 : vector<1x16xf32> to vector<16xf32>
    %swap3A_968 = vector.shape_cast %broadcast_in_dim3A_962 : vector<16xf32> to vector<1x16xf32>
    tpu.vector_store %arg9[%swap3A_964, %swap3A_965], %swap3A_968 {strides = array<i32>} : memref<16x144xf32, #tpu.memory_space<vmem>>, vector<1x16xf32>,
    %broadcast_in_dim3A_969 = arith.constant 0.000000e+00 : f32
    %broadcast_in_dim3A_970 = vector.broadcast %broadcast_in_dim3A_969 : f32 to vector<16xf32>
    %swap3A_971 = arith.constant 13 : i32
    %swap3A_972 = arith.index_cast %swap3A_971 : i32 to index
    %swap3A_973 = arith.constant 64 : index
    %swap3A_974 = tpu.vector_load %arg9[%swap3A_972, %swap3A_973] {strides = array<i32>} : memref<16x144xf32, #tpu.memory_space<vmem>>, vector<1x16xf32>,
    %swap3A_975 = vector.shape_cast %swap3A_974 : vector<1x16xf32> to vector<16xf32>
    %swap3A_976 = vector.shape_cast %broadcast_in_dim3A_970 : vector<16xf32> to vector<1x16xf32>
    tpu.vector_store %arg9[%swap3A_972, %swap3A_973], %swap3A_976 {strides = array<i32>} : memref<16x144xf32, #tpu.memory_space<vmem>>, vector<1x16xf32>,
    %broadcast_in_dim3A_977 = arith.constant 0.000000e+00 : f32
    %broadcast_in_dim3A_978 = vector.broadcast %broadcast_in_dim3A_977 : f32 to vector<16xf32>
    %swap3A_979 = arith.constant 13 : i32
    %swap3A_980 = arith.index_cast %swap3A_979 : i32 to index
    %swap3A_981 = arith.constant 80 : index
    %swap3A_982 = tpu.vector_load %arg9[%swap3A_980, %swap3A_981] {strides = array<i32>} : memref<16x144xf32, #tpu.memory_space<vmem>>, vector<1x16xf32>,
    %swap3A_983 = vector.shape_cast %swap3A_982 : vector<1x16xf32> to vector<16xf32>
    %swap3A_984 = vector.shape_cast %broadcast_in_dim3A_978 : vector<16xf32> to vector<1x16xf32>
    tpu.vector_store %arg9[%swap3A_980, %swap3A_981], %swap3A_984 {strides = array<i32>} : memref<16x144xf32, #tpu.memory_space<vmem>>, vector<1x16xf32>,
    %broadcast_in_dim3A_985 = arith.constant 0.000000e+00 : f32
    %broadcast_in_dim3A_986 = vector.broadcast %broadcast_in_dim3A_985 : f32 to vector<16xf32>
    %swap3A_987 = arith.constant 13 : i32
    %swap3A_988 = arith.index_cast %swap3A_987 : i32 to index
    %swap3A_989 = arith.constant 96 : index
    %swap3A_990 = tpu.vector_load %arg9[%swap3A_988, %swap3A_989] {strides = array<i32>} : memref<16x144xf32, #tpu.memory_space<vmem>>, vector<1x16xf32>,
    %swap3A_991 = vector.shape_cast %swap3A_990 : vector<1x16xf32> to vector<16xf32>
    %swap3A_992 = vector.shape_cast %broadcast_in_dim3A_986 : vector<16xf32> to vector<1x16xf32>
    tpu.vector_store %arg9[%swap3A_988, %swap3A_989], %swap3A_992 {strides = array<i32>} : memref<16x144xf32, #tpu.memory_space<vmem>>, vector<1x16xf32>,
    %broadcast_in_dim3A_993 = arith.constant 0.000000e+00 : f32
    %broadcast_in_dim3A_994 = vector.broadcast %broadcast_in_dim3A_993 : f32 to vector<16xf32>
    %swap3A_995 = arith.constant 13 : i32
    %swap3A_996 = arith.index_cast %swap3A_995 : i32 to index
    %swap3A_997 = arith.constant 112 : index
    %swap3A_998 = tpu.vector_load %arg9[%swap3A_996, %swap3A_997] {strides = array<i32>} : memref<16x144xf32, #tpu.memory_space<vmem>>, vector<1x16xf32>,
    %swap3A_999 = vector.shape_cast %swap3A_998 : vector<1x16xf32> to vector<16xf32>
    %swap3A_1000 = vector.shape_cast %broadcast_in_dim3A_994 : vector<16xf32> to vector<1x16xf32>
    tpu.vector_store %arg9[%swap3A_996, %swap3A_997], %swap3A_1000 {strides = array<i32>} : memref<16x144xf32, #tpu.memory_space<vmem>>, vector<1x16xf32>,
    %broadcast_in_dim3A_1001 = arith.constant 0.000000e+00 : f32
    %broadcast_in_dim3A_1002 = vector.broadcast %broadcast_in_dim3A_1001 : f32 to vector<16xf32>
    %swap3A_1003 = arith.constant 13 : i32
    %swap3A_1004 = arith.index_cast %swap3A_1003 : i32 to index
    %swap3A_1005 = arith.constant 128 : index
    %swap3A_1006 = tpu.vector_load %arg9[%swap3A_1004, %swap3A_1005] {strides = array<i32>} : memref<16x144xf32, #tpu.memory_space<vmem>>, vector<1x16xf32>,
    %swap3A_1007 = vector.shape_cast %swap3A_1006 : vector<1x16xf32> to vector<16xf32>
    %swap3A_1008 = vector.shape_cast %broadcast_in_dim3A_1002 : vector<16xf32> to vector<1x16xf32>
    tpu.vector_store %arg9[%swap3A_1004, %swap3A_1005], %swap3A_1008 {strides = array<i32>} : memref<16x144xf32, #tpu.memory_space<vmem>>, vector<1x16xf32>,
    %broadcast_in_dim3A_1009 = arith.constant 0.000000e+00 : f32
    %broadcast_in_dim3A_1010 = vector.broadcast %broadcast_in_dim3A_1009 : f32 to vector<16xf32>
    %swap3A_1011 = arith.constant 14 : i32
    %swap3A_1012 = arith.index_cast %swap3A_1011 : i32 to index
    %swap3A_1013 = arith.constant 0 : index
    %swap3A_1014 = tpu.vector_load %arg9[%swap3A_1012, %swap3A_1013] {strides = array<i32>} : memref<16x144xf32, #tpu.memory_space<vmem>>, vector<1x16xf32>,
    %swap3A_1015 = vector.shape_cast %swap3A_1014 : vector<1x16xf32> to vector<16xf32>
    %swap3A_1016 = vector.shape_cast %broadcast_in_dim3A_1010 : vector<16xf32> to vector<1x16xf32>
    tpu.vector_store %arg9[%swap3A_1012, %swap3A_1013], %swap3A_1016 {strides = array<i32>} : memref<16x144xf32, #tpu.memory_space<vmem>>, vector<1x16xf32>,
    %broadcast_in_dim3A_1017 = arith.constant 0.000000e+00 : f32
    %broadcast_in_dim3A_1018 = vector.broadcast %broadcast_in_dim3A_1017 : f32 to vector<16xf32>
    %swap3A_1019 = arith.constant 14 : i32
    %swap3A_1020 = arith.index_cast %swap3A_1019 : i32 to index
    %swap3A_1021 = arith.constant 16 : index
    %swap3A_1022 = tpu.vector_load %arg9[%swap3A_1020, %swap3A_1021] {strides = array<i32>} : memref<16x144xf32, #tpu.memory_space<vmem>>, vector<1x16xf32>,
    %swap3A_1023 = vector.shape_cast %swap3A_1022 : vector<1x16xf32> to vector<16xf32>
    %swap3A_1024 = vector.shape_cast %broadcast_in_dim3A_1018 : vector<16xf32> to vector<1x16xf32>
    tpu.vector_store %arg9[%swap3A_1020, %swap3A_1021], %swap3A_1024 {strides = array<i32>} : memref<16x144xf32, #tpu.memory_space<vmem>>, vector<1x16xf32>,
    %broadcast_in_dim3A_1025 = arith.constant 0.000000e+00 : f32
    %broadcast_in_dim3A_1026 = vector.broadcast %broadcast_in_dim3A_1025 : f32 to vector<16xf32>
    %swap3A_1027 = arith.constant 14 : i32
    %swap3A_1028 = arith.index_cast %swap3A_1027 : i32 to index
    %swap3A_1029 = arith.constant 32 : index
    %swap3A_1030 = tpu.vector_load %arg9[%swap3A_1028, %swap3A_1029] {strides = array<i32>} : memref<16x144xf32, #tpu.memory_space<vmem>>, vector<1x16xf32>,
    %swap3A_1031 = vector.shape_cast %swap3A_1030 : vector<1x16xf32> to vector<16xf32>
    %swap3A_1032 = vector.shape_cast %broadcast_in_dim3A_1026 : vector<16xf32> to vector<1x16xf32>
    tpu.vector_store %arg9[%swap3A_1028, %swap3A_1029], %swap3A_1032 {strides = array<i32>} : memref<16x144xf32, #tpu.memory_space<vmem>>, vector<1x16xf32>,
    %broadcast_in_dim3A_1033 = arith.constant 0.000000e+00 : f32
    %broadcast_in_dim3A_1034 = vector.broadcast %broadcast_in_dim3A_1033 : f32 to vector<16xf32>
    %swap3A_1035 = arith.constant 14 : i32
    %swap3A_1036 = arith.index_cast %swap3A_1035 : i32 to index
    %swap3A_1037 = arith.constant 48 : index
    %swap3A_1038 = tpu.vector_load %arg9[%swap3A_1036, %swap3A_1037] {strides = array<i32>} : memref<16x144xf32, #tpu.memory_space<vmem>>, vector<1x16xf32>,
    %swap3A_1039 = vector.shape_cast %swap3A_1038 : vector<1x16xf32> to vector<16xf32>
    %swap3A_1040 = vector.shape_cast %broadcast_in_dim3A_1034 : vector<16xf32> to vector<1x16xf32>
    tpu.vector_store %arg9[%swap3A_1036, %swap3A_1037], %swap3A_1040 {strides = array<i32>} : memref<16x144xf32, #tpu.memory_space<vmem>>, vector<1x16xf32>,
    %broadcast_in_dim3A_1041 = arith.constant 0.000000e+00 : f32
    %broadcast_in_dim3A_1042 = vector.broadcast %broadcast_in_dim3A_1041 : f32 to vector<16xf32>
    %swap3A_1043 = arith.constant 14 : i32
    %swap3A_1044 = arith.index_cast %swap3A_1043 : i32 to index
    %swap3A_1045 = arith.constant 64 : index
    %swap3A_1046 = tpu.vector_load %arg9[%swap3A_1044, %swap3A_1045] {strides = array<i32>} : memref<16x144xf32, #tpu.memory_space<vmem>>, vector<1x16xf32>,
    %swap3A_1047 = vector.shape_cast %swap3A_1046 : vector<1x16xf32> to vector<16xf32>
    %swap3A_1048 = vector.shape_cast %broadcast_in_dim3A_1042 : vector<16xf32> to vector<1x16xf32>
    tpu.vector_store %arg9[%swap3A_1044, %swap3A_1045], %swap3A_1048 {strides = array<i32>} : memref<16x144xf32, #tpu.memory_space<vmem>>, vector<1x16xf32>,
    %broadcast_in_dim3A_1049 = arith.constant 0.000000e+00 : f32
    %broadcast_in_dim3A_1050 = vector.broadcast %broadcast_in_dim3A_1049 : f32 to vector<16xf32>
    %swap3A_1051 = arith.constant 14 : i32
    %swap3A_1052 = arith.index_cast %swap3A_1051 : i32 to index
    %swap3A_1053 = arith.constant 80 : index
    %swap3A_1054 = tpu.vector_load %arg9[%swap3A_1052, %swap3A_1053] {strides = array<i32>} : memref<16x144xf32, #tpu.memory_space<vmem>>, vector<1x16xf32>,
    %swap3A_1055 = vector.shape_cast %swap3A_1054 : vector<1x16xf32> to vector<16xf32>
    %swap3A_1056 = vector.shape_cast %broadcast_in_dim3A_1050 : vector<16xf32> to vector<1x16xf32>
    tpu.vector_store %arg9[%swap3A_1052, %swap3A_1053], %swap3A_1056 {strides = array<i32>} : memref<16x144xf32, #tpu.memory_space<vmem>>, vector<1x16xf32>,
    %broadcast_in_dim3A_1057 = arith.constant 0.000000e+00 : f32
    %broadcast_in_dim3A_1058 = vector.broadcast %broadcast_in_dim3A_1057 : f32 to vector<16xf32>
    %swap3A_1059 = arith.constant 14 : i32
    %swap3A_1060 = arith.index_cast %swap3A_1059 : i32 to index
    %swap3A_1061 = arith.constant 96 : index
    %swap3A_1062 = tpu.vector_load %arg9[%swap3A_1060, %swap3A_1061] {strides = array<i32>} : memref<16x144xf32, #tpu.memory_space<vmem>>, vector<1x16xf32>,
    %swap3A_1063 = vector.shape_cast %swap3A_1062 : vector<1x16xf32> to vector<16xf32>
    %swap3A_1064 = vector.shape_cast %broadcast_in_dim3A_1058 : vector<16xf32> to vector<1x16xf32>
    tpu.vector_store %arg9[%swap3A_1060, %swap3A_1061], %swap3A_1064 {strides = array<i32>} : memref<16x144xf32, #tpu.memory_space<vmem>>, vector<1x16xf32>,
    %broadcast_in_dim3A_1065 = arith.constant 0.000000e+00 : f32
    %broadcast_in_dim3A_1066 = vector.broadcast %broadcast_in_dim3A_1065 : f32 to vector<16xf32>
    %swap3A_1067 = arith.constant 14 : i32
    %swap3A_1068 = arith.index_cast %swap3A_1067 : i32 to index
    %swap3A_1069 = arith.constant 112 : index
    %swap3A_1070 = tpu.vector_load %arg9[%swap3A_1068, %swap3A_1069] {strides = array<i32>} : memref<16x144xf32, #tpu.memory_space<vmem>>, vector<1x16xf32>,
    %swap3A_1071 = vector.shape_cast %swap3A_1070 : vector<1x16xf32> to vector<16xf32>
    %swap3A_1072 = vector.shape_cast %broadcast_in_dim3A_1066 : vector<16xf32> to vector<1x16xf32>
    tpu.vector_store %arg9[%swap3A_1068, %swap3A_1069], %swap3A_1072 {strides = array<i32>} : memref<16x144xf32, #tpu.memory_space<vmem>>, vector<1x16xf32>,
    %broadcast_in_dim3A_1073 = arith.constant 0.000000e+00 : f32
    %broadcast_in_dim3A_1074 = vector.broadcast %broadcast_in_dim3A_1073 : f32 to vector<16xf32>
    %swap3A_1075 = arith.constant 14 : i32
    %swap3A_1076 = arith.index_cast %swap3A_1075 : i32 to index
    %swap3A_1077 = arith.constant 128 : index
    %swap3A_1078 = tpu.vector_load %arg9[%swap3A_1076, %swap3A_1077] {strides = array<i32>} : memref<16x144xf32, #tpu.memory_space<vmem>>, vector<1x16xf32>,
    %swap3A_1079 = vector.shape_cast %swap3A_1078 : vector<1x16xf32> to vector<16xf32>
    %swap3A_1080 = vector.shape_cast %broadcast_in_dim3A_1074 : vector<16xf32> to vector<1x16xf32>
    tpu.vector_store %arg9[%swap3A_1076, %swap3A_1077], %swap3A_1080 {strides = array<i32>} : memref<16x144xf32, #tpu.memory_space<vmem>>, vector<1x16xf32>,
    %broadcast_in_dim3A_1081 = arith.constant 0.000000e+00 : f32
    %broadcast_in_dim3A_1082 = vector.broadcast %broadcast_in_dim3A_1081 : f32 to vector<16xf32>
    %swap3A_1083 = arith.constant 15 : i32
    %swap3A_1084 = arith.index_cast %swap3A_1083 : i32 to index
    %swap3A_1085 = arith.constant 0 : index
    %swap3A_1086 = tpu.vector_load %arg9[%swap3A_1084, %swap3A_1085] {strides = array<i32>} : memref<16x144xf32, #tpu.memory_space<vmem>>, vector<1x16xf32>,
    %swap3A_1087 = vector.shape_cast %swap3A_1086 : vector<1x16xf32> to vector<16xf32>
    %swap3A_1088 = vector.shape_cast %broadcast_in_dim3A_1082 : vector<16xf32> to vector<1x16xf32>
    tpu.vector_store %arg9[%swap3A_1084, %swap3A_1085], %swap3A_1088 {strides = array<i32>} : memref<16x144xf32, #tpu.memory_space<vmem>>, vector<1x16xf32>,
    %broadcast_in_dim3A_1089 = arith.constant 0.000000e+00 : f32
    %broadcast_in_dim3A_1090 = vector.broadcast %broadcast_in_dim3A_1089 : f32 to vector<16xf32>
    %swap3A_1091 = arith.constant 15 : i32
    %swap3A_1092 = arith.index_cast %swap3A_1091 : i32 to index
    %swap3A_1093 = arith.constant 16 : index
    %swap3A_1094 = tpu.vector_load %arg9[%swap3A_1092, %swap3A_1093] {strides = array<i32>} : memref<16x144xf32, #tpu.memory_space<vmem>>, vector<1x16xf32>,
    %swap3A_1095 = vector.shape_cast %swap3A_1094 : vector<1x16xf32> to vector<16xf32>
    %swap3A_1096 = vector.shape_cast %broadcast_in_dim3A_1090 : vector<16xf32> to vector<1x16xf32>
    tpu.vector_store %arg9[%swap3A_1092, %swap3A_1093], %swap3A_1096 {strides = array<i32>} : memref<16x144xf32, #tpu.memory_space<vmem>>, vector<1x16xf32>,
    %broadcast_in_dim3A_1097 = arith.constant 0.000000e+00 : f32
    %broadcast_in_dim3A_1098 = vector.broadcast %broadcast_in_dim3A_1097 : f32 to vector<16xf32>
    %swap3A_1099 = arith.constant 15 : i32
    %swap3A_1100 = arith.index_cast %swap3A_1099 : i32 to index
    %swap3A_1101 = arith.constant 32 : index
    %swap3A_1102 = tpu.vector_load %arg9[%swap3A_1100, %swap3A_1101] {strides = array<i32>} : memref<16x144xf32, #tpu.memory_space<vmem>>, vector<1x16xf32>,
    %swap3A_1103 = vector.shape_cast %swap3A_1102 : vector<1x16xf32> to vector<16xf32>
    %swap3A_1104 = vector.shape_cast %broadcast_in_dim3A_1098 : vector<16xf32> to vector<1x16xf32>
    tpu.vector_store %arg9[%swap3A_1100, %swap3A_1101], %swap3A_1104 {strides = array<i32>} : memref<16x144xf32, #tpu.memory_space<vmem>>, vector<1x16xf32>,
    %broadcast_in_dim3A_1105 = arith.constant 0.000000e+00 : f32
    %broadcast_in_dim3A_1106 = vector.broadcast %broadcast_in_dim3A_1105 : f32 to vector<16xf32>
    %swap3A_1107 = arith.constant 15 : i32
    %swap3A_1108 = arith.index_cast %swap3A_1107 : i32 to index
    %swap3A_1109 = arith.constant 48 : index
    %swap3A_1110 = tpu.vector_load %arg9[%swap3A_1108, %swap3A_1109] {strides = array<i32>} : memref<16x144xf32, #tpu.memory_space<vmem>>, vector<1x16xf32>,
    %swap3A_1111 = vector.shape_cast %swap3A_1110 : vector<1x16xf32> to vector<16xf32>
    %swap3A_1112 = vector.shape_cast %broadcast_in_dim3A_1106 : vector<16xf32> to vector<1x16xf32>
    tpu.vector_store %arg9[%swap3A_1108, %swap3A_1109], %swap3A_1112 {strides = array<i32>} : memref<16x144xf32, #tpu.memory_space<vmem>>, vector<1x16xf32>,
    %broadcast_in_dim3A_1113 = arith.constant 0.000000e+00 : f32
    %broadcast_in_dim3A_1114 = vector.broadcast %broadcast_in_dim3A_1113 : f32 to vector<16xf32>
    %swap3A_1115 = arith.constant 15 : i32
    %swap3A_1116 = arith.index_cast %swap3A_1115 : i32 to index
    %swap3A_1117 = arith.constant 64 : index
    %swap3A_1118 = tpu.vector_load %arg9[%swap3A_1116, %swap3A_1117] {strides = array<i32>} : memref<16x144xf32, #tpu.memory_space<vmem>>, vector<1x16xf32>,
    %swap3A_1119 = vector.shape_cast %swap3A_1118 : vector<1x16xf32> to vector<16xf32>
    %swap3A_1120 = vector.shape_cast %broadcast_in_dim3A_1114 : vector<16xf32> to vector<1x16xf32>
    tpu.vector_store %arg9[%swap3A_1116, %swap3A_1117], %swap3A_1120 {strides = array<i32>} : memref<16x144xf32, #tpu.memory_space<vmem>>, vector<1x16xf32>,
    %broadcast_in_dim3A_1121 = arith.constant 0.000000e+00 : f32
    %broadcast_in_dim3A_1122 = vector.broadcast %broadcast_in_dim3A_1121 : f32 to vector<16xf32>
    %swap3A_1123 = arith.constant 15 : i32
    %swap3A_1124 = arith.index_cast %swap3A_1123 : i32 to index
    %swap3A_1125 = arith.constant 80 : index
    %swap3A_1126 = tpu.vector_load %arg9[%swap3A_1124, %swap3A_1125] {strides = array<i32>} : memref<16x144xf32, #tpu.memory_space<vmem>>, vector<1x16xf32>,
    %swap3A_1127 = vector.shape_cast %swap3A_1126 : vector<1x16xf32> to vector<16xf32>
    %swap3A_1128 = vector.shape_cast %broadcast_in_dim3A_1122 : vector<16xf32> to vector<1x16xf32>
    tpu.vector_store %arg9[%swap3A_1124, %swap3A_1125], %swap3A_1128 {strides = array<i32>} : memref<16x144xf32, #tpu.memory_space<vmem>>, vector<1x16xf32>,
    %broadcast_in_dim3A_1129 = arith.constant 0.000000e+00 : f32
    %broadcast_in_dim3A_1130 = vector.broadcast %broadcast_in_dim3A_1129 : f32 to vector<16xf32>
    %swap3A_1131 = arith.constant 15 : i32
    %swap3A_1132 = arith.index_cast %swap3A_1131 : i32 to index
    %swap3A_1133 = arith.constant 96 : index
    %swap3A_1134 = tpu.vector_load %arg9[%swap3A_1132, %swap3A_1133] {strides = array<i32>} : memref<16x144xf32, #tpu.memory_space<vmem>>, vector<1x16xf32>,
    %swap3A_1135 = vector.shape_cast %swap3A_1134 : vector<1x16xf32> to vector<16xf32>
    %swap3A_1136 = vector.shape_cast %broadcast_in_dim3A_1130 : vector<16xf32> to vector<1x16xf32>
    tpu.vector_store %arg9[%swap3A_1132, %swap3A_1133], %swap3A_1136 {strides = array<i32>} : memref<16x144xf32, #tpu.memory_space<vmem>>, vector<1x16xf32>,
    %broadcast_in_dim3A_1137 = arith.constant 0.000000e+00 : f32
    %broadcast_in_dim3A_1138 = vector.broadcast %broadcast_in_dim3A_1137 : f32 to vector<16xf32>
    %swap3A_1139 = arith.constant 15 : i32
    %swap3A_1140 = arith.index_cast %swap3A_1139 : i32 to index
    %swap3A_1141 = arith.constant 112 : index
    %swap3A_1142 = tpu.vector_load %arg9[%swap3A_1140, %swap3A_1141] {strides = array<i32>} : memref<16x144xf32, #tpu.memory_space<vmem>>, vector<1x16xf32>,
    %swap3A_1143 = vector.shape_cast %swap3A_1142 : vector<1x16xf32> to vector<16xf32>
    %swap3A_1144 = vector.shape_cast %broadcast_in_dim3A_1138 : vector<16xf32> to vector<1x16xf32>
    tpu.vector_store %arg9[%swap3A_1140, %swap3A_1141], %swap3A_1144 {strides = array<i32>} : memref<16x144xf32, #tpu.memory_space<vmem>>, vector<1x16xf32>,
    %broadcast_in_dim3A_1145 = arith.constant 0.000000e+00 : f32
    %broadcast_in_dim3A_1146 = vector.broadcast %broadcast_in_dim3A_1145 : f32 to vector<16xf32>
    %swap3A_1147 = arith.constant 15 : i32
    %swap3A_1148 = arith.index_cast %swap3A_1147 : i32 to index
    %swap3A_1149 = arith.constant 128 : index
    %swap3A_1150 = tpu.vector_load %arg9[%swap3A_1148, %swap3A_1149] {strides = array<i32>} : memref<16x144xf32, #tpu.memory_space<vmem>>, vector<1x16xf32>,
    %swap3A_1151 = vector.shape_cast %swap3A_1150 : vector<1x16xf32> to vector<16xf32>
    %swap3A_1152 = vector.shape_cast %broadcast_in_dim3A_1146 : vector<16xf32> to vector<1x16xf32>
    tpu.vector_store %arg9[%swap3A_1148, %swap3A_1149], %swap3A_1152 {strides = array<i32>} : memref<16x144xf32, #tpu.memory_space<vmem>>, vector<1x16xf32>,
    %mul3A_1153 = arith.constant 256 : i32
    %mul3A_1154 = arith.muli %arg1, %mul3A_1153 : i32
    %add3A_1155 = arith.constant 0 : i32
    %add3A_1156 = arith.addi %mul3A_1154, %add3A_1155 : i32
    "tpu.region"() ({
      %run_scoped3A = tpu.sem_alloc : memref<!tpu.dma_semaphore, #tpu.memory_space<semaphore_mem>>
      %dma_start3A_1274 = arith.constant 0 : i32
      %dma_start3A_1275 = tpu.memref_slice %arg10[%add3A_1156, %dma_start3A_1274] : memref<4096x144xf32, #tpu.memory_space<vmem_shared>> -> memref<16x144xf32, #tpu.memory_space<vmem_shared>>
      %dma_start3A_1276 = arith.constant 0 : i32
      %dma_start3A_1277 = tpu.memref_slice %arg10[%add3A_1156, %dma_start3A_1276] : memref<4096x144xf32, #tpu.memory_space<vmem_shared>> -> memref<16x144xf32, #tpu.memory_space<vmem_shared>>
      tpu.enqueue_dma source(%arg9 : memref<16x144xf32, #tpu.memory_space<vmem>>) target(%dma_start3A_1277 : memref<16x144xf32, #tpu.memory_space<vmem_shared>>) target_semaphore(%run_scoped3A : memref<!tpu.dma_semaphore, #tpu.memory_space<semaphore_mem>>)
      %dma_wait3A = arith.constant 0 : i32
      %dma_wait3A_1278 = tpu.memref_slice %arg10[%add3A_1156, %dma_wait3A] : memref<4096x144xf32, #tpu.memory_space<vmem_shared>> -> memref<16x144xf32, #tpu.memory_space<vmem_shared>>
      %dma_wait3A_1279 = arith.constant 0 : i32
      %dma_wait3A_1280 = tpu.memref_slice %arg10[%add3A_1156, %dma_wait3A_1279] : memref<4096x144xf32, #tpu.memory_space<vmem_shared>> -> memref<16x144xf32, #tpu.memory_space<vmem_shared>>
      tpu.wait_dma2 semaphore(%run_scoped3A : memref<!tpu.dma_semaphore, #tpu.memory_space<semaphore_mem>>) src(%arg9 : memref<16x144xf32, #tpu.memory_space<vmem>>) dst(%dma_wait3A_1280 : memref<16x144xf32, #tpu.memory_space<vmem_shared>>)
      tpu.yield
    }) : () -> ()
    %mul3A_1157 = arith.constant 256 : i32
    %mul3A_1158 = arith.muli %arg1, %mul3A_1157 : i32
    %add3A_1159 = arith.constant 16 : i32
    %add3A_1160 = arith.addi %mul3A_1158, %add3A_1159 : i32
    "tpu.region"() ({
      %run_scoped3A = tpu.sem_alloc : memref<!tpu.dma_semaphore, #tpu.memory_space<semaphore_mem>>
      %dma_start3A_1274 = arith.constant 0 : i32
      %dma_start3A_1275 = tpu.memref_slice %arg10[%add3A_1160, %dma_start3A_1274] : memref<4096x144xf32, #tpu.memory_space<vmem_shared>> -> memref<16x144xf32, #tpu.memory_space<vmem_shared>>
      %dma_start3A_1276 = arith.constant 0 : i32
      %dma_start3A_1277 = tpu.memref_slice %arg10[%add3A_1160, %dma_start3A_1276] : memref<4096x144xf32, #tpu.memory_space<vmem_shared>> -> memref<16x144xf32, #tpu.memory_space<vmem_shared>>
      tpu.enqueue_dma source(%arg9 : memref<16x144xf32, #tpu.memory_space<vmem>>) target(%dma_start3A_1277 : memref<16x144xf32, #tpu.memory_space<vmem_shared>>) target_semaphore(%run_scoped3A : memref<!tpu.dma_semaphore, #tpu.memory_space<semaphore_mem>>)
      %dma_wait3A = arith.constant 0 : i32
      %dma_wait3A_1278 = tpu.memref_slice %arg10[%add3A_1160, %dma_wait3A] : memref<4096x144xf32, #tpu.memory_space<vmem_shared>> -> memref<16x144xf32, #tpu.memory_space<vmem_shared>>
      %dma_wait3A_1279 = arith.constant 0 : i32
      %dma_wait3A_1280 = tpu.memref_slice %arg10[%add3A_1160, %dma_wait3A_1279] : memref<4096x144xf32, #tpu.memory_space<vmem_shared>> -> memref<16x144xf32, #tpu.memory_space<vmem_shared>>
      tpu.wait_dma2 semaphore(%run_scoped3A : memref<!tpu.dma_semaphore, #tpu.memory_space<semaphore_mem>>) src(%arg9 : memref<16x144xf32, #tpu.memory_space<vmem>>) dst(%dma_wait3A_1280 : memref<16x144xf32, #tpu.memory_space<vmem_shared>>)
      tpu.yield
    }) : () -> ()
    %mul3A_1161 = arith.constant 256 : i32
    %mul3A_1162 = arith.muli %arg1, %mul3A_1161 : i32
    %add3A_1163 = arith.constant 32 : i32
    %add3A_1164 = arith.addi %mul3A_1162, %add3A_1163 : i32
    "tpu.region"() ({
      %run_scoped3A = tpu.sem_alloc : memref<!tpu.dma_semaphore, #tpu.memory_space<semaphore_mem>>
      %dma_start3A_1274 = arith.constant 0 : i32
      %dma_start3A_1275 = tpu.memref_slice %arg10[%add3A_1164, %dma_start3A_1274] : memref<4096x144xf32, #tpu.memory_space<vmem_shared>> -> memref<16x144xf32, #tpu.memory_space<vmem_shared>>
      %dma_start3A_1276 = arith.constant 0 : i32
      %dma_start3A_1277 = tpu.memref_slice %arg10[%add3A_1164, %dma_start3A_1276] : memref<4096x144xf32, #tpu.memory_space<vmem_shared>> -> memref<16x144xf32, #tpu.memory_space<vmem_shared>>
      tpu.enqueue_dma source(%arg9 : memref<16x144xf32, #tpu.memory_space<vmem>>) target(%dma_start3A_1277 : memref<16x144xf32, #tpu.memory_space<vmem_shared>>) target_semaphore(%run_scoped3A : memref<!tpu.dma_semaphore, #tpu.memory_space<semaphore_mem>>)
      %dma_wait3A = arith.constant 0 : i32
      %dma_wait3A_1278 = tpu.memref_slice %arg10[%add3A_1164, %dma_wait3A] : memref<4096x144xf32, #tpu.memory_space<vmem_shared>> -> memref<16x144xf32, #tpu.memory_space<vmem_shared>>
      %dma_wait3A_1279 = arith.constant 0 : i32
      %dma_wait3A_1280 = tpu.memref_slice %arg10[%add3A_1164, %dma_wait3A_1279] : memref<4096x144xf32, #tpu.memory_space<vmem_shared>> -> memref<16x144xf32, #tpu.memory_space<vmem_shared>>
      tpu.wait_dma2 semaphore(%run_scoped3A : memref<!tpu.dma_semaphore, #tpu.memory_space<semaphore_mem>>) src(%arg9 : memref<16x144xf32, #tpu.memory_space<vmem>>) dst(%dma_wait3A_1280 : memref<16x144xf32, #tpu.memory_space<vmem_shared>>)
      tpu.yield
    }) : () -> ()
    %mul3A_1165 = arith.constant 256 : i32
    %mul3A_1166 = arith.muli %arg1, %mul3A_1165 : i32
    %add3A_1167 = arith.constant 48 : i32
    %add3A_1168 = arith.addi %mul3A_1166, %add3A_1167 : i32
    "tpu.region"() ({
      %run_scoped3A = tpu.sem_alloc : memref<!tpu.dma_semaphore, #tpu.memory_space<semaphore_mem>>
      %dma_start3A_1274 = arith.constant 0 : i32
      %dma_start3A_1275 = tpu.memref_slice %arg10[%add3A_1168, %dma_start3A_1274] : memref<4096x144xf32, #tpu.memory_space<vmem_shared>> -> memref<16x144xf32, #tpu.memory_space<vmem_shared>>
      %dma_start3A_1276 = arith.constant 0 : i32
      %dma_start3A_1277 = tpu.memref_slice %arg10[%add3A_1168, %dma_start3A_1276] : memref<4096x144xf32, #tpu.memory_space<vmem_shared>> -> memref<16x144xf32, #tpu.memory_space<vmem_shared>>
      tpu.enqueue_dma source(%arg9 : memref<16x144xf32, #tpu.memory_space<vmem>>) target(%dma_start3A_1277 : memref<16x144xf32, #tpu.memory_space<vmem_shared>>) target_semaphore(%run_scoped3A : memref<!tpu.dma_semaphore, #tpu.memory_space<semaphore_mem>>)
      %dma_wait3A = arith.constant 0 : i32
      %dma_wait3A_1278 = tpu.memref_slice %arg10[%add3A_1168, %dma_wait3A] : memref<4096x144xf32, #tpu.memory_space<vmem_shared>> -> memref<16x144xf32, #tpu.memory_space<vmem_shared>>
      %dma_wait3A_1279 = arith.constant 0 : i32
      %dma_wait3A_1280 = tpu.memref_slice %arg10[%add3A_1168, %dma_wait3A_1279] : memref<4096x144xf32, #tpu.memory_space<vmem_shared>> -> memref<16x144xf32, #tpu.memory_space<vmem_shared>>
      tpu.wait_dma2 semaphore(%run_scoped3A : memref<!tpu.dma_semaphore, #tpu.memory_space<semaphore_mem>>) src(%arg9 : memref<16x144xf32, #tpu.memory_space<vmem>>) dst(%dma_wait3A_1280 : memref<16x144xf32, #tpu.memory_space<vmem_shared>>)
      tpu.yield
    }) : () -> ()
    %mul3A_1169 = arith.constant 256 : i32
    %mul3A_1170 = arith.muli %arg1, %mul3A_1169 : i32
    %add3A_1171 = arith.constant 64 : i32
    %add3A_1172 = arith.addi %mul3A_1170, %add3A_1171 : i32
    "tpu.region"() ({
      %run_scoped3A = tpu.sem_alloc : memref<!tpu.dma_semaphore, #tpu.memory_space<semaphore_mem>>
      %dma_start3A_1274 = arith.constant 0 : i32
      %dma_start3A_1275 = tpu.memref_slice %arg10[%add3A_1172, %dma_start3A_1274] : memref<4096x144xf32, #tpu.memory_space<vmem_shared>> -> memref<16x144xf32, #tpu.memory_space<vmem_shared>>
      %dma_start3A_1276 = arith.constant 0 : i32
      %dma_start3A_1277 = tpu.memref_slice %arg10[%add3A_1172, %dma_start3A_1276] : memref<4096x144xf32, #tpu.memory_space<vmem_shared>> -> memref<16x144xf32, #tpu.memory_space<vmem_shared>>
      tpu.enqueue_dma source(%arg9 : memref<16x144xf32, #tpu.memory_space<vmem>>) target(%dma_start3A_1277 : memref<16x144xf32, #tpu.memory_space<vmem_shared>>) target_semaphore(%run_scoped3A : memref<!tpu.dma_semaphore, #tpu.memory_space<semaphore_mem>>)
      %dma_wait3A = arith.constant 0 : i32
      %dma_wait3A_1278 = tpu.memref_slice %arg10[%add3A_1172, %dma_wait3A] : memref<4096x144xf32, #tpu.memory_space<vmem_shared>> -> memref<16x144xf32, #tpu.memory_space<vmem_shared>>
      %dma_wait3A_1279 = arith.constant 0 : i32
      %dma_wait3A_1280 = tpu.memref_slice %arg10[%add3A_1172, %dma_wait3A_1279] : memref<4096x144xf32, #tpu.memory_space<vmem_shared>> -> memref<16x144xf32, #tpu.memory_space<vmem_shared>>
      tpu.wait_dma2 semaphore(%run_scoped3A : memref<!tpu.dma_semaphore, #tpu.memory_space<semaphore_mem>>) src(%arg9 : memref<16x144xf32, #tpu.memory_space<vmem>>) dst(%dma_wait3A_1280 : memref<16x144xf32, #tpu.memory_space<vmem_shared>>)
      tpu.yield
    }) : () -> ()
    %mul3A_1173 = arith.constant 256 : i32
    %mul3A_1174 = arith.muli %arg1, %mul3A_1173 : i32
    %add3A_1175 = arith.constant 80 : i32
    %add3A_1176 = arith.addi %mul3A_1174, %add3A_1175 : i32
    "tpu.region"() ({
      %run_scoped3A = tpu.sem_alloc : memref<!tpu.dma_semaphore, #tpu.memory_space<semaphore_mem>>
      %dma_start3A_1274 = arith.constant 0 : i32
      %dma_start3A_1275 = tpu.memref_slice %arg10[%add3A_1176, %dma_start3A_1274] : memref<4096x144xf32, #tpu.memory_space<vmem_shared>> -> memref<16x144xf32, #tpu.memory_space<vmem_shared>>
      %dma_start3A_1276 = arith.constant 0 : i32
      %dma_start3A_1277 = tpu.memref_slice %arg10[%add3A_1176, %dma_start3A_1276] : memref<4096x144xf32, #tpu.memory_space<vmem_shared>> -> memref<16x144xf32, #tpu.memory_space<vmem_shared>>
      tpu.enqueue_dma source(%arg9 : memref<16x144xf32, #tpu.memory_space<vmem>>) target(%dma_start3A_1277 : memref<16x144xf32, #tpu.memory_space<vmem_shared>>) target_semaphore(%run_scoped3A : memref<!tpu.dma_semaphore, #tpu.memory_space<semaphore_mem>>)
      %dma_wait3A = arith.constant 0 : i32
      %dma_wait3A_1278 = tpu.memref_slice %arg10[%add3A_1176, %dma_wait3A] : memref<4096x144xf32, #tpu.memory_space<vmem_shared>> -> memref<16x144xf32, #tpu.memory_space<vmem_shared>>
      %dma_wait3A_1279 = arith.constant 0 : i32
      %dma_wait3A_1280 = tpu.memref_slice %arg10[%add3A_1176, %dma_wait3A_1279] : memref<4096x144xf32, #tpu.memory_space<vmem_shared>> -> memref<16x144xf32, #tpu.memory_space<vmem_shared>>
      tpu.wait_dma2 semaphore(%run_scoped3A : memref<!tpu.dma_semaphore, #tpu.memory_space<semaphore_mem>>) src(%arg9 : memref<16x144xf32, #tpu.memory_space<vmem>>) dst(%dma_wait3A_1280 : memref<16x144xf32, #tpu.memory_space<vmem_shared>>)
      tpu.yield
    }) : () -> ()
    %mul3A_1177 = arith.constant 256 : i32
    %mul3A_1178 = arith.muli %arg1, %mul3A_1177 : i32
    %add3A_1179 = arith.constant 96 : i32
    %add3A_1180 = arith.addi %mul3A_1178, %add3A_1179 : i32
    "tpu.region"() ({
      %run_scoped3A = tpu.sem_alloc : memref<!tpu.dma_semaphore, #tpu.memory_space<semaphore_mem>>
      %dma_start3A_1274 = arith.constant 0 : i32
      %dma_start3A_1275 = tpu.memref_slice %arg10[%add3A_1180, %dma_start3A_1274] : memref<4096x144xf32, #tpu.memory_space<vmem_shared>> -> memref<16x144xf32, #tpu.memory_space<vmem_shared>>
      %dma_start3A_1276 = arith.constant 0 : i32
      %dma_start3A_1277 = tpu.memref_slice %arg10[%add3A_1180, %dma_start3A_1276] : memref<4096x144xf32, #tpu.memory_space<vmem_shared>> -> memref<16x144xf32, #tpu.memory_space<vmem_shared>>
      tpu.enqueue_dma source(%arg9 : memref<16x144xf32, #tpu.memory_space<vmem>>) target(%dma_start3A_1277 : memref<16x144xf32, #tpu.memory_space<vmem_shared>>) target_semaphore(%run_scoped3A : memref<!tpu.dma_semaphore, #tpu.memory_space<semaphore_mem>>)
      %dma_wait3A = arith.constant 0 : i32
      %dma_wait3A_1278 = tpu.memref_slice %arg10[%add3A_1180, %dma_wait3A] : memref<4096x144xf32, #tpu.memory_space<vmem_shared>> -> memref<16x144xf32, #tpu.memory_space<vmem_shared>>
      %dma_wait3A_1279 = arith.constant 0 : i32
      %dma_wait3A_1280 = tpu.memref_slice %arg10[%add3A_1180, %dma_wait3A_1279] : memref<4096x144xf32, #tpu.memory_space<vmem_shared>> -> memref<16x144xf32, #tpu.memory_space<vmem_shared>>
      tpu.wait_dma2 semaphore(%run_scoped3A : memref<!tpu.dma_semaphore, #tpu.memory_space<semaphore_mem>>) src(%arg9 : memref<16x144xf32, #tpu.memory_space<vmem>>) dst(%dma_wait3A_1280 : memref<16x144xf32, #tpu.memory_space<vmem_shared>>)
      tpu.yield
    }) : () -> ()
    %mul3A_1181 = arith.constant 256 : i32
    %mul3A_1182 = arith.muli %arg1, %mul3A_1181 : i32
    %add3A_1183 = arith.constant 112 : i32
    %add3A_1184 = arith.addi %mul3A_1182, %add3A_1183 : i32
    "tpu.region"() ({
      %run_scoped3A = tpu.sem_alloc : memref<!tpu.dma_semaphore, #tpu.memory_space<semaphore_mem>>
      %dma_start3A_1274 = arith.constant 0 : i32
      %dma_start3A_1275 = tpu.memref_slice %arg10[%add3A_1184, %dma_start3A_1274] : memref<4096x144xf32, #tpu.memory_space<vmem_shared>> -> memref<16x144xf32, #tpu.memory_space<vmem_shared>>
      %dma_start3A_1276 = arith.constant 0 : i32
      %dma_start3A_1277 = tpu.memref_slice %arg10[%add3A_1184, %dma_start3A_1276] : memref<4096x144xf32, #tpu.memory_space<vmem_shared>> -> memref<16x144xf32, #tpu.memory_space<vmem_shared>>
      tpu.enqueue_dma source(%arg9 : memref<16x144xf32, #tpu.memory_space<vmem>>) target(%dma_start3A_1277 : memref<16x144xf32, #tpu.memory_space<vmem_shared>>) target_semaphore(%run_scoped3A : memref<!tpu.dma_semaphore, #tpu.memory_space<semaphore_mem>>)
      %dma_wait3A = arith.constant 0 : i32
      %dma_wait3A_1278 = tpu.memref_slice %arg10[%add3A_1184, %dma_wait3A] : memref<4096x144xf32, #tpu.memory_space<vmem_shared>> -> memref<16x144xf32, #tpu.memory_space<vmem_shared>>
      %dma_wait3A_1279 = arith.constant 0 : i32
      %dma_wait3A_1280 = tpu.memref_slice %arg10[%add3A_1184, %dma_wait3A_1279] : memref<4096x144xf32, #tpu.memory_space<vmem_shared>> -> memref<16x144xf32, #tpu.memory_space<vmem_shared>>
      tpu.wait_dma2 semaphore(%run_scoped3A : memref<!tpu.dma_semaphore, #tpu.memory_space<semaphore_mem>>) src(%arg9 : memref<16x144xf32, #tpu.memory_space<vmem>>) dst(%dma_wait3A_1280 : memref<16x144xf32, #tpu.memory_space<vmem_shared>>)
      tpu.yield
    }) : () -> ()
    %mul3A_1185 = arith.constant 256 : i32
    %mul3A_1186 = arith.muli %arg1, %mul3A_1185 : i32
    %add3A_1187 = arith.constant 128 : i32
    %add3A_1188 = arith.addi %mul3A_1186, %add3A_1187 : i32
    "tpu.region"() ({
      %run_scoped3A = tpu.sem_alloc : memref<!tpu.dma_semaphore, #tpu.memory_space<semaphore_mem>>
      %dma_start3A_1274 = arith.constant 0 : i32
      %dma_start3A_1275 = tpu.memref_slice %arg10[%add3A_1188, %dma_start3A_1274] : memref<4096x144xf32, #tpu.memory_space<vmem_shared>> -> memref<16x144xf32, #tpu.memory_space<vmem_shared>>
      %dma_start3A_1276 = arith.constant 0 : i32
      %dma_start3A_1277 = tpu.memref_slice %arg10[%add3A_1188, %dma_start3A_1276] : memref<4096x144xf32, #tpu.memory_space<vmem_shared>> -> memref<16x144xf32, #tpu.memory_space<vmem_shared>>
      tpu.enqueue_dma source(%arg9 : memref<16x144xf32, #tpu.memory_space<vmem>>) target(%dma_start3A_1277 : memref<16x144xf32, #tpu.memory_space<vmem_shared>>) target_semaphore(%run_scoped3A : memref<!tpu.dma_semaphore, #tpu.memory_space<semaphore_mem>>)
      %dma_wait3A = arith.constant 0 : i32
      %dma_wait3A_1278 = tpu.memref_slice %arg10[%add3A_1188, %dma_wait3A] : memref<4096x144xf32, #tpu.memory_space<vmem_shared>> -> memref<16x144xf32, #tpu.memory_space<vmem_shared>>
      %dma_wait3A_1279 = arith.constant 0 : i32
      %dma_wait3A_1280 = tpu.memref_slice %arg10[%add3A_1188, %dma_wait3A_1279] : memref<4096x144xf32, #tpu.memory_space<vmem_shared>> -> memref<16x144xf32, #tpu.memory_space<vmem_shared>>
      tpu.wait_dma2 semaphore(%run_scoped3A : memref<!tpu.dma_semaphore, #tpu.memory_space<semaphore_mem>>) src(%arg9 : memref<16x144xf32, #tpu.memory_space<vmem>>) dst(%dma_wait3A_1280 : memref<16x144xf32, #tpu.memory_space<vmem_shared>>)
      tpu.yield
    }) : () -> ()
    %mul3A_1189 = arith.constant 256 : i32
    %mul3A_1190 = arith.muli %arg1, %mul3A_1189 : i32
    %add3A_1191 = arith.constant 144 : i32
    %add3A_1192 = arith.addi %mul3A_1190, %add3A_1191 : i32
    "tpu.region"() ({
      %run_scoped3A = tpu.sem_alloc : memref<!tpu.dma_semaphore, #tpu.memory_space<semaphore_mem>>
      %dma_start3A_1274 = arith.constant 0 : i32
      %dma_start3A_1275 = tpu.memref_slice %arg10[%add3A_1192, %dma_start3A_1274] : memref<4096x144xf32, #tpu.memory_space<vmem_shared>> -> memref<16x144xf32, #tpu.memory_space<vmem_shared>>
      %dma_start3A_1276 = arith.constant 0 : i32
      %dma_start3A_1277 = tpu.memref_slice %arg10[%add3A_1192, %dma_start3A_1276] : memref<4096x144xf32, #tpu.memory_space<vmem_shared>> -> memref<16x144xf32, #tpu.memory_space<vmem_shared>>
      tpu.enqueue_dma source(%arg9 : memref<16x144xf32, #tpu.memory_space<vmem>>) target(%dma_start3A_1277 : memref<16x144xf32, #tpu.memory_space<vmem_shared>>) target_semaphore(%run_scoped3A : memref<!tpu.dma_semaphore, #tpu.memory_space<semaphore_mem>>)
      %dma_wait3A = arith.constant 0 : i32
      %dma_wait3A_1278 = tpu.memref_slice %arg10[%add3A_1192, %dma_wait3A] : memref<4096x144xf32, #tpu.memory_space<vmem_shared>> -> memref<16x144xf32, #tpu.memory_space<vmem_shared>>
      %dma_wait3A_1279 = arith.constant 0 : i32
      %dma_wait3A_1280 = tpu.memref_slice %arg10[%add3A_1192, %dma_wait3A_1279] : memref<4096x144xf32, #tpu.memory_space<vmem_shared>> -> memref<16x144xf32, #tpu.memory_space<vmem_shared>>
      tpu.wait_dma2 semaphore(%run_scoped3A : memref<!tpu.dma_semaphore, #tpu.memory_space<semaphore_mem>>) src(%arg9 : memref<16x144xf32, #tpu.memory_space<vmem>>) dst(%dma_wait3A_1280 : memref<16x144xf32, #tpu.memory_space<vmem_shared>>)
      tpu.yield
    }) : () -> ()
    %mul3A_1193 = arith.constant 256 : i32
    %mul3A_1194 = arith.muli %arg1, %mul3A_1193 : i32
    %add3A_1195 = arith.constant 160 : i32
    %add3A_1196 = arith.addi %mul3A_1194, %add3A_1195 : i32
    "tpu.region"() ({
      %run_scoped3A = tpu.sem_alloc : memref<!tpu.dma_semaphore, #tpu.memory_space<semaphore_mem>>
      %dma_start3A_1274 = arith.constant 0 : i32
      %dma_start3A_1275 = tpu.memref_slice %arg10[%add3A_1196, %dma_start3A_1274] : memref<4096x144xf32, #tpu.memory_space<vmem_shared>> -> memref<16x144xf32, #tpu.memory_space<vmem_shared>>
      %dma_start3A_1276 = arith.constant 0 : i32
      %dma_start3A_1277 = tpu.memref_slice %arg10[%add3A_1196, %dma_start3A_1276] : memref<4096x144xf32, #tpu.memory_space<vmem_shared>> -> memref<16x144xf32, #tpu.memory_space<vmem_shared>>
      tpu.enqueue_dma source(%arg9 : memref<16x144xf32, #tpu.memory_space<vmem>>) target(%dma_start3A_1277 : memref<16x144xf32, #tpu.memory_space<vmem_shared>>) target_semaphore(%run_scoped3A : memref<!tpu.dma_semaphore, #tpu.memory_space<semaphore_mem>>)
      %dma_wait3A = arith.constant 0 : i32
      %dma_wait3A_1278 = tpu.memref_slice %arg10[%add3A_1196, %dma_wait3A] : memref<4096x144xf32, #tpu.memory_space<vmem_shared>> -> memref<16x144xf32, #tpu.memory_space<vmem_shared>>
      %dma_wait3A_1279 = arith.constant 0 : i32
      %dma_wait3A_1280 = tpu.memref_slice %arg10[%add3A_1196, %dma_wait3A_1279] : memref<4096x144xf32, #tpu.memory_space<vmem_shared>> -> memref<16x144xf32, #tpu.memory_space<vmem_shared>>
      tpu.wait_dma2 semaphore(%run_scoped3A : memref<!tpu.dma_semaphore, #tpu.memory_space<semaphore_mem>>) src(%arg9 : memref<16x144xf32, #tpu.memory_space<vmem>>) dst(%dma_wait3A_1280 : memref<16x144xf32, #tpu.memory_space<vmem_shared>>)
      tpu.yield
    }) : () -> ()
    %mul3A_1197 = arith.constant 256 : i32
    %mul3A_1198 = arith.muli %arg1, %mul3A_1197 : i32
    %add3A_1199 = arith.constant 176 : i32
    %add3A_1200 = arith.addi %mul3A_1198, %add3A_1199 : i32
    "tpu.region"() ({
      %run_scoped3A = tpu.sem_alloc : memref<!tpu.dma_semaphore, #tpu.memory_space<semaphore_mem>>
      %dma_start3A_1274 = arith.constant 0 : i32
      %dma_start3A_1275 = tpu.memref_slice %arg10[%add3A_1200, %dma_start3A_1274] : memref<4096x144xf32, #tpu.memory_space<vmem_shared>> -> memref<16x144xf32, #tpu.memory_space<vmem_shared>>
      %dma_start3A_1276 = arith.constant 0 : i32
      %dma_start3A_1277 = tpu.memref_slice %arg10[%add3A_1200, %dma_start3A_1276] : memref<4096x144xf32, #tpu.memory_space<vmem_shared>> -> memref<16x144xf32, #tpu.memory_space<vmem_shared>>
      tpu.enqueue_dma source(%arg9 : memref<16x144xf32, #tpu.memory_space<vmem>>) target(%dma_start3A_1277 : memref<16x144xf32, #tpu.memory_space<vmem_shared>>) target_semaphore(%run_scoped3A : memref<!tpu.dma_semaphore, #tpu.memory_space<semaphore_mem>>)
      %dma_wait3A = arith.constant 0 : i32
      %dma_wait3A_1278 = tpu.memref_slice %arg10[%add3A_1200, %dma_wait3A] : memref<4096x144xf32, #tpu.memory_space<vmem_shared>> -> memref<16x144xf32, #tpu.memory_space<vmem_shared>>
      %dma_wait3A_1279 = arith.constant 0 : i32
      %dma_wait3A_1280 = tpu.memref_slice %arg10[%add3A_1200, %dma_wait3A_1279] : memref<4096x144xf32, #tpu.memory_space<vmem_shared>> -> memref<16x144xf32, #tpu.memory_space<vmem_shared>>
      tpu.wait_dma2 semaphore(%run_scoped3A : memref<!tpu.dma_semaphore, #tpu.memory_space<semaphore_mem>>) src(%arg9 : memref<16x144xf32, #tpu.memory_space<vmem>>) dst(%dma_wait3A_1280 : memref<16x144xf32, #tpu.memory_space<vmem_shared>>)
      tpu.yield
    }) : () -> ()
    %mul3A_1201 = arith.constant 256 : i32
    %mul3A_1202 = arith.muli %arg1, %mul3A_1201 : i32
    %add3A_1203 = arith.constant 192 : i32
    %add3A_1204 = arith.addi %mul3A_1202, %add3A_1203 : i32
    "tpu.region"() ({
      %run_scoped3A = tpu.sem_alloc : memref<!tpu.dma_semaphore, #tpu.memory_space<semaphore_mem>>
      %dma_start3A_1274 = arith.constant 0 : i32
      %dma_start3A_1275 = tpu.memref_slice %arg10[%add3A_1204, %dma_start3A_1274] : memref<4096x144xf32, #tpu.memory_space<vmem_shared>> -> memref<16x144xf32, #tpu.memory_space<vmem_shared>>
      %dma_start3A_1276 = arith.constant 0 : i32
      %dma_start3A_1277 = tpu.memref_slice %arg10[%add3A_1204, %dma_start3A_1276] : memref<4096x144xf32, #tpu.memory_space<vmem_shared>> -> memref<16x144xf32, #tpu.memory_space<vmem_shared>>
      tpu.enqueue_dma source(%arg9 : memref<16x144xf32, #tpu.memory_space<vmem>>) target(%dma_start3A_1277 : memref<16x144xf32, #tpu.memory_space<vmem_shared>>) target_semaphore(%run_scoped3A : memref<!tpu.dma_semaphore, #tpu.memory_space<semaphore_mem>>)
      %dma_wait3A = arith.constant 0 : i32
      %dma_wait3A_1278 = tpu.memref_slice %arg10[%add3A_1204, %dma_wait3A] : memref<4096x144xf32, #tpu.memory_space<vmem_shared>> -> memref<16x144xf32, #tpu.memory_space<vmem_shared>>
      %dma_wait3A_1279 = arith.constant 0 : i32
      %dma_wait3A_1280 = tpu.memref_slice %arg10[%add3A_1204, %dma_wait3A_1279] : memref<4096x144xf32, #tpu.memory_space<vmem_shared>> -> memref<16x144xf32, #tpu.memory_space<vmem_shared>>
      tpu.wait_dma2 semaphore(%run_scoped3A : memref<!tpu.dma_semaphore, #tpu.memory_space<semaphore_mem>>) src(%arg9 : memref<16x144xf32, #tpu.memory_space<vmem>>) dst(%dma_wait3A_1280 : memref<16x144xf32, #tpu.memory_space<vmem_shared>>)
      tpu.yield
    }) : () -> ()
    %mul3A_1205 = arith.constant 256 : i32
    %mul3A_1206 = arith.muli %arg1, %mul3A_1205 : i32
    %add3A_1207 = arith.constant 208 : i32
    %add3A_1208 = arith.addi %mul3A_1206, %add3A_1207 : i32
    "tpu.region"() ({
      %run_scoped3A = tpu.sem_alloc : memref<!tpu.dma_semaphore, #tpu.memory_space<semaphore_mem>>
      %dma_start3A_1274 = arith.constant 0 : i32
      %dma_start3A_1275 = tpu.memref_slice %arg10[%add3A_1208, %dma_start3A_1274] : memref<4096x144xf32, #tpu.memory_space<vmem_shared>> -> memref<16x144xf32, #tpu.memory_space<vmem_shared>>
      %dma_start3A_1276 = arith.constant 0 : i32
      %dma_start3A_1277 = tpu.memref_slice %arg10[%add3A_1208, %dma_start3A_1276] : memref<4096x144xf32, #tpu.memory_space<vmem_shared>> -> memref<16x144xf32, #tpu.memory_space<vmem_shared>>
      tpu.enqueue_dma source(%arg9 : memref<16x144xf32, #tpu.memory_space<vmem>>) target(%dma_start3A_1277 : memref<16x144xf32, #tpu.memory_space<vmem_shared>>) target_semaphore(%run_scoped3A : memref<!tpu.dma_semaphore, #tpu.memory_space<semaphore_mem>>)
      %dma_wait3A = arith.constant 0 : i32
      %dma_wait3A_1278 = tpu.memref_slice %arg10[%add3A_1208, %dma_wait3A] : memref<4096x144xf32, #tpu.memory_space<vmem_shared>> -> memref<16x144xf32, #tpu.memory_space<vmem_shared>>
      %dma_wait3A_1279 = arith.constant 0 : i32
      %dma_wait3A_1280 = tpu.memref_slice %arg10[%add3A_1208, %dma_wait3A_1279] : memref<4096x144xf32, #tpu.memory_space<vmem_shared>> -> memref<16x144xf32, #tpu.memory_space<vmem_shared>>
      tpu.wait_dma2 semaphore(%run_scoped3A : memref<!tpu.dma_semaphore, #tpu.memory_space<semaphore_mem>>) src(%arg9 : memref<16x144xf32, #tpu.memory_space<vmem>>) dst(%dma_wait3A_1280 : memref<16x144xf32, #tpu.memory_space<vmem_shared>>)
      tpu.yield
    }) : () -> ()
    %mul3A_1209 = arith.constant 256 : i32
    %mul3A_1210 = arith.muli %arg1, %mul3A_1209 : i32
    %add3A_1211 = arith.constant 224 : i32
    %add3A_1212 = arith.addi %mul3A_1210, %add3A_1211 : i32
    "tpu.region"() ({
      %run_scoped3A = tpu.sem_alloc : memref<!tpu.dma_semaphore, #tpu.memory_space<semaphore_mem>>
      %dma_start3A_1274 = arith.constant 0 : i32
      %dma_start3A_1275 = tpu.memref_slice %arg10[%add3A_1212, %dma_start3A_1274] : memref<4096x144xf32, #tpu.memory_space<vmem_shared>> -> memref<16x144xf32, #tpu.memory_space<vmem_shared>>
      %dma_start3A_1276 = arith.constant 0 : i32
      %dma_start3A_1277 = tpu.memref_slice %arg10[%add3A_1212, %dma_start3A_1276] : memref<4096x144xf32, #tpu.memory_space<vmem_shared>> -> memref<16x144xf32, #tpu.memory_space<vmem_shared>>
      tpu.enqueue_dma source(%arg9 : memref<16x144xf32, #tpu.memory_space<vmem>>) target(%dma_start3A_1277 : memref<16x144xf32, #tpu.memory_space<vmem_shared>>) target_semaphore(%run_scoped3A : memref<!tpu.dma_semaphore, #tpu.memory_space<semaphore_mem>>)
      %dma_wait3A = arith.constant 0 : i32
      %dma_wait3A_1278 = tpu.memref_slice %arg10[%add3A_1212, %dma_wait3A] : memref<4096x144xf32, #tpu.memory_space<vmem_shared>> -> memref<16x144xf32, #tpu.memory_space<vmem_shared>>
      %dma_wait3A_1279 = arith.constant 0 : i32
      %dma_wait3A_1280 = tpu.memref_slice %arg10[%add3A_1212, %dma_wait3A_1279] : memref<4096x144xf32, #tpu.memory_space<vmem_shared>> -> memref<16x144xf32, #tpu.memory_space<vmem_shared>>
      tpu.wait_dma2 semaphore(%run_scoped3A : memref<!tpu.dma_semaphore, #tpu.memory_space<semaphore_mem>>) src(%arg9 : memref<16x144xf32, #tpu.memory_space<vmem>>) dst(%dma_wait3A_1280 : memref<16x144xf32, #tpu.memory_space<vmem_shared>>)
      tpu.yield
    }) : () -> ()
    %mul3A_1213 = arith.constant 256 : i32
    %mul3A_1214 = arith.muli %arg1, %mul3A_1213 : i32
    %add3A_1215 = arith.constant 240 : i32
    %add3A_1216 = arith.addi %mul3A_1214, %add3A_1215 : i32
    "tpu.region"() ({
      %run_scoped3A = tpu.sem_alloc : memref<!tpu.dma_semaphore, #tpu.memory_space<semaphore_mem>>
      %dma_start3A_1274 = arith.constant 0 : i32
      %dma_start3A_1275 = tpu.memref_slice %arg10[%add3A_1216, %dma_start3A_1274] : memref<4096x144xf32, #tpu.memory_space<vmem_shared>> -> memref<16x144xf32, #tpu.memory_space<vmem_shared>>
      %dma_start3A_1276 = arith.constant 0 : i32
      %dma_start3A_1277 = tpu.memref_slice %arg10[%add3A_1216, %dma_start3A_1276] : memref<4096x144xf32, #tpu.memory_space<vmem_shared>> -> memref<16x144xf32, #tpu.memory_space<vmem_shared>>
      tpu.enqueue_dma source(%arg9 : memref<16x144xf32, #tpu.memory_space<vmem>>) target(%dma_start3A_1277 : memref<16x144xf32, #tpu.memory_space<vmem_shared>>) target_semaphore(%run_scoped3A : memref<!tpu.dma_semaphore, #tpu.memory_space<semaphore_mem>>)
      %dma_wait3A = arith.constant 0 : i32
      %dma_wait3A_1278 = tpu.memref_slice %arg10[%add3A_1216, %dma_wait3A] : memref<4096x144xf32, #tpu.memory_space<vmem_shared>> -> memref<16x144xf32, #tpu.memory_space<vmem_shared>>
      %dma_wait3A_1279 = arith.constant 0 : i32
      %dma_wait3A_1280 = tpu.memref_slice %arg10[%add3A_1216, %dma_wait3A_1279] : memref<4096x144xf32, #tpu.memory_space<vmem_shared>> -> memref<16x144xf32, #tpu.memory_space<vmem_shared>>
      tpu.wait_dma2 semaphore(%run_scoped3A : memref<!tpu.dma_semaphore, #tpu.memory_space<semaphore_mem>>) src(%arg9 : memref<16x144xf32, #tpu.memory_space<vmem>>) dst(%dma_wait3A_1280 : memref<16x144xf32, #tpu.memory_space<vmem_shared>>)
      tpu.yield
    }) : () -> ()
    "tpu.region"() ({
      %run_scoped3A = tpu.sem_alloc : memref<!tpu.dma_semaphore, #tpu.memory_space<semaphore_mem>>
      %dma_start3A_1274 = arith.constant 0 : i32
      %dma_start3A_1275 = tpu.memref_slice %arg3[%add3A, %dma_start3A_1274] : memref<2048x128xi32, #tpu.memory_space<hbm>> -> memref<64x128xi32, #tpu.memory_space<hbm>>
      %dma_start3A_1276 = arith.constant 0 : i32
      %dma_start3A_1277 = tpu.memref_slice %arg3[%add3A, %dma_start3A_1276] : memref<2048x128xi32, #tpu.memory_space<hbm>> -> memref<64x128xi32, #tpu.memory_space<hbm>>
      tpu.enqueue_dma source(%dma_start3A_1277 : memref<64x128xi32, #tpu.memory_space<hbm>>) target(%arg6 : memref<64x128xi32, #tpu.memory_space<vmem>>) target_semaphore(%run_scoped3A : memref<!tpu.dma_semaphore, #tpu.memory_space<semaphore_mem>>)
      %dma_wait3A = arith.constant 0 : i32
      %dma_wait3A_1278 = tpu.memref_slice %arg3[%add3A, %dma_wait3A] : memref<2048x128xi32, #tpu.memory_space<hbm>> -> memref<64x128xi32, #tpu.memory_space<hbm>>
      %dma_wait3A_1279 = arith.constant 0 : i32
      %dma_wait3A_1280 = tpu.memref_slice %arg3[%add3A, %dma_wait3A_1279] : memref<2048x128xi32, #tpu.memory_space<hbm>> -> memref<64x128xi32, #tpu.memory_space<hbm>>
      tpu.wait_dma2 semaphore(%run_scoped3A : memref<!tpu.dma_semaphore, #tpu.memory_space<semaphore_mem>>) src(%dma_wait3A_1280 : memref<64x128xi32, #tpu.memory_space<hbm>>) dst(%arg6 : memref<64x128xi32, #tpu.memory_space<vmem>>)
      tpu.yield
    }) : () -> ()
    "tpu.region"() ({
      %run_scoped3A = tpu.sem_alloc : memref<!tpu.dma_semaphore, #tpu.memory_space<semaphore_mem>>
      %dma_start3A_1274 = arith.constant 0 : i32
      %dma_start3A_1275 = tpu.memref_slice %arg4[%add3A, %dma_start3A_1274] : memref<2048x128xi32, #tpu.memory_space<hbm>> -> memref<64x128xi32, #tpu.memory_space<hbm>>
      %dma_start3A_1276 = arith.constant 0 : i32
      %dma_start3A_1277 = tpu.memref_slice %arg4[%add3A, %dma_start3A_1276] : memref<2048x128xi32, #tpu.memory_space<hbm>> -> memref<64x128xi32, #tpu.memory_space<hbm>>
      tpu.enqueue_dma source(%dma_start3A_1277 : memref<64x128xi32, #tpu.memory_space<hbm>>) target(%arg7 : memref<64x128xi32, #tpu.memory_space<vmem>>) target_semaphore(%run_scoped3A : memref<!tpu.dma_semaphore, #tpu.memory_space<semaphore_mem>>)
      %dma_wait3A = arith.constant 0 : i32
      %dma_wait3A_1278 = tpu.memref_slice %arg4[%add3A, %dma_wait3A] : memref<2048x128xi32, #tpu.memory_space<hbm>> -> memref<64x128xi32, #tpu.memory_space<hbm>>
      %dma_wait3A_1279 = arith.constant 0 : i32
      %dma_wait3A_1280 = tpu.memref_slice %arg4[%add3A, %dma_wait3A_1279] : memref<2048x128xi32, #tpu.memory_space<hbm>> -> memref<64x128xi32, #tpu.memory_space<hbm>>
      tpu.wait_dma2 semaphore(%run_scoped3A : memref<!tpu.dma_semaphore, #tpu.memory_space<semaphore_mem>>) src(%dma_wait3A_1280 : memref<64x128xi32, #tpu.memory_space<hbm>>) dst(%arg7 : memref<64x128xi32, #tpu.memory_space<vmem>>)
      tpu.yield
    }) : () -> ()
    %dma_start3A = arith.constant 0 : i32
    %dma_start3A_1217 = arith.constant 0 : i32
    %dma_start3A_1218 = arith.constant 0 : i32
    %dma_start3A_1219 = arith.constant 0 : i32
    %dma_start3A_1220 = tpu.memref_slice %arg8[%dma_start3A_1217, %dma_start3A_1218, %dma_start3A_1219] : memref<4x128x144xf32, #tpu.memory_space<vmem>> -> memref<1x128x144xf32, #tpu.memory_space<vmem>>
    %dma_start3A_1221 = tpu.memref_squeeze %dma_start3A_1220 : memref<1x128x144xf32, #tpu.memory_space<vmem>> -> memref<128x144xf32, #tpu.memory_space<vmem>>
    %dma_start3A_1222 = arith.constant 0 : i32
    %dma_start3A_1223 = tpu.memref_slice %arg6[%dma_start3A, %dma_start3A_1222] : memref<64x128xi32, #tpu.memory_space<vmem>> -> memref<1x128xi32, #tpu.memory_space<vmem>>
    %dma_start3A_1224 = tpu.memref_squeeze %dma_start3A_1223 : memref<1x128xi32, #tpu.memory_space<vmem>> -> memref<128xi32, #tpu.memory_space<vmem>>
    %dma_start3A_1225 = arith.constant 0 : i32
    %dma_start3A_1226 = arith.constant 0 : i32
    %dma_start3A_1227 = tpu.memref_slice %arg2[%dma_start3A_1225, %dma_start3A_1226] : memref<8192x144xf32, #tpu.memory_space<hbm>> -> memref<8192x144xf32, #tpu.memory_space<hbm>>
    tpu.enqueue_indirect_dma source(%dma_start3A_1227 : memref<8192x144xf32, #tpu.memory_space<hbm>>) target(%dma_start3A_1221 : memref<128x144xf32, #tpu.memory_space<vmem>>) offsets(%dma_start3A_1224 : memref<128xi32, #tpu.memory_space<vmem>>) semaphore(%arg11 : memref<!tpu.dma_semaphore, #tpu.memory_space<semaphore_mem>>)
    %dma_start3A_1228 = arith.constant 1 : i32
    %dma_start3A_1229 = arith.constant 1 : i32
    %dma_start3A_1230 = arith.constant 0 : i32
    %dma_start3A_1231 = arith.constant 0 : i32
    %dma_start3A_1232 = tpu.memref_slice %arg8[%dma_start3A_1229, %dma_start3A_1230, %dma_start3A_1231] : memref<4x128x144xf32, #tpu.memory_space<vmem>> -> memref<1x128x144xf32, #tpu.memory_space<vmem>>
    %dma_start3A_1233 = tpu.memref_squeeze %dma_start3A_1232 : memref<1x128x144xf32, #tpu.memory_space<vmem>> -> memref<128x144xf32, #tpu.memory_space<vmem>>
    %dma_start3A_1234 = arith.constant 0 : i32
    %dma_start3A_1235 = tpu.memref_slice %arg6[%dma_start3A_1228, %dma_start3A_1234] : memref<64x128xi32, #tpu.memory_space<vmem>> -> memref<1x128xi32, #tpu.memory_space<vmem>>
    %dma_start3A_1236 = tpu.memref_squeeze %dma_start3A_1235 : memref<1x128xi32, #tpu.memory_space<vmem>> -> memref<128xi32, #tpu.memory_space<vmem>>
    %dma_start3A_1237 = arith.constant 0 : i32
    %dma_start3A_1238 = arith.constant 0 : i32
    %dma_start3A_1239 = tpu.memref_slice %arg2[%dma_start3A_1237, %dma_start3A_1238] : memref<8192x144xf32, #tpu.memory_space<hbm>> -> memref<8192x144xf32, #tpu.memory_space<hbm>>
    tpu.enqueue_indirect_dma source(%dma_start3A_1239 : memref<8192x144xf32, #tpu.memory_space<hbm>>) target(%dma_start3A_1233 : memref<128x144xf32, #tpu.memory_space<vmem>>) offsets(%dma_start3A_1236 : memref<128xi32, #tpu.memory_space<vmem>>) semaphore(%arg12 : memref<!tpu.dma_semaphore, #tpu.memory_space<semaphore_mem>>)
    %dma_start3A_1240 = arith.constant 2 : i32
    %dma_start3A_1241 = arith.constant 2 : i32
    %dma_start3A_1242 = arith.constant 0 : i32
    %dma_start3A_1243 = arith.constant 0 : i32
    %dma_start3A_1244 = tpu.memref_slice %arg8[%dma_start3A_1241, %dma_start3A_1242, %dma_start3A_1243] : memref<4x128x144xf32, #tpu.memory_space<vmem>> -> memref<1x128x144xf32, #tpu.memory_space<vmem>>
    %dma_start3A_1245 = tpu.memref_squeeze %dma_start3A_1244 : memref<1x128x144xf32, #tpu.memory_space<vmem>> -> memref<128x144xf32, #tpu.memory_space<vmem>>
    %dma_start3A_1246 = arith.constant 0 : i32
    %dma_start3A_1247 = tpu.memref_slice %arg6[%dma_start3A_1240, %dma_start3A_1246] : memref<64x128xi32, #tpu.memory_space<vmem>> -> memref<1x128xi32, #tpu.memory_space<vmem>>
    %dma_start3A_1248 = tpu.memref_squeeze %dma_start3A_1247 : memref<1x128xi32, #tpu.memory_space<vmem>> -> memref<128xi32, #tpu.memory_space<vmem>>
    %dma_start3A_1249 = arith.constant 0 : i32
    %dma_start3A_1250 = arith.constant 0 : i32
    %dma_start3A_1251 = tpu.memref_slice %arg2[%dma_start3A_1249, %dma_start3A_1250] : memref<8192x144xf32, #tpu.memory_space<hbm>> -> memref<8192x144xf32, #tpu.memory_space<hbm>>
    tpu.enqueue_indirect_dma source(%dma_start3A_1251 : memref<8192x144xf32, #tpu.memory_space<hbm>>) target(%dma_start3A_1245 : memref<128x144xf32, #tpu.memory_space<vmem>>) offsets(%dma_start3A_1248 : memref<128xi32, #tpu.memory_space<vmem>>) semaphore(%arg13 : memref<!tpu.dma_semaphore, #tpu.memory_space<semaphore_mem>>)
    %dma_start3A_1252 = arith.constant 3 : i32
    %dma_start3A_1253 = arith.constant 3 : i32
    %dma_start3A_1254 = arith.constant 0 : i32
    %dma_start3A_1255 = arith.constant 0 : i32
    %dma_start3A_1256 = tpu.memref_slice %arg8[%dma_start3A_1253, %dma_start3A_1254, %dma_start3A_1255] : memref<4x128x144xf32, #tpu.memory_space<vmem>> -> memref<1x128x144xf32, #tpu.memory_space<vmem>>
    %dma_start3A_1257 = tpu.memref_squeeze %dma_start3A_1256 : memref<1x128x144xf32, #tpu.memory_space<vmem>> -> memref<128x144xf32, #tpu.memory_space<vmem>>
    %dma_start3A_1258 = arith.constant 0 : i32
    %dma_start3A_1259 = tpu.memref_slice %arg6[%dma_start3A_1252, %dma_start3A_1258] : memref<64x128xi32, #tpu.memory_space<vmem>> -> memref<1x128xi32, #tpu.memory_space<vmem>>
    %dma_start3A_1260 = tpu.memref_squeeze %dma_start3A_1259 : memref<1x128xi32, #tpu.memory_space<vmem>> -> memref<128xi32, #tpu.memory_space<vmem>>
    %dma_start3A_1261 = arith.constant 0 : i32
    %dma_start3A_1262 = arith.constant 0 : i32
    %dma_start3A_1263 = tpu.memref_slice %arg2[%dma_start3A_1261, %dma_start3A_1262] : memref<8192x144xf32, #tpu.memory_space<hbm>> -> memref<8192x144xf32, #tpu.memory_space<hbm>>
    tpu.enqueue_indirect_dma source(%dma_start3A_1263 : memref<8192x144xf32, #tpu.memory_space<hbm>>) target(%dma_start3A_1257 : memref<128x144xf32, #tpu.memory_space<vmem>>) offsets(%dma_start3A_1260 : memref<128xi32, #tpu.memory_space<vmem>>) semaphore(%arg14 : memref<!tpu.dma_semaphore, #tpu.memory_space<semaphore_mem>>)
    %barrier3A = arith.constant 0 : index
    tpu.barrier barrier_id(%barrier3A)
    %scan3A = arith.constant 0 : i32
    %scan3A_1264 = arith.constant 0 : i32
    %scan3A_1265 = arith.constant 16 : i32
    %scan3A_1266 = arith.addi %scan3A_1264, %scan3A_1265 : i32
    %scan3A_1267 = arith.constant 1 : i32
    scf.for %scan3A_1274 = %scan3A_1264 to %scan3A_1266 step %scan3A_1267  : i32 {
      %mul3A_1275 = arith.constant 4 : i32
      %mul3A_1276 = arith.muli %scan3A_1274, %mul3A_1275 : i32
      %add3A_1277 = arith.constant 0 : i32
      %add3A_1278 = arith.addi %mul3A_1276, %add3A_1277 : i32
      %dma_wait3A = arith.constant 0 : i32
      %dma_wait3A_1279 = arith.constant 0 : i32
      %dma_wait3A_1280 = arith.constant 0 : i32
      %dma_wait3A_1281 = tpu.memref_slice %arg8[%dma_wait3A, %dma_wait3A_1279, %dma_wait3A_1280] : memref<4x128x144xf32, #tpu.memory_space<vmem>> -> memref<1x128x144xf32, #tpu.memory_space<vmem>>
      %dma_wait3A_1282 = tpu.memref_squeeze %dma_wait3A_1281 : memref<1x128x144xf32, #tpu.memory_space<vmem>> -> memref<128x144xf32, #tpu.memory_space<vmem>>
      %dma_wait3A_1283 = arith.constant 0 : i32
      %dma_wait3A_1284 = arith.constant 0 : i32
      %dma_wait3A_1285 = tpu.memref_slice %arg2[%dma_wait3A_1283, %dma_wait3A_1284] : memref<8192x144xf32, #tpu.memory_space<hbm>> -> memref<128x144xf32, #tpu.memory_space<hbm>>
      %dma_wait3A_1286 = arith.constant 0 : i32
      %dma_wait3A_1287 = arith.constant 0 : i32
      %dma_wait3A_1288 = tpu.memref_slice %arg8[%dma_wait3A, %dma_wait3A_1286, %dma_wait3A_1287] : memref<4x128x144xf32, #tpu.memory_space<vmem>> -> memref<1x128x144xf32, #tpu.memory_space<vmem>>
      %dma_wait3A_1289 = tpu.memref_squeeze %dma_wait3A_1288 : memref<1x128x144xf32, #tpu.memory_space<vmem>> -> memref<128x144xf32, #tpu.memory_space<vmem>>
      %dma_wait3A_1290 = arith.constant 0 : i32
      %dma_wait3A_1291 = arith.constant 0 : i32
      %dma_wait3A_1292 = tpu.memref_slice %arg2[%dma_wait3A_1290, %dma_wait3A_1291] : memref<8192x144xf32, #tpu.memory_space<hbm>> -> memref<128x144xf32, #tpu.memory_space<hbm>>
      tpu.wait_dma2 semaphore(%arg11 : memref<!tpu.dma_semaphore, #tpu.memory_space<semaphore_mem>>) src(%dma_wait3A_1292 : memref<128x144xf32, #tpu.memory_space<hbm>>) dst(%dma_wait3A_1289 : memref<128x144xf32, #tpu.memory_space<vmem>>)
      %dma_start3A_1293 = arith.constant 0 : i32
      %dma_start3A_1294 = arith.constant 0 : i32
      %dma_start3A_1295 = arith.constant 0 : i32
      %dma_start3A_1296 = tpu.memref_slice %arg8[%dma_start3A_1293, %dma_start3A_1294, %dma_start3A_1295] : memref<4x128x144xf32, #tpu.memory_space<vmem>> -> memref<1x128x144xf32, #tpu.memory_space<vmem>>
      %dma_start3A_1297 = tpu.memref_squeeze %dma_start3A_1296 : memref<1x128x144xf32, #tpu.memory_space<vmem>> -> memref<128x144xf32, #tpu.memory_space<vmem>>
      %dma_start3A_1298 = arith.constant 0 : i32
      %dma_start3A_1299 = tpu.memref_slice %arg7[%add3A_1278, %dma_start3A_1298] : memref<64x128xi32, #tpu.memory_space<vmem>> -> memref<1x128xi32, #tpu.memory_space<vmem>>
      %dma_start3A_1300 = tpu.memref_squeeze %dma_start3A_1299 : memref<1x128xi32, #tpu.memory_space<vmem>> -> memref<128xi32, #tpu.memory_space<vmem>>
      %dma_start3A_1301 = arith.constant 0 : i32
      %dma_start3A_1302 = arith.constant 0 : i32
      %dma_start3A_1303 = tpu.memref_slice %arg10[%dma_start3A_1301, %dma_start3A_1302] : memref<4096x144xf32, #tpu.memory_space<vmem_shared>> -> memref<4096x144xf32, #tpu.memory_space<vmem_shared>>
      tpu.enqueue_indirect_dma source(%dma_start3A_1297 : memref<128x144xf32, #tpu.memory_space<vmem>>) target(%dma_start3A_1303 : memref<4096x144xf32, #tpu.memory_space<vmem_shared>>) offsets(%dma_start3A_1300 : memref<128xi32, #tpu.memory_space<vmem>>) semaphore(%arg15 : memref<!tpu.dma_semaphore, #tpu.memory_space<semaphore_mem>>) {add = true}
      %dma_wait3A_1304 = arith.constant 0 : i32
      %dma_wait3A_1305 = arith.constant 0 : i32
      %dma_wait3A_1306 = arith.constant 0 : i32
      %dma_wait3A_1307 = tpu.memref_slice %arg8[%dma_wait3A_1304, %dma_wait3A_1305, %dma_wait3A_1306] : memref<4x128x144xf32, #tpu.memory_space<vmem>> -> memref<1x128x144xf32, #tpu.memory_space<vmem>>
      %dma_wait3A_1308 = tpu.memref_squeeze %dma_wait3A_1307 : memref<1x128x144xf32, #tpu.memory_space<vmem>> -> memref<128x144xf32, #tpu.memory_space<vmem>>
      %dma_wait3A_1309 = arith.constant 0 : i32
      %dma_wait3A_1310 = tpu.memref_slice %arg7[%add3A_1278, %dma_wait3A_1309] : memref<64x128xi32, #tpu.memory_space<vmem>> -> memref<1x128xi32, #tpu.memory_space<vmem>>
      %dma_wait3A_1311 = tpu.memref_squeeze %dma_wait3A_1310 : memref<1x128xi32, #tpu.memory_space<vmem>> -> memref<128xi32, #tpu.memory_space<vmem>>
      %dma_wait3A_1312 = arith.constant 0 : i32
      %dma_wait3A_1313 = arith.constant 0 : i32
      %dma_wait3A_1314 = tpu.memref_slice %arg10[%dma_wait3A_1312, %dma_wait3A_1313] : memref<4096x144xf32, #tpu.memory_space<vmem_shared>> -> memref<4096x144xf32, #tpu.memory_space<vmem_shared>>
      tpu.wait_indirect_dma semaphore(%arg15 : memref<!tpu.dma_semaphore, #tpu.memory_space<semaphore_mem>>) src(%dma_wait3A_1308 : memref<128x144xf32, #tpu.memory_space<vmem>>) dst(%dma_wait3A_1314 : memref<4096x144xf32, #tpu.memory_space<vmem_shared>>)
      %add3A_1315 = arith.constant 4 : i32
      %add3A_1316 = arith.addi %add3A_1278, %add3A_1315 : i32
      %lt3A = arith.constant 64 : i32
      %lt3A_1317 = arith.cmpi slt, %add3A_1316, %lt3A : i32
      %convert_element_type3A = arith.extui %lt3A_1317 : i1 to i32
      %cond3A = arith.constant 0 : i32
      %cond3A_1318 = arith.cmpi ne, %convert_element_type3A, %cond3A : i32
      scf.if %cond3A_1318 {
        %dma_start3A_1463 = arith.constant 0 : i32
        %dma_start3A_1464 = arith.constant 0 : i32
        %dma_start3A_1465 = arith.constant 0 : i32
        %dma_start3A_1466 = tpu.memref_slice %arg8[%dma_start3A_1463, %dma_start3A_1464, %dma_start3A_1465] : memref<4x128x144xf32, #tpu.memory_space<vmem>> -> memref<1x128x144xf32, #tpu.memory_space<vmem>>
        %dma_start3A_1467 = tpu.memref_squeeze %dma_start3A_1466 : memref<1x128x144xf32, #tpu.memory_space<vmem>> -> memref<128x144xf32, #tpu.memory_space<vmem>>
        %dma_start3A_1468 = arith.constant 0 : i32
        %dma_start3A_1469 = tpu.memref_slice %arg6[%add3A_1316, %dma_start3A_1468] : memref<64x128xi32, #tpu.memory_space<vmem>> -> memref<1x128xi32, #tpu.memory_space<vmem>>
        %dma_start3A_1470 = tpu.memref_squeeze %dma_start3A_1469 : memref<1x128xi32, #tpu.memory_space<vmem>> -> memref<128xi32, #tpu.memory_space<vmem>>
        %dma_start3A_1471 = arith.constant 0 : i32
        %dma_start3A_1472 = arith.constant 0 : i32
        %dma_start3A_1473 = tpu.memref_slice %arg2[%dma_start3A_1471, %dma_start3A_1472] : memref<8192x144xf32, #tpu.memory_space<hbm>> -> memref<8192x144xf32, #tpu.memory_space<hbm>>
        tpu.enqueue_indirect_dma source(%dma_start3A_1473 : memref<8192x144xf32, #tpu.memory_space<hbm>>) target(%dma_start3A_1467 : memref<128x144xf32, #tpu.memory_space<vmem>>) offsets(%dma_start3A_1470 : memref<128xi32, #tpu.memory_space<vmem>>) semaphore(%arg11 : memref<!tpu.dma_semaphore, #tpu.memory_space<semaphore_mem>>)
      } else {
      }
      %mul3A_1319 = arith.constant 4 : i32
      %mul3A_1320 = arith.muli %scan3A_1274, %mul3A_1319 : i32
      %add3A_1321 = arith.constant 1 : i32
      %add3A_1322 = arith.addi %mul3A_1320, %add3A_1321 : i32
      %dma_wait3A_1323 = arith.constant 1 : i32
      %dma_wait3A_1324 = arith.constant 0 : i32
      %dma_wait3A_1325 = arith.constant 0 : i32
      %dma_wait3A_1326 = tpu.memref_slice %arg8[%dma_wait3A_1323, %dma_wait3A_1324, %dma_wait3A_1325] : memref<4x128x144xf32, #tpu.memory_space<vmem>> -> memref<1x128x144xf32, #tpu.memory_space<vmem>>
      %dma_wait3A_1327 = tpu.memref_squeeze %dma_wait3A_1326 : memref<1x128x144xf32, #tpu.memory_space<vmem>> -> memref<128x144xf32, #tpu.memory_space<vmem>>
      %dma_wait3A_1328 = arith.constant 0 : i32
      %dma_wait3A_1329 = arith.constant 0 : i32
      %dma_wait3A_1330 = tpu.memref_slice %arg2[%dma_wait3A_1328, %dma_wait3A_1329] : memref<8192x144xf32, #tpu.memory_space<hbm>> -> memref<128x144xf32, #tpu.memory_space<hbm>>
      %dma_wait3A_1331 = arith.constant 0 : i32
      %dma_wait3A_1332 = arith.constant 0 : i32
      %dma_wait3A_1333 = tpu.memref_slice %arg8[%dma_wait3A_1323, %dma_wait3A_1331, %dma_wait3A_1332] : memref<4x128x144xf32, #tpu.memory_space<vmem>> -> memref<1x128x144xf32, #tpu.memory_space<vmem>>
      %dma_wait3A_1334 = tpu.memref_squeeze %dma_wait3A_1333 : memref<1x128x144xf32, #tpu.memory_space<vmem>> -> memref<128x144xf32, #tpu.memory_space<vmem>>
      %dma_wait3A_1335 = arith.constant 0 : i32
      %dma_wait3A_1336 = arith.constant 0 : i32
      %dma_wait3A_1337 = tpu.memref_slice %arg2[%dma_wait3A_1335, %dma_wait3A_1336] : memref<8192x144xf32, #tpu.memory_space<hbm>> -> memref<128x144xf32, #tpu.memory_space<hbm>>
      tpu.wait_dma2 semaphore(%arg12 : memref<!tpu.dma_semaphore, #tpu.memory_space<semaphore_mem>>) src(%dma_wait3A_1337 : memref<128x144xf32, #tpu.memory_space<hbm>>) dst(%dma_wait3A_1334 : memref<128x144xf32, #tpu.memory_space<vmem>>)
      %dma_start3A_1338 = arith.constant 1 : i32
      %dma_start3A_1339 = arith.constant 0 : i32
      %dma_start3A_1340 = arith.constant 0 : i32
      %dma_start3A_1341 = tpu.memref_slice %arg8[%dma_start3A_1338, %dma_start3A_1339, %dma_start3A_1340] : memref<4x128x144xf32, #tpu.memory_space<vmem>> -> memref<1x128x144xf32, #tpu.memory_space<vmem>>
      %dma_start3A_1342 = tpu.memref_squeeze %dma_start3A_1341 : memref<1x128x144xf32, #tpu.memory_space<vmem>> -> memref<128x144xf32, #tpu.memory_space<vmem>>
      %dma_start3A_1343 = arith.constant 0 : i32
      %dma_start3A_1344 = tpu.memref_slice %arg7[%add3A_1322, %dma_start3A_1343] : memref<64x128xi32, #tpu.memory_space<vmem>> -> memref<1x128xi32, #tpu.memory_space<vmem>>
      %dma_start3A_1345 = tpu.memref_squeeze %dma_start3A_1344 : memref<1x128xi32, #tpu.memory_space<vmem>> -> memref<128xi32, #tpu.memory_space<vmem>>
      %dma_start3A_1346 = arith.constant 0 : i32
      %dma_start3A_1347 = arith.constant 0 : i32
      %dma_start3A_1348 = tpu.memref_slice %arg10[%dma_start3A_1346, %dma_start3A_1347] : memref<4096x144xf32, #tpu.memory_space<vmem_shared>> -> memref<4096x144xf32, #tpu.memory_space<vmem_shared>>
      tpu.enqueue_indirect_dma source(%dma_start3A_1342 : memref<128x144xf32, #tpu.memory_space<vmem>>) target(%dma_start3A_1348 : memref<4096x144xf32, #tpu.memory_space<vmem_shared>>) offsets(%dma_start3A_1345 : memref<128xi32, #tpu.memory_space<vmem>>) semaphore(%arg16 : memref<!tpu.dma_semaphore, #tpu.memory_space<semaphore_mem>>) {add = true}
      %dma_wait3A_1349 = arith.constant 1 : i32
      %dma_wait3A_1350 = arith.constant 0 : i32
      %dma_wait3A_1351 = arith.constant 0 : i32
      %dma_wait3A_1352 = tpu.memref_slice %arg8[%dma_wait3A_1349, %dma_wait3A_1350, %dma_wait3A_1351] : memref<4x128x144xf32, #tpu.memory_space<vmem>> -> memref<1x128x144xf32, #tpu.memory_space<vmem>>
      %dma_wait3A_1353 = tpu.memref_squeeze %dma_wait3A_1352 : memref<1x128x144xf32, #tpu.memory_space<vmem>> -> memref<128x144xf32, #tpu.memory_space<vmem>>
      %dma_wait3A_1354 = arith.constant 0 : i32
      %dma_wait3A_1355 = tpu.memref_slice %arg7[%add3A_1322, %dma_wait3A_1354] : memref<64x128xi32, #tpu.memory_space<vmem>> -> memref<1x128xi32, #tpu.memory_space<vmem>>
      %dma_wait3A_1356 = tpu.memref_squeeze %dma_wait3A_1355 : memref<1x128xi32, #tpu.memory_space<vmem>> -> memref<128xi32, #tpu.memory_space<vmem>>
      %dma_wait3A_1357 = arith.constant 0 : i32
      %dma_wait3A_1358 = arith.constant 0 : i32
      %dma_wait3A_1359 = tpu.memref_slice %arg10[%dma_wait3A_1357, %dma_wait3A_1358] : memref<4096x144xf32, #tpu.memory_space<vmem_shared>> -> memref<4096x144xf32, #tpu.memory_space<vmem_shared>>
      tpu.wait_indirect_dma semaphore(%arg16 : memref<!tpu.dma_semaphore, #tpu.memory_space<semaphore_mem>>) src(%dma_wait3A_1353 : memref<128x144xf32, #tpu.memory_space<vmem>>) dst(%dma_wait3A_1359 : memref<4096x144xf32, #tpu.memory_space<vmem_shared>>)
      %add3A_1360 = arith.constant 4 : i32
      %add3A_1361 = arith.addi %add3A_1322, %add3A_1360 : i32
      %lt3A_1362 = arith.constant 64 : i32
      %lt3A_1363 = arith.cmpi slt, %add3A_1361, %lt3A_1362 : i32
      %convert_element_type3A_1364 = arith.extui %lt3A_1363 : i1 to i32
      %cond3A_1365 = arith.constant 0 : i32
      %cond3A_1366 = arith.cmpi ne, %convert_element_type3A_1364, %cond3A_1365 : i32
      scf.if %cond3A_1366 {
        %dma_start3A_1463 = arith.constant 1 : i32
        %dma_start3A_1464 = arith.constant 0 : i32
        %dma_start3A_1465 = arith.constant 0 : i32
        %dma_start3A_1466 = tpu.memref_slice %arg8[%dma_start3A_1463, %dma_start3A_1464, %dma_start3A_1465] : memref<4x128x144xf32, #tpu.memory_space<vmem>> -> memref<1x128x144xf32, #tpu.memory_space<vmem>>
        %dma_start3A_1467 = tpu.memref_squeeze %dma_start3A_1466 : memref<1x128x144xf32, #tpu.memory_space<vmem>> -> memref<128x144xf32, #tpu.memory_space<vmem>>
        %dma_start3A_1468 = arith.constant 0 : i32
        %dma_start3A_1469 = tpu.memref_slice %arg6[%add3A_1361, %dma_start3A_1468] : memref<64x128xi32, #tpu.memory_space<vmem>> -> memref<1x128xi32, #tpu.memory_space<vmem>>
        %dma_start3A_1470 = tpu.memref_squeeze %dma_start3A_1469 : memref<1x128xi32, #tpu.memory_space<vmem>> -> memref<128xi32, #tpu.memory_space<vmem>>
        %dma_start3A_1471 = arith.constant 0 : i32
        %dma_start3A_1472 = arith.constant 0 : i32
        %dma_start3A_1473 = tpu.memref_slice %arg2[%dma_start3A_1471, %dma_start3A_1472] : memref<8192x144xf32, #tpu.memory_space<hbm>> -> memref<8192x144xf32, #tpu.memory_space<hbm>>
        tpu.enqueue_indirect_dma source(%dma_start3A_1473 : memref<8192x144xf32, #tpu.memory_space<hbm>>) target(%dma_start3A_1467 : memref<128x144xf32, #tpu.memory_space<vmem>>) offsets(%dma_start3A_1470 : memref<128xi32, #tpu.memory_space<vmem>>) semaphore(%arg12 : memref<!tpu.dma_semaphore, #tpu.memory_space<semaphore_mem>>)
      } else {
      }
      %mul3A_1367 = arith.constant 4 : i32
      %mul3A_1368 = arith.muli %scan3A_1274, %mul3A_1367 : i32
      %add3A_1369 = arith.constant 2 : i32
      %add3A_1370 = arith.addi %mul3A_1368, %add3A_1369 : i32
      %dma_wait3A_1371 = arith.constant 2 : i32
      %dma_wait3A_1372 = arith.constant 0 : i32
      %dma_wait3A_1373 = arith.constant 0 : i32
      %dma_wait3A_1374 = tpu.memref_slice %arg8[%dma_wait3A_1371, %dma_wait3A_1372, %dma_wait3A_1373] : memref<4x128x144xf32, #tpu.memory_space<vmem>> -> memref<1x128x144xf32, #tpu.memory_space<vmem>>
      %dma_wait3A_1375 = tpu.memref_squeeze %dma_wait3A_1374 : memref<1x128x144xf32, #tpu.memory_space<vmem>> -> memref<128x144xf32, #tpu.memory_space<vmem>>
      %dma_wait3A_1376 = arith.constant 0 : i32
      %dma_wait3A_1377 = arith.constant 0 : i32
      %dma_wait3A_1378 = tpu.memref_slice %arg2[%dma_wait3A_1376, %dma_wait3A_1377] : memref<8192x144xf32, #tpu.memory_space<hbm>> -> memref<128x144xf32, #tpu.memory_space<hbm>>
      %dma_wait3A_1379 = arith.constant 0 : i32
      %dma_wait3A_1380 = arith.constant 0 : i32
      %dma_wait3A_1381 = tpu.memref_slice %arg8[%dma_wait3A_1371, %dma_wait3A_1379, %dma_wait3A_1380] : memref<4x128x144xf32, #tpu.memory_space<vmem>> -> memref<1x128x144xf32, #tpu.memory_space<vmem>>
      %dma_wait3A_1382 = tpu.memref_squeeze %dma_wait3A_1381 : memref<1x128x144xf32, #tpu.memory_space<vmem>> -> memref<128x144xf32, #tpu.memory_space<vmem>>
      %dma_wait3A_1383 = arith.constant 0 : i32
      %dma_wait3A_1384 = arith.constant 0 : i32
      %dma_wait3A_1385 = tpu.memref_slice %arg2[%dma_wait3A_1383, %dma_wait3A_1384] : memref<8192x144xf32, #tpu.memory_space<hbm>> -> memref<128x144xf32, #tpu.memory_space<hbm>>
      tpu.wait_dma2 semaphore(%arg13 : memref<!tpu.dma_semaphore, #tpu.memory_space<semaphore_mem>>) src(%dma_wait3A_1385 : memref<128x144xf32, #tpu.memory_space<hbm>>) dst(%dma_wait3A_1382 : memref<128x144xf32, #tpu.memory_space<vmem>>)
      %dma_start3A_1386 = arith.constant 2 : i32
      %dma_start3A_1387 = arith.constant 0 : i32
      %dma_start3A_1388 = arith.constant 0 : i32
      %dma_start3A_1389 = tpu.memref_slice %arg8[%dma_start3A_1386, %dma_start3A_1387, %dma_start3A_1388] : memref<4x128x144xf32, #tpu.memory_space<vmem>> -> memref<1x128x144xf32, #tpu.memory_space<vmem>>
      %dma_start3A_1390 = tpu.memref_squeeze %dma_start3A_1389 : memref<1x128x144xf32, #tpu.memory_space<vmem>> -> memref<128x144xf32, #tpu.memory_space<vmem>>
      %dma_start3A_1391 = arith.constant 0 : i32
      %dma_start3A_1392 = tpu.memref_slice %arg7[%add3A_1370, %dma_start3A_1391] : memref<64x128xi32, #tpu.memory_space<vmem>> -> memref<1x128xi32, #tpu.memory_space<vmem>>
      %dma_start3A_1393 = tpu.memref_squeeze %dma_start3A_1392 : memref<1x128xi32, #tpu.memory_space<vmem>> -> memref<128xi32, #tpu.memory_space<vmem>>
      %dma_start3A_1394 = arith.constant 0 : i32
      %dma_start3A_1395 = arith.constant 0 : i32
      %dma_start3A_1396 = tpu.memref_slice %arg10[%dma_start3A_1394, %dma_start3A_1395] : memref<4096x144xf32, #tpu.memory_space<vmem_shared>> -> memref<4096x144xf32, #tpu.memory_space<vmem_shared>>
      tpu.enqueue_indirect_dma source(%dma_start3A_1390 : memref<128x144xf32, #tpu.memory_space<vmem>>) target(%dma_start3A_1396 : memref<4096x144xf32, #tpu.memory_space<vmem_shared>>) offsets(%dma_start3A_1393 : memref<128xi32, #tpu.memory_space<vmem>>) semaphore(%arg17 : memref<!tpu.dma_semaphore, #tpu.memory_space<semaphore_mem>>) {add = true}
      %dma_wait3A_1397 = arith.constant 2 : i32
      %dma_wait3A_1398 = arith.constant 0 : i32
      %dma_wait3A_1399 = arith.constant 0 : i32
      %dma_wait3A_1400 = tpu.memref_slice %arg8[%dma_wait3A_1397, %dma_wait3A_1398, %dma_wait3A_1399] : memref<4x128x144xf32, #tpu.memory_space<vmem>> -> memref<1x128x144xf32, #tpu.memory_space<vmem>>
      %dma_wait3A_1401 = tpu.memref_squeeze %dma_wait3A_1400 : memref<1x128x144xf32, #tpu.memory_space<vmem>> -> memref<128x144xf32, #tpu.memory_space<vmem>>
      %dma_wait3A_1402 = arith.constant 0 : i32
      %dma_wait3A_1403 = tpu.memref_slice %arg7[%add3A_1370, %dma_wait3A_1402] : memref<64x128xi32, #tpu.memory_space<vmem>> -> memref<1x128xi32, #tpu.memory_space<vmem>>
      %dma_wait3A_1404 = tpu.memref_squeeze %dma_wait3A_1403 : memref<1x128xi32, #tpu.memory_space<vmem>> -> memref<128xi32, #tpu.memory_space<vmem>>
      %dma_wait3A_1405 = arith.constant 0 : i32
      %dma_wait3A_1406 = arith.constant 0 : i32
      %dma_wait3A_1407 = tpu.memref_slice %arg10[%dma_wait3A_1405, %dma_wait3A_1406] : memref<4096x144xf32, #tpu.memory_space<vmem_shared>> -> memref<4096x144xf32, #tpu.memory_space<vmem_shared>>
      tpu.wait_indirect_dma semaphore(%arg17 : memref<!tpu.dma_semaphore, #tpu.memory_space<semaphore_mem>>) src(%dma_wait3A_1401 : memref<128x144xf32, #tpu.memory_space<vmem>>) dst(%dma_wait3A_1407 : memref<4096x144xf32, #tpu.memory_space<vmem_shared>>)
      %add3A_1408 = arith.constant 4 : i32
      %add3A_1409 = arith.addi %add3A_1370, %add3A_1408 : i32
      %lt3A_1410 = arith.constant 64 : i32
      %lt3A_1411 = arith.cmpi slt, %add3A_1409, %lt3A_1410 : i32
      %convert_element_type3A_1412 = arith.extui %lt3A_1411 : i1 to i32
      %cond3A_1413 = arith.constant 0 : i32
      %cond3A_1414 = arith.cmpi ne, %convert_element_type3A_1412, %cond3A_1413 : i32
      scf.if %cond3A_1414 {
        %dma_start3A_1463 = arith.constant 2 : i32
        %dma_start3A_1464 = arith.constant 0 : i32
        %dma_start3A_1465 = arith.constant 0 : i32
        %dma_start3A_1466 = tpu.memref_slice %arg8[%dma_start3A_1463, %dma_start3A_1464, %dma_start3A_1465] : memref<4x128x144xf32, #tpu.memory_space<vmem>> -> memref<1x128x144xf32, #tpu.memory_space<vmem>>
        %dma_start3A_1467 = tpu.memref_squeeze %dma_start3A_1466 : memref<1x128x144xf32, #tpu.memory_space<vmem>> -> memref<128x144xf32, #tpu.memory_space<vmem>>
        %dma_start3A_1468 = arith.constant 0 : i32
        %dma_start3A_1469 = tpu.memref_slice %arg6[%add3A_1409, %dma_start3A_1468] : memref<64x128xi32, #tpu.memory_space<vmem>> -> memref<1x128xi32, #tpu.memory_space<vmem>>
        %dma_start3A_1470 = tpu.memref_squeeze %dma_start3A_1469 : memref<1x128xi32, #tpu.memory_space<vmem>> -> memref<128xi32, #tpu.memory_space<vmem>>
        %dma_start3A_1471 = arith.constant 0 : i32
        %dma_start3A_1472 = arith.constant 0 : i32
        %dma_start3A_1473 = tpu.memref_slice %arg2[%dma_start3A_1471, %dma_start3A_1472] : memref<8192x144xf32, #tpu.memory_space<hbm>> -> memref<8192x144xf32, #tpu.memory_space<hbm>>
        tpu.enqueue_indirect_dma source(%dma_start3A_1473 : memref<8192x144xf32, #tpu.memory_space<hbm>>) target(%dma_start3A_1467 : memref<128x144xf32, #tpu.memory_space<vmem>>) offsets(%dma_start3A_1470 : memref<128xi32, #tpu.memory_space<vmem>>) semaphore(%arg13 : memref<!tpu.dma_semaphore, #tpu.memory_space<semaphore_mem>>)
      } else {
      }
      %mul3A_1415 = arith.constant 4 : i32
      %mul3A_1416 = arith.muli %scan3A_1274, %mul3A_1415 : i32
      %add3A_1417 = arith.constant 3 : i32
      %add3A_1418 = arith.addi %mul3A_1416, %add3A_1417 : i32
      %dma_wait3A_1419 = arith.constant 3 : i32
      %dma_wait3A_1420 = arith.constant 0 : i32
      %dma_wait3A_1421 = arith.constant 0 : i32
      %dma_wait3A_1422 = tpu.memref_slice %arg8[%dma_wait3A_1419, %dma_wait3A_1420, %dma_wait3A_1421] : memref<4x128x144xf32, #tpu.memory_space<vmem>> -> memref<1x128x144xf32, #tpu.memory_space<vmem>>
      %dma_wait3A_1423 = tpu.memref_squeeze %dma_wait3A_1422 : memref<1x128x144xf32, #tpu.memory_space<vmem>> -> memref<128x144xf32, #tpu.memory_space<vmem>>
      %dma_wait3A_1424 = arith.constant 0 : i32
      %dma_wait3A_1425 = arith.constant 0 : i32
      %dma_wait3A_1426 = tpu.memref_slice %arg2[%dma_wait3A_1424, %dma_wait3A_1425] : memref<8192x144xf32, #tpu.memory_space<hbm>> -> memref<128x144xf32, #tpu.memory_space<hbm>>
      %dma_wait3A_1427 = arith.constant 0 : i32
      %dma_wait3A_1428 = arith.constant 0 : i32
      %dma_wait3A_1429 = tpu.memref_slice %arg8[%dma_wait3A_1419, %dma_wait3A_1427, %dma_wait3A_1428] : memref<4x128x144xf32, #tpu.memory_space<vmem>> -> memref<1x128x144xf32, #tpu.memory_space<vmem>>
      %dma_wait3A_1430 = tpu.memref_squeeze %dma_wait3A_1429 : memref<1x128x144xf32, #tpu.memory_space<vmem>> -> memref<128x144xf32, #tpu.memory_space<vmem>>
      %dma_wait3A_1431 = arith.constant 0 : i32
      %dma_wait3A_1432 = arith.constant 0 : i32
      %dma_wait3A_1433 = tpu.memref_slice %arg2[%dma_wait3A_1431, %dma_wait3A_1432] : memref<8192x144xf32, #tpu.memory_space<hbm>> -> memref<128x144xf32, #tpu.memory_space<hbm>>
      tpu.wait_dma2 semaphore(%arg14 : memref<!tpu.dma_semaphore, #tpu.memory_space<semaphore_mem>>) src(%dma_wait3A_1433 : memref<128x144xf32, #tpu.memory_space<hbm>>) dst(%dma_wait3A_1430 : memref<128x144xf32, #tpu.memory_space<vmem>>)
      %dma_start3A_1434 = arith.constant 3 : i32
      %dma_start3A_1435 = arith.constant 0 : i32
      %dma_start3A_1436 = arith.constant 0 : i32
      %dma_start3A_1437 = tpu.memref_slice %arg8[%dma_start3A_1434, %dma_start3A_1435, %dma_start3A_1436] : memref<4x128x144xf32, #tpu.memory_space<vmem>> -> memref<1x128x144xf32, #tpu.memory_space<vmem>>
      %dma_start3A_1438 = tpu.memref_squeeze %dma_start3A_1437 : memref<1x128x144xf32, #tpu.memory_space<vmem>> -> memref<128x144xf32, #tpu.memory_space<vmem>>
      %dma_start3A_1439 = arith.constant 0 : i32
      %dma_start3A_1440 = tpu.memref_slice %arg7[%add3A_1418, %dma_start3A_1439] : memref<64x128xi32, #tpu.memory_space<vmem>> -> memref<1x128xi32, #tpu.memory_space<vmem>>
      %dma_start3A_1441 = tpu.memref_squeeze %dma_start3A_1440 : memref<1x128xi32, #tpu.memory_space<vmem>> -> memref<128xi32, #tpu.memory_space<vmem>>
      %dma_start3A_1442 = arith.constant 0 : i32
      %dma_start3A_1443 = arith.constant 0 : i32
      %dma_start3A_1444 = tpu.memref_slice %arg10[%dma_start3A_1442, %dma_start3A_1443] : memref<4096x144xf32, #tpu.memory_space<vmem_shared>> -> memref<4096x144xf32, #tpu.memory_space<vmem_shared>>
      tpu.enqueue_indirect_dma source(%dma_start3A_1438 : memref<128x144xf32, #tpu.memory_space<vmem>>) target(%dma_start3A_1444 : memref<4096x144xf32, #tpu.memory_space<vmem_shared>>) offsets(%dma_start3A_1441 : memref<128xi32, #tpu.memory_space<vmem>>) semaphore(%arg18 : memref<!tpu.dma_semaphore, #tpu.memory_space<semaphore_mem>>) {add = true}
      %dma_wait3A_1445 = arith.constant 3 : i32
      %dma_wait3A_1446 = arith.constant 0 : i32
      %dma_wait3A_1447 = arith.constant 0 : i32
      %dma_wait3A_1448 = tpu.memref_slice %arg8[%dma_wait3A_1445, %dma_wait3A_1446, %dma_wait3A_1447] : memref<4x128x144xf32, #tpu.memory_space<vmem>> -> memref<1x128x144xf32, #tpu.memory_space<vmem>>
      %dma_wait3A_1449 = tpu.memref_squeeze %dma_wait3A_1448 : memref<1x128x144xf32, #tpu.memory_space<vmem>> -> memref<128x144xf32, #tpu.memory_space<vmem>>
      %dma_wait3A_1450 = arith.constant 0 : i32
      %dma_wait3A_1451 = tpu.memref_slice %arg7[%add3A_1418, %dma_wait3A_1450] : memref<64x128xi32, #tpu.memory_space<vmem>> -> memref<1x128xi32, #tpu.memory_space<vmem>>
      %dma_wait3A_1452 = tpu.memref_squeeze %dma_wait3A_1451 : memref<1x128xi32, #tpu.memory_space<vmem>> -> memref<128xi32, #tpu.memory_space<vmem>>
      %dma_wait3A_1453 = arith.constant 0 : i32
      %dma_wait3A_1454 = arith.constant 0 : i32
      %dma_wait3A_1455 = tpu.memref_slice %arg10[%dma_wait3A_1453, %dma_wait3A_1454] : memref<4096x144xf32, #tpu.memory_space<vmem_shared>> -> memref<4096x144xf32, #tpu.memory_space<vmem_shared>>
      tpu.wait_indirect_dma semaphore(%arg18 : memref<!tpu.dma_semaphore, #tpu.memory_space<semaphore_mem>>) src(%dma_wait3A_1449 : memref<128x144xf32, #tpu.memory_space<vmem>>) dst(%dma_wait3A_1455 : memref<4096x144xf32, #tpu.memory_space<vmem_shared>>)
      %add3A_1456 = arith.constant 4 : i32
      %add3A_1457 = arith.addi %add3A_1418, %add3A_1456 : i32
      %lt3A_1458 = arith.constant 64 : i32
      %lt3A_1459 = arith.cmpi slt, %add3A_1457, %lt3A_1458 : i32
      %convert_element_type3A_1460 = arith.extui %lt3A_1459 : i1 to i32
      %cond3A_1461 = arith.constant 0 : i32
      %cond3A_1462 = arith.cmpi ne, %convert_element_type3A_1460, %cond3A_1461 : i32
      scf.if %cond3A_1462 {
        %dma_start3A_1463 = arith.constant 3 : i32
        %dma_start3A_1464 = arith.constant 0 : i32
        %dma_start3A_1465 = arith.constant 0 : i32
        %dma_start3A_1466 = tpu.memref_slice %arg8[%dma_start3A_1463, %dma_start3A_1464, %dma_start3A_1465] : memref<4x128x144xf32, #tpu.memory_space<vmem>> -> memref<1x128x144xf32, #tpu.memory_space<vmem>>
        %dma_start3A_1467 = tpu.memref_squeeze %dma_start3A_1466 : memref<1x128x144xf32, #tpu.memory_space<vmem>> -> memref<128x144xf32, #tpu.memory_space<vmem>>
        %dma_start3A_1468 = arith.constant 0 : i32
        %dma_start3A_1469 = tpu.memref_slice %arg6[%add3A_1457, %dma_start3A_1468] : memref<64x128xi32, #tpu.memory_space<vmem>> -> memref<1x128xi32, #tpu.memory_space<vmem>>
        %dma_start3A_1470 = tpu.memref_squeeze %dma_start3A_1469 : memref<1x128xi32, #tpu.memory_space<vmem>> -> memref<128xi32, #tpu.memory_space<vmem>>
        %dma_start3A_1471 = arith.constant 0 : i32
        %dma_start3A_1472 = arith.constant 0 : i32
        %dma_start3A_1473 = tpu.memref_slice %arg2[%dma_start3A_1471, %dma_start3A_1472] : memref<8192x144xf32, #tpu.memory_space<hbm>> -> memref<8192x144xf32, #tpu.memory_space<hbm>>
        tpu.enqueue_indirect_dma source(%dma_start3A_1473 : memref<8192x144xf32, #tpu.memory_space<hbm>>) target(%dma_start3A_1467 : memref<128x144xf32, #tpu.memory_space<vmem>>) offsets(%dma_start3A_1470 : memref<128xi32, #tpu.memory_space<vmem>>) semaphore(%arg14 : memref<!tpu.dma_semaphore, #tpu.memory_space<semaphore_mem>>)
      } else {
      }
    }
    %scan3A_1268 = arith.constant 16 : i32
    %barrier3A_1269 = arith.constant 0 : index
    tpu.barrier barrier_id(%barrier3A_1269)
    %mul3A_1270 = arith.constant 256 : i32
    %mul3A_1271 = arith.muli %arg1, %mul3A_1270 : i32
    %mul3A_1272 = arith.constant 256 : i32
    %mul3A_1273 = arith.muli %arg1, %mul3A_1272 : i32
    "tpu.region"() ({
      %run_scoped3A = tpu.sem_alloc : memref<!tpu.dma_semaphore, #tpu.memory_space<semaphore_mem>>
      %dma_start3A_1274 = arith.constant 0 : i32
      %dma_start3A_1275 = tpu.memref_slice %arg5[%arg0, %mul3A_1273, %dma_start3A_1274] : memref<2x4096x144xf32, #tpu.memory_space<hbm>> -> memref<1x256x144xf32, #tpu.memory_space<hbm>>
      %dma_start3A_1276 = tpu.memref_squeeze %dma_start3A_1275 : memref<1x256x144xf32, #tpu.memory_space<hbm>> -> memref<256x144xf32, #tpu.memory_space<hbm>>
      %dma_start3A_1277 = arith.constant 0 : i32
      %dma_start3A_1278 = tpu.memref_slice %arg10[%mul3A_1271, %dma_start3A_1277] : memref<4096x144xf32, #tpu.memory_space<vmem_shared>> -> memref<256x144xf32, #tpu.memory_space<vmem_shared>>
      tpu.enqueue_dma source(%dma_start3A_1278 : memref<256x144xf32, #tpu.memory_space<vmem_shared>>) target(%dma_start3A_1276 : memref<256x144xf32, #tpu.memory_space<hbm>>) target_semaphore(%run_scoped3A : memref<!tpu.dma_semaphore, #tpu.memory_space<semaphore_mem>>)
      %dma_wait3A = arith.constant 0 : i32
      %dma_wait3A_1279 = tpu.memref_slice %arg5[%arg0, %mul3A_1273, %dma_wait3A] : memref<2x4096x144xf32, #tpu.memory_space<hbm>> -> memref<1x256x144xf32, #tpu.memory_space<hbm>>
      %dma_wait3A_1280 = tpu.memref_squeeze %dma_wait3A_1279 : memref<1x256x144xf32, #tpu.memory_space<hbm>> -> memref<256x144xf32, #tpu.memory_space<hbm>>
      %dma_wait3A_1281 = arith.constant 0 : i32
      %dma_wait3A_1282 = tpu.memref_slice %arg10[%mul3A_1271, %dma_wait3A_1281] : memref<4096x144xf32, #tpu.memory_space<vmem_shared>> -> memref<256x144xf32, #tpu.memory_space<vmem_shared>>
      tpu.wait_dma2 semaphore(%run_scoped3A : memref<!tpu.dma_semaphore, #tpu.memory_space<semaphore_mem>>) src(%dma_wait3A_1282 : memref<256x144xf32, #tpu.memory_space<vmem_shared>>) dst(%dma_wait3A_1280 : memref<256x144xf32, #tpu.memory_space<hbm>>)
      tpu.yield
    }) : () -> ()
    return
  }
}

#map = affine_map<(d0, d1) -> (0, 0)>
#map1 = affine_map<(d0, d1) -> (0, 0, 0)>
module attributes {stable_mosaic.version = 14 : i64} {
  func.func @segsum(%arg0: i32, %arg1: i32, %arg2: memref<8192x144xf32, #tpu.memory_space<hbm>>, %arg3: memref<2048x128xi32, #tpu.memory_space<hbm>>, %arg4: memref<2048x128xi32, #tpu.memory_space<hbm>>, %arg5: memref<2x4096x144xf32, #tpu.memory_space<hbm>>, %arg6: memref<64x128xi32, #tpu.memory_space<vmem>>, %arg7: memref<64x128xi32, #tpu.memory_space<vmem>>, %arg8: memref<4x128x144xf32, #tpu.memory_space<vmem>>, %arg9: memref<16x144xf32, #tpu.memory_space<vmem>>, %arg10: memref<4096x144xf32, #tpu.memory_space<vmem_shared>>, %arg11: memref<!tpu.dma_semaphore, #tpu.memory_space<semaphore_mem>>, %arg12: memref<!tpu.dma_semaphore, #tpu.memory_space<semaphore_mem>>, %arg13: memref<!tpu.dma_semaphore, #tpu.memory_space<semaphore_mem>>, %arg14: memref<!tpu.dma_semaphore, #tpu.memory_space<semaphore_mem>>, %arg15: memref<!tpu.dma_semaphore, #tpu.memory_space<semaphore_mem>>, %arg16: memref<!tpu.dma_semaphore, #tpu.memory_space<semaphore_mem>>, %arg17: memref<!tpu.dma_semaphore, #tpu.memory_space<semaphore_mem>>, %arg18: memref<!tpu.dma_semaphore, #tpu.memory_space<semaphore_mem>>) attributes {dimension_semantics = [#tpu.dimension_semantics<core_parallel>, #tpu.dimension_semantics<subcore_parallel>], iteration_bounds = array<i64: 2, 16>, scalar_prefetch = 0 : i64, scratch_operands = 13 : i64, tpu.core_type = #tpu.core_type<sc_vector_subcore>, window_params = [{transform_indices = #map}, {transform_indices = #map}, {transform_indices = #map}, {transform_indices = #map1}]} {
    %mul3A = arith.constant 1024 : i32
    %mul3A_0 = arith.muli %arg0, %mul3A : i32
    %mul3A_1 = arith.constant 64 : i32
    %mul3A_2 = arith.muli %arg1, %mul3A_1 : i32
    %add3A = arith.addi %mul3A_0, %mul3A_2 : i32
    %broadcast_in_dim3A = arith.constant 0.000000e+00 : f32
    %broadcast_in_dim3A_3 = vector.broadcast %broadcast_in_dim3A : f32 to vector<16xf32>
    %swap3A = arith.constant 0 : i32
    %swap3A_4 = arith.index_cast %swap3A : i32 to index
    %swap3A_5 = arith.constant 0 : index
    %swap3A_6 = tpu.vector_load %arg9[%swap3A_4, %swap3A_5] {strides = array<i32>} : memref<16x144xf32, #tpu.memory_space<vmem>>, vector<1x16xf32>,
    %swap3A_7 = vector.shape_cast %swap3A_6 : vector<1x16xf32> to vector<16xf32>
    %swap3A_8 = vector.shape_cast %broadcast_in_dim3A_3 : vector<16xf32> to vector<1x16xf32>
    tpu.vector_store %arg9[%swap3A_4, %swap3A_5], %swap3A_8 {strides = array<i32>} : memref<16x144xf32, #tpu.memory_space<vmem>>, vector<1x16xf32>,
    %broadcast_in_dim3A_9 = arith.constant 0.000000e+00 : f32
    %broadcast_in_dim3A_10 = vector.broadcast %broadcast_in_dim3A_9 : f32 to vector<16xf32>
    %swap3A_11 = arith.constant 0 : i32
    %swap3A_12 = arith.index_cast %swap3A_11 : i32 to index
    %swap3A_13 = arith.constant 16 : index
    %swap3A_14 = tpu.vector_load %arg9[%swap3A_12, %swap3A_13] {strides = array<i32>} : memref<16x144xf32, #tpu.memory_space<vmem>>, vector<1x16xf32>,
    %swap3A_15 = vector.shape_cast %swap3A_14 : vector<1x16xf32> to vector<16xf32>
    %swap3A_16 = vector.shape_cast %broadcast_in_dim3A_10 : vector<16xf32> to vector<1x16xf32>
    tpu.vector_store %arg9[%swap3A_12, %swap3A_13], %swap3A_16 {strides = array<i32>} : memref<16x144xf32, #tpu.memory_space<vmem>>, vector<1x16xf32>,
    %broadcast_in_dim3A_17 = arith.constant 0.000000e+00 : f32
    %broadcast_in_dim3A_18 = vector.broadcast %broadcast_in_dim3A_17 : f32 to vector<16xf32>
    %swap3A_19 = arith.constant 0 : i32
    %swap3A_20 = arith.index_cast %swap3A_19 : i32 to index
    %swap3A_21 = arith.constant 32 : index
    %swap3A_22 = tpu.vector_load %arg9[%swap3A_20, %swap3A_21] {strides = array<i32>} : memref<16x144xf32, #tpu.memory_space<vmem>>, vector<1x16xf32>,
    %swap3A_23 = vector.shape_cast %swap3A_22 : vector<1x16xf32> to vector<16xf32>
    %swap3A_24 = vector.shape_cast %broadcast_in_dim3A_18 : vector<16xf32> to vector<1x16xf32>
    tpu.vector_store %arg9[%swap3A_20, %swap3A_21], %swap3A_24 {strides = array<i32>} : memref<16x144xf32, #tpu.memory_space<vmem>>, vector<1x16xf32>,
    %broadcast_in_dim3A_25 = arith.constant 0.000000e+00 : f32
    %broadcast_in_dim3A_26 = vector.broadcast %broadcast_in_dim3A_25 : f32 to vector<16xf32>
    %swap3A_27 = arith.constant 0 : i32
    %swap3A_28 = arith.index_cast %swap3A_27 : i32 to index
    %swap3A_29 = arith.constant 48 : index
    %swap3A_30 = tpu.vector_load %arg9[%swap3A_28, %swap3A_29] {strides = array<i32>} : memref<16x144xf32, #tpu.memory_space<vmem>>, vector<1x16xf32>,
    %swap3A_31 = vector.shape_cast %swap3A_30 : vector<1x16xf32> to vector<16xf32>
    %swap3A_32 = vector.shape_cast %broadcast_in_dim3A_26 : vector<16xf32> to vector<1x16xf32>
    tpu.vector_store %arg9[%swap3A_28, %swap3A_29], %swap3A_32 {strides = array<i32>} : memref<16x144xf32, #tpu.memory_space<vmem>>, vector<1x16xf32>,
    %broadcast_in_dim3A_33 = arith.constant 0.000000e+00 : f32
    %broadcast_in_dim3A_34 = vector.broadcast %broadcast_in_dim3A_33 : f32 to vector<16xf32>
    %swap3A_35 = arith.constant 0 : i32
    %swap3A_36 = arith.index_cast %swap3A_35 : i32 to index
    %swap3A_37 = arith.constant 64 : index
    %swap3A_38 = tpu.vector_load %arg9[%swap3A_36, %swap3A_37] {strides = array<i32>} : memref<16x144xf32, #tpu.memory_space<vmem>>, vector<1x16xf32>,
    %swap3A_39 = vector.shape_cast %swap3A_38 : vector<1x16xf32> to vector<16xf32>
    %swap3A_40 = vector.shape_cast %broadcast_in_dim3A_34 : vector<16xf32> to vector<1x16xf32>
    tpu.vector_store %arg9[%swap3A_36, %swap3A_37], %swap3A_40 {strides = array<i32>} : memref<16x144xf32, #tpu.memory_space<vmem>>, vector<1x16xf32>,
    %broadcast_in_dim3A_41 = arith.constant 0.000000e+00 : f32
    %broadcast_in_dim3A_42 = vector.broadcast %broadcast_in_dim3A_41 : f32 to vector<16xf32>
    %swap3A_43 = arith.constant 0 : i32
    %swap3A_44 = arith.index_cast %swap3A_43 : i32 to index
    %swap3A_45 = arith.constant 80 : index
    %swap3A_46 = tpu.vector_load %arg9[%swap3A_44, %swap3A_45] {strides = array<i32>} : memref<16x144xf32, #tpu.memory_space<vmem>>, vector<1x16xf32>,
    %swap3A_47 = vector.shape_cast %swap3A_46 : vector<1x16xf32> to vector<16xf32>
    %swap3A_48 = vector.shape_cast %broadcast_in_dim3A_42 : vector<16xf32> to vector<1x16xf32>
    tpu.vector_store %arg9[%swap3A_44, %swap3A_45], %swap3A_48 {strides = array<i32>} : memref<16x144xf32, #tpu.memory_space<vmem>>, vector<1x16xf32>,
    %broadcast_in_dim3A_49 = arith.constant 0.000000e+00 : f32
    %broadcast_in_dim3A_50 = vector.broadcast %broadcast_in_dim3A_49 : f32 to vector<16xf32>
    %swap3A_51 = arith.constant 0 : i32
    %swap3A_52 = arith.index_cast %swap3A_51 : i32 to index
    %swap3A_53 = arith.constant 96 : index
    %swap3A_54 = tpu.vector_load %arg9[%swap3A_52, %swap3A_53] {strides = array<i32>} : memref<16x144xf32, #tpu.memory_space<vmem>>, vector<1x16xf32>,
    %swap3A_55 = vector.shape_cast %swap3A_54 : vector<1x16xf32> to vector<16xf32>
    %swap3A_56 = vector.shape_cast %broadcast_in_dim3A_50 : vector<16xf32> to vector<1x16xf32>
    tpu.vector_store %arg9[%swap3A_52, %swap3A_53], %swap3A_56 {strides = array<i32>} : memref<16x144xf32, #tpu.memory_space<vmem>>, vector<1x16xf32>,
    %broadcast_in_dim3A_57 = arith.constant 0.000000e+00 : f32
    %broadcast_in_dim3A_58 = vector.broadcast %broadcast_in_dim3A_57 : f32 to vector<16xf32>
    %swap3A_59 = arith.constant 0 : i32
    %swap3A_60 = arith.index_cast %swap3A_59 : i32 to index
    %swap3A_61 = arith.constant 112 : index
    %swap3A_62 = tpu.vector_load %arg9[%swap3A_60, %swap3A_61] {strides = array<i32>} : memref<16x144xf32, #tpu.memory_space<vmem>>, vector<1x16xf32>,
    %swap3A_63 = vector.shape_cast %swap3A_62 : vector<1x16xf32> to vector<16xf32>
    %swap3A_64 = vector.shape_cast %broadcast_in_dim3A_58 : vector<16xf32> to vector<1x16xf32>
    tpu.vector_store %arg9[%swap3A_60, %swap3A_61], %swap3A_64 {strides = array<i32>} : memref<16x144xf32, #tpu.memory_space<vmem>>, vector<1x16xf32>,
    %broadcast_in_dim3A_65 = arith.constant 0.000000e+00 : f32
    %broadcast_in_dim3A_66 = vector.broadcast %broadcast_in_dim3A_65 : f32 to vector<16xf32>
    %swap3A_67 = arith.constant 0 : i32
    %swap3A_68 = arith.index_cast %swap3A_67 : i32 to index
    %swap3A_69 = arith.constant 128 : index
    %swap3A_70 = tpu.vector_load %arg9[%swap3A_68, %swap3A_69] {strides = array<i32>} : memref<16x144xf32, #tpu.memory_space<vmem>>, vector<1x16xf32>,
    %swap3A_71 = vector.shape_cast %swap3A_70 : vector<1x16xf32> to vector<16xf32>
    %swap3A_72 = vector.shape_cast %broadcast_in_dim3A_66 : vector<16xf32> to vector<1x16xf32>
    tpu.vector_store %arg9[%swap3A_68, %swap3A_69], %swap3A_72 {strides = array<i32>} : memref<16x144xf32, #tpu.memory_space<vmem>>, vector<1x16xf32>,
    %broadcast_in_dim3A_73 = arith.constant 0.000000e+00 : f32
    %broadcast_in_dim3A_74 = vector.broadcast %broadcast_in_dim3A_73 : f32 to vector<16xf32>
    %swap3A_75 = arith.constant 1 : i32
    %swap3A_76 = arith.index_cast %swap3A_75 : i32 to index
    %swap3A_77 = arith.constant 0 : index
    %swap3A_78 = tpu.vector_load %arg9[%swap3A_76, %swap3A_77] {strides = array<i32>} : memref<16x144xf32, #tpu.memory_space<vmem>>, vector<1x16xf32>,
    %swap3A_79 = vector.shape_cast %swap3A_78 : vector<1x16xf32> to vector<16xf32>
    %swap3A_80 = vector.shape_cast %broadcast_in_dim3A_74 : vector<16xf32> to vector<1x16xf32>
    tpu.vector_store %arg9[%swap3A_76, %swap3A_77], %swap3A_80 {strides = array<i32>} : memref<16x144xf32, #tpu.memory_space<vmem>>, vector<1x16xf32>,
    %broadcast_in_dim3A_81 = arith.constant 0.000000e+00 : f32
    %broadcast_in_dim3A_82 = vector.broadcast %broadcast_in_dim3A_81 : f32 to vector<16xf32>
    %swap3A_83 = arith.constant 1 : i32
    %swap3A_84 = arith.index_cast %swap3A_83 : i32 to index
    %swap3A_85 = arith.constant 16 : index
    %swap3A_86 = tpu.vector_load %arg9[%swap3A_84, %swap3A_85] {strides = array<i32>} : memref<16x144xf32, #tpu.memory_space<vmem>>, vector<1x16xf32>,
    %swap3A_87 = vector.shape_cast %swap3A_86 : vector<1x16xf32> to vector<16xf32>
    %swap3A_88 = vector.shape_cast %broadcast_in_dim3A_82 : vector<16xf32> to vector<1x16xf32>
    tpu.vector_store %arg9[%swap3A_84, %swap3A_85], %swap3A_88 {strides = array<i32>} : memref<16x144xf32, #tpu.memory_space<vmem>>, vector<1x16xf32>,
    %broadcast_in_dim3A_89 = arith.constant 0.000000e+00 : f32
    %broadcast_in_dim3A_90 = vector.broadcast %broadcast_in_dim3A_89 : f32 to vector<16xf32>
    %swap3A_91 = arith.constant 1 : i32
    %swap3A_92 = arith.index_cast %swap3A_91 : i32 to index
    %swap3A_93 = arith.constant 32 : index
    %swap3A_94 = tpu.vector_load %arg9[%swap3A_92, %swap3A_93] {strides = array<i32>} : memref<16x144xf32, #tpu.memory_space<vmem>>, vector<1x16xf32>,
    %swap3A_95 = vector.shape_cast %swap3A_94 : vector<1x16xf32> to vector<16xf32>
    %swap3A_96 = vector.shape_cast %broadcast_in_dim3A_90 : vector<16xf32> to vector<1x16xf32>
    tpu.vector_store %arg9[%swap3A_92, %swap3A_93], %swap3A_96 {strides = array<i32>} : memref<16x144xf32, #tpu.memory_space<vmem>>, vector<1x16xf32>,
    %broadcast_in_dim3A_97 = arith.constant 0.000000e+00 : f32
    %broadcast_in_dim3A_98 = vector.broadcast %broadcast_in_dim3A_97 : f32 to vector<16xf32>
    %swap3A_99 = arith.constant 1 : i32
    %swap3A_100 = arith.index_cast %swap3A_99 : i32 to index
    %swap3A_101 = arith.constant 48 : index
    %swap3A_102 = tpu.vector_load %arg9[%swap3A_100, %swap3A_101] {strides = array<i32>} : memref<16x144xf32, #tpu.memory_space<vmem>>, vector<1x16xf32>,
    %swap3A_103 = vector.shape_cast %swap3A_102 : vector<1x16xf32> to vector<16xf32>
    %swap3A_104 = vector.shape_cast %broadcast_in_dim3A_98 : vector<16xf32> to vector<1x16xf32>
    tpu.vector_store %arg9[%swap3A_100, %swap3A_101], %swap3A_104 {strides = array<i32>} : memref<16x144xf32, #tpu.memory_space<vmem>>, vector<1x16xf32>,
    %broadcast_in_dim3A_105 = arith.constant 0.000000e+00 : f32
    %broadcast_in_dim3A_106 = vector.broadcast %broadcast_in_dim3A_105 : f32 to vector<16xf32>
    %swap3A_107 = arith.constant 1 : i32
    %swap3A_108 = arith.index_cast %swap3A_107 : i32 to index
    %swap3A_109 = arith.constant 64 : index
    %swap3A_110 = tpu.vector_load %arg9[%swap3A_108, %swap3A_109] {strides = array<i32>} : memref<16x144xf32, #tpu.memory_space<vmem>>, vector<1x16xf32>,
    %swap3A_111 = vector.shape_cast %swap3A_110 : vector<1x16xf32> to vector<16xf32>
    %swap3A_112 = vector.shape_cast %broadcast_in_dim3A_106 : vector<16xf32> to vector<1x16xf32>
    tpu.vector_store %arg9[%swap3A_108, %swap3A_109], %swap3A_112 {strides = array<i32>} : memref<16x144xf32, #tpu.memory_space<vmem>>, vector<1x16xf32>,
    %broadcast_in_dim3A_113 = arith.constant 0.000000e+00 : f32
    %broadcast_in_dim3A_114 = vector.broadcast %broadcast_in_dim3A_113 : f32 to vector<16xf32>
    %swap3A_115 = arith.constant 1 : i32
    %swap3A_116 = arith.index_cast %swap3A_115 : i32 to index
    %swap3A_117 = arith.constant 80 : index
    %swap3A_118 = tpu.vector_load %arg9[%swap3A_116, %swap3A_117] {strides = array<i32>} : memref<16x144xf32, #tpu.memory_space<vmem>>, vector<1x16xf32>,
    %swap3A_119 = vector.shape_cast %swap3A_118 : vector<1x16xf32> to vector<16xf32>
    %swap3A_120 = vector.shape_cast %broadcast_in_dim3A_114 : vector<16xf32> to vector<1x16xf32>
    tpu.vector_store %arg9[%swap3A_116, %swap3A_117], %swap3A_120 {strides = array<i32>} : memref<16x144xf32, #tpu.memory_space<vmem>>, vector<1x16xf32>,
    %broadcast_in_dim3A_121 = arith.constant 0.000000e+00 : f32
    %broadcast_in_dim3A_122 = vector.broadcast %broadcast_in_dim3A_121 : f32 to vector<16xf32>
    %swap3A_123 = arith.constant 1 : i32
    %swap3A_124 = arith.index_cast %swap3A_123 : i32 to index
    %swap3A_125 = arith.constant 96 : index
    %swap3A_126 = tpu.vector_load %arg9[%swap3A_124, %swap3A_125] {strides = array<i32>} : memref<16x144xf32, #tpu.memory_space<vmem>>, vector<1x16xf32>,
    %swap3A_127 = vector.shape_cast %swap3A_126 : vector<1x16xf32> to vector<16xf32>
    %swap3A_128 = vector.shape_cast %broadcast_in_dim3A_122 : vector<16xf32> to vector<1x16xf32>
    tpu.vector_store %arg9[%swap3A_124, %swap3A_125], %swap3A_128 {strides = array<i32>} : memref<16x144xf32, #tpu.memory_space<vmem>>, vector<1x16xf32>,
    %broadcast_in_dim3A_129 = arith.constant 0.000000e+00 : f32
    %broadcast_in_dim3A_130 = vector.broadcast %broadcast_in_dim3A_129 : f32 to vector<16xf32>
    %swap3A_131 = arith.constant 1 : i32
    %swap3A_132 = arith.index_cast %swap3A_131 : i32 to index
    %swap3A_133 = arith.constant 112 : index
    %swap3A_134 = tpu.vector_load %arg9[%swap3A_132, %swap3A_133] {strides = array<i32>} : memref<16x144xf32, #tpu.memory_space<vmem>>, vector<1x16xf32>,
    %swap3A_135 = vector.shape_cast %swap3A_134 : vector<1x16xf32> to vector<16xf32>
    %swap3A_136 = vector.shape_cast %broadcast_in_dim3A_130 : vector<16xf32> to vector<1x16xf32>
    tpu.vector_store %arg9[%swap3A_132, %swap3A_133], %swap3A_136 {strides = array<i32>} : memref<16x144xf32, #tpu.memory_space<vmem>>, vector<1x16xf32>,
    %broadcast_in_dim3A_137 = arith.constant 0.000000e+00 : f32
    %broadcast_in_dim3A_138 = vector.broadcast %broadcast_in_dim3A_137 : f32 to vector<16xf32>
    %swap3A_139 = arith.constant 1 : i32
    %swap3A_140 = arith.index_cast %swap3A_139 : i32 to index
    %swap3A_141 = arith.constant 128 : index
    %swap3A_142 = tpu.vector_load %arg9[%swap3A_140, %swap3A_141] {strides = array<i32>} : memref<16x144xf32, #tpu.memory_space<vmem>>, vector<1x16xf32>,
    %swap3A_143 = vector.shape_cast %swap3A_142 : vector<1x16xf32> to vector<16xf32>
    %swap3A_144 = vector.shape_cast %broadcast_in_dim3A_138 : vector<16xf32> to vector<1x16xf32>
    tpu.vector_store %arg9[%swap3A_140, %swap3A_141], %swap3A_144 {strides = array<i32>} : memref<16x144xf32, #tpu.memory_space<vmem>>, vector<1x16xf32>,
    %broadcast_in_dim3A_145 = arith.constant 0.000000e+00 : f32
    %broadcast_in_dim3A_146 = vector.broadcast %broadcast_in_dim3A_145 : f32 to vector<16xf32>
    %swap3A_147 = arith.constant 2 : i32
    %swap3A_148 = arith.index_cast %swap3A_147 : i32 to index
    %swap3A_149 = arith.constant 0 : index
    %swap3A_150 = tpu.vector_load %arg9[%swap3A_148, %swap3A_149] {strides = array<i32>} : memref<16x144xf32, #tpu.memory_space<vmem>>, vector<1x16xf32>,
    %swap3A_151 = vector.shape_cast %swap3A_150 : vector<1x16xf32> to vector<16xf32>
    %swap3A_152 = vector.shape_cast %broadcast_in_dim3A_146 : vector<16xf32> to vector<1x16xf32>
    tpu.vector_store %arg9[%swap3A_148, %swap3A_149], %swap3A_152 {strides = array<i32>} : memref<16x144xf32, #tpu.memory_space<vmem>>, vector<1x16xf32>,
    %broadcast_in_dim3A_153 = arith.constant 0.000000e+00 : f32
    %broadcast_in_dim3A_154 = vector.broadcast %broadcast_in_dim3A_153 : f32 to vector<16xf32>
    %swap3A_155 = arith.constant 2 : i32
    %swap3A_156 = arith.index_cast %swap3A_155 : i32 to index
    %swap3A_157 = arith.constant 16 : index
    %swap3A_158 = tpu.vector_load %arg9[%swap3A_156, %swap3A_157] {strides = array<i32>} : memref<16x144xf32, #tpu.memory_space<vmem>>, vector<1x16xf32>,
    %swap3A_159 = vector.shape_cast %swap3A_158 : vector<1x16xf32> to vector<16xf32>
    %swap3A_160 = vector.shape_cast %broadcast_in_dim3A_154 : vector<16xf32> to vector<1x16xf32>
    tpu.vector_store %arg9[%swap3A_156, %swap3A_157], %swap3A_160 {strides = array<i32>} : memref<16x144xf32, #tpu.memory_space<vmem>>, vector<1x16xf32>,
    %broadcast_in_dim3A_161 = arith.constant 0.000000e+00 : f32
    %broadcast_in_dim3A_162 = vector.broadcast %broadcast_in_dim3A_161 : f32 to vector<16xf32>
    %swap3A_163 = arith.constant 2 : i32
    %swap3A_164 = arith.index_cast %swap3A_163 : i32 to index
    %swap3A_165 = arith.constant 32 : index
    %swap3A_166 = tpu.vector_load %arg9[%swap3A_164, %swap3A_165] {strides = array<i32>} : memref<16x144xf32, #tpu.memory_space<vmem>>, vector<1x16xf32>,
    %swap3A_167 = vector.shape_cast %swap3A_166 : vector<1x16xf32> to vector<16xf32>
    %swap3A_168 = vector.shape_cast %broadcast_in_dim3A_162 : vector<16xf32> to vector<1x16xf32>
    tpu.vector_store %arg9[%swap3A_164, %swap3A_165], %swap3A_168 {strides = array<i32>} : memref<16x144xf32, #tpu.memory_space<vmem>>, vector<1x16xf32>,
    %broadcast_in_dim3A_169 = arith.constant 0.000000e+00 : f32
    %broadcast_in_dim3A_170 = vector.broadcast %broadcast_in_dim3A_169 : f32 to vector<16xf32>
    %swap3A_171 = arith.constant 2 : i32
    %swap3A_172 = arith.index_cast %swap3A_171 : i32 to index
    %swap3A_173 = arith.constant 48 : index
    %swap3A_174 = tpu.vector_load %arg9[%swap3A_172, %swap3A_173] {strides = array<i32>} : memref<16x144xf32, #tpu.memory_space<vmem>>, vector<1x16xf32>,
    %swap3A_175 = vector.shape_cast %swap3A_174 : vector<1x16xf32> to vector<16xf32>
    %swap3A_176 = vector.shape_cast %broadcast_in_dim3A_170 : vector<16xf32> to vector<1x16xf32>
    tpu.vector_store %arg9[%swap3A_172, %swap3A_173], %swap3A_176 {strides = array<i32>} : memref<16x144xf32, #tpu.memory_space<vmem>>, vector<1x16xf32>,
    %broadcast_in_dim3A_177 = arith.constant 0.000000e+00 : f32
    %broadcast_in_dim3A_178 = vector.broadcast %broadcast_in_dim3A_177 : f32 to vector<16xf32>
    %swap3A_179 = arith.constant 2 : i32
    %swap3A_180 = arith.index_cast %swap3A_179 : i32 to index
    %swap3A_181 = arith.constant 64 : index
    %swap3A_182 = tpu.vector_load %arg9[%swap3A_180, %swap3A_181] {strides = array<i32>} : memref<16x144xf32, #tpu.memory_space<vmem>>, vector<1x16xf32>,
    %swap3A_183 = vector.shape_cast %swap3A_182 : vector<1x16xf32> to vector<16xf32>
    %swap3A_184 = vector.shape_cast %broadcast_in_dim3A_178 : vector<16xf32> to vector<1x16xf32>
    tpu.vector_store %arg9[%swap3A_180, %swap3A_181], %swap3A_184 {strides = array<i32>} : memref<16x144xf32, #tpu.memory_space<vmem>>, vector<1x16xf32>,
    %broadcast_in_dim3A_185 = arith.constant 0.000000e+00 : f32
    %broadcast_in_dim3A_186 = vector.broadcast %broadcast_in_dim3A_185 : f32 to vector<16xf32>
    %swap3A_187 = arith.constant 2 : i32
    %swap3A_188 = arith.index_cast %swap3A_187 : i32 to index
    %swap3A_189 = arith.constant 80 : index
    %swap3A_190 = tpu.vector_load %arg9[%swap3A_188, %swap3A_189] {strides = array<i32>} : memref<16x144xf32, #tpu.memory_space<vmem>>, vector<1x16xf32>,
    %swap3A_191 = vector.shape_cast %swap3A_190 : vector<1x16xf32> to vector<16xf32>
    %swap3A_192 = vector.shape_cast %broadcast_in_dim3A_186 : vector<16xf32> to vector<1x16xf32>
    tpu.vector_store %arg9[%swap3A_188, %swap3A_189], %swap3A_192 {strides = array<i32>} : memref<16x144xf32, #tpu.memory_space<vmem>>, vector<1x16xf32>,
    %broadcast_in_dim3A_193 = arith.constant 0.000000e+00 : f32
    %broadcast_in_dim3A_194 = vector.broadcast %broadcast_in_dim3A_193 : f32 to vector<16xf32>
    %swap3A_195 = arith.constant 2 : i32
    %swap3A_196 = arith.index_cast %swap3A_195 : i32 to index
    %swap3A_197 = arith.constant 96 : index
    %swap3A_198 = tpu.vector_load %arg9[%swap3A_196, %swap3A_197] {strides = array<i32>} : memref<16x144xf32, #tpu.memory_space<vmem>>, vector<1x16xf32>,
    %swap3A_199 = vector.shape_cast %swap3A_198 : vector<1x16xf32> to vector<16xf32>
    %swap3A_200 = vector.shape_cast %broadcast_in_dim3A_194 : vector<16xf32> to vector<1x16xf32>
    tpu.vector_store %arg9[%swap3A_196, %swap3A_197], %swap3A_200 {strides = array<i32>} : memref<16x144xf32, #tpu.memory_space<vmem>>, vector<1x16xf32>,
    %broadcast_in_dim3A_201 = arith.constant 0.000000e+00 : f32
    %broadcast_in_dim3A_202 = vector.broadcast %broadcast_in_dim3A_201 : f32 to vector<16xf32>
    %swap3A_203 = arith.constant 2 : i32
    %swap3A_204 = arith.index_cast %swap3A_203 : i32 to index
    %swap3A_205 = arith.constant 112 : index
    %swap3A_206 = tpu.vector_load %arg9[%swap3A_204, %swap3A_205] {strides = array<i32>} : memref<16x144xf32, #tpu.memory_space<vmem>>, vector<1x16xf32>,
    %swap3A_207 = vector.shape_cast %swap3A_206 : vector<1x16xf32> to vector<16xf32>
    %swap3A_208 = vector.shape_cast %broadcast_in_dim3A_202 : vector<16xf32> to vector<1x16xf32>
    tpu.vector_store %arg9[%swap3A_204, %swap3A_205], %swap3A_208 {strides = array<i32>} : memref<16x144xf32, #tpu.memory_space<vmem>>, vector<1x16xf32>,
    %broadcast_in_dim3A_209 = arith.constant 0.000000e+00 : f32
    %broadcast_in_dim3A_210 = vector.broadcast %broadcast_in_dim3A_209 : f32 to vector<16xf32>
    %swap3A_211 = arith.constant 2 : i32
    %swap3A_212 = arith.index_cast %swap3A_211 : i32 to index
    %swap3A_213 = arith.constant 128 : index
    %swap3A_214 = tpu.vector_load %arg9[%swap3A_212, %swap3A_213] {strides = array<i32>} : memref<16x144xf32, #tpu.memory_space<vmem>>, vector<1x16xf32>,
    %swap3A_215 = vector.shape_cast %swap3A_214 : vector<1x16xf32> to vector<16xf32>
    %swap3A_216 = vector.shape_cast %broadcast_in_dim3A_210 : vector<16xf32> to vector<1x16xf32>
    tpu.vector_store %arg9[%swap3A_212, %swap3A_213], %swap3A_216 {strides = array<i32>} : memref<16x144xf32, #tpu.memory_space<vmem>>, vector<1x16xf32>,
    %broadcast_in_dim3A_217 = arith.constant 0.000000e+00 : f32
    %broadcast_in_dim3A_218 = vector.broadcast %broadcast_in_dim3A_217 : f32 to vector<16xf32>
    %swap3A_219 = arith.constant 3 : i32
    %swap3A_220 = arith.index_cast %swap3A_219 : i32 to index
    %swap3A_221 = arith.constant 0 : index
    %swap3A_222 = tpu.vector_load %arg9[%swap3A_220, %swap3A_221] {strides = array<i32>} : memref<16x144xf32, #tpu.memory_space<vmem>>, vector<1x16xf32>,
    %swap3A_223 = vector.shape_cast %swap3A_222 : vector<1x16xf32> to vector<16xf32>
    %swap3A_224 = vector.shape_cast %broadcast_in_dim3A_218 : vector<16xf32> to vector<1x16xf32>
    tpu.vector_store %arg9[%swap3A_220, %swap3A_221], %swap3A_224 {strides = array<i32>} : memref<16x144xf32, #tpu.memory_space<vmem>>, vector<1x16xf32>,
    %broadcast_in_dim3A_225 = arith.constant 0.000000e+00 : f32
    %broadcast_in_dim3A_226 = vector.broadcast %broadcast_in_dim3A_225 : f32 to vector<16xf32>
    %swap3A_227 = arith.constant 3 : i32
    %swap3A_228 = arith.index_cast %swap3A_227 : i32 to index
    %swap3A_229 = arith.constant 16 : index
    %swap3A_230 = tpu.vector_load %arg9[%swap3A_228, %swap3A_229] {strides = array<i32>} : memref<16x144xf32, #tpu.memory_space<vmem>>, vector<1x16xf32>,
    %swap3A_231 = vector.shape_cast %swap3A_230 : vector<1x16xf32> to vector<16xf32>
    %swap3A_232 = vector.shape_cast %broadcast_in_dim3A_226 : vector<16xf32> to vector<1x16xf32>
    tpu.vector_store %arg9[%swap3A_228, %swap3A_229], %swap3A_232 {strides = array<i32>} : memref<16x144xf32, #tpu.memory_space<vmem>>, vector<1x16xf32>,
    %broadcast_in_dim3A_233 = arith.constant 0.000000e+00 : f32
    %broadcast_in_dim3A_234 = vector.broadcast %broadcast_in_dim3A_233 : f32 to vector<16xf32>
    %swap3A_235 = arith.constant 3 : i32
    %swap3A_236 = arith.index_cast %swap3A_235 : i32 to index
    %swap3A_237 = arith.constant 32 : index
    %swap3A_238 = tpu.vector_load %arg9[%swap3A_236, %swap3A_237] {strides = array<i32>} : memref<16x144xf32, #tpu.memory_space<vmem>>, vector<1x16xf32>,
    %swap3A_239 = vector.shape_cast %swap3A_238 : vector<1x16xf32> to vector<16xf32>
    %swap3A_240 = vector.shape_cast %broadcast_in_dim3A_234 : vector<16xf32> to vector<1x16xf32>
    tpu.vector_store %arg9[%swap3A_236, %swap3A_237], %swap3A_240 {strides = array<i32>} : memref<16x144xf32, #tpu.memory_space<vmem>>, vector<1x16xf32>,
    %broadcast_in_dim3A_241 = arith.constant 0.000000e+00 : f32
    %broadcast_in_dim3A_242 = vector.broadcast %broadcast_in_dim3A_241 : f32 to vector<16xf32>
    %swap3A_243 = arith.constant 3 : i32
    %swap3A_244 = arith.index_cast %swap3A_243 : i32 to index
    %swap3A_245 = arith.constant 48 : index
    %swap3A_246 = tpu.vector_load %arg9[%swap3A_244, %swap3A_245] {strides = array<i32>} : memref<16x144xf32, #tpu.memory_space<vmem>>, vector<1x16xf32>,
    %swap3A_247 = vector.shape_cast %swap3A_246 : vector<1x16xf32> to vector<16xf32>
    %swap3A_248 = vector.shape_cast %broadcast_in_dim3A_242 : vector<16xf32> to vector<1x16xf32>
    tpu.vector_store %arg9[%swap3A_244, %swap3A_245], %swap3A_248 {strides = array<i32>} : memref<16x144xf32, #tpu.memory_space<vmem>>, vector<1x16xf32>,
    %broadcast_in_dim3A_249 = arith.constant 0.000000e+00 : f32
    %broadcast_in_dim3A_250 = vector.broadcast %broadcast_in_dim3A_249 : f32 to vector<16xf32>
    %swap3A_251 = arith.constant 3 : i32
    %swap3A_252 = arith.index_cast %swap3A_251 : i32 to index
    %swap3A_253 = arith.constant 64 : index
    %swap3A_254 = tpu.vector_load %arg9[%swap3A_252, %swap3A_253] {strides = array<i32>} : memref<16x144xf32, #tpu.memory_space<vmem>>, vector<1x16xf32>,
    %swap3A_255 = vector.shape_cast %swap3A_254 : vector<1x16xf32> to vector<16xf32>
    %swap3A_256 = vector.shape_cast %broadcast_in_dim3A_250 : vector<16xf32> to vector<1x16xf32>
    tpu.vector_store %arg9[%swap3A_252, %swap3A_253], %swap3A_256 {strides = array<i32>} : memref<16x144xf32, #tpu.memory_space<vmem>>, vector<1x16xf32>,
    %broadcast_in_dim3A_257 = arith.constant 0.000000e+00 : f32
    %broadcast_in_dim3A_258 = vector.broadcast %broadcast_in_dim3A_257 : f32 to vector<16xf32>
    %swap3A_259 = arith.constant 3 : i32
    %swap3A_260 = arith.index_cast %swap3A_259 : i32 to index
    %swap3A_261 = arith.constant 80 : index
    %swap3A_262 = tpu.vector_load %arg9[%swap3A_260, %swap3A_261] {strides = array<i32>} : memref<16x144xf32, #tpu.memory_space<vmem>>, vector<1x16xf32>,
    %swap3A_263 = vector.shape_cast %swap3A_262 : vector<1x16xf32> to vector<16xf32>
    %swap3A_264 = vector.shape_cast %broadcast_in_dim3A_258 : vector<16xf32> to vector<1x16xf32>
    tpu.vector_store %arg9[%swap3A_260, %swap3A_261], %swap3A_264 {strides = array<i32>} : memref<16x144xf32, #tpu.memory_space<vmem>>, vector<1x16xf32>,
    %broadcast_in_dim3A_265 = arith.constant 0.000000e+00 : f32
    %broadcast_in_dim3A_266 = vector.broadcast %broadcast_in_dim3A_265 : f32 to vector<16xf32>
    %swap3A_267 = arith.constant 3 : i32
    %swap3A_268 = arith.index_cast %swap3A_267 : i32 to index
    %swap3A_269 = arith.constant 96 : index
    %swap3A_270 = tpu.vector_load %arg9[%swap3A_268, %swap3A_269] {strides = array<i32>} : memref<16x144xf32, #tpu.memory_space<vmem>>, vector<1x16xf32>,
    %swap3A_271 = vector.shape_cast %swap3A_270 : vector<1x16xf32> to vector<16xf32>
    %swap3A_272 = vector.shape_cast %broadcast_in_dim3A_266 : vector<16xf32> to vector<1x16xf32>
    tpu.vector_store %arg9[%swap3A_268, %swap3A_269], %swap3A_272 {strides = array<i32>} : memref<16x144xf32, #tpu.memory_space<vmem>>, vector<1x16xf32>,
    %broadcast_in_dim3A_273 = arith.constant 0.000000e+00 : f32
    %broadcast_in_dim3A_274 = vector.broadcast %broadcast_in_dim3A_273 : f32 to vector<16xf32>
    %swap3A_275 = arith.constant 3 : i32
    %swap3A_276 = arith.index_cast %swap3A_275 : i32 to index
    %swap3A_277 = arith.constant 112 : index
    %swap3A_278 = tpu.vector_load %arg9[%swap3A_276, %swap3A_277] {strides = array<i32>} : memref<16x144xf32, #tpu.memory_space<vmem>>, vector<1x16xf32>,
    %swap3A_279 = vector.shape_cast %swap3A_278 : vector<1x16xf32> to vector<16xf32>
    %swap3A_280 = vector.shape_cast %broadcast_in_dim3A_274 : vector<16xf32> to vector<1x16xf32>
    tpu.vector_store %arg9[%swap3A_276, %swap3A_277], %swap3A_280 {strides = array<i32>} : memref<16x144xf32, #tpu.memory_space<vmem>>, vector<1x16xf32>,
    %broadcast_in_dim3A_281 = arith.constant 0.000000e+00 : f32
    %broadcast_in_dim3A_282 = vector.broadcast %broadcast_in_dim3A_281 : f32 to vector<16xf32>
    %swap3A_283 = arith.constant 3 : i32
    %swap3A_284 = arith.index_cast %swap3A_283 : i32 to index
    %swap3A_285 = arith.constant 128 : index
    %swap3A_286 = tpu.vector_load %arg9[%swap3A_284, %swap3A_285] {strides = array<i32>} : memref<16x144xf32, #tpu.memory_space<vmem>>, vector<1x16xf32>,
    %swap3A_287 = vector.shape_cast %swap3A_286 : vector<1x16xf32> to vector<16xf32>
    %swap3A_288 = vector.shape_cast %broadcast_in_dim3A_282 : vector<16xf32> to vector<1x16xf32>
    tpu.vector_store %arg9[%swap3A_284, %swap3A_285], %swap3A_288 {strides = array<i32>} : memref<16x144xf32, #tpu.memory_space<vmem>>, vector<1x16xf32>,
    %broadcast_in_dim3A_289 = arith.constant 0.000000e+00 : f32
    %broadcast_in_dim3A_290 = vector.broadcast %broadcast_in_dim3A_289 : f32 to vector<16xf32>
    %swap3A_291 = arith.constant 4 : i32
    %swap3A_292 = arith.index_cast %swap3A_291 : i32 to index
    %swap3A_293 = arith.constant 0 : index
    %swap3A_294 = tpu.vector_load %arg9[%swap3A_292, %swap3A_293] {strides = array<i32>} : memref<16x144xf32, #tpu.memory_space<vmem>>, vector<1x16xf32>,
    %swap3A_295 = vector.shape_cast %swap3A_294 : vector<1x16xf32> to vector<16xf32>
    %swap3A_296 = vector.shape_cast %broadcast_in_dim3A_290 : vector<16xf32> to vector<1x16xf32>
    tpu.vector_store %arg9[%swap3A_292, %swap3A_293], %swap3A_296 {strides = array<i32>} : memref<16x144xf32, #tpu.memory_space<vmem>>, vector<1x16xf32>,
    %broadcast_in_dim3A_297 = arith.constant 0.000000e+00 : f32
    %broadcast_in_dim3A_298 = vector.broadcast %broadcast_in_dim3A_297 : f32 to vector<16xf32>
    %swap3A_299 = arith.constant 4 : i32
    %swap3A_300 = arith.index_cast %swap3A_299 : i32 to index
    %swap3A_301 = arith.constant 16 : index
    %swap3A_302 = tpu.vector_load %arg9[%swap3A_300, %swap3A_301] {strides = array<i32>} : memref<16x144xf32, #tpu.memory_space<vmem>>, vector<1x16xf32>,
    %swap3A_303 = vector.shape_cast %swap3A_302 : vector<1x16xf32> to vector<16xf32>
    %swap3A_304 = vector.shape_cast %broadcast_in_dim3A_298 : vector<16xf32> to vector<1x16xf32>
    tpu.vector_store %arg9[%swap3A_300, %swap3A_301], %swap3A_304 {strides = array<i32>} : memref<16x144xf32, #tpu.memory_space<vmem>>, vector<1x16xf32>,
    %broadcast_in_dim3A_305 = arith.constant 0.000000e+00 : f32
    %broadcast_in_dim3A_306 = vector.broadcast %broadcast_in_dim3A_305 : f32 to vector<16xf32>
    %swap3A_307 = arith.constant 4 : i32
    %swap3A_308 = arith.index_cast %swap3A_307 : i32 to index
    %swap3A_309 = arith.constant 32 : index
    %swap3A_310 = tpu.vector_load %arg9[%swap3A_308, %swap3A_309] {strides = array<i32>} : memref<16x144xf32, #tpu.memory_space<vmem>>, vector<1x16xf32>,
    %swap3A_311 = vector.shape_cast %swap3A_310 : vector<1x16xf32> to vector<16xf32>
    %swap3A_312 = vector.shape_cast %broadcast_in_dim3A_306 : vector<16xf32> to vector<1x16xf32>
    tpu.vector_store %arg9[%swap3A_308, %swap3A_309], %swap3A_312 {strides = array<i32>} : memref<16x144xf32, #tpu.memory_space<vmem>>, vector<1x16xf32>,
    %broadcast_in_dim3A_313 = arith.constant 0.000000e+00 : f32
    %broadcast_in_dim3A_314 = vector.broadcast %broadcast_in_dim3A_313 : f32 to vector<16xf32>
    %swap3A_315 = arith.constant 4 : i32
    %swap3A_316 = arith.index_cast %swap3A_315 : i32 to index
    %swap3A_317 = arith.constant 48 : index
    %swap3A_318 = tpu.vector_load %arg9[%swap3A_316, %swap3A_317] {strides = array<i32>} : memref<16x144xf32, #tpu.memory_space<vmem>>, vector<1x16xf32>,
    %swap3A_319 = vector.shape_cast %swap3A_318 : vector<1x16xf32> to vector<16xf32>
    %swap3A_320 = vector.shape_cast %broadcast_in_dim3A_314 : vector<16xf32> to vector<1x16xf32>
    tpu.vector_store %arg9[%swap3A_316, %swap3A_317], %swap3A_320 {strides = array<i32>} : memref<16x144xf32, #tpu.memory_space<vmem>>, vector<1x16xf32>,
    %broadcast_in_dim3A_321 = arith.constant 0.000000e+00 : f32
    %broadcast_in_dim3A_322 = vector.broadcast %broadcast_in_dim3A_321 : f32 to vector<16xf32>
    %swap3A_323 = arith.constant 4 : i32
    %swap3A_324 = arith.index_cast %swap3A_323 : i32 to index
    %swap3A_325 = arith.constant 64 : index
    %swap3A_326 = tpu.vector_load %arg9[%swap3A_324, %swap3A_325] {strides = array<i32>} : memref<16x144xf32, #tpu.memory_space<vmem>>, vector<1x16xf32>,
    %swap3A_327 = vector.shape_cast %swap3A_326 : vector<1x16xf32> to vector<16xf32>
    %swap3A_328 = vector.shape_cast %broadcast_in_dim3A_322 : vector<16xf32> to vector<1x16xf32>
    tpu.vector_store %arg9[%swap3A_324, %swap3A_325], %swap3A_328 {strides = array<i32>} : memref<16x144xf32, #tpu.memory_space<vmem>>, vector<1x16xf32>,
    %broadcast_in_dim3A_329 = arith.constant 0.000000e+00 : f32
    %broadcast_in_dim3A_330 = vector.broadcast %broadcast_in_dim3A_329 : f32 to vector<16xf32>
    %swap3A_331 = arith.constant 4 : i32
    %swap3A_332 = arith.index_cast %swap3A_331 : i32 to index
    %swap3A_333 = arith.constant 80 : index
    %swap3A_334 = tpu.vector_load %arg9[%swap3A_332, %swap3A_333] {strides = array<i32>} : memref<16x144xf32, #tpu.memory_space<vmem>>, vector<1x16xf32>,
    %swap3A_335 = vector.shape_cast %swap3A_334 : vector<1x16xf32> to vector<16xf32>
    %swap3A_336 = vector.shape_cast %broadcast_in_dim3A_330 : vector<16xf32> to vector<1x16xf32>
    tpu.vector_store %arg9[%swap3A_332, %swap3A_333], %swap3A_336 {strides = array<i32>} : memref<16x144xf32, #tpu.memory_space<vmem>>, vector<1x16xf32>,
    %broadcast_in_dim3A_337 = arith.constant 0.000000e+00 : f32
    %broadcast_in_dim3A_338 = vector.broadcast %broadcast_in_dim3A_337 : f32 to vector<16xf32>
    %swap3A_339 = arith.constant 4 : i32
    %swap3A_340 = arith.index_cast %swap3A_339 : i32 to index
    %swap3A_341 = arith.constant 96 : index
    %swap3A_342 = tpu.vector_load %arg9[%swap3A_340, %swap3A_341] {strides = array<i32>} : memref<16x144xf32, #tpu.memory_space<vmem>>, vector<1x16xf32>,
    %swap3A_343 = vector.shape_cast %swap3A_342 : vector<1x16xf32> to vector<16xf32>
    %swap3A_344 = vector.shape_cast %broadcast_in_dim3A_338 : vector<16xf32> to vector<1x16xf32>
    tpu.vector_store %arg9[%swap3A_340, %swap3A_341], %swap3A_344 {strides = array<i32>} : memref<16x144xf32, #tpu.memory_space<vmem>>, vector<1x16xf32>,
    %broadcast_in_dim3A_345 = arith.constant 0.000000e+00 : f32
    %broadcast_in_dim3A_346 = vector.broadcast %broadcast_in_dim3A_345 : f32 to vector<16xf32>
    %swap3A_347 = arith.constant 4 : i32
    %swap3A_348 = arith.index_cast %swap3A_347 : i32 to index
    %swap3A_349 = arith.constant 112 : index
    %swap3A_350 = tpu.vector_load %arg9[%swap3A_348, %swap3A_349] {strides = array<i32>} : memref<16x144xf32, #tpu.memory_space<vmem>>, vector<1x16xf32>,
    %swap3A_351 = vector.shape_cast %swap3A_350 : vector<1x16xf32> to vector<16xf32>
    %swap3A_352 = vector.shape_cast %broadcast_in_dim3A_346 : vector<16xf32> to vector<1x16xf32>
    tpu.vector_store %arg9[%swap3A_348, %swap3A_349], %swap3A_352 {strides = array<i32>} : memref<16x144xf32, #tpu.memory_space<vmem>>, vector<1x16xf32>,
    %broadcast_in_dim3A_353 = arith.constant 0.000000e+00 : f32
    %broadcast_in_dim3A_354 = vector.broadcast %broadcast_in_dim3A_353 : f32 to vector<16xf32>
    %swap3A_355 = arith.constant 4 : i32
    %swap3A_356 = arith.index_cast %swap3A_355 : i32 to index
    %swap3A_357 = arith.constant 128 : index
    %swap3A_358 = tpu.vector_load %arg9[%swap3A_356, %swap3A_357] {strides = array<i32>} : memref<16x144xf32, #tpu.memory_space<vmem>>, vector<1x16xf32>,
    %swap3A_359 = vector.shape_cast %swap3A_358 : vector<1x16xf32> to vector<16xf32>
    %swap3A_360 = vector.shape_cast %broadcast_in_dim3A_354 : vector<16xf32> to vector<1x16xf32>
    tpu.vector_store %arg9[%swap3A_356, %swap3A_357], %swap3A_360 {strides = array<i32>} : memref<16x144xf32, #tpu.memory_space<vmem>>, vector<1x16xf32>,
    %broadcast_in_dim3A_361 = arith.constant 0.000000e+00 : f32
    %broadcast_in_dim3A_362 = vector.broadcast %broadcast_in_dim3A_361 : f32 to vector<16xf32>
    %swap3A_363 = arith.constant 5 : i32
    %swap3A_364 = arith.index_cast %swap3A_363 : i32 to index
    %swap3A_365 = arith.constant 0 : index
    %swap3A_366 = tpu.vector_load %arg9[%swap3A_364, %swap3A_365] {strides = array<i32>} : memref<16x144xf32, #tpu.memory_space<vmem>>, vector<1x16xf32>,
    %swap3A_367 = vector.shape_cast %swap3A_366 : vector<1x16xf32> to vector<16xf32>
    %swap3A_368 = vector.shape_cast %broadcast_in_dim3A_362 : vector<16xf32> to vector<1x16xf32>
    tpu.vector_store %arg9[%swap3A_364, %swap3A_365], %swap3A_368 {strides = array<i32>} : memref<16x144xf32, #tpu.memory_space<vmem>>, vector<1x16xf32>,
    %broadcast_in_dim3A_369 = arith.constant 0.000000e+00 : f32
    %broadcast_in_dim3A_370 = vector.broadcast %broadcast_in_dim3A_369 : f32 to vector<16xf32>
    %swap3A_371 = arith.constant 5 : i32
    %swap3A_372 = arith.index_cast %swap3A_371 : i32 to index
    %swap3A_373 = arith.constant 16 : index
    %swap3A_374 = tpu.vector_load %arg9[%swap3A_372, %swap3A_373] {strides = array<i32>} : memref<16x144xf32, #tpu.memory_space<vmem>>, vector<1x16xf32>,
    %swap3A_375 = vector.shape_cast %swap3A_374 : vector<1x16xf32> to vector<16xf32>
    %swap3A_376 = vector.shape_cast %broadcast_in_dim3A_370 : vector<16xf32> to vector<1x16xf32>
    tpu.vector_store %arg9[%swap3A_372, %swap3A_373], %swap3A_376 {strides = array<i32>} : memref<16x144xf32, #tpu.memory_space<vmem>>, vector<1x16xf32>,
    %broadcast_in_dim3A_377 = arith.constant 0.000000e+00 : f32
    %broadcast_in_dim3A_378 = vector.broadcast %broadcast_in_dim3A_377 : f32 to vector<16xf32>
    %swap3A_379 = arith.constant 5 : i32
    %swap3A_380 = arith.index_cast %swap3A_379 : i32 to index
    %swap3A_381 = arith.constant 32 : index
    %swap3A_382 = tpu.vector_load %arg9[%swap3A_380, %swap3A_381] {strides = array<i32>} : memref<16x144xf32, #tpu.memory_space<vmem>>, vector<1x16xf32>,
    %swap3A_383 = vector.shape_cast %swap3A_382 : vector<1x16xf32> to vector<16xf32>
    %swap3A_384 = vector.shape_cast %broadcast_in_dim3A_378 : vector<16xf32> to vector<1x16xf32>
    tpu.vector_store %arg9[%swap3A_380, %swap3A_381], %swap3A_384 {strides = array<i32>} : memref<16x144xf32, #tpu.memory_space<vmem>>, vector<1x16xf32>,
    %broadcast_in_dim3A_385 = arith.constant 0.000000e+00 : f32
    %broadcast_in_dim3A_386 = vector.broadcast %broadcast_in_dim3A_385 : f32 to vector<16xf32>
    %swap3A_387 = arith.constant 5 : i32
    %swap3A_388 = arith.index_cast %swap3A_387 : i32 to index
    %swap3A_389 = arith.constant 48 : index
    %swap3A_390 = tpu.vector_load %arg9[%swap3A_388, %swap3A_389] {strides = array<i32>} : memref<16x144xf32, #tpu.memory_space<vmem>>, vector<1x16xf32>,
    %swap3A_391 = vector.shape_cast %swap3A_390 : vector<1x16xf32> to vector<16xf32>
    %swap3A_392 = vector.shape_cast %broadcast_in_dim3A_386 : vector<16xf32> to vector<1x16xf32>
    tpu.vector_store %arg9[%swap3A_388, %swap3A_389], %swap3A_392 {strides = array<i32>} : memref<16x144xf32, #tpu.memory_space<vmem>>, vector<1x16xf32>,
    %broadcast_in_dim3A_393 = arith.constant 0.000000e+00 : f32
    %broadcast_in_dim3A_394 = vector.broadcast %broadcast_in_dim3A_393 : f32 to vector<16xf32>
    %swap3A_395 = arith.constant 5 : i32
    %swap3A_396 = arith.index_cast %swap3A_395 : i32 to index
    %swap3A_397 = arith.constant 64 : index
    %swap3A_398 = tpu.vector_load %arg9[%swap3A_396, %swap3A_397] {strides = array<i32>} : memref<16x144xf32, #tpu.memory_space<vmem>>, vector<1x16xf32>,
    %swap3A_399 = vector.shape_cast %swap3A_398 : vector<1x16xf32> to vector<16xf32>
    %swap3A_400 = vector.shape_cast %broadcast_in_dim3A_394 : vector<16xf32> to vector<1x16xf32>
    tpu.vector_store %arg9[%swap3A_396, %swap3A_397], %swap3A_400 {strides = array<i32>} : memref<16x144xf32, #tpu.memory_space<vmem>>, vector<1x16xf32>,
    %broadcast_in_dim3A_401 = arith.constant 0.000000e+00 : f32
    %broadcast_in_dim3A_402 = vector.broadcast %broadcast_in_dim3A_401 : f32 to vector<16xf32>
    %swap3A_403 = arith.constant 5 : i32
    %swap3A_404 = arith.index_cast %swap3A_403 : i32 to index
    %swap3A_405 = arith.constant 80 : index
    %swap3A_406 = tpu.vector_load %arg9[%swap3A_404, %swap3A_405] {strides = array<i32>} : memref<16x144xf32, #tpu.memory_space<vmem>>, vector<1x16xf32>,
    %swap3A_407 = vector.shape_cast %swap3A_406 : vector<1x16xf32> to vector<16xf32>
    %swap3A_408 = vector.shape_cast %broadcast_in_dim3A_402 : vector<16xf32> to vector<1x16xf32>
    tpu.vector_store %arg9[%swap3A_404, %swap3A_405], %swap3A_408 {strides = array<i32>} : memref<16x144xf32, #tpu.memory_space<vmem>>, vector<1x16xf32>,
    %broadcast_in_dim3A_409 = arith.constant 0.000000e+00 : f32
    %broadcast_in_dim3A_410 = vector.broadcast %broadcast_in_dim3A_409 : f32 to vector<16xf32>
    %swap3A_411 = arith.constant 5 : i32
    %swap3A_412 = arith.index_cast %swap3A_411 : i32 to index
    %swap3A_413 = arith.constant 96 : index
    %swap3A_414 = tpu.vector_load %arg9[%swap3A_412, %swap3A_413] {strides = array<i32>} : memref<16x144xf32, #tpu.memory_space<vmem>>, vector<1x16xf32>,
    %swap3A_415 = vector.shape_cast %swap3A_414 : vector<1x16xf32> to vector<16xf32>
    %swap3A_416 = vector.shape_cast %broadcast_in_dim3A_410 : vector<16xf32> to vector<1x16xf32>
    tpu.vector_store %arg9[%swap3A_412, %swap3A_413], %swap3A_416 {strides = array<i32>} : memref<16x144xf32, #tpu.memory_space<vmem>>, vector<1x16xf32>,
    %broadcast_in_dim3A_417 = arith.constant 0.000000e+00 : f32
    %broadcast_in_dim3A_418 = vector.broadcast %broadcast_in_dim3A_417 : f32 to vector<16xf32>
    %swap3A_419 = arith.constant 5 : i32
    %swap3A_420 = arith.index_cast %swap3A_419 : i32 to index
    %swap3A_421 = arith.constant 112 : index
    %swap3A_422 = tpu.vector_load %arg9[%swap3A_420, %swap3A_421] {strides = array<i32>} : memref<16x144xf32, #tpu.memory_space<vmem>>, vector<1x16xf32>,
    %swap3A_423 = vector.shape_cast %swap3A_422 : vector<1x16xf32> to vector<16xf32>
    %swap3A_424 = vector.shape_cast %broadcast_in_dim3A_418 : vector<16xf32> to vector<1x16xf32>
    tpu.vector_store %arg9[%swap3A_420, %swap3A_421], %swap3A_424 {strides = array<i32>} : memref<16x144xf32, #tpu.memory_space<vmem>>, vector<1x16xf32>,
    %broadcast_in_dim3A_425 = arith.constant 0.000000e+00 : f32
    %broadcast_in_dim3A_426 = vector.broadcast %broadcast_in_dim3A_425 : f32 to vector<16xf32>
    %swap3A_427 = arith.constant 5 : i32
    %swap3A_428 = arith.index_cast %swap3A_427 : i32 to index
    %swap3A_429 = arith.constant 128 : index
    %swap3A_430 = tpu.vector_load %arg9[%swap3A_428, %swap3A_429] {strides = array<i32>} : memref<16x144xf32, #tpu.memory_space<vmem>>, vector<1x16xf32>,
    %swap3A_431 = vector.shape_cast %swap3A_430 : vector<1x16xf32> to vector<16xf32>
    %swap3A_432 = vector.shape_cast %broadcast_in_dim3A_426 : vector<16xf32> to vector<1x16xf32>
    tpu.vector_store %arg9[%swap3A_428, %swap3A_429], %swap3A_432 {strides = array<i32>} : memref<16x144xf32, #tpu.memory_space<vmem>>, vector<1x16xf32>,
    %broadcast_in_dim3A_433 = arith.constant 0.000000e+00 : f32
    %broadcast_in_dim3A_434 = vector.broadcast %broadcast_in_dim3A_433 : f32 to vector<16xf32>
    %swap3A_435 = arith.constant 6 : i32
    %swap3A_436 = arith.index_cast %swap3A_435 : i32 to index
    %swap3A_437 = arith.constant 0 : index
    %swap3A_438 = tpu.vector_load %arg9[%swap3A_436, %swap3A_437] {strides = array<i32>} : memref<16x144xf32, #tpu.memory_space<vmem>>, vector<1x16xf32>,
    %swap3A_439 = vector.shape_cast %swap3A_438 : vector<1x16xf32> to vector<16xf32>
    %swap3A_440 = vector.shape_cast %broadcast_in_dim3A_434 : vector<16xf32> to vector<1x16xf32>
    tpu.vector_store %arg9[%swap3A_436, %swap3A_437], %swap3A_440 {strides = array<i32>} : memref<16x144xf32, #tpu.memory_space<vmem>>, vector<1x16xf32>,
    %broadcast_in_dim3A_441 = arith.constant 0.000000e+00 : f32
    %broadcast_in_dim3A_442 = vector.broadcast %broadcast_in_dim3A_441 : f32 to vector<16xf32>
    %swap3A_443 = arith.constant 6 : i32
    %swap3A_444 = arith.index_cast %swap3A_443 : i32 to index
    %swap3A_445 = arith.constant 16 : index
    %swap3A_446 = tpu.vector_load %arg9[%swap3A_444, %swap3A_445] {strides = array<i32>} : memref<16x144xf32, #tpu.memory_space<vmem>>, vector<1x16xf32>,
    %swap3A_447 = vector.shape_cast %swap3A_446 : vector<1x16xf32> to vector<16xf32>
    %swap3A_448 = vector.shape_cast %broadcast_in_dim3A_442 : vector<16xf32> to vector<1x16xf32>
    tpu.vector_store %arg9[%swap3A_444, %swap3A_445], %swap3A_448 {strides = array<i32>} : memref<16x144xf32, #tpu.memory_space<vmem>>, vector<1x16xf32>,
    %broadcast_in_dim3A_449 = arith.constant 0.000000e+00 : f32
    %broadcast_in_dim3A_450 = vector.broadcast %broadcast_in_dim3A_449 : f32 to vector<16xf32>
    %swap3A_451 = arith.constant 6 : i32
    %swap3A_452 = arith.index_cast %swap3A_451 : i32 to index
    %swap3A_453 = arith.constant 32 : index
    %swap3A_454 = tpu.vector_load %arg9[%swap3A_452, %swap3A_453] {strides = array<i32>} : memref<16x144xf32, #tpu.memory_space<vmem>>, vector<1x16xf32>,
    %swap3A_455 = vector.shape_cast %swap3A_454 : vector<1x16xf32> to vector<16xf32>
    %swap3A_456 = vector.shape_cast %broadcast_in_dim3A_450 : vector<16xf32> to vector<1x16xf32>
    tpu.vector_store %arg9[%swap3A_452, %swap3A_453], %swap3A_456 {strides = array<i32>} : memref<16x144xf32, #tpu.memory_space<vmem>>, vector<1x16xf32>,
    %broadcast_in_dim3A_457 = arith.constant 0.000000e+00 : f32
    %broadcast_in_dim3A_458 = vector.broadcast %broadcast_in_dim3A_457 : f32 to vector<16xf32>
    %swap3A_459 = arith.constant 6 : i32
    %swap3A_460 = arith.index_cast %swap3A_459 : i32 to index
    %swap3A_461 = arith.constant 48 : index
    %swap3A_462 = tpu.vector_load %arg9[%swap3A_460, %swap3A_461] {strides = array<i32>} : memref<16x144xf32, #tpu.memory_space<vmem>>, vector<1x16xf32>,
    %swap3A_463 = vector.shape_cast %swap3A_462 : vector<1x16xf32> to vector<16xf32>
    %swap3A_464 = vector.shape_cast %broadcast_in_dim3A_458 : vector<16xf32> to vector<1x16xf32>
    tpu.vector_store %arg9[%swap3A_460, %swap3A_461], %swap3A_464 {strides = array<i32>} : memref<16x144xf32, #tpu.memory_space<vmem>>, vector<1x16xf32>,
    %broadcast_in_dim3A_465 = arith.constant 0.000000e+00 : f32
    %broadcast_in_dim3A_466 = vector.broadcast %broadcast_in_dim3A_465 : f32 to vector<16xf32>
    %swap3A_467 = arith.constant 6 : i32
    %swap3A_468 = arith.index_cast %swap3A_467 : i32 to index
    %swap3A_469 = arith.constant 64 : index
    %swap3A_470 = tpu.vector_load %arg9[%swap3A_468, %swap3A_469] {strides = array<i32>} : memref<16x144xf32, #tpu.memory_space<vmem>>, vector<1x16xf32>,
    %swap3A_471 = vector.shape_cast %swap3A_470 : vector<1x16xf32> to vector<16xf32>
    %swap3A_472 = vector.shape_cast %broadcast_in_dim3A_466 : vector<16xf32> to vector<1x16xf32>
    tpu.vector_store %arg9[%swap3A_468, %swap3A_469], %swap3A_472 {strides = array<i32>} : memref<16x144xf32, #tpu.memory_space<vmem>>, vector<1x16xf32>,
    %broadcast_in_dim3A_473 = arith.constant 0.000000e+00 : f32
    %broadcast_in_dim3A_474 = vector.broadcast %broadcast_in_dim3A_473 : f32 to vector<16xf32>
    %swap3A_475 = arith.constant 6 : i32
    %swap3A_476 = arith.index_cast %swap3A_475 : i32 to index
    %swap3A_477 = arith.constant 80 : index
    %swap3A_478 = tpu.vector_load %arg9[%swap3A_476, %swap3A_477] {strides = array<i32>} : memref<16x144xf32, #tpu.memory_space<vmem>>, vector<1x16xf32>,
    %swap3A_479 = vector.shape_cast %swap3A_478 : vector<1x16xf32> to vector<16xf32>
    %swap3A_480 = vector.shape_cast %broadcast_in_dim3A_474 : vector<16xf32> to vector<1x16xf32>
    tpu.vector_store %arg9[%swap3A_476, %swap3A_477], %swap3A_480 {strides = array<i32>} : memref<16x144xf32, #tpu.memory_space<vmem>>, vector<1x16xf32>,
    %broadcast_in_dim3A_481 = arith.constant 0.000000e+00 : f32
    %broadcast_in_dim3A_482 = vector.broadcast %broadcast_in_dim3A_481 : f32 to vector<16xf32>
    %swap3A_483 = arith.constant 6 : i32
    %swap3A_484 = arith.index_cast %swap3A_483 : i32 to index
    %swap3A_485 = arith.constant 96 : index
    %swap3A_486 = tpu.vector_load %arg9[%swap3A_484, %swap3A_485] {strides = array<i32>} : memref<16x144xf32, #tpu.memory_space<vmem>>, vector<1x16xf32>,
    %swap3A_487 = vector.shape_cast %swap3A_486 : vector<1x16xf32> to vector<16xf32>
    %swap3A_488 = vector.shape_cast %broadcast_in_dim3A_482 : vector<16xf32> to vector<1x16xf32>
    tpu.vector_store %arg9[%swap3A_484, %swap3A_485], %swap3A_488 {strides = array<i32>} : memref<16x144xf32, #tpu.memory_space<vmem>>, vector<1x16xf32>,
    %broadcast_in_dim3A_489 = arith.constant 0.000000e+00 : f32
    %broadcast_in_dim3A_490 = vector.broadcast %broadcast_in_dim3A_489 : f32 to vector<16xf32>
    %swap3A_491 = arith.constant 6 : i32
    %swap3A_492 = arith.index_cast %swap3A_491 : i32 to index
    %swap3A_493 = arith.constant 112 : index
    %swap3A_494 = tpu.vector_load %arg9[%swap3A_492, %swap3A_493] {strides = array<i32>} : memref<16x144xf32, #tpu.memory_space<vmem>>, vector<1x16xf32>,
    %swap3A_495 = vector.shape_cast %swap3A_494 : vector<1x16xf32> to vector<16xf32>
    %swap3A_496 = vector.shape_cast %broadcast_in_dim3A_490 : vector<16xf32> to vector<1x16xf32>
    tpu.vector_store %arg9[%swap3A_492, %swap3A_493], %swap3A_496 {strides = array<i32>} : memref<16x144xf32, #tpu.memory_space<vmem>>, vector<1x16xf32>,
    %broadcast_in_dim3A_497 = arith.constant 0.000000e+00 : f32
    %broadcast_in_dim3A_498 = vector.broadcast %broadcast_in_dim3A_497 : f32 to vector<16xf32>
    %swap3A_499 = arith.constant 6 : i32
    %swap3A_500 = arith.index_cast %swap3A_499 : i32 to index
    %swap3A_501 = arith.constant 128 : index
    %swap3A_502 = tpu.vector_load %arg9[%swap3A_500, %swap3A_501] {strides = array<i32>} : memref<16x144xf32, #tpu.memory_space<vmem>>, vector<1x16xf32>,
    %swap3A_503 = vector.shape_cast %swap3A_502 : vector<1x16xf32> to vector<16xf32>
    %swap3A_504 = vector.shape_cast %broadcast_in_dim3A_498 : vector<16xf32> to vector<1x16xf32>
    tpu.vector_store %arg9[%swap3A_500, %swap3A_501], %swap3A_504 {strides = array<i32>} : memref<16x144xf32, #tpu.memory_space<vmem>>, vector<1x16xf32>,
    %broadcast_in_dim3A_505 = arith.constant 0.000000e+00 : f32
    %broadcast_in_dim3A_506 = vector.broadcast %broadcast_in_dim3A_505 : f32 to vector<16xf32>
    %swap3A_507 = arith.constant 7 : i32
    %swap3A_508 = arith.index_cast %swap3A_507 : i32 to index
    %swap3A_509 = arith.constant 0 : index
    %swap3A_510 = tpu.vector_load %arg9[%swap3A_508, %swap3A_509] {strides = array<i32>} : memref<16x144xf32, #tpu.memory_space<vmem>>, vector<1x16xf32>,
    %swap3A_511 = vector.shape_cast %swap3A_510 : vector<1x16xf32> to vector<16xf32>
    %swap3A_512 = vector.shape_cast %broadcast_in_dim3A_506 : vector<16xf32> to vector<1x16xf32>
    tpu.vector_store %arg9[%swap3A_508, %swap3A_509], %swap3A_512 {strides = array<i32>} : memref<16x144xf32, #tpu.memory_space<vmem>>, vector<1x16xf32>,
    %broadcast_in_dim3A_513 = arith.constant 0.000000e+00 : f32
    %broadcast_in_dim3A_514 = vector.broadcast %broadcast_in_dim3A_513 : f32 to vector<16xf32>
    %swap3A_515 = arith.constant 7 : i32
    %swap3A_516 = arith.index_cast %swap3A_515 : i32 to index
    %swap3A_517 = arith.constant 16 : index
    %swap3A_518 = tpu.vector_load %arg9[%swap3A_516, %swap3A_517] {strides = array<i32>} : memref<16x144xf32, #tpu.memory_space<vmem>>, vector<1x16xf32>,
    %swap3A_519 = vector.shape_cast %swap3A_518 : vector<1x16xf32> to vector<16xf32>
    %swap3A_520 = vector.shape_cast %broadcast_in_dim3A_514 : vector<16xf32> to vector<1x16xf32>
    tpu.vector_store %arg9[%swap3A_516, %swap3A_517], %swap3A_520 {strides = array<i32>} : memref<16x144xf32, #tpu.memory_space<vmem>>, vector<1x16xf32>,
    %broadcast_in_dim3A_521 = arith.constant 0.000000e+00 : f32
    %broadcast_in_dim3A_522 = vector.broadcast %broadcast_in_dim3A_521 : f32 to vector<16xf32>
    %swap3A_523 = arith.constant 7 : i32
    %swap3A_524 = arith.index_cast %swap3A_523 : i32 to index
    %swap3A_525 = arith.constant 32 : index
    %swap3A_526 = tpu.vector_load %arg9[%swap3A_524, %swap3A_525] {strides = array<i32>} : memref<16x144xf32, #tpu.memory_space<vmem>>, vector<1x16xf32>,
    %swap3A_527 = vector.shape_cast %swap3A_526 : vector<1x16xf32> to vector<16xf32>
    %swap3A_528 = vector.shape_cast %broadcast_in_dim3A_522 : vector<16xf32> to vector<1x16xf32>
    tpu.vector_store %arg9[%swap3A_524, %swap3A_525], %swap3A_528 {strides = array<i32>} : memref<16x144xf32, #tpu.memory_space<vmem>>, vector<1x16xf32>,
    %broadcast_in_dim3A_529 = arith.constant 0.000000e+00 : f32
    %broadcast_in_dim3A_530 = vector.broadcast %broadcast_in_dim3A_529 : f32 to vector<16xf32>
    %swap3A_531 = arith.constant 7 : i32
    %swap3A_532 = arith.index_cast %swap3A_531 : i32 to index
    %swap3A_533 = arith.constant 48 : index
    %swap3A_534 = tpu.vector_load %arg9[%swap3A_532, %swap3A_533] {strides = array<i32>} : memref<16x144xf32, #tpu.memory_space<vmem>>, vector<1x16xf32>,
    %swap3A_535 = vector.shape_cast %swap3A_534 : vector<1x16xf32> to vector<16xf32>
    %swap3A_536 = vector.shape_cast %broadcast_in_dim3A_530 : vector<16xf32> to vector<1x16xf32>
    tpu.vector_store %arg9[%swap3A_532, %swap3A_533], %swap3A_536 {strides = array<i32>} : memref<16x144xf32, #tpu.memory_space<vmem>>, vector<1x16xf32>,
    %broadcast_in_dim3A_537 = arith.constant 0.000000e+00 : f32
    %broadcast_in_dim3A_538 = vector.broadcast %broadcast_in_dim3A_537 : f32 to vector<16xf32>
    %swap3A_539 = arith.constant 7 : i32
    %swap3A_540 = arith.index_cast %swap3A_539 : i32 to index
    %swap3A_541 = arith.constant 64 : index
    %swap3A_542 = tpu.vector_load %arg9[%swap3A_540, %swap3A_541] {strides = array<i32>} : memref<16x144xf32, #tpu.memory_space<vmem>>, vector<1x16xf32>,
    %swap3A_543 = vector.shape_cast %swap3A_542 : vector<1x16xf32> to vector<16xf32>
    %swap3A_544 = vector.shape_cast %broadcast_in_dim3A_538 : vector<16xf32> to vector<1x16xf32>
    tpu.vector_store %arg9[%swap3A_540, %swap3A_541], %swap3A_544 {strides = array<i32>} : memref<16x144xf32, #tpu.memory_space<vmem>>, vector<1x16xf32>,
    %broadcast_in_dim3A_545 = arith.constant 0.000000e+00 : f32
    %broadcast_in_dim3A_546 = vector.broadcast %broadcast_in_dim3A_545 : f32 to vector<16xf32>
    %swap3A_547 = arith.constant 7 : i32
    %swap3A_548 = arith.index_cast %swap3A_547 : i32 to index
    %swap3A_549 = arith.constant 80 : index
    %swap3A_550 = tpu.vector_load %arg9[%swap3A_548, %swap3A_549] {strides = array<i32>} : memref<16x144xf32, #tpu.memory_space<vmem>>, vector<1x16xf32>,
    %swap3A_551 = vector.shape_cast %swap3A_550 : vector<1x16xf32> to vector<16xf32>
    %swap3A_552 = vector.shape_cast %broadcast_in_dim3A_546 : vector<16xf32> to vector<1x16xf32>
    tpu.vector_store %arg9[%swap3A_548, %swap3A_549], %swap3A_552 {strides = array<i32>} : memref<16x144xf32, #tpu.memory_space<vmem>>, vector<1x16xf32>,
    %broadcast_in_dim3A_553 = arith.constant 0.000000e+00 : f32
    %broadcast_in_dim3A_554 = vector.broadcast %broadcast_in_dim3A_553 : f32 to vector<16xf32>
    %swap3A_555 = arith.constant 7 : i32
    %swap3A_556 = arith.index_cast %swap3A_555 : i32 to index
    %swap3A_557 = arith.constant 96 : index
    %swap3A_558 = tpu.vector_load %arg9[%swap3A_556, %swap3A_557] {strides = array<i32>} : memref<16x144xf32, #tpu.memory_space<vmem>>, vector<1x16xf32>,
    %swap3A_559 = vector.shape_cast %swap3A_558 : vector<1x16xf32> to vector<16xf32>
    %swap3A_560 = vector.shape_cast %broadcast_in_dim3A_554 : vector<16xf32> to vector<1x16xf32>
    tpu.vector_store %arg9[%swap3A_556, %swap3A_557], %swap3A_560 {strides = array<i32>} : memref<16x144xf32, #tpu.memory_space<vmem>>, vector<1x16xf32>,
    %broadcast_in_dim3A_561 = arith.constant 0.000000e+00 : f32
    %broadcast_in_dim3A_562 = vector.broadcast %broadcast_in_dim3A_561 : f32 to vector<16xf32>
    %swap3A_563 = arith.constant 7 : i32
    %swap3A_564 = arith.index_cast %swap3A_563 : i32 to index
    %swap3A_565 = arith.constant 112 : index
    %swap3A_566 = tpu.vector_load %arg9[%swap3A_564, %swap3A_565] {strides = array<i32>} : memref<16x144xf32, #tpu.memory_space<vmem>>, vector<1x16xf32>,
    %swap3A_567 = vector.shape_cast %swap3A_566 : vector<1x16xf32> to vector<16xf32>
    %swap3A_568 = vector.shape_cast %broadcast_in_dim3A_562 : vector<16xf32> to vector<1x16xf32>
    tpu.vector_store %arg9[%swap3A_564, %swap3A_565], %swap3A_568 {strides = array<i32>} : memref<16x144xf32, #tpu.memory_space<vmem>>, vector<1x16xf32>,
    %broadcast_in_dim3A_569 = arith.constant 0.000000e+00 : f32
    %broadcast_in_dim3A_570 = vector.broadcast %broadcast_in_dim3A_569 : f32 to vector<16xf32>
    %swap3A_571 = arith.constant 7 : i32
    %swap3A_572 = arith.index_cast %swap3A_571 : i32 to index
    %swap3A_573 = arith.constant 128 : index
    %swap3A_574 = tpu.vector_load %arg9[%swap3A_572, %swap3A_573] {strides = array<i32>} : memref<16x144xf32, #tpu.memory_space<vmem>>, vector<1x16xf32>,
    %swap3A_575 = vector.shape_cast %swap3A_574 : vector<1x16xf32> to vector<16xf32>
    %swap3A_576 = vector.shape_cast %broadcast_in_dim3A_570 : vector<16xf32> to vector<1x16xf32>
    tpu.vector_store %arg9[%swap3A_572, %swap3A_573], %swap3A_576 {strides = array<i32>} : memref<16x144xf32, #tpu.memory_space<vmem>>, vector<1x16xf32>,
    %broadcast_in_dim3A_577 = arith.constant 0.000000e+00 : f32
    %broadcast_in_dim3A_578 = vector.broadcast %broadcast_in_dim3A_577 : f32 to vector<16xf32>
    %swap3A_579 = arith.constant 8 : i32
    %swap3A_580 = arith.index_cast %swap3A_579 : i32 to index
    %swap3A_581 = arith.constant 0 : index
    %swap3A_582 = tpu.vector_load %arg9[%swap3A_580, %swap3A_581] {strides = array<i32>} : memref<16x144xf32, #tpu.memory_space<vmem>>, vector<1x16xf32>,
    %swap3A_583 = vector.shape_cast %swap3A_582 : vector<1x16xf32> to vector<16xf32>
    %swap3A_584 = vector.shape_cast %broadcast_in_dim3A_578 : vector<16xf32> to vector<1x16xf32>
    tpu.vector_store %arg9[%swap3A_580, %swap3A_581], %swap3A_584 {strides = array<i32>} : memref<16x144xf32, #tpu.memory_space<vmem>>, vector<1x16xf32>,
    %broadcast_in_dim3A_585 = arith.constant 0.000000e+00 : f32
    %broadcast_in_dim3A_586 = vector.broadcast %broadcast_in_dim3A_585 : f32 to vector<16xf32>
    %swap3A_587 = arith.constant 8 : i32
    %swap3A_588 = arith.index_cast %swap3A_587 : i32 to index
    %swap3A_589 = arith.constant 16 : index
    %swap3A_590 = tpu.vector_load %arg9[%swap3A_588, %swap3A_589] {strides = array<i32>} : memref<16x144xf32, #tpu.memory_space<vmem>>, vector<1x16xf32>,
    %swap3A_591 = vector.shape_cast %swap3A_590 : vector<1x16xf32> to vector<16xf32>
    %swap3A_592 = vector.shape_cast %broadcast_in_dim3A_586 : vector<16xf32> to vector<1x16xf32>
    tpu.vector_store %arg9[%swap3A_588, %swap3A_589], %swap3A_592 {strides = array<i32>} : memref<16x144xf32, #tpu.memory_space<vmem>>, vector<1x16xf32>,
    %broadcast_in_dim3A_593 = arith.constant 0.000000e+00 : f32
    %broadcast_in_dim3A_594 = vector.broadcast %broadcast_in_dim3A_593 : f32 to vector<16xf32>
    %swap3A_595 = arith.constant 8 : i32
    %swap3A_596 = arith.index_cast %swap3A_595 : i32 to index
    %swap3A_597 = arith.constant 32 : index
    %swap3A_598 = tpu.vector_load %arg9[%swap3A_596, %swap3A_597] {strides = array<i32>} : memref<16x144xf32, #tpu.memory_space<vmem>>, vector<1x16xf32>,
    %swap3A_599 = vector.shape_cast %swap3A_598 : vector<1x16xf32> to vector<16xf32>
    %swap3A_600 = vector.shape_cast %broadcast_in_dim3A_594 : vector<16xf32> to vector<1x16xf32>
    tpu.vector_store %arg9[%swap3A_596, %swap3A_597], %swap3A_600 {strides = array<i32>} : memref<16x144xf32, #tpu.memory_space<vmem>>, vector<1x16xf32>,
    %broadcast_in_dim3A_601 = arith.constant 0.000000e+00 : f32
    %broadcast_in_dim3A_602 = vector.broadcast %broadcast_in_dim3A_601 : f32 to vector<16xf32>
    %swap3A_603 = arith.constant 8 : i32
    %swap3A_604 = arith.index_cast %swap3A_603 : i32 to index
    %swap3A_605 = arith.constant 48 : index
    %swap3A_606 = tpu.vector_load %arg9[%swap3A_604, %swap3A_605] {strides = array<i32>} : memref<16x144xf32, #tpu.memory_space<vmem>>, vector<1x16xf32>,
    %swap3A_607 = vector.shape_cast %swap3A_606 : vector<1x16xf32> to vector<16xf32>
    %swap3A_608 = vector.shape_cast %broadcast_in_dim3A_602 : vector<16xf32> to vector<1x16xf32>
    tpu.vector_store %arg9[%swap3A_604, %swap3A_605], %swap3A_608 {strides = array<i32>} : memref<16x144xf32, #tpu.memory_space<vmem>>, vector<1x16xf32>,
    %broadcast_in_dim3A_609 = arith.constant 0.000000e+00 : f32
    %broadcast_in_dim3A_610 = vector.broadcast %broadcast_in_dim3A_609 : f32 to vector<16xf32>
    %swap3A_611 = arith.constant 8 : i32
    %swap3A_612 = arith.index_cast %swap3A_611 : i32 to index
    %swap3A_613 = arith.constant 64 : index
    %swap3A_614 = tpu.vector_load %arg9[%swap3A_612, %swap3A_613] {strides = array<i32>} : memref<16x144xf32, #tpu.memory_space<vmem>>, vector<1x16xf32>,
    %swap3A_615 = vector.shape_cast %swap3A_614 : vector<1x16xf32> to vector<16xf32>
    %swap3A_616 = vector.shape_cast %broadcast_in_dim3A_610 : vector<16xf32> to vector<1x16xf32>
    tpu.vector_store %arg9[%swap3A_612, %swap3A_613], %swap3A_616 {strides = array<i32>} : memref<16x144xf32, #tpu.memory_space<vmem>>, vector<1x16xf32>,
    %broadcast_in_dim3A_617 = arith.constant 0.000000e+00 : f32
    %broadcast_in_dim3A_618 = vector.broadcast %broadcast_in_dim3A_617 : f32 to vector<16xf32>
    %swap3A_619 = arith.constant 8 : i32
    %swap3A_620 = arith.index_cast %swap3A_619 : i32 to index
    %swap3A_621 = arith.constant 80 : index
    %swap3A_622 = tpu.vector_load %arg9[%swap3A_620, %swap3A_621] {strides = array<i32>} : memref<16x144xf32, #tpu.memory_space<vmem>>, vector<1x16xf32>,
    %swap3A_623 = vector.shape_cast %swap3A_622 : vector<1x16xf32> to vector<16xf32>
    %swap3A_624 = vector.shape_cast %broadcast_in_dim3A_618 : vector<16xf32> to vector<1x16xf32>
    tpu.vector_store %arg9[%swap3A_620, %swap3A_621], %swap3A_624 {strides = array<i32>} : memref<16x144xf32, #tpu.memory_space<vmem>>, vector<1x16xf32>,
    %broadcast_in_dim3A_625 = arith.constant 0.000000e+00 : f32
    %broadcast_in_dim3A_626 = vector.broadcast %broadcast_in_dim3A_625 : f32 to vector<16xf32>
    %swap3A_627 = arith.constant 8 : i32
    %swap3A_628 = arith.index_cast %swap3A_627 : i32 to index
    %swap3A_629 = arith.constant 96 : index
    %swap3A_630 = tpu.vector_load %arg9[%swap3A_628, %swap3A_629] {strides = array<i32>} : memref<16x144xf32, #tpu.memory_space<vmem>>, vector<1x16xf32>,
    %swap3A_631 = vector.shape_cast %swap3A_630 : vector<1x16xf32> to vector<16xf32>
    %swap3A_632 = vector.shape_cast %broadcast_in_dim3A_626 : vector<16xf32> to vector<1x16xf32>
    tpu.vector_store %arg9[%swap3A_628, %swap3A_629], %swap3A_632 {strides = array<i32>} : memref<16x144xf32, #tpu.memory_space<vmem>>, vector<1x16xf32>,
    %broadcast_in_dim3A_633 = arith.constant 0.000000e+00 : f32
    %broadcast_in_dim3A_634 = vector.broadcast %broadcast_in_dim3A_633 : f32 to vector<16xf32>
    %swap3A_635 = arith.constant 8 : i32
    %swap3A_636 = arith.index_cast %swap3A_635 : i32 to index
    %swap3A_637 = arith.constant 112 : index
    %swap3A_638 = tpu.vector_load %arg9[%swap3A_636, %swap3A_637] {strides = array<i32>} : memref<16x144xf32, #tpu.memory_space<vmem>>, vector<1x16xf32>,
    %swap3A_639 = vector.shape_cast %swap3A_638 : vector<1x16xf32> to vector<16xf32>
    %swap3A_640 = vector.shape_cast %broadcast_in_dim3A_634 : vector<16xf32> to vector<1x16xf32>
    tpu.vector_store %arg9[%swap3A_636, %swap3A_637], %swap3A_640 {strides = array<i32>} : memref<16x144xf32, #tpu.memory_space<vmem>>, vector<1x16xf32>,
    %broadcast_in_dim3A_641 = arith.constant 0.000000e+00 : f32
    %broadcast_in_dim3A_642 = vector.broadcast %broadcast_in_dim3A_641 : f32 to vector<16xf32>
    %swap3A_643 = arith.constant 8 : i32
    %swap3A_644 = arith.index_cast %swap3A_643 : i32 to index
    %swap3A_645 = arith.constant 128 : index
    %swap3A_646 = tpu.vector_load %arg9[%swap3A_644, %swap3A_645] {strides = array<i32>} : memref<16x144xf32, #tpu.memory_space<vmem>>, vector<1x16xf32>,
    %swap3A_647 = vector.shape_cast %swap3A_646 : vector<1x16xf32> to vector<16xf32>
    %swap3A_648 = vector.shape_cast %broadcast_in_dim3A_642 : vector<16xf32> to vector<1x16xf32>
    tpu.vector_store %arg9[%swap3A_644, %swap3A_645], %swap3A_648 {strides = array<i32>} : memref<16x144xf32, #tpu.memory_space<vmem>>, vector<1x16xf32>,
    %broadcast_in_dim3A_649 = arith.constant 0.000000e+00 : f32
    %broadcast_in_dim3A_650 = vector.broadcast %broadcast_in_dim3A_649 : f32 to vector<16xf32>
    %swap3A_651 = arith.constant 9 : i32
    %swap3A_652 = arith.index_cast %swap3A_651 : i32 to index
    %swap3A_653 = arith.constant 0 : index
    %swap3A_654 = tpu.vector_load %arg9[%swap3A_652, %swap3A_653] {strides = array<i32>} : memref<16x144xf32, #tpu.memory_space<vmem>>, vector<1x16xf32>,
    %swap3A_655 = vector.shape_cast %swap3A_654 : vector<1x16xf32> to vector<16xf32>
    %swap3A_656 = vector.shape_cast %broadcast_in_dim3A_650 : vector<16xf32> to vector<1x16xf32>
    tpu.vector_store %arg9[%swap3A_652, %swap3A_653], %swap3A_656 {strides = array<i32>} : memref<16x144xf32, #tpu.memory_space<vmem>>, vector<1x16xf32>,
    %broadcast_in_dim3A_657 = arith.constant 0.000000e+00 : f32
    %broadcast_in_dim3A_658 = vector.broadcast %broadcast_in_dim3A_657 : f32 to vector<16xf32>
    %swap3A_659 = arith.constant 9 : i32
    %swap3A_660 = arith.index_cast %swap3A_659 : i32 to index
    %swap3A_661 = arith.constant 16 : index
    %swap3A_662 = tpu.vector_load %arg9[%swap3A_660, %swap3A_661] {strides = array<i32>} : memref<16x144xf32, #tpu.memory_space<vmem>>, vector<1x16xf32>,
    %swap3A_663 = vector.shape_cast %swap3A_662 : vector<1x16xf32> to vector<16xf32>
    %swap3A_664 = vector.shape_cast %broadcast_in_dim3A_658 : vector<16xf32> to vector<1x16xf32>
    tpu.vector_store %arg9[%swap3A_660, %swap3A_661], %swap3A_664 {strides = array<i32>} : memref<16x144xf32, #tpu.memory_space<vmem>>, vector<1x16xf32>,
    %broadcast_in_dim3A_665 = arith.constant 0.000000e+00 : f32
    %broadcast_in_dim3A_666 = vector.broadcast %broadcast_in_dim3A_665 : f32 to vector<16xf32>
    %swap3A_667 = arith.constant 9 : i32
    %swap3A_668 = arith.index_cast %swap3A_667 : i32 to index
    %swap3A_669 = arith.constant 32 : index
    %swap3A_670 = tpu.vector_load %arg9[%swap3A_668, %swap3A_669] {strides = array<i32>} : memref<16x144xf32, #tpu.memory_space<vmem>>, vector<1x16xf32>,
    %swap3A_671 = vector.shape_cast %swap3A_670 : vector<1x16xf32> to vector<16xf32>
    %swap3A_672 = vector.shape_cast %broadcast_in_dim3A_666 : vector<16xf32> to vector<1x16xf32>
    tpu.vector_store %arg9[%swap3A_668, %swap3A_669], %swap3A_672 {strides = array<i32>} : memref<16x144xf32, #tpu.memory_space<vmem>>, vector<1x16xf32>,
    %broadcast_in_dim3A_673 = arith.constant 0.000000e+00 : f32
    %broadcast_in_dim3A_674 = vector.broadcast %broadcast_in_dim3A_673 : f32 to vector<16xf32>
    %swap3A_675 = arith.constant 9 : i32
    %swap3A_676 = arith.index_cast %swap3A_675 : i32 to index
    %swap3A_677 = arith.constant 48 : index
    %swap3A_678 = tpu.vector_load %arg9[%swap3A_676, %swap3A_677] {strides = array<i32>} : memref<16x144xf32, #tpu.memory_space<vmem>>, vector<1x16xf32>,
    %swap3A_679 = vector.shape_cast %swap3A_678 : vector<1x16xf32> to vector<16xf32>
    %swap3A_680 = vector.shape_cast %broadcast_in_dim3A_674 : vector<16xf32> to vector<1x16xf32>
    tpu.vector_store %arg9[%swap3A_676, %swap3A_677], %swap3A_680 {strides = array<i32>} : memref<16x144xf32, #tpu.memory_space<vmem>>, vector<1x16xf32>,
    %broadcast_in_dim3A_681 = arith.constant 0.000000e+00 : f32
    %broadcast_in_dim3A_682 = vector.broadcast %broadcast_in_dim3A_681 : f32 to vector<16xf32>
    %swap3A_683 = arith.constant 9 : i32
    %swap3A_684 = arith.index_cast %swap3A_683 : i32 to index
    %swap3A_685 = arith.constant 64 : index
    %swap3A_686 = tpu.vector_load %arg9[%swap3A_684, %swap3A_685] {strides = array<i32>} : memref<16x144xf32, #tpu.memory_space<vmem>>, vector<1x16xf32>,
    %swap3A_687 = vector.shape_cast %swap3A_686 : vector<1x16xf32> to vector<16xf32>
    %swap3A_688 = vector.shape_cast %broadcast_in_dim3A_682 : vector<16xf32> to vector<1x16xf32>
    tpu.vector_store %arg9[%swap3A_684, %swap3A_685], %swap3A_688 {strides = array<i32>} : memref<16x144xf32, #tpu.memory_space<vmem>>, vector<1x16xf32>,
    %broadcast_in_dim3A_689 = arith.constant 0.000000e+00 : f32
    %broadcast_in_dim3A_690 = vector.broadcast %broadcast_in_dim3A_689 : f32 to vector<16xf32>
    %swap3A_691 = arith.constant 9 : i32
    %swap3A_692 = arith.index_cast %swap3A_691 : i32 to index
    %swap3A_693 = arith.constant 80 : index
    %swap3A_694 = tpu.vector_load %arg9[%swap3A_692, %swap3A_693] {strides = array<i32>} : memref<16x144xf32, #tpu.memory_space<vmem>>, vector<1x16xf32>,
    %swap3A_695 = vector.shape_cast %swap3A_694 : vector<1x16xf32> to vector<16xf32>
    %swap3A_696 = vector.shape_cast %broadcast_in_dim3A_690 : vector<16xf32> to vector<1x16xf32>
    tpu.vector_store %arg9[%swap3A_692, %swap3A_693], %swap3A_696 {strides = array<i32>} : memref<16x144xf32, #tpu.memory_space<vmem>>, vector<1x16xf32>,
    %broadcast_in_dim3A_697 = arith.constant 0.000000e+00 : f32
    %broadcast_in_dim3A_698 = vector.broadcast %broadcast_in_dim3A_697 : f32 to vector<16xf32>
    %swap3A_699 = arith.constant 9 : i32
    %swap3A_700 = arith.index_cast %swap3A_699 : i32 to index
    %swap3A_701 = arith.constant 96 : index
    %swap3A_702 = tpu.vector_load %arg9[%swap3A_700, %swap3A_701] {strides = array<i32>} : memref<16x144xf32, #tpu.memory_space<vmem>>, vector<1x16xf32>,
    %swap3A_703 = vector.shape_cast %swap3A_702 : vector<1x16xf32> to vector<16xf32>
    %swap3A_704 = vector.shape_cast %broadcast_in_dim3A_698 : vector<16xf32> to vector<1x16xf32>
    tpu.vector_store %arg9[%swap3A_700, %swap3A_701], %swap3A_704 {strides = array<i32>} : memref<16x144xf32, #tpu.memory_space<vmem>>, vector<1x16xf32>,
    %broadcast_in_dim3A_705 = arith.constant 0.000000e+00 : f32
    %broadcast_in_dim3A_706 = vector.broadcast %broadcast_in_dim3A_705 : f32 to vector<16xf32>
    %swap3A_707 = arith.constant 9 : i32
    %swap3A_708 = arith.index_cast %swap3A_707 : i32 to index
    %swap3A_709 = arith.constant 112 : index
    %swap3A_710 = tpu.vector_load %arg9[%swap3A_708, %swap3A_709] {strides = array<i32>} : memref<16x144xf32, #tpu.memory_space<vmem>>, vector<1x16xf32>,
    %swap3A_711 = vector.shape_cast %swap3A_710 : vector<1x16xf32> to vector<16xf32>
    %swap3A_712 = vector.shape_cast %broadcast_in_dim3A_706 : vector<16xf32> to vector<1x16xf32>
    tpu.vector_store %arg9[%swap3A_708, %swap3A_709], %swap3A_712 {strides = array<i32>} : memref<16x144xf32, #tpu.memory_space<vmem>>, vector<1x16xf32>,
    %broadcast_in_dim3A_713 = arith.constant 0.000000e+00 : f32
    %broadcast_in_dim3A_714 = vector.broadcast %broadcast_in_dim3A_713 : f32 to vector<16xf32>
    %swap3A_715 = arith.constant 9 : i32
    %swap3A_716 = arith.index_cast %swap3A_715 : i32 to index
    %swap3A_717 = arith.constant 128 : index
    %swap3A_718 = tpu.vector_load %arg9[%swap3A_716, %swap3A_717] {strides = array<i32>} : memref<16x144xf32, #tpu.memory_space<vmem>>, vector<1x16xf32>,
    %swap3A_719 = vector.shape_cast %swap3A_718 : vector<1x16xf32> to vector<16xf32>
    %swap3A_720 = vector.shape_cast %broadcast_in_dim3A_714 : vector<16xf32> to vector<1x16xf32>
    tpu.vector_store %arg9[%swap3A_716, %swap3A_717], %swap3A_720 {strides = array<i32>} : memref<16x144xf32, #tpu.memory_space<vmem>>, vector<1x16xf32>,
    %broadcast_in_dim3A_721 = arith.constant 0.000000e+00 : f32
    %broadcast_in_dim3A_722 = vector.broadcast %broadcast_in_dim3A_721 : f32 to vector<16xf32>
    %swap3A_723 = arith.constant 10 : i32
    %swap3A_724 = arith.index_cast %swap3A_723 : i32 to index
    %swap3A_725 = arith.constant 0 : index
    %swap3A_726 = tpu.vector_load %arg9[%swap3A_724, %swap3A_725] {strides = array<i32>} : memref<16x144xf32, #tpu.memory_space<vmem>>, vector<1x16xf32>,
    %swap3A_727 = vector.shape_cast %swap3A_726 : vector<1x16xf32> to vector<16xf32>
    %swap3A_728 = vector.shape_cast %broadcast_in_dim3A_722 : vector<16xf32> to vector<1x16xf32>
    tpu.vector_store %arg9[%swap3A_724, %swap3A_725], %swap3A_728 {strides = array<i32>} : memref<16x144xf32, #tpu.memory_space<vmem>>, vector<1x16xf32>,
    %broadcast_in_dim3A_729 = arith.constant 0.000000e+00 : f32
    %broadcast_in_dim3A_730 = vector.broadcast %broadcast_in_dim3A_729 : f32 to vector<16xf32>
    %swap3A_731 = arith.constant 10 : i32
    %swap3A_732 = arith.index_cast %swap3A_731 : i32 to index
    %swap3A_733 = arith.constant 16 : index
    %swap3A_734 = tpu.vector_load %arg9[%swap3A_732, %swap3A_733] {strides = array<i32>} : memref<16x144xf32, #tpu.memory_space<vmem>>, vector<1x16xf32>,
    %swap3A_735 = vector.shape_cast %swap3A_734 : vector<1x16xf32> to vector<16xf32>
    %swap3A_736 = vector.shape_cast %broadcast_in_dim3A_730 : vector<16xf32> to vector<1x16xf32>
    tpu.vector_store %arg9[%swap3A_732, %swap3A_733], %swap3A_736 {strides = array<i32>} : memref<16x144xf32, #tpu.memory_space<vmem>>, vector<1x16xf32>,
    %broadcast_in_dim3A_737 = arith.constant 0.000000e+00 : f32
    %broadcast_in_dim3A_738 = vector.broadcast %broadcast_in_dim3A_737 : f32 to vector<16xf32>
    %swap3A_739 = arith.constant 10 : i32
    %swap3A_740 = arith.index_cast %swap3A_739 : i32 to index
    %swap3A_741 = arith.constant 32 : index
    %swap3A_742 = tpu.vector_load %arg9[%swap3A_740, %swap3A_741] {strides = array<i32>} : memref<16x144xf32, #tpu.memory_space<vmem>>, vector<1x16xf32>,
    %swap3A_743 = vector.shape_cast %swap3A_742 : vector<1x16xf32> to vector<16xf32>
    %swap3A_744 = vector.shape_cast %broadcast_in_dim3A_738 : vector<16xf32> to vector<1x16xf32>
    tpu.vector_store %arg9[%swap3A_740, %swap3A_741], %swap3A_744 {strides = array<i32>} : memref<16x144xf32, #tpu.memory_space<vmem>>, vector<1x16xf32>,
    %broadcast_in_dim3A_745 = arith.constant 0.000000e+00 : f32
    %broadcast_in_dim3A_746 = vector.broadcast %broadcast_in_dim3A_745 : f32 to vector<16xf32>
    %swap3A_747 = arith.constant 10 : i32
    %swap3A_748 = arith.index_cast %swap3A_747 : i32 to index
    %swap3A_749 = arith.constant 48 : index
    %swap3A_750 = tpu.vector_load %arg9[%swap3A_748, %swap3A_749] {strides = array<i32>} : memref<16x144xf32, #tpu.memory_space<vmem>>, vector<1x16xf32>,
    %swap3A_751 = vector.shape_cast %swap3A_750 : vector<1x16xf32> to vector<16xf32>
    %swap3A_752 = vector.shape_cast %broadcast_in_dim3A_746 : vector<16xf32> to vector<1x16xf32>
    tpu.vector_store %arg9[%swap3A_748, %swap3A_749], %swap3A_752 {strides = array<i32>} : memref<16x144xf32, #tpu.memory_space<vmem>>, vector<1x16xf32>,
    %broadcast_in_dim3A_753 = arith.constant 0.000000e+00 : f32
    %broadcast_in_dim3A_754 = vector.broadcast %broadcast_in_dim3A_753 : f32 to vector<16xf32>
    %swap3A_755 = arith.constant 10 : i32
    %swap3A_756 = arith.index_cast %swap3A_755 : i32 to index
    %swap3A_757 = arith.constant 64 : index
    %swap3A_758 = tpu.vector_load %arg9[%swap3A_756, %swap3A_757] {strides = array<i32>} : memref<16x144xf32, #tpu.memory_space<vmem>>, vector<1x16xf32>,
    %swap3A_759 = vector.shape_cast %swap3A_758 : vector<1x16xf32> to vector<16xf32>
    %swap3A_760 = vector.shape_cast %broadcast_in_dim3A_754 : vector<16xf32> to vector<1x16xf32>
    tpu.vector_store %arg9[%swap3A_756, %swap3A_757], %swap3A_760 {strides = array<i32>} : memref<16x144xf32, #tpu.memory_space<vmem>>, vector<1x16xf32>,
    %broadcast_in_dim3A_761 = arith.constant 0.000000e+00 : f32
    %broadcast_in_dim3A_762 = vector.broadcast %broadcast_in_dim3A_761 : f32 to vector<16xf32>
    %swap3A_763 = arith.constant 10 : i32
    %swap3A_764 = arith.index_cast %swap3A_763 : i32 to index
    %swap3A_765 = arith.constant 80 : index
    %swap3A_766 = tpu.vector_load %arg9[%swap3A_764, %swap3A_765] {strides = array<i32>} : memref<16x144xf32, #tpu.memory_space<vmem>>, vector<1x16xf32>,
    %swap3A_767 = vector.shape_cast %swap3A_766 : vector<1x16xf32> to vector<16xf32>
    %swap3A_768 = vector.shape_cast %broadcast_in_dim3A_762 : vector<16xf32> to vector<1x16xf32>
    tpu.vector_store %arg9[%swap3A_764, %swap3A_765], %swap3A_768 {strides = array<i32>} : memref<16x144xf32, #tpu.memory_space<vmem>>, vector<1x16xf32>,
    %broadcast_in_dim3A_769 = arith.constant 0.000000e+00 : f32
    %broadcast_in_dim3A_770 = vector.broadcast %broadcast_in_dim3A_769 : f32 to vector<16xf32>
    %swap3A_771 = arith.constant 10 : i32
    %swap3A_772 = arith.index_cast %swap3A_771 : i32 to index
    %swap3A_773 = arith.constant 96 : index
    %swap3A_774 = tpu.vector_load %arg9[%swap3A_772, %swap3A_773] {strides = array<i32>} : memref<16x144xf32, #tpu.memory_space<vmem>>, vector<1x16xf32>,
    %swap3A_775 = vector.shape_cast %swap3A_774 : vector<1x16xf32> to vector<16xf32>
    %swap3A_776 = vector.shape_cast %broadcast_in_dim3A_770 : vector<16xf32> to vector<1x16xf32>
    tpu.vector_store %arg9[%swap3A_772, %swap3A_773], %swap3A_776 {strides = array<i32>} : memref<16x144xf32, #tpu.memory_space<vmem>>, vector<1x16xf32>,
    %broadcast_in_dim3A_777 = arith.constant 0.000000e+00 : f32
    %broadcast_in_dim3A_778 = vector.broadcast %broadcast_in_dim3A_777 : f32 to vector<16xf32>
    %swap3A_779 = arith.constant 10 : i32
    %swap3A_780 = arith.index_cast %swap3A_779 : i32 to index
    %swap3A_781 = arith.constant 112 : index
    %swap3A_782 = tpu.vector_load %arg9[%swap3A_780, %swap3A_781] {strides = array<i32>} : memref<16x144xf32, #tpu.memory_space<vmem>>, vector<1x16xf32>,
    %swap3A_783 = vector.shape_cast %swap3A_782 : vector<1x16xf32> to vector<16xf32>
    %swap3A_784 = vector.shape_cast %broadcast_in_dim3A_778 : vector<16xf32> to vector<1x16xf32>
    tpu.vector_store %arg9[%swap3A_780, %swap3A_781], %swap3A_784 {strides = array<i32>} : memref<16x144xf32, #tpu.memory_space<vmem>>, vector<1x16xf32>,
    %broadcast_in_dim3A_785 = arith.constant 0.000000e+00 : f32
    %broadcast_in_dim3A_786 = vector.broadcast %broadcast_in_dim3A_785 : f32 to vector<16xf32>
    %swap3A_787 = arith.constant 10 : i32
    %swap3A_788 = arith.index_cast %swap3A_787 : i32 to index
    %swap3A_789 = arith.constant 128 : index
    %swap3A_790 = tpu.vector_load %arg9[%swap3A_788, %swap3A_789] {strides = array<i32>} : memref<16x144xf32, #tpu.memory_space<vmem>>, vector<1x16xf32>,
    %swap3A_791 = vector.shape_cast %swap3A_790 : vector<1x16xf32> to vector<16xf32>
    %swap3A_792 = vector.shape_cast %broadcast_in_dim3A_786 : vector<16xf32> to vector<1x16xf32>
    tpu.vector_store %arg9[%swap3A_788, %swap3A_789], %swap3A_792 {strides = array<i32>} : memref<16x144xf32, #tpu.memory_space<vmem>>, vector<1x16xf32>,
    %broadcast_in_dim3A_793 = arith.constant 0.000000e+00 : f32
    %broadcast_in_dim3A_794 = vector.broadcast %broadcast_in_dim3A_793 : f32 to vector<16xf32>
    %swap3A_795 = arith.constant 11 : i32
    %swap3A_796 = arith.index_cast %swap3A_795 : i32 to index
    %swap3A_797 = arith.constant 0 : index
    %swap3A_798 = tpu.vector_load %arg9[%swap3A_796, %swap3A_797] {strides = array<i32>} : memref<16x144xf32, #tpu.memory_space<vmem>>, vector<1x16xf32>,
    %swap3A_799 = vector.shape_cast %swap3A_798 : vector<1x16xf32> to vector<16xf32>
    %swap3A_800 = vector.shape_cast %broadcast_in_dim3A_794 : vector<16xf32> to vector<1x16xf32>
    tpu.vector_store %arg9[%swap3A_796, %swap3A_797], %swap3A_800 {strides = array<i32>} : memref<16x144xf32, #tpu.memory_space<vmem>>, vector<1x16xf32>,
    %broadcast_in_dim3A_801 = arith.constant 0.000000e+00 : f32
    %broadcast_in_dim3A_802 = vector.broadcast %broadcast_in_dim3A_801 : f32 to vector<16xf32>
    %swap3A_803 = arith.constant 11 : i32
    %swap3A_804 = arith.index_cast %swap3A_803 : i32 to index
    %swap3A_805 = arith.constant 16 : index
    %swap3A_806 = tpu.vector_load %arg9[%swap3A_804, %swap3A_805] {strides = array<i32>} : memref<16x144xf32, #tpu.memory_space<vmem>>, vector<1x16xf32>,
    %swap3A_807 = vector.shape_cast %swap3A_806 : vector<1x16xf32> to vector<16xf32>
    %swap3A_808 = vector.shape_cast %broadcast_in_dim3A_802 : vector<16xf32> to vector<1x16xf32>
    tpu.vector_store %arg9[%swap3A_804, %swap3A_805], %swap3A_808 {strides = array<i32>} : memref<16x144xf32, #tpu.memory_space<vmem>>, vector<1x16xf32>,
    %broadcast_in_dim3A_809 = arith.constant 0.000000e+00 : f32
    %broadcast_in_dim3A_810 = vector.broadcast %broadcast_in_dim3A_809 : f32 to vector<16xf32>
    %swap3A_811 = arith.constant 11 : i32
    %swap3A_812 = arith.index_cast %swap3A_811 : i32 to index
    %swap3A_813 = arith.constant 32 : index
    %swap3A_814 = tpu.vector_load %arg9[%swap3A_812, %swap3A_813] {strides = array<i32>} : memref<16x144xf32, #tpu.memory_space<vmem>>, vector<1x16xf32>,
    %swap3A_815 = vector.shape_cast %swap3A_814 : vector<1x16xf32> to vector<16xf32>
    %swap3A_816 = vector.shape_cast %broadcast_in_dim3A_810 : vector<16xf32> to vector<1x16xf32>
    tpu.vector_store %arg9[%swap3A_812, %swap3A_813], %swap3A_816 {strides = array<i32>} : memref<16x144xf32, #tpu.memory_space<vmem>>, vector<1x16xf32>,
    %broadcast_in_dim3A_817 = arith.constant 0.000000e+00 : f32
    %broadcast_in_dim3A_818 = vector.broadcast %broadcast_in_dim3A_817 : f32 to vector<16xf32>
    %swap3A_819 = arith.constant 11 : i32
    %swap3A_820 = arith.index_cast %swap3A_819 : i32 to index
    %swap3A_821 = arith.constant 48 : index
    %swap3A_822 = tpu.vector_load %arg9[%swap3A_820, %swap3A_821] {strides = array<i32>} : memref<16x144xf32, #tpu.memory_space<vmem>>, vector<1x16xf32>,
    %swap3A_823 = vector.shape_cast %swap3A_822 : vector<1x16xf32> to vector<16xf32>
    %swap3A_824 = vector.shape_cast %broadcast_in_dim3A_818 : vector<16xf32> to vector<1x16xf32>
    tpu.vector_store %arg9[%swap3A_820, %swap3A_821], %swap3A_824 {strides = array<i32>} : memref<16x144xf32, #tpu.memory_space<vmem>>, vector<1x16xf32>,
    %broadcast_in_dim3A_825 = arith.constant 0.000000e+00 : f32
    %broadcast_in_dim3A_826 = vector.broadcast %broadcast_in_dim3A_825 : f32 to vector<16xf32>
    %swap3A_827 = arith.constant 11 : i32
    %swap3A_828 = arith.index_cast %swap3A_827 : i32 to index
    %swap3A_829 = arith.constant 64 : index
    %swap3A_830 = tpu.vector_load %arg9[%swap3A_828, %swap3A_829] {strides = array<i32>} : memref<16x144xf32, #tpu.memory_space<vmem>>, vector<1x16xf32>,
    %swap3A_831 = vector.shape_cast %swap3A_830 : vector<1x16xf32> to vector<16xf32>
    %swap3A_832 = vector.shape_cast %broadcast_in_dim3A_826 : vector<16xf32> to vector<1x16xf32>
    tpu.vector_store %arg9[%swap3A_828, %swap3A_829], %swap3A_832 {strides = array<i32>} : memref<16x144xf32, #tpu.memory_space<vmem>>, vector<1x16xf32>,
    %broadcast_in_dim3A_833 = arith.constant 0.000000e+00 : f32
    %broadcast_in_dim3A_834 = vector.broadcast %broadcast_in_dim3A_833 : f32 to vector<16xf32>
    %swap3A_835 = arith.constant 11 : i32
    %swap3A_836 = arith.index_cast %swap3A_835 : i32 to index
    %swap3A_837 = arith.constant 80 : index
    %swap3A_838 = tpu.vector_load %arg9[%swap3A_836, %swap3A_837] {strides = array<i32>} : memref<16x144xf32, #tpu.memory_space<vmem>>, vector<1x16xf32>,
    %swap3A_839 = vector.shape_cast %swap3A_838 : vector<1x16xf32> to vector<16xf32>
    %swap3A_840 = vector.shape_cast %broadcast_in_dim3A_834 : vector<16xf32> to vector<1x16xf32>
    tpu.vector_store %arg9[%swap3A_836, %swap3A_837], %swap3A_840 {strides = array<i32>} : memref<16x144xf32, #tpu.memory_space<vmem>>, vector<1x16xf32>,
    %broadcast_in_dim3A_841 = arith.constant 0.000000e+00 : f32
    %broadcast_in_dim3A_842 = vector.broadcast %broadcast_in_dim3A_841 : f32 to vector<16xf32>
    %swap3A_843 = arith.constant 11 : i32
    %swap3A_844 = arith.index_cast %swap3A_843 : i32 to index
    %swap3A_845 = arith.constant 96 : index
    %swap3A_846 = tpu.vector_load %arg9[%swap3A_844, %swap3A_845] {strides = array<i32>} : memref<16x144xf32, #tpu.memory_space<vmem>>, vector<1x16xf32>,
    %swap3A_847 = vector.shape_cast %swap3A_846 : vector<1x16xf32> to vector<16xf32>
    %swap3A_848 = vector.shape_cast %broadcast_in_dim3A_842 : vector<16xf32> to vector<1x16xf32>
    tpu.vector_store %arg9[%swap3A_844, %swap3A_845], %swap3A_848 {strides = array<i32>} : memref<16x144xf32, #tpu.memory_space<vmem>>, vector<1x16xf32>,
    %broadcast_in_dim3A_849 = arith.constant 0.000000e+00 : f32
    %broadcast_in_dim3A_850 = vector.broadcast %broadcast_in_dim3A_849 : f32 to vector<16xf32>
    %swap3A_851 = arith.constant 11 : i32
    %swap3A_852 = arith.index_cast %swap3A_851 : i32 to index
    %swap3A_853 = arith.constant 112 : index
    %swap3A_854 = tpu.vector_load %arg9[%swap3A_852, %swap3A_853] {strides = array<i32>} : memref<16x144xf32, #tpu.memory_space<vmem>>, vector<1x16xf32>,
    %swap3A_855 = vector.shape_cast %swap3A_854 : vector<1x16xf32> to vector<16xf32>
    %swap3A_856 = vector.shape_cast %broadcast_in_dim3A_850 : vector<16xf32> to vector<1x16xf32>
    tpu.vector_store %arg9[%swap3A_852, %swap3A_853], %swap3A_856 {strides = array<i32>} : memref<16x144xf32, #tpu.memory_space<vmem>>, vector<1x16xf32>,
    %broadcast_in_dim3A_857 = arith.constant 0.000000e+00 : f32
    %broadcast_in_dim3A_858 = vector.broadcast %broadcast_in_dim3A_857 : f32 to vector<16xf32>
    %swap3A_859 = arith.constant 11 : i32
    %swap3A_860 = arith.index_cast %swap3A_859 : i32 to index
    %swap3A_861 = arith.constant 128 : index
    %swap3A_862 = tpu.vector_load %arg9[%swap3A_860, %swap3A_861] {strides = array<i32>} : memref<16x144xf32, #tpu.memory_space<vmem>>, vector<1x16xf32>,
    %swap3A_863 = vector.shape_cast %swap3A_862 : vector<1x16xf32> to vector<16xf32>
    %swap3A_864 = vector.shape_cast %broadcast_in_dim3A_858 : vector<16xf32> to vector<1x16xf32>
    tpu.vector_store %arg9[%swap3A_860, %swap3A_861], %swap3A_864 {strides = array<i32>} : memref<16x144xf32, #tpu.memory_space<vmem>>, vector<1x16xf32>,
    %broadcast_in_dim3A_865 = arith.constant 0.000000e+00 : f32
    %broadcast_in_dim3A_866 = vector.broadcast %broadcast_in_dim3A_865 : f32 to vector<16xf32>
    %swap3A_867 = arith.constant 12 : i32
    %swap3A_868 = arith.index_cast %swap3A_867 : i32 to index
    %swap3A_869 = arith.constant 0 : index
    %swap3A_870 = tpu.vector_load %arg9[%swap3A_868, %swap3A_869] {strides = array<i32>} : memref<16x144xf32, #tpu.memory_space<vmem>>, vector<1x16xf32>,
    %swap3A_871 = vector.shape_cast %swap3A_870 : vector<1x16xf32> to vector<16xf32>
    %swap3A_872 = vector.shape_cast %broadcast_in_dim3A_866 : vector<16xf32> to vector<1x16xf32>
    tpu.vector_store %arg9[%swap3A_868, %swap3A_869], %swap3A_872 {strides = array<i32>} : memref<16x144xf32, #tpu.memory_space<vmem>>, vector<1x16xf32>,
    %broadcast_in_dim3A_873 = arith.constant 0.000000e+00 : f32
    %broadcast_in_dim3A_874 = vector.broadcast %broadcast_in_dim3A_873 : f32 to vector<16xf32>
    %swap3A_875 = arith.constant 12 : i32
    %swap3A_876 = arith.index_cast %swap3A_875 : i32 to index
    %swap3A_877 = arith.constant 16 : index
    %swap3A_878 = tpu.vector_load %arg9[%swap3A_876, %swap3A_877] {strides = array<i32>} : memref<16x144xf32, #tpu.memory_space<vmem>>, vector<1x16xf32>,
    %swap3A_879 = vector.shape_cast %swap3A_878 : vector<1x16xf32> to vector<16xf32>
    %swap3A_880 = vector.shape_cast %broadcast_in_dim3A_874 : vector<16xf32> to vector<1x16xf32>
    tpu.vector_store %arg9[%swap3A_876, %swap3A_877], %swap3A_880 {strides = array<i32>} : memref<16x144xf32, #tpu.memory_space<vmem>>, vector<1x16xf32>,
    %broadcast_in_dim3A_881 = arith.constant 0.000000e+00 : f32
    %broadcast_in_dim3A_882 = vector.broadcast %broadcast_in_dim3A_881 : f32 to vector<16xf32>
    %swap3A_883 = arith.constant 12 : i32
    %swap3A_884 = arith.index_cast %swap3A_883 : i32 to index
    %swap3A_885 = arith.constant 32 : index
    %swap3A_886 = tpu.vector_load %arg9[%swap3A_884, %swap3A_885] {strides = array<i32>} : memref<16x144xf32, #tpu.memory_space<vmem>>, vector<1x16xf32>,
    %swap3A_887 = vector.shape_cast %swap3A_886 : vector<1x16xf32> to vector<16xf32>
    %swap3A_888 = vector.shape_cast %broadcast_in_dim3A_882 : vector<16xf32> to vector<1x16xf32>
    tpu.vector_store %arg9[%swap3A_884, %swap3A_885], %swap3A_888 {strides = array<i32>} : memref<16x144xf32, #tpu.memory_space<vmem>>, vector<1x16xf32>,
    %broadcast_in_dim3A_889 = arith.constant 0.000000e+00 : f32
    %broadcast_in_dim3A_890 = vector.broadcast %broadcast_in_dim3A_889 : f32 to vector<16xf32>
    %swap3A_891 = arith.constant 12 : i32
    %swap3A_892 = arith.index_cast %swap3A_891 : i32 to index
    %swap3A_893 = arith.constant 48 : index
    %swap3A_894 = tpu.vector_load %arg9[%swap3A_892, %swap3A_893] {strides = array<i32>} : memref<16x144xf32, #tpu.memory_space<vmem>>, vector<1x16xf32>,
    %swap3A_895 = vector.shape_cast %swap3A_894 : vector<1x16xf32> to vector<16xf32>
    %swap3A_896 = vector.shape_cast %broadcast_in_dim3A_890 : vector<16xf32> to vector<1x16xf32>
    tpu.vector_store %arg9[%swap3A_892, %swap3A_893], %swap3A_896 {strides = array<i32>} : memref<16x144xf32, #tpu.memory_space<vmem>>, vector<1x16xf32>,
    %broadcast_in_dim3A_897 = arith.constant 0.000000e+00 : f32
    %broadcast_in_dim3A_898 = vector.broadcast %broadcast_in_dim3A_897 : f32 to vector<16xf32>
    %swap3A_899 = arith.constant 12 : i32
    %swap3A_900 = arith.index_cast %swap3A_899 : i32 to index
    %swap3A_901 = arith.constant 64 : index
    %swap3A_902 = tpu.vector_load %arg9[%swap3A_900, %swap3A_901] {strides = array<i32>} : memref<16x144xf32, #tpu.memory_space<vmem>>, vector<1x16xf32>,
    %swap3A_903 = vector.shape_cast %swap3A_902 : vector<1x16xf32> to vector<16xf32>
    %swap3A_904 = vector.shape_cast %broadcast_in_dim3A_898 : vector<16xf32> to vector<1x16xf32>
    tpu.vector_store %arg9[%swap3A_900, %swap3A_901], %swap3A_904 {strides = array<i32>} : memref<16x144xf32, #tpu.memory_space<vmem>>, vector<1x16xf32>,
    %broadcast_in_dim3A_905 = arith.constant 0.000000e+00 : f32
    %broadcast_in_dim3A_906 = vector.broadcast %broadcast_in_dim3A_905 : f32 to vector<16xf32>
    %swap3A_907 = arith.constant 12 : i32
    %swap3A_908 = arith.index_cast %swap3A_907 : i32 to index
    %swap3A_909 = arith.constant 80 : index
    %swap3A_910 = tpu.vector_load %arg9[%swap3A_908, %swap3A_909] {strides = array<i32>} : memref<16x144xf32, #tpu.memory_space<vmem>>, vector<1x16xf32>,
    %swap3A_911 = vector.shape_cast %swap3A_910 : vector<1x16xf32> to vector<16xf32>
    %swap3A_912 = vector.shape_cast %broadcast_in_dim3A_906 : vector<16xf32> to vector<1x16xf32>
    tpu.vector_store %arg9[%swap3A_908, %swap3A_909], %swap3A_912 {strides = array<i32>} : memref<16x144xf32, #tpu.memory_space<vmem>>, vector<1x16xf32>,
    %broadcast_in_dim3A_913 = arith.constant 0.000000e+00 : f32
    %broadcast_in_dim3A_914 = vector.broadcast %broadcast_in_dim3A_913 : f32 to vector<16xf32>
    %swap3A_915 = arith.constant 12 : i32
    %swap3A_916 = arith.index_cast %swap3A_915 : i32 to index
    %swap3A_917 = arith.constant 96 : index
    %swap3A_918 = tpu.vector_load %arg9[%swap3A_916, %swap3A_917] {strides = array<i32>} : memref<16x144xf32, #tpu.memory_space<vmem>>, vector<1x16xf32>,
    %swap3A_919 = vector.shape_cast %swap3A_918 : vector<1x16xf32> to vector<16xf32>
    %swap3A_920 = vector.shape_cast %broadcast_in_dim3A_914 : vector<16xf32> to vector<1x16xf32>
    tpu.vector_store %arg9[%swap3A_916, %swap3A_917], %swap3A_920 {strides = array<i32>} : memref<16x144xf32, #tpu.memory_space<vmem>>, vector<1x16xf32>,
    %broadcast_in_dim3A_921 = arith.constant 0.000000e+00 : f32
    %broadcast_in_dim3A_922 = vector.broadcast %broadcast_in_dim3A_921 : f32 to vector<16xf32>
    %swap3A_923 = arith.constant 12 : i32
    %swap3A_924 = arith.index_cast %swap3A_923 : i32 to index
    %swap3A_925 = arith.constant 112 : index
    %swap3A_926 = tpu.vector_load %arg9[%swap3A_924, %swap3A_925] {strides = array<i32>} : memref<16x144xf32, #tpu.memory_space<vmem>>, vector<1x16xf32>,
    %swap3A_927 = vector.shape_cast %swap3A_926 : vector<1x16xf32> to vector<16xf32>
    %swap3A_928 = vector.shape_cast %broadcast_in_dim3A_922 : vector<16xf32> to vector<1x16xf32>
    tpu.vector_store %arg9[%swap3A_924, %swap3A_925], %swap3A_928 {strides = array<i32>} : memref<16x144xf32, #tpu.memory_space<vmem>>, vector<1x16xf32>,
    %broadcast_in_dim3A_929 = arith.constant 0.000000e+00 : f32
    %broadcast_in_dim3A_930 = vector.broadcast %broadcast_in_dim3A_929 : f32 to vector<16xf32>
    %swap3A_931 = arith.constant 12 : i32
    %swap3A_932 = arith.index_cast %swap3A_931 : i32 to index
    %swap3A_933 = arith.constant 128 : index
    %swap3A_934 = tpu.vector_load %arg9[%swap3A_932, %swap3A_933] {strides = array<i32>} : memref<16x144xf32, #tpu.memory_space<vmem>>, vector<1x16xf32>,
    %swap3A_935 = vector.shape_cast %swap3A_934 : vector<1x16xf32> to vector<16xf32>
    %swap3A_936 = vector.shape_cast %broadcast_in_dim3A_930 : vector<16xf32> to vector<1x16xf32>
    tpu.vector_store %arg9[%swap3A_932, %swap3A_933], %swap3A_936 {strides = array<i32>} : memref<16x144xf32, #tpu.memory_space<vmem>>, vector<1x16xf32>,
    %broadcast_in_dim3A_937 = arith.constant 0.000000e+00 : f32
    %broadcast_in_dim3A_938 = vector.broadcast %broadcast_in_dim3A_937 : f32 to vector<16xf32>
    %swap3A_939 = arith.constant 13 : i32
    %swap3A_940 = arith.index_cast %swap3A_939 : i32 to index
    %swap3A_941 = arith.constant 0 : index
    %swap3A_942 = tpu.vector_load %arg9[%swap3A_940, %swap3A_941] {strides = array<i32>} : memref<16x144xf32, #tpu.memory_space<vmem>>, vector<1x16xf32>,
    %swap3A_943 = vector.shape_cast %swap3A_942 : vector<1x16xf32> to vector<16xf32>
    %swap3A_944 = vector.shape_cast %broadcast_in_dim3A_938 : vector<16xf32> to vector<1x16xf32>
    tpu.vector_store %arg9[%swap3A_940, %swap3A_941], %swap3A_944 {strides = array<i32>} : memref<16x144xf32, #tpu.memory_space<vmem>>, vector<1x16xf32>,
    %broadcast_in_dim3A_945 = arith.constant 0.000000e+00 : f32
    %broadcast_in_dim3A_946 = vector.broadcast %broadcast_in_dim3A_945 : f32 to vector<16xf32>
    %swap3A_947 = arith.constant 13 : i32
    %swap3A_948 = arith.index_cast %swap3A_947 : i32 to index
    %swap3A_949 = arith.constant 16 : index
    %swap3A_950 = tpu.vector_load %arg9[%swap3A_948, %swap3A_949] {strides = array<i32>} : memref<16x144xf32, #tpu.memory_space<vmem>>, vector<1x16xf32>,
    %swap3A_951 = vector.shape_cast %swap3A_950 : vector<1x16xf32> to vector<16xf32>
    %swap3A_952 = vector.shape_cast %broadcast_in_dim3A_946 : vector<16xf32> to vector<1x16xf32>
    tpu.vector_store %arg9[%swap3A_948, %swap3A_949], %swap3A_952 {strides = array<i32>} : memref<16x144xf32, #tpu.memory_space<vmem>>, vector<1x16xf32>,
    %broadcast_in_dim3A_953 = arith.constant 0.000000e+00 : f32
    %broadcast_in_dim3A_954 = vector.broadcast %broadcast_in_dim3A_953 : f32 to vector<16xf32>
    %swap3A_955 = arith.constant 13 : i32
    %swap3A_956 = arith.index_cast %swap3A_955 : i32 to index
    %swap3A_957 = arith.constant 32 : index
    %swap3A_958 = tpu.vector_load %arg9[%swap3A_956, %swap3A_957] {strides = array<i32>} : memref<16x144xf32, #tpu.memory_space<vmem>>, vector<1x16xf32>,
    %swap3A_959 = vector.shape_cast %swap3A_958 : vector<1x16xf32> to vector<16xf32>
    %swap3A_960 = vector.shape_cast %broadcast_in_dim3A_954 : vector<16xf32> to vector<1x16xf32>
    tpu.vector_store %arg9[%swap3A_956, %swap3A_957], %swap3A_960 {strides = array<i32>} : memref<16x144xf32, #tpu.memory_space<vmem>>, vector<1x16xf32>,
    %broadcast_in_dim3A_961 = arith.constant 0.000000e+00 : f32
    %broadcast_in_dim3A_962 = vector.broadcast %broadcast_in_dim3A_961 : f32 to vector<16xf32>
    %swap3A_963 = arith.constant 13 : i32
    %swap3A_964 = arith.index_cast %swap3A_963 : i32 to index
    %swap3A_965 = arith.constant 48 : index
    %swap3A_966 = tpu.vector_load %arg9[%swap3A_964, %swap3A_965] {strides = array<i32>} : memref<16x144xf32, #tpu.memory_space<vmem>>, vector<1x16xf32>,
    %swap3A_967 = vector.shape_cast %swap3A_966 : vector<1x16xf32> to vector<16xf32>
    %swap3A_968 = vector.shape_cast %broadcast_in_dim3A_962 : vector<16xf32> to vector<1x16xf32>
    tpu.vector_store %arg9[%swap3A_964, %swap3A_965], %swap3A_968 {strides = array<i32>} : memref<16x144xf32, #tpu.memory_space<vmem>>, vector<1x16xf32>,
    %broadcast_in_dim3A_969 = arith.constant 0.000000e+00 : f32
    %broadcast_in_dim3A_970 = vector.broadcast %broadcast_in_dim3A_969 : f32 to vector<16xf32>
    %swap3A_971 = arith.constant 13 : i32
    %swap3A_972 = arith.index_cast %swap3A_971 : i32 to index
    %swap3A_973 = arith.constant 64 : index
    %swap3A_974 = tpu.vector_load %arg9[%swap3A_972, %swap3A_973] {strides = array<i32>} : memref<16x144xf32, #tpu.memory_space<vmem>>, vector<1x16xf32>,
    %swap3A_975 = vector.shape_cast %swap3A_974 : vector<1x16xf32> to vector<16xf32>
    %swap3A_976 = vector.shape_cast %broadcast_in_dim3A_970 : vector<16xf32> to vector<1x16xf32>
    tpu.vector_store %arg9[%swap3A_972, %swap3A_973], %swap3A_976 {strides = array<i32>} : memref<16x144xf32, #tpu.memory_space<vmem>>, vector<1x16xf32>,
    %broadcast_in_dim3A_977 = arith.constant 0.000000e+00 : f32
    %broadcast_in_dim3A_978 = vector.broadcast %broadcast_in_dim3A_977 : f32 to vector<16xf32>
    %swap3A_979 = arith.constant 13 : i32
    %swap3A_980 = arith.index_cast %swap3A_979 : i32 to index
    %swap3A_981 = arith.constant 80 : index
    %swap3A_982 = tpu.vector_load %arg9[%swap3A_980, %swap3A_981] {strides = array<i32>} : memref<16x144xf32, #tpu.memory_space<vmem>>, vector<1x16xf32>,
    %swap3A_983 = vector.shape_cast %swap3A_982 : vector<1x16xf32> to vector<16xf32>
    %swap3A_984 = vector.shape_cast %broadcast_in_dim3A_978 : vector<16xf32> to vector<1x16xf32>
    tpu.vector_store %arg9[%swap3A_980, %swap3A_981], %swap3A_984 {strides = array<i32>} : memref<16x144xf32, #tpu.memory_space<vmem>>, vector<1x16xf32>,
    %broadcast_in_dim3A_985 = arith.constant 0.000000e+00 : f32
    %broadcast_in_dim3A_986 = vector.broadcast %broadcast_in_dim3A_985 : f32 to vector<16xf32>
    %swap3A_987 = arith.constant 13 : i32
    %swap3A_988 = arith.index_cast %swap3A_987 : i32 to index
    %swap3A_989 = arith.constant 96 : index
    %swap3A_990 = tpu.vector_load %arg9[%swap3A_988, %swap3A_989] {strides = array<i32>} : memref<16x144xf32, #tpu.memory_space<vmem>>, vector<1x16xf32>,
    %swap3A_991 = vector.shape_cast %swap3A_990 : vector<1x16xf32> to vector<16xf32>
    %swap3A_992 = vector.shape_cast %broadcast_in_dim3A_986 : vector<16xf32> to vector<1x16xf32>
    tpu.vector_store %arg9[%swap3A_988, %swap3A_989], %swap3A_992 {strides = array<i32>} : memref<16x144xf32, #tpu.memory_space<vmem>>, vector<1x16xf32>,
    %broadcast_in_dim3A_993 = arith.constant 0.000000e+00 : f32
    %broadcast_in_dim3A_994 = vector.broadcast %broadcast_in_dim3A_993 : f32 to vector<16xf32>
    %swap3A_995 = arith.constant 13 : i32
    %swap3A_996 = arith.index_cast %swap3A_995 : i32 to index
    %swap3A_997 = arith.constant 112 : index
    %swap3A_998 = tpu.vector_load %arg9[%swap3A_996, %swap3A_997] {strides = array<i32>} : memref<16x144xf32, #tpu.memory_space<vmem>>, vector<1x16xf32>,
    %swap3A_999 = vector.shape_cast %swap3A_998 : vector<1x16xf32> to vector<16xf32>
    %swap3A_1000 = vector.shape_cast %broadcast_in_dim3A_994 : vector<16xf32> to vector<1x16xf32>
    tpu.vector_store %arg9[%swap3A_996, %swap3A_997], %swap3A_1000 {strides = array<i32>} : memref<16x144xf32, #tpu.memory_space<vmem>>, vector<1x16xf32>,
    %broadcast_in_dim3A_1001 = arith.constant 0.000000e+00 : f32
    %broadcast_in_dim3A_1002 = vector.broadcast %broadcast_in_dim3A_1001 : f32 to vector<16xf32>
    %swap3A_1003 = arith.constant 13 : i32
    %swap3A_1004 = arith.index_cast %swap3A_1003 : i32 to index
    %swap3A_1005 = arith.constant 128 : index
    %swap3A_1006 = tpu.vector_load %arg9[%swap3A_1004, %swap3A_1005] {strides = array<i32>} : memref<16x144xf32, #tpu.memory_space<vmem>>, vector<1x16xf32>,
    %swap3A_1007 = vector.shape_cast %swap3A_1006 : vector<1x16xf32> to vector<16xf32>
    %swap3A_1008 = vector.shape_cast %broadcast_in_dim3A_1002 : vector<16xf32> to vector<1x16xf32>
    tpu.vector_store %arg9[%swap3A_1004, %swap3A_1005], %swap3A_1008 {strides = array<i32>} : memref<16x144xf32, #tpu.memory_space<vmem>>, vector<1x16xf32>,
    %broadcast_in_dim3A_1009 = arith.constant 0.000000e+00 : f32
    %broadcast_in_dim3A_1010 = vector.broadcast %broadcast_in_dim3A_1009 : f32 to vector<16xf32>
    %swap3A_1011 = arith.constant 14 : i32
    %swap3A_1012 = arith.index_cast %swap3A_1011 : i32 to index
    %swap3A_1013 = arith.constant 0 : index
    %swap3A_1014 = tpu.vector_load %arg9[%swap3A_1012, %swap3A_1013] {strides = array<i32>} : memref<16x144xf32, #tpu.memory_space<vmem>>, vector<1x16xf32>,
    %swap3A_1015 = vector.shape_cast %swap3A_1014 : vector<1x16xf32> to vector<16xf32>
    %swap3A_1016 = vector.shape_cast %broadcast_in_dim3A_1010 : vector<16xf32> to vector<1x16xf32>
    tpu.vector_store %arg9[%swap3A_1012, %swap3A_1013], %swap3A_1016 {strides = array<i32>} : memref<16x144xf32, #tpu.memory_space<vmem>>, vector<1x16xf32>,
    %broadcast_in_dim3A_1017 = arith.constant 0.000000e+00 : f32
    %broadcast_in_dim3A_1018 = vector.broadcast %broadcast_in_dim3A_1017 : f32 to vector<16xf32>
    %swap3A_1019 = arith.constant 14 : i32
    %swap3A_1020 = arith.index_cast %swap3A_1019 : i32 to index
    %swap3A_1021 = arith.constant 16 : index
    %swap3A_1022 = tpu.vector_load %arg9[%swap3A_1020, %swap3A_1021] {strides = array<i32>} : memref<16x144xf32, #tpu.memory_space<vmem>>, vector<1x16xf32>,
    %swap3A_1023 = vector.shape_cast %swap3A_1022 : vector<1x16xf32> to vector<16xf32>
    %swap3A_1024 = vector.shape_cast %broadcast_in_dim3A_1018 : vector<16xf32> to vector<1x16xf32>
    tpu.vector_store %arg9[%swap3A_1020, %swap3A_1021], %swap3A_1024 {strides = array<i32>} : memref<16x144xf32, #tpu.memory_space<vmem>>, vector<1x16xf32>,
    %broadcast_in_dim3A_1025 = arith.constant 0.000000e+00 : f32
    %broadcast_in_dim3A_1026 = vector.broadcast %broadcast_in_dim3A_1025 : f32 to vector<16xf32>
    %swap3A_1027 = arith.constant 14 : i32
    %swap3A_1028 = arith.index_cast %swap3A_1027 : i32 to index
    %swap3A_1029 = arith.constant 32 : index
    %swap3A_1030 = tpu.vector_load %arg9[%swap3A_1028, %swap3A_1029] {strides = array<i32>} : memref<16x144xf32, #tpu.memory_space<vmem>>, vector<1x16xf32>,
    %swap3A_1031 = vector.shape_cast %swap3A_1030 : vector<1x16xf32> to vector<16xf32>
    %swap3A_1032 = vector.shape_cast %broadcast_in_dim3A_1026 : vector<16xf32> to vector<1x16xf32>
    tpu.vector_store %arg9[%swap3A_1028, %swap3A_1029], %swap3A_1032 {strides = array<i32>} : memref<16x144xf32, #tpu.memory_space<vmem>>, vector<1x16xf32>,
    %broadcast_in_dim3A_1033 = arith.constant 0.000000e+00 : f32
    %broadcast_in_dim3A_1034 = vector.broadcast %broadcast_in_dim3A_1033 : f32 to vector<16xf32>
    %swap3A_1035 = arith.constant 14 : i32
    %swap3A_1036 = arith.index_cast %swap3A_1035 : i32 to index
    %swap3A_1037 = arith.constant 48 : index
    %swap3A_1038 = tpu.vector_load %arg9[%swap3A_1036, %swap3A_1037] {strides = array<i32>} : memref<16x144xf32, #tpu.memory_space<vmem>>, vector<1x16xf32>,
    %swap3A_1039 = vector.shape_cast %swap3A_1038 : vector<1x16xf32> to vector<16xf32>
    %swap3A_1040 = vector.shape_cast %broadcast_in_dim3A_1034 : vector<16xf32> to vector<1x16xf32>
    tpu.vector_store %arg9[%swap3A_1036, %swap3A_1037], %swap3A_1040 {strides = array<i32>} : memref<16x144xf32, #tpu.memory_space<vmem>>, vector<1x16xf32>,
    %broadcast_in_dim3A_1041 = arith.constant 0.000000e+00 : f32
    %broadcast_in_dim3A_1042 = vector.broadcast %broadcast_in_dim3A_1041 : f32 to vector<16xf32>
    %swap3A_1043 = arith.constant 14 : i32
    %swap3A_1044 = arith.index_cast %swap3A_1043 : i32 to index
    %swap3A_1045 = arith.constant 64 : index
    %swap3A_1046 = tpu.vector_load %arg9[%swap3A_1044, %swap3A_1045] {strides = array<i32>} : memref<16x144xf32, #tpu.memory_space<vmem>>, vector<1x16xf32>,
    %swap3A_1047 = vector.shape_cast %swap3A_1046 : vector<1x16xf32> to vector<16xf32>
    %swap3A_1048 = vector.shape_cast %broadcast_in_dim3A_1042 : vector<16xf32> to vector<1x16xf32>
    tpu.vector_store %arg9[%swap3A_1044, %swap3A_1045], %swap3A_1048 {strides = array<i32>} : memref<16x144xf32, #tpu.memory_space<vmem>>, vector<1x16xf32>,
    %broadcast_in_dim3A_1049 = arith.constant 0.000000e+00 : f32
    %broadcast_in_dim3A_1050 = vector.broadcast %broadcast_in_dim3A_1049 : f32 to vector<16xf32>
    %swap3A_1051 = arith.constant 14 : i32
    %swap3A_1052 = arith.index_cast %swap3A_1051 : i32 to index
    %swap3A_1053 = arith.constant 80 : index
    %swap3A_1054 = tpu.vector_load %arg9[%swap3A_1052, %swap3A_1053] {strides = array<i32>} : memref<16x144xf32, #tpu.memory_space<vmem>>, vector<1x16xf32>,
    %swap3A_1055 = vector.shape_cast %swap3A_1054 : vector<1x16xf32> to vector<16xf32>
    %swap3A_1056 = vector.shape_cast %broadcast_in_dim3A_1050 : vector<16xf32> to vector<1x16xf32>
    tpu.vector_store %arg9[%swap3A_1052, %swap3A_1053], %swap3A_1056 {strides = array<i32>} : memref<16x144xf32, #tpu.memory_space<vmem>>, vector<1x16xf32>,
    %broadcast_in_dim3A_1057 = arith.constant 0.000000e+00 : f32
    %broadcast_in_dim3A_1058 = vector.broadcast %broadcast_in_dim3A_1057 : f32 to vector<16xf32>
    %swap3A_1059 = arith.constant 14 : i32
    %swap3A_1060 = arith.index_cast %swap3A_1059 : i32 to index
    %swap3A_1061 = arith.constant 96 : index
    %swap3A_1062 = tpu.vector_load %arg9[%swap3A_1060, %swap3A_1061] {strides = array<i32>} : memref<16x144xf32, #tpu.memory_space<vmem>>, vector<1x16xf32>,
    %swap3A_1063 = vector.shape_cast %swap3A_1062 : vector<1x16xf32> to vector<16xf32>
    %swap3A_1064 = vector.shape_cast %broadcast_in_dim3A_1058 : vector<16xf32> to vector<1x16xf32>
    tpu.vector_store %arg9[%swap3A_1060, %swap3A_1061], %swap3A_1064 {strides = array<i32>} : memref<16x144xf32, #tpu.memory_space<vmem>>, vector<1x16xf32>,
    %broadcast_in_dim3A_1065 = arith.constant 0.000000e+00 : f32
    %broadcast_in_dim3A_1066 = vector.broadcast %broadcast_in_dim3A_1065 : f32 to vector<16xf32>
    %swap3A_1067 = arith.constant 14 : i32
    %swap3A_1068 = arith.index_cast %swap3A_1067 : i32 to index
    %swap3A_1069 = arith.constant 112 : index
    %swap3A_1070 = tpu.vector_load %arg9[%swap3A_1068, %swap3A_1069] {strides = array<i32>} : memref<16x144xf32, #tpu.memory_space<vmem>>, vector<1x16xf32>,
    %swap3A_1071 = vector.shape_cast %swap3A_1070 : vector<1x16xf32> to vector<16xf32>
    %swap3A_1072 = vector.shape_cast %broadcast_in_dim3A_1066 : vector<16xf32> to vector<1x16xf32>
    tpu.vector_store %arg9[%swap3A_1068, %swap3A_1069], %swap3A_1072 {strides = array<i32>} : memref<16x144xf32, #tpu.memory_space<vmem>>, vector<1x16xf32>,
    %broadcast_in_dim3A_1073 = arith.constant 0.000000e+00 : f32
    %broadcast_in_dim3A_1074 = vector.broadcast %broadcast_in_dim3A_1073 : f32 to vector<16xf32>
    %swap3A_1075 = arith.constant 14 : i32
    %swap3A_1076 = arith.index_cast %swap3A_1075 : i32 to index
    %swap3A_1077 = arith.constant 128 : index
    %swap3A_1078 = tpu.vector_load %arg9[%swap3A_1076, %swap3A_1077] {strides = array<i32>} : memref<16x144xf32, #tpu.memory_space<vmem>>, vector<1x16xf32>,
    %swap3A_1079 = vector.shape_cast %swap3A_1078 : vector<1x16xf32> to vector<16xf32>
    %swap3A_1080 = vector.shape_cast %broadcast_in_dim3A_1074 : vector<16xf32> to vector<1x16xf32>
    tpu.vector_store %arg9[%swap3A_1076, %swap3A_1077], %swap3A_1080 {strides = array<i32>} : memref<16x144xf32, #tpu.memory_space<vmem>>, vector<1x16xf32>,
    %broadcast_in_dim3A_1081 = arith.constant 0.000000e+00 : f32
    %broadcast_in_dim3A_1082 = vector.broadcast %broadcast_in_dim3A_1081 : f32 to vector<16xf32>
    %swap3A_1083 = arith.constant 15 : i32
    %swap3A_1084 = arith.index_cast %swap3A_1083 : i32 to index
    %swap3A_1085 = arith.constant 0 : index
    %swap3A_1086 = tpu.vector_load %arg9[%swap3A_1084, %swap3A_1085] {strides = array<i32>} : memref<16x144xf32, #tpu.memory_space<vmem>>, vector<1x16xf32>,
    %swap3A_1087 = vector.shape_cast %swap3A_1086 : vector<1x16xf32> to vector<16xf32>
    %swap3A_1088 = vector.shape_cast %broadcast_in_dim3A_1082 : vector<16xf32> to vector<1x16xf32>
    tpu.vector_store %arg9[%swap3A_1084, %swap3A_1085], %swap3A_1088 {strides = array<i32>} : memref<16x144xf32, #tpu.memory_space<vmem>>, vector<1x16xf32>,
    %broadcast_in_dim3A_1089 = arith.constant 0.000000e+00 : f32
    %broadcast_in_dim3A_1090 = vector.broadcast %broadcast_in_dim3A_1089 : f32 to vector<16xf32>
    %swap3A_1091 = arith.constant 15 : i32
    %swap3A_1092 = arith.index_cast %swap3A_1091 : i32 to index
    %swap3A_1093 = arith.constant 16 : index
    %swap3A_1094 = tpu.vector_load %arg9[%swap3A_1092, %swap3A_1093] {strides = array<i32>} : memref<16x144xf32, #tpu.memory_space<vmem>>, vector<1x16xf32>,
    %swap3A_1095 = vector.shape_cast %swap3A_1094 : vector<1x16xf32> to vector<16xf32>
    %swap3A_1096 = vector.shape_cast %broadcast_in_dim3A_1090 : vector<16xf32> to vector<1x16xf32>
    tpu.vector_store %arg9[%swap3A_1092, %swap3A_1093], %swap3A_1096 {strides = array<i32>} : memref<16x144xf32, #tpu.memory_space<vmem>>, vector<1x16xf32>,
    %broadcast_in_dim3A_1097 = arith.constant 0.000000e+00 : f32
    %broadcast_in_dim3A_1098 = vector.broadcast %broadcast_in_dim3A_1097 : f32 to vector<16xf32>
    %swap3A_1099 = arith.constant 15 : i32
    %swap3A_1100 = arith.index_cast %swap3A_1099 : i32 to index
    %swap3A_1101 = arith.constant 32 : index
    %swap3A_1102 = tpu.vector_load %arg9[%swap3A_1100, %swap3A_1101] {strides = array<i32>} : memref<16x144xf32, #tpu.memory_space<vmem>>, vector<1x16xf32>,
    %swap3A_1103 = vector.shape_cast %swap3A_1102 : vector<1x16xf32> to vector<16xf32>
    %swap3A_1104 = vector.shape_cast %broadcast_in_dim3A_1098 : vector<16xf32> to vector<1x16xf32>
    tpu.vector_store %arg9[%swap3A_1100, %swap3A_1101], %swap3A_1104 {strides = array<i32>} : memref<16x144xf32, #tpu.memory_space<vmem>>, vector<1x16xf32>,
    %broadcast_in_dim3A_1105 = arith.constant 0.000000e+00 : f32
    %broadcast_in_dim3A_1106 = vector.broadcast %broadcast_in_dim3A_1105 : f32 to vector<16xf32>
    %swap3A_1107 = arith.constant 15 : i32
    %swap3A_1108 = arith.index_cast %swap3A_1107 : i32 to index
    %swap3A_1109 = arith.constant 48 : index
    %swap3A_1110 = tpu.vector_load %arg9[%swap3A_1108, %swap3A_1109] {strides = array<i32>} : memref<16x144xf32, #tpu.memory_space<vmem>>, vector<1x16xf32>,
    %swap3A_1111 = vector.shape_cast %swap3A_1110 : vector<1x16xf32> to vector<16xf32>
    %swap3A_1112 = vector.shape_cast %broadcast_in_dim3A_1106 : vector<16xf32> to vector<1x16xf32>
    tpu.vector_store %arg9[%swap3A_1108, %swap3A_1109], %swap3A_1112 {strides = array<i32>} : memref<16x144xf32, #tpu.memory_space<vmem>>, vector<1x16xf32>,
    %broadcast_in_dim3A_1113 = arith.constant 0.000000e+00 : f32
    %broadcast_in_dim3A_1114 = vector.broadcast %broadcast_in_dim3A_1113 : f32 to vector<16xf32>
    %swap3A_1115 = arith.constant 15 : i32
    %swap3A_1116 = arith.index_cast %swap3A_1115 : i32 to index
    %swap3A_1117 = arith.constant 64 : index
    %swap3A_1118 = tpu.vector_load %arg9[%swap3A_1116, %swap3A_1117] {strides = array<i32>} : memref<16x144xf32, #tpu.memory_space<vmem>>, vector<1x16xf32>,
    %swap3A_1119 = vector.shape_cast %swap3A_1118 : vector<1x16xf32> to vector<16xf32>
    %swap3A_1120 = vector.shape_cast %broadcast_in_dim3A_1114 : vector<16xf32> to vector<1x16xf32>
    tpu.vector_store %arg9[%swap3A_1116, %swap3A_1117], %swap3A_1120 {strides = array<i32>} : memref<16x144xf32, #tpu.memory_space<vmem>>, vector<1x16xf32>,
    %broadcast_in_dim3A_1121 = arith.constant 0.000000e+00 : f32
    %broadcast_in_dim3A_1122 = vector.broadcast %broadcast_in_dim3A_1121 : f32 to vector<16xf32>
    %swap3A_1123 = arith.constant 15 : i32
    %swap3A_1124 = arith.index_cast %swap3A_1123 : i32 to index
    %swap3A_1125 = arith.constant 80 : index
    %swap3A_1126 = tpu.vector_load %arg9[%swap3A_1124, %swap3A_1125] {strides = array<i32>} : memref<16x144xf32, #tpu.memory_space<vmem>>, vector<1x16xf32>,
    %swap3A_1127 = vector.shape_cast %swap3A_1126 : vector<1x16xf32> to vector<16xf32>
    %swap3A_1128 = vector.shape_cast %broadcast_in_dim3A_1122 : vector<16xf32> to vector<1x16xf32>
    tpu.vector_store %arg9[%swap3A_1124, %swap3A_1125], %swap3A_1128 {strides = array<i32>} : memref<16x144xf32, #tpu.memory_space<vmem>>, vector<1x16xf32>,
    %broadcast_in_dim3A_1129 = arith.constant 0.000000e+00 : f32
    %broadcast_in_dim3A_1130 = vector.broadcast %broadcast_in_dim3A_1129 : f32 to vector<16xf32>
    %swap3A_1131 = arith.constant 15 : i32
    %swap3A_1132 = arith.index_cast %swap3A_1131 : i32 to index
    %swap3A_1133 = arith.constant 96 : index
    %swap3A_1134 = tpu.vector_load %arg9[%swap3A_1132, %swap3A_1133] {strides = array<i32>} : memref<16x144xf32, #tpu.memory_space<vmem>>, vector<1x16xf32>,
    %swap3A_1135 = vector.shape_cast %swap3A_1134 : vector<1x16xf32> to vector<16xf32>
    %swap3A_1136 = vector.shape_cast %broadcast_in_dim3A_1130 : vector<16xf32> to vector<1x16xf32>
    tpu.vector_store %arg9[%swap3A_1132, %swap3A_1133], %swap3A_1136 {strides = array<i32>} : memref<16x144xf32, #tpu.memory_space<vmem>>, vector<1x16xf32>,
    %broadcast_in_dim3A_1137 = arith.constant 0.000000e+00 : f32
    %broadcast_in_dim3A_1138 = vector.broadcast %broadcast_in_dim3A_1137 : f32 to vector<16xf32>
    %swap3A_1139 = arith.constant 15 : i32
    %swap3A_1140 = arith.index_cast %swap3A_1139 : i32 to index
    %swap3A_1141 = arith.constant 112 : index
    %swap3A_1142 = tpu.vector_load %arg9[%swap3A_1140, %swap3A_1141] {strides = array<i32>} : memref<16x144xf32, #tpu.memory_space<vmem>>, vector<1x16xf32>,
    %swap3A_1143 = vector.shape_cast %swap3A_1142 : vector<1x16xf32> to vector<16xf32>
    %swap3A_1144 = vector.shape_cast %broadcast_in_dim3A_1138 : vector<16xf32> to vector<1x16xf32>
    tpu.vector_store %arg9[%swap3A_1140, %swap3A_1141], %swap3A_1144 {strides = array<i32>} : memref<16x144xf32, #tpu.memory_space<vmem>>, vector<1x16xf32>,
    %broadcast_in_dim3A_1145 = arith.constant 0.000000e+00 : f32
    %broadcast_in_dim3A_1146 = vector.broadcast %broadcast_in_dim3A_1145 : f32 to vector<16xf32>
    %swap3A_1147 = arith.constant 15 : i32
    %swap3A_1148 = arith.index_cast %swap3A_1147 : i32 to index
    %swap3A_1149 = arith.constant 128 : index
    %swap3A_1150 = tpu.vector_load %arg9[%swap3A_1148, %swap3A_1149] {strides = array<i32>} : memref<16x144xf32, #tpu.memory_space<vmem>>, vector<1x16xf32>,
    %swap3A_1151 = vector.shape_cast %swap3A_1150 : vector<1x16xf32> to vector<16xf32>
    %swap3A_1152 = vector.shape_cast %broadcast_in_dim3A_1146 : vector<16xf32> to vector<1x16xf32>
    tpu.vector_store %arg9[%swap3A_1148, %swap3A_1149], %swap3A_1152 {strides = array<i32>} : memref<16x144xf32, #tpu.memory_space<vmem>>, vector<1x16xf32>,
    %mul3A_1153 = arith.constant 256 : i32
    %mul3A_1154 = arith.muli %arg1, %mul3A_1153 : i32
    %add3A_1155 = arith.constant 0 : i32
    %add3A_1156 = arith.addi %mul3A_1154, %add3A_1155 : i32
    "tpu.region"() ({
      %run_scoped3A = tpu.sem_alloc : memref<!tpu.dma_semaphore, #tpu.memory_space<semaphore_mem>>
      %dma_start3A_1274 = arith.constant 0 : i32
      %dma_start3A_1275 = tpu.memref_slice %arg10[%add3A_1156, %dma_start3A_1274] : memref<4096x144xf32, #tpu.memory_space<vmem_shared>> -> memref<16x144xf32, #tpu.memory_space<vmem_shared>>
      %dma_start3A_1276 = arith.constant 0 : i32
      %dma_start3A_1277 = tpu.memref_slice %arg10[%add3A_1156, %dma_start3A_1276] : memref<4096x144xf32, #tpu.memory_space<vmem_shared>> -> memref<16x144xf32, #tpu.memory_space<vmem_shared>>
      tpu.enqueue_dma source(%arg9 : memref<16x144xf32, #tpu.memory_space<vmem>>) target(%dma_start3A_1277 : memref<16x144xf32, #tpu.memory_space<vmem_shared>>) target_semaphore(%run_scoped3A : memref<!tpu.dma_semaphore, #tpu.memory_space<semaphore_mem>>)
      %dma_wait3A = arith.constant 0 : i32
      %dma_wait3A_1278 = tpu.memref_slice %arg10[%add3A_1156, %dma_wait3A] : memref<4096x144xf32, #tpu.memory_space<vmem_shared>> -> memref<16x144xf32, #tpu.memory_space<vmem_shared>>
      %dma_wait3A_1279 = arith.constant 0 : i32
      %dma_wait3A_1280 = tpu.memref_slice %arg10[%add3A_1156, %dma_wait3A_1279] : memref<4096x144xf32, #tpu.memory_space<vmem_shared>> -> memref<16x144xf32, #tpu.memory_space<vmem_shared>>
      tpu.wait_dma2 semaphore(%run_scoped3A : memref<!tpu.dma_semaphore, #tpu.memory_space<semaphore_mem>>) src(%arg9 : memref<16x144xf32, #tpu.memory_space<vmem>>) dst(%dma_wait3A_1280 : memref<16x144xf32, #tpu.memory_space<vmem_shared>>)
      tpu.yield
    }) : () -> ()
    %mul3A_1157 = arith.constant 256 : i32
    %mul3A_1158 = arith.muli %arg1, %mul3A_1157 : i32
    %add3A_1159 = arith.constant 16 : i32
    %add3A_1160 = arith.addi %mul3A_1158, %add3A_1159 : i32
    "tpu.region"() ({
      %run_scoped3A = tpu.sem_alloc : memref<!tpu.dma_semaphore, #tpu.memory_space<semaphore_mem>>
      %dma_start3A_1274 = arith.constant 0 : i32
      %dma_start3A_1275 = tpu.memref_slice %arg10[%add3A_1160, %dma_start3A_1274] : memref<4096x144xf32, #tpu.memory_space<vmem_shared>> -> memref<16x144xf32, #tpu.memory_space<vmem_shared>>
      %dma_start3A_1276 = arith.constant 0 : i32
      %dma_start3A_1277 = tpu.memref_slice %arg10[%add3A_1160, %dma_start3A_1276] : memref<4096x144xf32, #tpu.memory_space<vmem_shared>> -> memref<16x144xf32, #tpu.memory_space<vmem_shared>>
      tpu.enqueue_dma source(%arg9 : memref<16x144xf32, #tpu.memory_space<vmem>>) target(%dma_start3A_1277 : memref<16x144xf32, #tpu.memory_space<vmem_shared>>) target_semaphore(%run_scoped3A : memref<!tpu.dma_semaphore, #tpu.memory_space<semaphore_mem>>)
      %dma_wait3A = arith.constant 0 : i32
      %dma_wait3A_1278 = tpu.memref_slice %arg10[%add3A_1160, %dma_wait3A] : memref<4096x144xf32, #tpu.memory_space<vmem_shared>> -> memref<16x144xf32, #tpu.memory_space<vmem_shared>>
      %dma_wait3A_1279 = arith.constant 0 : i32
      %dma_wait3A_1280 = tpu.memref_slice %arg10[%add3A_1160, %dma_wait3A_1279] : memref<4096x144xf32, #tpu.memory_space<vmem_shared>> -> memref<16x144xf32, #tpu.memory_space<vmem_shared>>
      tpu.wait_dma2 semaphore(%run_scoped3A : memref<!tpu.dma_semaphore, #tpu.memory_space<semaphore_mem>>) src(%arg9 : memref<16x144xf32, #tpu.memory_space<vmem>>) dst(%dma_wait3A_1280 : memref<16x144xf32, #tpu.memory_space<vmem_shared>>)
      tpu.yield
    }) : () -> ()
    %mul3A_1161 = arith.constant 256 : i32
    %mul3A_1162 = arith.muli %arg1, %mul3A_1161 : i32
    %add3A_1163 = arith.constant 32 : i32
    %add3A_1164 = arith.addi %mul3A_1162, %add3A_1163 : i32
    "tpu.region"() ({
      %run_scoped3A = tpu.sem_alloc : memref<!tpu.dma_semaphore, #tpu.memory_space<semaphore_mem>>
      %dma_start3A_1274 = arith.constant 0 : i32
      %dma_start3A_1275 = tpu.memref_slice %arg10[%add3A_1164, %dma_start3A_1274] : memref<4096x144xf32, #tpu.memory_space<vmem_shared>> -> memref<16x144xf32, #tpu.memory_space<vmem_shared>>
      %dma_start3A_1276 = arith.constant 0 : i32
      %dma_start3A_1277 = tpu.memref_slice %arg10[%add3A_1164, %dma_start3A_1276] : memref<4096x144xf32, #tpu.memory_space<vmem_shared>> -> memref<16x144xf32, #tpu.memory_space<vmem_shared>>
      tpu.enqueue_dma source(%arg9 : memref<16x144xf32, #tpu.memory_space<vmem>>) target(%dma_start3A_1277 : memref<16x144xf32, #tpu.memory_space<vmem_shared>>) target_semaphore(%run_scoped3A : memref<!tpu.dma_semaphore, #tpu.memory_space<semaphore_mem>>)
      %dma_wait3A = arith.constant 0 : i32
      %dma_wait3A_1278 = tpu.memref_slice %arg10[%add3A_1164, %dma_wait3A] : memref<4096x144xf32, #tpu.memory_space<vmem_shared>> -> memref<16x144xf32, #tpu.memory_space<vmem_shared>>
      %dma_wait3A_1279 = arith.constant 0 : i32
      %dma_wait3A_1280 = tpu.memref_slice %arg10[%add3A_1164, %dma_wait3A_1279] : memref<4096x144xf32, #tpu.memory_space<vmem_shared>> -> memref<16x144xf32, #tpu.memory_space<vmem_shared>>
      tpu.wait_dma2 semaphore(%run_scoped3A : memref<!tpu.dma_semaphore, #tpu.memory_space<semaphore_mem>>) src(%arg9 : memref<16x144xf32, #tpu.memory_space<vmem>>) dst(%dma_wait3A_1280 : memref<16x144xf32, #tpu.memory_space<vmem_shared>>)
      tpu.yield
    }) : () -> ()
    %mul3A_1165 = arith.constant 256 : i32
    %mul3A_1166 = arith.muli %arg1, %mul3A_1165 : i32
    %add3A_1167 = arith.constant 48 : i32
    %add3A_1168 = arith.addi %mul3A_1166, %add3A_1167 : i32
    "tpu.region"() ({
      %run_scoped3A = tpu.sem_alloc : memref<!tpu.dma_semaphore, #tpu.memory_space<semaphore_mem>>
      %dma_start3A_1274 = arith.constant 0 : i32
      %dma_start3A_1275 = tpu.memref_slice %arg10[%add3A_1168, %dma_start3A_1274] : memref<4096x144xf32, #tpu.memory_space<vmem_shared>> -> memref<16x144xf32, #tpu.memory_space<vmem_shared>>
      %dma_start3A_1276 = arith.constant 0 : i32
      %dma_start3A_1277 = tpu.memref_slice %arg10[%add3A_1168, %dma_start3A_1276] : memref<4096x144xf32, #tpu.memory_space<vmem_shared>> -> memref<16x144xf32, #tpu.memory_space<vmem_shared>>
      tpu.enqueue_dma source(%arg9 : memref<16x144xf32, #tpu.memory_space<vmem>>) target(%dma_start3A_1277 : memref<16x144xf32, #tpu.memory_space<vmem_shared>>) target_semaphore(%run_scoped3A : memref<!tpu.dma_semaphore, #tpu.memory_space<semaphore_mem>>)
      %dma_wait3A = arith.constant 0 : i32
      %dma_wait3A_1278 = tpu.memref_slice %arg10[%add3A_1168, %dma_wait3A] : memref<4096x144xf32, #tpu.memory_space<vmem_shared>> -> memref<16x144xf32, #tpu.memory_space<vmem_shared>>
      %dma_wait3A_1279 = arith.constant 0 : i32
      %dma_wait3A_1280 = tpu.memref_slice %arg10[%add3A_1168, %dma_wait3A_1279] : memref<4096x144xf32, #tpu.memory_space<vmem_shared>> -> memref<16x144xf32, #tpu.memory_space<vmem_shared>>
      tpu.wait_dma2 semaphore(%run_scoped3A : memref<!tpu.dma_semaphore, #tpu.memory_space<semaphore_mem>>) src(%arg9 : memref<16x144xf32, #tpu.memory_space<vmem>>) dst(%dma_wait3A_1280 : memref<16x144xf32, #tpu.memory_space<vmem_shared>>)
      tpu.yield
    }) : () -> ()
    %mul3A_1169 = arith.constant 256 : i32
    %mul3A_1170 = arith.muli %arg1, %mul3A_1169 : i32
    %add3A_1171 = arith.constant 64 : i32
    %add3A_1172 = arith.addi %mul3A_1170, %add3A_1171 : i32
    "tpu.region"() ({
      %run_scoped3A = tpu.sem_alloc : memref<!tpu.dma_semaphore, #tpu.memory_space<semaphore_mem>>
      %dma_start3A_1274 = arith.constant 0 : i32
      %dma_start3A_1275 = tpu.memref_slice %arg10[%add3A_1172, %dma_start3A_1274] : memref<4096x144xf32, #tpu.memory_space<vmem_shared>> -> memref<16x144xf32, #tpu.memory_space<vmem_shared>>
      %dma_start3A_1276 = arith.constant 0 : i32
      %dma_start3A_1277 = tpu.memref_slice %arg10[%add3A_1172, %dma_start3A_1276] : memref<4096x144xf32, #tpu.memory_space<vmem_shared>> -> memref<16x144xf32, #tpu.memory_space<vmem_shared>>
      tpu.enqueue_dma source(%arg9 : memref<16x144xf32, #tpu.memory_space<vmem>>) target(%dma_start3A_1277 : memref<16x144xf32, #tpu.memory_space<vmem_shared>>) target_semaphore(%run_scoped3A : memref<!tpu.dma_semaphore, #tpu.memory_space<semaphore_mem>>)
      %dma_wait3A = arith.constant 0 : i32
      %dma_wait3A_1278 = tpu.memref_slice %arg10[%add3A_1172, %dma_wait3A] : memref<4096x144xf32, #tpu.memory_space<vmem_shared>> -> memref<16x144xf32, #tpu.memory_space<vmem_shared>>
      %dma_wait3A_1279 = arith.constant 0 : i32
      %dma_wait3A_1280 = tpu.memref_slice %arg10[%add3A_1172, %dma_wait3A_1279] : memref<4096x144xf32, #tpu.memory_space<vmem_shared>> -> memref<16x144xf32, #tpu.memory_space<vmem_shared>>
      tpu.wait_dma2 semaphore(%run_scoped3A : memref<!tpu.dma_semaphore, #tpu.memory_space<semaphore_mem>>) src(%arg9 : memref<16x144xf32, #tpu.memory_space<vmem>>) dst(%dma_wait3A_1280 : memref<16x144xf32, #tpu.memory_space<vmem_shared>>)
      tpu.yield
    }) : () -> ()
    %mul3A_1173 = arith.constant 256 : i32
    %mul3A_1174 = arith.muli %arg1, %mul3A_1173 : i32
    %add3A_1175 = arith.constant 80 : i32
    %add3A_1176 = arith.addi %mul3A_1174, %add3A_1175 : i32
    "tpu.region"() ({
      %run_scoped3A = tpu.sem_alloc : memref<!tpu.dma_semaphore, #tpu.memory_space<semaphore_mem>>
      %dma_start3A_1274 = arith.constant 0 : i32
      %dma_start3A_1275 = tpu.memref_slice %arg10[%add3A_1176, %dma_start3A_1274] : memref<4096x144xf32, #tpu.memory_space<vmem_shared>> -> memref<16x144xf32, #tpu.memory_space<vmem_shared>>
      %dma_start3A_1276 = arith.constant 0 : i32
      %dma_start3A_1277 = tpu.memref_slice %arg10[%add3A_1176, %dma_start3A_1276] : memref<4096x144xf32, #tpu.memory_space<vmem_shared>> -> memref<16x144xf32, #tpu.memory_space<vmem_shared>>
      tpu.enqueue_dma source(%arg9 : memref<16x144xf32, #tpu.memory_space<vmem>>) target(%dma_start3A_1277 : memref<16x144xf32, #tpu.memory_space<vmem_shared>>) target_semaphore(%run_scoped3A : memref<!tpu.dma_semaphore, #tpu.memory_space<semaphore_mem>>)
      %dma_wait3A = arith.constant 0 : i32
      %dma_wait3A_1278 = tpu.memref_slice %arg10[%add3A_1176, %dma_wait3A] : memref<4096x144xf32, #tpu.memory_space<vmem_shared>> -> memref<16x144xf32, #tpu.memory_space<vmem_shared>>
      %dma_wait3A_1279 = arith.constant 0 : i32
      %dma_wait3A_1280 = tpu.memref_slice %arg10[%add3A_1176, %dma_wait3A_1279] : memref<4096x144xf32, #tpu.memory_space<vmem_shared>> -> memref<16x144xf32, #tpu.memory_space<vmem_shared>>
      tpu.wait_dma2 semaphore(%run_scoped3A : memref<!tpu.dma_semaphore, #tpu.memory_space<semaphore_mem>>) src(%arg9 : memref<16x144xf32, #tpu.memory_space<vmem>>) dst(%dma_wait3A_1280 : memref<16x144xf32, #tpu.memory_space<vmem_shared>>)
      tpu.yield
    }) : () -> ()
    %mul3A_1177 = arith.constant 256 : i32
    %mul3A_1178 = arith.muli %arg1, %mul3A_1177 : i32
    %add3A_1179 = arith.constant 96 : i32
    %add3A_1180 = arith.addi %mul3A_1178, %add3A_1179 : i32
    "tpu.region"() ({
      %run_scoped3A = tpu.sem_alloc : memref<!tpu.dma_semaphore, #tpu.memory_space<semaphore_mem>>
      %dma_start3A_1274 = arith.constant 0 : i32
      %dma_start3A_1275 = tpu.memref_slice %arg10[%add3A_1180, %dma_start3A_1274] : memref<4096x144xf32, #tpu.memory_space<vmem_shared>> -> memref<16x144xf32, #tpu.memory_space<vmem_shared>>
      %dma_start3A_1276 = arith.constant 0 : i32
      %dma_start3A_1277 = tpu.memref_slice %arg10[%add3A_1180, %dma_start3A_1276] : memref<4096x144xf32, #tpu.memory_space<vmem_shared>> -> memref<16x144xf32, #tpu.memory_space<vmem_shared>>
      tpu.enqueue_dma source(%arg9 : memref<16x144xf32, #tpu.memory_space<vmem>>) target(%dma_start3A_1277 : memref<16x144xf32, #tpu.memory_space<vmem_shared>>) target_semaphore(%run_scoped3A : memref<!tpu.dma_semaphore, #tpu.memory_space<semaphore_mem>>)
      %dma_wait3A = arith.constant 0 : i32
      %dma_wait3A_1278 = tpu.memref_slice %arg10[%add3A_1180, %dma_wait3A] : memref<4096x144xf32, #tpu.memory_space<vmem_shared>> -> memref<16x144xf32, #tpu.memory_space<vmem_shared>>
      %dma_wait3A_1279 = arith.constant 0 : i32
      %dma_wait3A_1280 = tpu.memref_slice %arg10[%add3A_1180, %dma_wait3A_1279] : memref<4096x144xf32, #tpu.memory_space<vmem_shared>> -> memref<16x144xf32, #tpu.memory_space<vmem_shared>>
      tpu.wait_dma2 semaphore(%run_scoped3A : memref<!tpu.dma_semaphore, #tpu.memory_space<semaphore_mem>>) src(%arg9 : memref<16x144xf32, #tpu.memory_space<vmem>>) dst(%dma_wait3A_1280 : memref<16x144xf32, #tpu.memory_space<vmem_shared>>)
      tpu.yield
    }) : () -> ()
    %mul3A_1181 = arith.constant 256 : i32
    %mul3A_1182 = arith.muli %arg1, %mul3A_1181 : i32
    %add3A_1183 = arith.constant 112 : i32
    %add3A_1184 = arith.addi %mul3A_1182, %add3A_1183 : i32
    "tpu.region"() ({
      %run_scoped3A = tpu.sem_alloc : memref<!tpu.dma_semaphore, #tpu.memory_space<semaphore_mem>>
      %dma_start3A_1274 = arith.constant 0 : i32
      %dma_start3A_1275 = tpu.memref_slice %arg10[%add3A_1184, %dma_start3A_1274] : memref<4096x144xf32, #tpu.memory_space<vmem_shared>> -> memref<16x144xf32, #tpu.memory_space<vmem_shared>>
      %dma_start3A_1276 = arith.constant 0 : i32
      %dma_start3A_1277 = tpu.memref_slice %arg10[%add3A_1184, %dma_start3A_1276] : memref<4096x144xf32, #tpu.memory_space<vmem_shared>> -> memref<16x144xf32, #tpu.memory_space<vmem_shared>>
      tpu.enqueue_dma source(%arg9 : memref<16x144xf32, #tpu.memory_space<vmem>>) target(%dma_start3A_1277 : memref<16x144xf32, #tpu.memory_space<vmem_shared>>) target_semaphore(%run_scoped3A : memref<!tpu.dma_semaphore, #tpu.memory_space<semaphore_mem>>)
      %dma_wait3A = arith.constant 0 : i32
      %dma_wait3A_1278 = tpu.memref_slice %arg10[%add3A_1184, %dma_wait3A] : memref<4096x144xf32, #tpu.memory_space<vmem_shared>> -> memref<16x144xf32, #tpu.memory_space<vmem_shared>>
      %dma_wait3A_1279 = arith.constant 0 : i32
      %dma_wait3A_1280 = tpu.memref_slice %arg10[%add3A_1184, %dma_wait3A_1279] : memref<4096x144xf32, #tpu.memory_space<vmem_shared>> -> memref<16x144xf32, #tpu.memory_space<vmem_shared>>
      tpu.wait_dma2 semaphore(%run_scoped3A : memref<!tpu.dma_semaphore, #tpu.memory_space<semaphore_mem>>) src(%arg9 : memref<16x144xf32, #tpu.memory_space<vmem>>) dst(%dma_wait3A_1280 : memref<16x144xf32, #tpu.memory_space<vmem_shared>>)
      tpu.yield
    }) : () -> ()
    %mul3A_1185 = arith.constant 256 : i32
    %mul3A_1186 = arith.muli %arg1, %mul3A_1185 : i32
    %add3A_1187 = arith.constant 128 : i32
    %add3A_1188 = arith.addi %mul3A_1186, %add3A_1187 : i32
    "tpu.region"() ({
      %run_scoped3A = tpu.sem_alloc : memref<!tpu.dma_semaphore, #tpu.memory_space<semaphore_mem>>
      %dma_start3A_1274 = arith.constant 0 : i32
      %dma_start3A_1275 = tpu.memref_slice %arg10[%add3A_1188, %dma_start3A_1274] : memref<4096x144xf32, #tpu.memory_space<vmem_shared>> -> memref<16x144xf32, #tpu.memory_space<vmem_shared>>
      %dma_start3A_1276 = arith.constant 0 : i32
      %dma_start3A_1277 = tpu.memref_slice %arg10[%add3A_1188, %dma_start3A_1276] : memref<4096x144xf32, #tpu.memory_space<vmem_shared>> -> memref<16x144xf32, #tpu.memory_space<vmem_shared>>
      tpu.enqueue_dma source(%arg9 : memref<16x144xf32, #tpu.memory_space<vmem>>) target(%dma_start3A_1277 : memref<16x144xf32, #tpu.memory_space<vmem_shared>>) target_semaphore(%run_scoped3A : memref<!tpu.dma_semaphore, #tpu.memory_space<semaphore_mem>>)
      %dma_wait3A = arith.constant 0 : i32
      %dma_wait3A_1278 = tpu.memref_slice %arg10[%add3A_1188, %dma_wait3A] : memref<4096x144xf32, #tpu.memory_space<vmem_shared>> -> memref<16x144xf32, #tpu.memory_space<vmem_shared>>
      %dma_wait3A_1279 = arith.constant 0 : i32
      %dma_wait3A_1280 = tpu.memref_slice %arg10[%add3A_1188, %dma_wait3A_1279] : memref<4096x144xf32, #tpu.memory_space<vmem_shared>> -> memref<16x144xf32, #tpu.memory_space<vmem_shared>>
      tpu.wait_dma2 semaphore(%run_scoped3A : memref<!tpu.dma_semaphore, #tpu.memory_space<semaphore_mem>>) src(%arg9 : memref<16x144xf32, #tpu.memory_space<vmem>>) dst(%dma_wait3A_1280 : memref<16x144xf32, #tpu.memory_space<vmem_shared>>)
      tpu.yield
    }) : () -> ()
    %mul3A_1189 = arith.constant 256 : i32
    %mul3A_1190 = arith.muli %arg1, %mul3A_1189 : i32
    %add3A_1191 = arith.constant 144 : i32
    %add3A_1192 = arith.addi %mul3A_1190, %add3A_1191 : i32
    "tpu.region"() ({
      %run_scoped3A = tpu.sem_alloc : memref<!tpu.dma_semaphore, #tpu.memory_space<semaphore_mem>>
      %dma_start3A_1274 = arith.constant 0 : i32
      %dma_start3A_1275 = tpu.memref_slice %arg10[%add3A_1192, %dma_start3A_1274] : memref<4096x144xf32, #tpu.memory_space<vmem_shared>> -> memref<16x144xf32, #tpu.memory_space<vmem_shared>>
      %dma_start3A_1276 = arith.constant 0 : i32
      %dma_start3A_1277 = tpu.memref_slice %arg10[%add3A_1192, %dma_start3A_1276] : memref<4096x144xf32, #tpu.memory_space<vmem_shared>> -> memref<16x144xf32, #tpu.memory_space<vmem_shared>>
      tpu.enqueue_dma source(%arg9 : memref<16x144xf32, #tpu.memory_space<vmem>>) target(%dma_start3A_1277 : memref<16x144xf32, #tpu.memory_space<vmem_shared>>) target_semaphore(%run_scoped3A : memref<!tpu.dma_semaphore, #tpu.memory_space<semaphore_mem>>)
      %dma_wait3A = arith.constant 0 : i32
      %dma_wait3A_1278 = tpu.memref_slice %arg10[%add3A_1192, %dma_wait3A] : memref<4096x144xf32, #tpu.memory_space<vmem_shared>> -> memref<16x144xf32, #tpu.memory_space<vmem_shared>>
      %dma_wait3A_1279 = arith.constant 0 : i32
      %dma_wait3A_1280 = tpu.memref_slice %arg10[%add3A_1192, %dma_wait3A_1279] : memref<4096x144xf32, #tpu.memory_space<vmem_shared>> -> memref<16x144xf32, #tpu.memory_space<vmem_shared>>
      tpu.wait_dma2 semaphore(%run_scoped3A : memref<!tpu.dma_semaphore, #tpu.memory_space<semaphore_mem>>) src(%arg9 : memref<16x144xf32, #tpu.memory_space<vmem>>) dst(%dma_wait3A_1280 : memref<16x144xf32, #tpu.memory_space<vmem_shared>>)
      tpu.yield
    }) : () -> ()
    %mul3A_1193 = arith.constant 256 : i32
    %mul3A_1194 = arith.muli %arg1, %mul3A_1193 : i32
    %add3A_1195 = arith.constant 160 : i32
    %add3A_1196 = arith.addi %mul3A_1194, %add3A_1195 : i32
    "tpu.region"() ({
      %run_scoped3A = tpu.sem_alloc : memref<!tpu.dma_semaphore, #tpu.memory_space<semaphore_mem>>
      %dma_start3A_1274 = arith.constant 0 : i32
      %dma_start3A_1275 = tpu.memref_slice %arg10[%add3A_1196, %dma_start3A_1274] : memref<4096x144xf32, #tpu.memory_space<vmem_shared>> -> memref<16x144xf32, #tpu.memory_space<vmem_shared>>
      %dma_start3A_1276 = arith.constant 0 : i32
      %dma_start3A_1277 = tpu.memref_slice %arg10[%add3A_1196, %dma_start3A_1276] : memref<4096x144xf32, #tpu.memory_space<vmem_shared>> -> memref<16x144xf32, #tpu.memory_space<vmem_shared>>
      tpu.enqueue_dma source(%arg9 : memref<16x144xf32, #tpu.memory_space<vmem>>) target(%dma_start3A_1277 : memref<16x144xf32, #tpu.memory_space<vmem_shared>>) target_semaphore(%run_scoped3A : memref<!tpu.dma_semaphore, #tpu.memory_space<semaphore_mem>>)
      %dma_wait3A = arith.constant 0 : i32
      %dma_wait3A_1278 = tpu.memref_slice %arg10[%add3A_1196, %dma_wait3A] : memref<4096x144xf32, #tpu.memory_space<vmem_shared>> -> memref<16x144xf32, #tpu.memory_space<vmem_shared>>
      %dma_wait3A_1279 = arith.constant 0 : i32
      %dma_wait3A_1280 = tpu.memref_slice %arg10[%add3A_1196, %dma_wait3A_1279] : memref<4096x144xf32, #tpu.memory_space<vmem_shared>> -> memref<16x144xf32, #tpu.memory_space<vmem_shared>>
      tpu.wait_dma2 semaphore(%run_scoped3A : memref<!tpu.dma_semaphore, #tpu.memory_space<semaphore_mem>>) src(%arg9 : memref<16x144xf32, #tpu.memory_space<vmem>>) dst(%dma_wait3A_1280 : memref<16x144xf32, #tpu.memory_space<vmem_shared>>)
      tpu.yield
    }) : () -> ()
    %mul3A_1197 = arith.constant 256 : i32
    %mul3A_1198 = arith.muli %arg1, %mul3A_1197 : i32
    %add3A_1199 = arith.constant 176 : i32
    %add3A_1200 = arith.addi %mul3A_1198, %add3A_1199 : i32
    "tpu.region"() ({
      %run_scoped3A = tpu.sem_alloc : memref<!tpu.dma_semaphore, #tpu.memory_space<semaphore_mem>>
      %dma_start3A_1274 = arith.constant 0 : i32
      %dma_start3A_1275 = tpu.memref_slice %arg10[%add3A_1200, %dma_start3A_1274] : memref<4096x144xf32, #tpu.memory_space<vmem_shared>> -> memref<16x144xf32, #tpu.memory_space<vmem_shared>>
      %dma_start3A_1276 = arith.constant 0 : i32
      %dma_start3A_1277 = tpu.memref_slice %arg10[%add3A_1200, %dma_start3A_1276] : memref<4096x144xf32, #tpu.memory_space<vmem_shared>> -> memref<16x144xf32, #tpu.memory_space<vmem_shared>>
      tpu.enqueue_dma source(%arg9 : memref<16x144xf32, #tpu.memory_space<vmem>>) target(%dma_start3A_1277 : memref<16x144xf32, #tpu.memory_space<vmem_shared>>) target_semaphore(%run_scoped3A : memref<!tpu.dma_semaphore, #tpu.memory_space<semaphore_mem>>)
      %dma_wait3A = arith.constant 0 : i32
      %dma_wait3A_1278 = tpu.memref_slice %arg10[%add3A_1200, %dma_wait3A] : memref<4096x144xf32, #tpu.memory_space<vmem_shared>> -> memref<16x144xf32, #tpu.memory_space<vmem_shared>>
      %dma_wait3A_1279 = arith.constant 0 : i32
      %dma_wait3A_1280 = tpu.memref_slice %arg10[%add3A_1200, %dma_wait3A_1279] : memref<4096x144xf32, #tpu.memory_space<vmem_shared>> -> memref<16x144xf32, #tpu.memory_space<vmem_shared>>
      tpu.wait_dma2 semaphore(%run_scoped3A : memref<!tpu.dma_semaphore, #tpu.memory_space<semaphore_mem>>) src(%arg9 : memref<16x144xf32, #tpu.memory_space<vmem>>) dst(%dma_wait3A_1280 : memref<16x144xf32, #tpu.memory_space<vmem_shared>>)
      tpu.yield
    }) : () -> ()
    %mul3A_1201 = arith.constant 256 : i32
    %mul3A_1202 = arith.muli %arg1, %mul3A_1201 : i32
    %add3A_1203 = arith.constant 192 : i32
    %add3A_1204 = arith.addi %mul3A_1202, %add3A_1203 : i32
    "tpu.region"() ({
      %run_scoped3A = tpu.sem_alloc : memref<!tpu.dma_semaphore, #tpu.memory_space<semaphore_mem>>
      %dma_start3A_1274 = arith.constant 0 : i32
      %dma_start3A_1275 = tpu.memref_slice %arg10[%add3A_1204, %dma_start3A_1274] : memref<4096x144xf32, #tpu.memory_space<vmem_shared>> -> memref<16x144xf32, #tpu.memory_space<vmem_shared>>
      %dma_start3A_1276 = arith.constant 0 : i32
      %dma_start3A_1277 = tpu.memref_slice %arg10[%add3A_1204, %dma_start3A_1276] : memref<4096x144xf32, #tpu.memory_space<vmem_shared>> -> memref<16x144xf32, #tpu.memory_space<vmem_shared>>
      tpu.enqueue_dma source(%arg9 : memref<16x144xf32, #tpu.memory_space<vmem>>) target(%dma_start3A_1277 : memref<16x144xf32, #tpu.memory_space<vmem_shared>>) target_semaphore(%run_scoped3A : memref<!tpu.dma_semaphore, #tpu.memory_space<semaphore_mem>>)
      %dma_wait3A = arith.constant 0 : i32
      %dma_wait3A_1278 = tpu.memref_slice %arg10[%add3A_1204, %dma_wait3A] : memref<4096x144xf32, #tpu.memory_space<vmem_shared>> -> memref<16x144xf32, #tpu.memory_space<vmem_shared>>
      %dma_wait3A_1279 = arith.constant 0 : i32
      %dma_wait3A_1280 = tpu.memref_slice %arg10[%add3A_1204, %dma_wait3A_1279] : memref<4096x144xf32, #tpu.memory_space<vmem_shared>> -> memref<16x144xf32, #tpu.memory_space<vmem_shared>>
      tpu.wait_dma2 semaphore(%run_scoped3A : memref<!tpu.dma_semaphore, #tpu.memory_space<semaphore_mem>>) src(%arg9 : memref<16x144xf32, #tpu.memory_space<vmem>>) dst(%dma_wait3A_1280 : memref<16x144xf32, #tpu.memory_space<vmem_shared>>)
      tpu.yield
    }) : () -> ()
    %mul3A_1205 = arith.constant 256 : i32
    %mul3A_1206 = arith.muli %arg1, %mul3A_1205 : i32
    %add3A_1207 = arith.constant 208 : i32
    %add3A_1208 = arith.addi %mul3A_1206, %add3A_1207 : i32
    "tpu.region"() ({
      %run_scoped3A = tpu.sem_alloc : memref<!tpu.dma_semaphore, #tpu.memory_space<semaphore_mem>>
      %dma_start3A_1274 = arith.constant 0 : i32
      %dma_start3A_1275 = tpu.memref_slice %arg10[%add3A_1208, %dma_start3A_1274] : memref<4096x144xf32, #tpu.memory_space<vmem_shared>> -> memref<16x144xf32, #tpu.memory_space<vmem_shared>>
      %dma_start3A_1276 = arith.constant 0 : i32
      %dma_start3A_1277 = tpu.memref_slice %arg10[%add3A_1208, %dma_start3A_1276] : memref<4096x144xf32, #tpu.memory_space<vmem_shared>> -> memref<16x144xf32, #tpu.memory_space<vmem_shared>>
      tpu.enqueue_dma source(%arg9 : memref<16x144xf32, #tpu.memory_space<vmem>>) target(%dma_start3A_1277 : memref<16x144xf32, #tpu.memory_space<vmem_shared>>) target_semaphore(%run_scoped3A : memref<!tpu.dma_semaphore, #tpu.memory_space<semaphore_mem>>)
      %dma_wait3A = arith.constant 0 : i32
      %dma_wait3A_1278 = tpu.memref_slice %arg10[%add3A_1208, %dma_wait3A] : memref<4096x144xf32, #tpu.memory_space<vmem_shared>> -> memref<16x144xf32, #tpu.memory_space<vmem_shared>>
      %dma_wait3A_1279 = arith.constant 0 : i32
      %dma_wait3A_1280 = tpu.memref_slice %arg10[%add3A_1208, %dma_wait3A_1279] : memref<4096x144xf32, #tpu.memory_space<vmem_shared>> -> memref<16x144xf32, #tpu.memory_space<vmem_shared>>
      tpu.wait_dma2 semaphore(%run_scoped3A : memref<!tpu.dma_semaphore, #tpu.memory_space<semaphore_mem>>) src(%arg9 : memref<16x144xf32, #tpu.memory_space<vmem>>) dst(%dma_wait3A_1280 : memref<16x144xf32, #tpu.memory_space<vmem_shared>>)
      tpu.yield
    }) : () -> ()
    %mul3A_1209 = arith.constant 256 : i32
    %mul3A_1210 = arith.muli %arg1, %mul3A_1209 : i32
    %add3A_1211 = arith.constant 224 : i32
    %add3A_1212 = arith.addi %mul3A_1210, %add3A_1211 : i32
    "tpu.region"() ({
      %run_scoped3A = tpu.sem_alloc : memref<!tpu.dma_semaphore, #tpu.memory_space<semaphore_mem>>
      %dma_start3A_1274 = arith.constant 0 : i32
      %dma_start3A_1275 = tpu.memref_slice %arg10[%add3A_1212, %dma_start3A_1274] : memref<4096x144xf32, #tpu.memory_space<vmem_shared>> -> memref<16x144xf32, #tpu.memory_space<vmem_shared>>
      %dma_start3A_1276 = arith.constant 0 : i32
      %dma_start3A_1277 = tpu.memref_slice %arg10[%add3A_1212, %dma_start3A_1276] : memref<4096x144xf32, #tpu.memory_space<vmem_shared>> -> memref<16x144xf32, #tpu.memory_space<vmem_shared>>
      tpu.enqueue_dma source(%arg9 : memref<16x144xf32, #tpu.memory_space<vmem>>) target(%dma_start3A_1277 : memref<16x144xf32, #tpu.memory_space<vmem_shared>>) target_semaphore(%run_scoped3A : memref<!tpu.dma_semaphore, #tpu.memory_space<semaphore_mem>>)
      %dma_wait3A = arith.constant 0 : i32
      %dma_wait3A_1278 = tpu.memref_slice %arg10[%add3A_1212, %dma_wait3A] : memref<4096x144xf32, #tpu.memory_space<vmem_shared>> -> memref<16x144xf32, #tpu.memory_space<vmem_shared>>
      %dma_wait3A_1279 = arith.constant 0 : i32
      %dma_wait3A_1280 = tpu.memref_slice %arg10[%add3A_1212, %dma_wait3A_1279] : memref<4096x144xf32, #tpu.memory_space<vmem_shared>> -> memref<16x144xf32, #tpu.memory_space<vmem_shared>>
      tpu.wait_dma2 semaphore(%run_scoped3A : memref<!tpu.dma_semaphore, #tpu.memory_space<semaphore_mem>>) src(%arg9 : memref<16x144xf32, #tpu.memory_space<vmem>>) dst(%dma_wait3A_1280 : memref<16x144xf32, #tpu.memory_space<vmem_shared>>)
      tpu.yield
    }) : () -> ()
    %mul3A_1213 = arith.constant 256 : i32
    %mul3A_1214 = arith.muli %arg1, %mul3A_1213 : i32
    %add3A_1215 = arith.constant 240 : i32
    %add3A_1216 = arith.addi %mul3A_1214, %add3A_1215 : i32
    "tpu.region"() ({
      %run_scoped3A = tpu.sem_alloc : memref<!tpu.dma_semaphore, #tpu.memory_space<semaphore_mem>>
      %dma_start3A_1274 = arith.constant 0 : i32
      %dma_start3A_1275 = tpu.memref_slice %arg10[%add3A_1216, %dma_start3A_1274] : memref<4096x144xf32, #tpu.memory_space<vmem_shared>> -> memref<16x144xf32, #tpu.memory_space<vmem_shared>>
      %dma_start3A_1276 = arith.constant 0 : i32
      %dma_start3A_1277 = tpu.memref_slice %arg10[%add3A_1216, %dma_start3A_1276] : memref<4096x144xf32, #tpu.memory_space<vmem_shared>> -> memref<16x144xf32, #tpu.memory_space<vmem_shared>>
      tpu.enqueue_dma source(%arg9 : memref<16x144xf32, #tpu.memory_space<vmem>>) target(%dma_start3A_1277 : memref<16x144xf32, #tpu.memory_space<vmem_shared>>) target_semaphore(%run_scoped3A : memref<!tpu.dma_semaphore, #tpu.memory_space<semaphore_mem>>)
      %dma_wait3A = arith.constant 0 : i32
      %dma_wait3A_1278 = tpu.memref_slice %arg10[%add3A_1216, %dma_wait3A] : memref<4096x144xf32, #tpu.memory_space<vmem_shared>> -> memref<16x144xf32, #tpu.memory_space<vmem_shared>>
      %dma_wait3A_1279 = arith.constant 0 : i32
      %dma_wait3A_1280 = tpu.memref_slice %arg10[%add3A_1216, %dma_wait3A_1279] : memref<4096x144xf32, #tpu.memory_space<vmem_shared>> -> memref<16x144xf32, #tpu.memory_space<vmem_shared>>
      tpu.wait_dma2 semaphore(%run_scoped3A : memref<!tpu.dma_semaphore, #tpu.memory_space<semaphore_mem>>) src(%arg9 : memref<16x144xf32, #tpu.memory_space<vmem>>) dst(%dma_wait3A_1280 : memref<16x144xf32, #tpu.memory_space<vmem_shared>>)
      tpu.yield
    }) : () -> ()
    "tpu.region"() ({
      %run_scoped3A = tpu.sem_alloc : memref<!tpu.dma_semaphore, #tpu.memory_space<semaphore_mem>>
      %dma_start3A_1274 = arith.constant 0 : i32
      %dma_start3A_1275 = tpu.memref_slice %arg3[%add3A, %dma_start3A_1274] : memref<2048x128xi32, #tpu.memory_space<hbm>> -> memref<64x128xi32, #tpu.memory_space<hbm>>
      %dma_start3A_1276 = arith.constant 0 : i32
      %dma_start3A_1277 = tpu.memref_slice %arg3[%add3A, %dma_start3A_1276] : memref<2048x128xi32, #tpu.memory_space<hbm>> -> memref<64x128xi32, #tpu.memory_space<hbm>>
      tpu.enqueue_dma source(%dma_start3A_1277 : memref<64x128xi32, #tpu.memory_space<hbm>>) target(%arg6 : memref<64x128xi32, #tpu.memory_space<vmem>>) target_semaphore(%run_scoped3A : memref<!tpu.dma_semaphore, #tpu.memory_space<semaphore_mem>>)
      %dma_wait3A = arith.constant 0 : i32
      %dma_wait3A_1278 = tpu.memref_slice %arg3[%add3A, %dma_wait3A] : memref<2048x128xi32, #tpu.memory_space<hbm>> -> memref<64x128xi32, #tpu.memory_space<hbm>>
      %dma_wait3A_1279 = arith.constant 0 : i32
      %dma_wait3A_1280 = tpu.memref_slice %arg3[%add3A, %dma_wait3A_1279] : memref<2048x128xi32, #tpu.memory_space<hbm>> -> memref<64x128xi32, #tpu.memory_space<hbm>>
      tpu.wait_dma2 semaphore(%run_scoped3A : memref<!tpu.dma_semaphore, #tpu.memory_space<semaphore_mem>>) src(%dma_wait3A_1280 : memref<64x128xi32, #tpu.memory_space<hbm>>) dst(%arg6 : memref<64x128xi32, #tpu.memory_space<vmem>>)
      tpu.yield
    }) : () -> ()
    "tpu.region"() ({
      %run_scoped3A = tpu.sem_alloc : memref<!tpu.dma_semaphore, #tpu.memory_space<semaphore_mem>>
      %dma_start3A_1274 = arith.constant 0 : i32
      %dma_start3A_1275 = tpu.memref_slice %arg4[%add3A, %dma_start3A_1274] : memref<2048x128xi32, #tpu.memory_space<hbm>> -> memref<64x128xi32, #tpu.memory_space<hbm>>
      %dma_start3A_1276 = arith.constant 0 : i32
      %dma_start3A_1277 = tpu.memref_slice %arg4[%add3A, %dma_start3A_1276] : memref<2048x128xi32, #tpu.memory_space<hbm>> -> memref<64x128xi32, #tpu.memory_space<hbm>>
      tpu.enqueue_dma source(%dma_start3A_1277 : memref<64x128xi32, #tpu.memory_space<hbm>>) target(%arg7 : memref<64x128xi32, #tpu.memory_space<vmem>>) target_semaphore(%run_scoped3A : memref<!tpu.dma_semaphore, #tpu.memory_space<semaphore_mem>>)
      %dma_wait3A = arith.constant 0 : i32
      %dma_wait3A_1278 = tpu.memref_slice %arg4[%add3A, %dma_wait3A] : memref<2048x128xi32, #tpu.memory_space<hbm>> -> memref<64x128xi32, #tpu.memory_space<hbm>>
      %dma_wait3A_1279 = arith.constant 0 : i32
      %dma_wait3A_1280 = tpu.memref_slice %arg4[%add3A, %dma_wait3A_1279] : memref<2048x128xi32, #tpu.memory_space<hbm>> -> memref<64x128xi32, #tpu.memory_space<hbm>>
      tpu.wait_dma2 semaphore(%run_scoped3A : memref<!tpu.dma_semaphore, #tpu.memory_space<semaphore_mem>>) src(%dma_wait3A_1280 : memref<64x128xi32, #tpu.memory_space<hbm>>) dst(%arg7 : memref<64x128xi32, #tpu.memory_space<vmem>>)
      tpu.yield
    }) : () -> ()
    %dma_start3A = arith.constant 0 : i32
    %dma_start3A_1217 = arith.constant 0 : i32
    %dma_start3A_1218 = arith.constant 0 : i32
    %dma_start3A_1219 = arith.constant 0 : i32
    %dma_start3A_1220 = tpu.memref_slice %arg8[%dma_start3A_1217, %dma_start3A_1218, %dma_start3A_1219] : memref<4x128x144xf32, #tpu.memory_space<vmem>> -> memref<1x128x144xf32, #tpu.memory_space<vmem>>
    %dma_start3A_1221 = tpu.memref_squeeze %dma_start3A_1220 : memref<1x128x144xf32, #tpu.memory_space<vmem>> -> memref<128x144xf32, #tpu.memory_space<vmem>>
    %dma_start3A_1222 = arith.constant 0 : i32
    %dma_start3A_1223 = tpu.memref_slice %arg6[%dma_start3A, %dma_start3A_1222] : memref<64x128xi32, #tpu.memory_space<vmem>> -> memref<1x128xi32, #tpu.memory_space<vmem>>
    %dma_start3A_1224 = tpu.memref_squeeze %dma_start3A_1223 : memref<1x128xi32, #tpu.memory_space<vmem>> -> memref<128xi32, #tpu.memory_space<vmem>>
    %dma_start3A_1225 = arith.constant 0 : i32
    %dma_start3A_1226 = arith.constant 0 : i32
    %dma_start3A_1227 = tpu.memref_slice %arg2[%dma_start3A_1225, %dma_start3A_1226] : memref<8192x144xf32, #tpu.memory_space<hbm>> -> memref<8192x144xf32, #tpu.memory_space<hbm>>
    tpu.enqueue_indirect_dma source(%dma_start3A_1227 : memref<8192x144xf32, #tpu.memory_space<hbm>>) target(%dma_start3A_1221 : memref<128x144xf32, #tpu.memory_space<vmem>>) offsets(%dma_start3A_1224 : memref<128xi32, #tpu.memory_space<vmem>>) semaphore(%arg11 : memref<!tpu.dma_semaphore, #tpu.memory_space<semaphore_mem>>)
    %dma_start3A_1228 = arith.constant 1 : i32
    %dma_start3A_1229 = arith.constant 1 : i32
    %dma_start3A_1230 = arith.constant 0 : i32
    %dma_start3A_1231 = arith.constant 0 : i32
    %dma_start3A_1232 = tpu.memref_slice %arg8[%dma_start3A_1229, %dma_start3A_1230, %dma_start3A_1231] : memref<4x128x144xf32, #tpu.memory_space<vmem>> -> memref<1x128x144xf32, #tpu.memory_space<vmem>>
    %dma_start3A_1233 = tpu.memref_squeeze %dma_start3A_1232 : memref<1x128x144xf32, #tpu.memory_space<vmem>> -> memref<128x144xf32, #tpu.memory_space<vmem>>
    %dma_start3A_1234 = arith.constant 0 : i32
    %dma_start3A_1235 = tpu.memref_slice %arg6[%dma_start3A_1228, %dma_start3A_1234] : memref<64x128xi32, #tpu.memory_space<vmem>> -> memref<1x128xi32, #tpu.memory_space<vmem>>
    %dma_start3A_1236 = tpu.memref_squeeze %dma_start3A_1235 : memref<1x128xi32, #tpu.memory_space<vmem>> -> memref<128xi32, #tpu.memory_space<vmem>>
    %dma_start3A_1237 = arith.constant 0 : i32
    %dma_start3A_1238 = arith.constant 0 : i32
    %dma_start3A_1239 = tpu.memref_slice %arg2[%dma_start3A_1237, %dma_start3A_1238] : memref<8192x144xf32, #tpu.memory_space<hbm>> -> memref<8192x144xf32, #tpu.memory_space<hbm>>
    tpu.enqueue_indirect_dma source(%dma_start3A_1239 : memref<8192x144xf32, #tpu.memory_space<hbm>>) target(%dma_start3A_1233 : memref<128x144xf32, #tpu.memory_space<vmem>>) offsets(%dma_start3A_1236 : memref<128xi32, #tpu.memory_space<vmem>>) semaphore(%arg12 : memref<!tpu.dma_semaphore, #tpu.memory_space<semaphore_mem>>)
    %dma_start3A_1240 = arith.constant 2 : i32
    %dma_start3A_1241 = arith.constant 2 : i32
    %dma_start3A_1242 = arith.constant 0 : i32
    %dma_start3A_1243 = arith.constant 0 : i32
    %dma_start3A_1244 = tpu.memref_slice %arg8[%dma_start3A_1241, %dma_start3A_1242, %dma_start3A_1243] : memref<4x128x144xf32, #tpu.memory_space<vmem>> -> memref<1x128x144xf32, #tpu.memory_space<vmem>>
    %dma_start3A_1245 = tpu.memref_squeeze %dma_start3A_1244 : memref<1x128x144xf32, #tpu.memory_space<vmem>> -> memref<128x144xf32, #tpu.memory_space<vmem>>
    %dma_start3A_1246 = arith.constant 0 : i32
    %dma_start3A_1247 = tpu.memref_slice %arg6[%dma_start3A_1240, %dma_start3A_1246] : memref<64x128xi32, #tpu.memory_space<vmem>> -> memref<1x128xi32, #tpu.memory_space<vmem>>
    %dma_start3A_1248 = tpu.memref_squeeze %dma_start3A_1247 : memref<1x128xi32, #tpu.memory_space<vmem>> -> memref<128xi32, #tpu.memory_space<vmem>>
    %dma_start3A_1249 = arith.constant 0 : i32
    %dma_start3A_1250 = arith.constant 0 : i32
    %dma_start3A_1251 = tpu.memref_slice %arg2[%dma_start3A_1249, %dma_start3A_1250] : memref<8192x144xf32, #tpu.memory_space<hbm>> -> memref<8192x144xf32, #tpu.memory_space<hbm>>
    tpu.enqueue_indirect_dma source(%dma_start3A_1251 : memref<8192x144xf32, #tpu.memory_space<hbm>>) target(%dma_start3A_1245 : memref<128x144xf32, #tpu.memory_space<vmem>>) offsets(%dma_start3A_1248 : memref<128xi32, #tpu.memory_space<vmem>>) semaphore(%arg13 : memref<!tpu.dma_semaphore, #tpu.memory_space<semaphore_mem>>)
    %dma_start3A_1252 = arith.constant 3 : i32
    %dma_start3A_1253 = arith.constant 3 : i32
    %dma_start3A_1254 = arith.constant 0 : i32
    %dma_start3A_1255 = arith.constant 0 : i32
    %dma_start3A_1256 = tpu.memref_slice %arg8[%dma_start3A_1253, %dma_start3A_1254, %dma_start3A_1255] : memref<4x128x144xf32, #tpu.memory_space<vmem>> -> memref<1x128x144xf32, #tpu.memory_space<vmem>>
    %dma_start3A_1257 = tpu.memref_squeeze %dma_start3A_1256 : memref<1x128x144xf32, #tpu.memory_space<vmem>> -> memref<128x144xf32, #tpu.memory_space<vmem>>
    %dma_start3A_1258 = arith.constant 0 : i32
    %dma_start3A_1259 = tpu.memref_slice %arg6[%dma_start3A_1252, %dma_start3A_1258] : memref<64x128xi32, #tpu.memory_space<vmem>> -> memref<1x128xi32, #tpu.memory_space<vmem>>
    %dma_start3A_1260 = tpu.memref_squeeze %dma_start3A_1259 : memref<1x128xi32, #tpu.memory_space<vmem>> -> memref<128xi32, #tpu.memory_space<vmem>>
    %dma_start3A_1261 = arith.constant 0 : i32
    %dma_start3A_1262 = arith.constant 0 : i32
    %dma_start3A_1263 = tpu.memref_slice %arg2[%dma_start3A_1261, %dma_start3A_1262] : memref<8192x144xf32, #tpu.memory_space<hbm>> -> memref<8192x144xf32, #tpu.memory_space<hbm>>
    tpu.enqueue_indirect_dma source(%dma_start3A_1263 : memref<8192x144xf32, #tpu.memory_space<hbm>>) target(%dma_start3A_1257 : memref<128x144xf32, #tpu.memory_space<vmem>>) offsets(%dma_start3A_1260 : memref<128xi32, #tpu.memory_space<vmem>>) semaphore(%arg14 : memref<!tpu.dma_semaphore, #tpu.memory_space<semaphore_mem>>)
    %barrier3A = arith.constant 0 : index
    tpu.barrier barrier_id(%barrier3A)
    %scan3A = arith.constant 0 : i32
    %scan3A_1264 = arith.constant 0 : i32
    %scan3A_1265 = arith.constant 16 : i32
    %scan3A_1266 = arith.addi %scan3A_1264, %scan3A_1265 : i32
    %scan3A_1267 = arith.constant 1 : i32
    scf.for %scan3A_1274 = %scan3A_1264 to %scan3A_1266 step %scan3A_1267  : i32 {
      %mul3A_1275 = arith.constant 4 : i32
      %mul3A_1276 = arith.muli %scan3A_1274, %mul3A_1275 : i32
      %add3A_1277 = arith.constant 0 : i32
      %add3A_1278 = arith.addi %mul3A_1276, %add3A_1277 : i32
      %dma_wait3A = arith.constant 0 : i32
      %dma_wait3A_1279 = arith.constant 0 : i32
      %dma_wait3A_1280 = arith.constant 0 : i32
      %dma_wait3A_1281 = tpu.memref_slice %arg8[%dma_wait3A, %dma_wait3A_1279, %dma_wait3A_1280] : memref<4x128x144xf32, #tpu.memory_space<vmem>> -> memref<1x128x144xf32, #tpu.memory_space<vmem>>
      %dma_wait3A_1282 = tpu.memref_squeeze %dma_wait3A_1281 : memref<1x128x144xf32, #tpu.memory_space<vmem>> -> memref<128x144xf32, #tpu.memory_space<vmem>>
      %dma_wait3A_1283 = arith.constant 0 : i32
      %dma_wait3A_1284 = arith.constant 0 : i32
      %dma_wait3A_1285 = tpu.memref_slice %arg2[%dma_wait3A_1283, %dma_wait3A_1284] : memref<8192x144xf32, #tpu.memory_space<hbm>> -> memref<128x144xf32, #tpu.memory_space<hbm>>
      %dma_wait3A_1286 = arith.constant 0 : i32
      %dma_wait3A_1287 = arith.constant 0 : i32
      %dma_wait3A_1288 = tpu.memref_slice %arg8[%dma_wait3A, %dma_wait3A_1286, %dma_wait3A_1287] : memref<4x128x144xf32, #tpu.memory_space<vmem>> -> memref<1x128x144xf32, #tpu.memory_space<vmem>>
      %dma_wait3A_1289 = tpu.memref_squeeze %dma_wait3A_1288 : memref<1x128x144xf32, #tpu.memory_space<vmem>> -> memref<128x144xf32, #tpu.memory_space<vmem>>
      %dma_wait3A_1290 = arith.constant 0 : i32
      %dma_wait3A_1291 = arith.constant 0 : i32
      %dma_wait3A_1292 = tpu.memref_slice %arg2[%dma_wait3A_1290, %dma_wait3A_1291] : memref<8192x144xf32, #tpu.memory_space<hbm>> -> memref<128x144xf32, #tpu.memory_space<hbm>>
      tpu.wait_dma2 semaphore(%arg11 : memref<!tpu.dma_semaphore, #tpu.memory_space<semaphore_mem>>) src(%dma_wait3A_1292 : memref<128x144xf32, #tpu.memory_space<hbm>>) dst(%dma_wait3A_1289 : memref<128x144xf32, #tpu.memory_space<vmem>>)
      %dma_start3A_1293 = arith.constant 0 : i32
      %dma_start3A_1294 = arith.constant 0 : i32
      %dma_start3A_1295 = arith.constant 0 : i32
      %dma_start3A_1296 = tpu.memref_slice %arg8[%dma_start3A_1293, %dma_start3A_1294, %dma_start3A_1295] : memref<4x128x144xf32, #tpu.memory_space<vmem>> -> memref<1x128x144xf32, #tpu.memory_space<vmem>>
      %dma_start3A_1297 = tpu.memref_squeeze %dma_start3A_1296 : memref<1x128x144xf32, #tpu.memory_space<vmem>> -> memref<128x144xf32, #tpu.memory_space<vmem>>
      %dma_start3A_1298 = arith.constant 0 : i32
      %dma_start3A_1299 = tpu.memref_slice %arg7[%add3A_1278, %dma_start3A_1298] : memref<64x128xi32, #tpu.memory_space<vmem>> -> memref<1x128xi32, #tpu.memory_space<vmem>>
      %dma_start3A_1300 = tpu.memref_squeeze %dma_start3A_1299 : memref<1x128xi32, #tpu.memory_space<vmem>> -> memref<128xi32, #tpu.memory_space<vmem>>
      %dma_start3A_1301 = arith.constant 0 : i32
      %dma_start3A_1302 = arith.constant 0 : i32
      %dma_start3A_1303 = tpu.memref_slice %arg10[%dma_start3A_1301, %dma_start3A_1302] : memref<4096x144xf32, #tpu.memory_space<vmem_shared>> -> memref<4096x144xf32, #tpu.memory_space<vmem_shared>>
      tpu.enqueue_indirect_dma source(%dma_start3A_1297 : memref<128x144xf32, #tpu.memory_space<vmem>>) target(%dma_start3A_1303 : memref<4096x144xf32, #tpu.memory_space<vmem_shared>>) offsets(%dma_start3A_1300 : memref<128xi32, #tpu.memory_space<vmem>>) semaphore(%arg15 : memref<!tpu.dma_semaphore, #tpu.memory_space<semaphore_mem>>) {add = true}
      %dma_wait3A_1304 = arith.constant 0 : i32
      %dma_wait3A_1305 = arith.constant 0 : i32
      %dma_wait3A_1306 = arith.constant 0 : i32
      %dma_wait3A_1307 = tpu.memref_slice %arg8[%dma_wait3A_1304, %dma_wait3A_1305, %dma_wait3A_1306] : memref<4x128x144xf32, #tpu.memory_space<vmem>> -> memref<1x128x144xf32, #tpu.memory_space<vmem>>
      %dma_wait3A_1308 = tpu.memref_squeeze %dma_wait3A_1307 : memref<1x128x144xf32, #tpu.memory_space<vmem>> -> memref<128x144xf32, #tpu.memory_space<vmem>>
      %dma_wait3A_1309 = arith.constant 0 : i32
      %dma_wait3A_1310 = tpu.memref_slice %arg7[%add3A_1278, %dma_wait3A_1309] : memref<64x128xi32, #tpu.memory_space<vmem>> -> memref<1x128xi32, #tpu.memory_space<vmem>>
      %dma_wait3A_1311 = tpu.memref_squeeze %dma_wait3A_1310 : memref<1x128xi32, #tpu.memory_space<vmem>> -> memref<128xi32, #tpu.memory_space<vmem>>
      %dma_wait3A_1312 = arith.constant 0 : i32
      %dma_wait3A_1313 = arith.constant 0 : i32
      %dma_wait3A_1314 = tpu.memref_slice %arg10[%dma_wait3A_1312, %dma_wait3A_1313] : memref<4096x144xf32, #tpu.memory_space<vmem_shared>> -> memref<4096x144xf32, #tpu.memory_space<vmem_shared>>
      tpu.wait_indirect_dma semaphore(%arg15 : memref<!tpu.dma_semaphore, #tpu.memory_space<semaphore_mem>>) src(%dma_wait3A_1308 : memref<128x144xf32, #tpu.memory_space<vmem>>) dst(%dma_wait3A_1314 : memref<4096x144xf32, #tpu.memory_space<vmem_shared>>)
      %add3A_1315 = arith.constant 4 : i32
      %add3A_1316 = arith.addi %add3A_1278, %add3A_1315 : i32
      %lt3A = arith.constant 64 : i32
      %lt3A_1317 = arith.cmpi slt, %add3A_1316, %lt3A : i32
      %convert_element_type3A = arith.extui %lt3A_1317 : i1 to i32
      %cond3A = arith.constant 0 : i32
      %cond3A_1318 = arith.cmpi ne, %convert_element_type3A, %cond3A : i32
      scf.if %cond3A_1318 {
        %dma_start3A_1463 = arith.constant 0 : i32
        %dma_start3A_1464 = arith.constant 0 : i32
        %dma_start3A_1465 = arith.constant 0 : i32
        %dma_start3A_1466 = tpu.memref_slice %arg8[%dma_start3A_1463, %dma_start3A_1464, %dma_start3A_1465] : memref<4x128x144xf32, #tpu.memory_space<vmem>> -> memref<1x128x144xf32, #tpu.memory_space<vmem>>
        %dma_start3A_1467 = tpu.memref_squeeze %dma_start3A_1466 : memref<1x128x144xf32, #tpu.memory_space<vmem>> -> memref<128x144xf32, #tpu.memory_space<vmem>>
        %dma_start3A_1468 = arith.constant 0 : i32
        %dma_start3A_1469 = tpu.memref_slice %arg6[%add3A_1316, %dma_start3A_1468] : memref<64x128xi32, #tpu.memory_space<vmem>> -> memref<1x128xi32, #tpu.memory_space<vmem>>
        %dma_start3A_1470 = tpu.memref_squeeze %dma_start3A_1469 : memref<1x128xi32, #tpu.memory_space<vmem>> -> memref<128xi32, #tpu.memory_space<vmem>>
        %dma_start3A_1471 = arith.constant 0 : i32
        %dma_start3A_1472 = arith.constant 0 : i32
        %dma_start3A_1473 = tpu.memref_slice %arg2[%dma_start3A_1471, %dma_start3A_1472] : memref<8192x144xf32, #tpu.memory_space<hbm>> -> memref<8192x144xf32, #tpu.memory_space<hbm>>
        tpu.enqueue_indirect_dma source(%dma_start3A_1473 : memref<8192x144xf32, #tpu.memory_space<hbm>>) target(%dma_start3A_1467 : memref<128x144xf32, #tpu.memory_space<vmem>>) offsets(%dma_start3A_1470 : memref<128xi32, #tpu.memory_space<vmem>>) semaphore(%arg11 : memref<!tpu.dma_semaphore, #tpu.memory_space<semaphore_mem>>)
      } else {
      }
      %mul3A_1319 = arith.constant 4 : i32
      %mul3A_1320 = arith.muli %scan3A_1274, %mul3A_1319 : i32
      %add3A_1321 = arith.constant 1 : i32
      %add3A_1322 = arith.addi %mul3A_1320, %add3A_1321 : i32
      %dma_wait3A_1323 = arith.constant 1 : i32
      %dma_wait3A_1324 = arith.constant 0 : i32
      %dma_wait3A_1325 = arith.constant 0 : i32
      %dma_wait3A_1326 = tpu.memref_slice %arg8[%dma_wait3A_1323, %dma_wait3A_1324, %dma_wait3A_1325] : memref<4x128x144xf32, #tpu.memory_space<vmem>> -> memref<1x128x144xf32, #tpu.memory_space<vmem>>
      %dma_wait3A_1327 = tpu.memref_squeeze %dma_wait3A_1326 : memref<1x128x144xf32, #tpu.memory_space<vmem>> -> memref<128x144xf32, #tpu.memory_space<vmem>>
      %dma_wait3A_1328 = arith.constant 0 : i32
      %dma_wait3A_1329 = arith.constant 0 : i32
      %dma_wait3A_1330 = tpu.memref_slice %arg2[%dma_wait3A_1328, %dma_wait3A_1329] : memref<8192x144xf32, #tpu.memory_space<hbm>> -> memref<128x144xf32, #tpu.memory_space<hbm>>
      %dma_wait3A_1331 = arith.constant 0 : i32
      %dma_wait3A_1332 = arith.constant 0 : i32
      %dma_wait3A_1333 = tpu.memref_slice %arg8[%dma_wait3A_1323, %dma_wait3A_1331, %dma_wait3A_1332] : memref<4x128x144xf32, #tpu.memory_space<vmem>> -> memref<1x128x144xf32, #tpu.memory_space<vmem>>
      %dma_wait3A_1334 = tpu.memref_squeeze %dma_wait3A_1333 : memref<1x128x144xf32, #tpu.memory_space<vmem>> -> memref<128x144xf32, #tpu.memory_space<vmem>>
      %dma_wait3A_1335 = arith.constant 0 : i32
      %dma_wait3A_1336 = arith.constant 0 : i32
      %dma_wait3A_1337 = tpu.memref_slice %arg2[%dma_wait3A_1335, %dma_wait3A_1336] : memref<8192x144xf32, #tpu.memory_space<hbm>> -> memref<128x144xf32, #tpu.memory_space<hbm>>
      tpu.wait_dma2 semaphore(%arg12 : memref<!tpu.dma_semaphore, #tpu.memory_space<semaphore_mem>>) src(%dma_wait3A_1337 : memref<128x144xf32, #tpu.memory_space<hbm>>) dst(%dma_wait3A_1334 : memref<128x144xf32, #tpu.memory_space<vmem>>)
      %dma_start3A_1338 = arith.constant 1 : i32
      %dma_start3A_1339 = arith.constant 0 : i32
      %dma_start3A_1340 = arith.constant 0 : i32
      %dma_start3A_1341 = tpu.memref_slice %arg8[%dma_start3A_1338, %dma_start3A_1339, %dma_start3A_1340] : memref<4x128x144xf32, #tpu.memory_space<vmem>> -> memref<1x128x144xf32, #tpu.memory_space<vmem>>
      %dma_start3A_1342 = tpu.memref_squeeze %dma_start3A_1341 : memref<1x128x144xf32, #tpu.memory_space<vmem>> -> memref<128x144xf32, #tpu.memory_space<vmem>>
      %dma_start3A_1343 = arith.constant 0 : i32
      %dma_start3A_1344 = tpu.memref_slice %arg7[%add3A_1322, %dma_start3A_1343] : memref<64x128xi32, #tpu.memory_space<vmem>> -> memref<1x128xi32, #tpu.memory_space<vmem>>
      %dma_start3A_1345 = tpu.memref_squeeze %dma_start3A_1344 : memref<1x128xi32, #tpu.memory_space<vmem>> -> memref<128xi32, #tpu.memory_space<vmem>>
      %dma_start3A_1346 = arith.constant 0 : i32
      %dma_start3A_1347 = arith.constant 0 : i32
      %dma_start3A_1348 = tpu.memref_slice %arg10[%dma_start3A_1346, %dma_start3A_1347] : memref<4096x144xf32, #tpu.memory_space<vmem_shared>> -> memref<4096x144xf32, #tpu.memory_space<vmem_shared>>
      tpu.enqueue_indirect_dma source(%dma_start3A_1342 : memref<128x144xf32, #tpu.memory_space<vmem>>) target(%dma_start3A_1348 : memref<4096x144xf32, #tpu.memory_space<vmem_shared>>) offsets(%dma_start3A_1345 : memref<128xi32, #tpu.memory_space<vmem>>) semaphore(%arg16 : memref<!tpu.dma_semaphore, #tpu.memory_space<semaphore_mem>>) {add = true}
      %dma_wait3A_1349 = arith.constant 1 : i32
      %dma_wait3A_1350 = arith.constant 0 : i32
      %dma_wait3A_1351 = arith.constant 0 : i32
      %dma_wait3A_1352 = tpu.memref_slice %arg8[%dma_wait3A_1349, %dma_wait3A_1350, %dma_wait3A_1351] : memref<4x128x144xf32, #tpu.memory_space<vmem>> -> memref<1x128x144xf32, #tpu.memory_space<vmem>>
      %dma_wait3A_1353 = tpu.memref_squeeze %dma_wait3A_1352 : memref<1x128x144xf32, #tpu.memory_space<vmem>> -> memref<128x144xf32, #tpu.memory_space<vmem>>
      %dma_wait3A_1354 = arith.constant 0 : i32
      %dma_wait3A_1355 = tpu.memref_slice %arg7[%add3A_1322, %dma_wait3A_1354] : memref<64x128xi32, #tpu.memory_space<vmem>> -> memref<1x128xi32, #tpu.memory_space<vmem>>
      %dma_wait3A_1356 = tpu.memref_squeeze %dma_wait3A_1355 : memref<1x128xi32, #tpu.memory_space<vmem>> -> memref<128xi32, #tpu.memory_space<vmem>>
      %dma_wait3A_1357 = arith.constant 0 : i32
      %dma_wait3A_1358 = arith.constant 0 : i32
      %dma_wait3A_1359 = tpu.memref_slice %arg10[%dma_wait3A_1357, %dma_wait3A_1358] : memref<4096x144xf32, #tpu.memory_space<vmem_shared>> -> memref<4096x144xf32, #tpu.memory_space<vmem_shared>>
      tpu.wait_indirect_dma semaphore(%arg16 : memref<!tpu.dma_semaphore, #tpu.memory_space<semaphore_mem>>) src(%dma_wait3A_1353 : memref<128x144xf32, #tpu.memory_space<vmem>>) dst(%dma_wait3A_1359 : memref<4096x144xf32, #tpu.memory_space<vmem_shared>>)
      %add3A_1360 = arith.constant 4 : i32
      %add3A_1361 = arith.addi %add3A_1322, %add3A_1360 : i32
      %lt3A_1362 = arith.constant 64 : i32
      %lt3A_1363 = arith.cmpi slt, %add3A_1361, %lt3A_1362 : i32
      %convert_element_type3A_1364 = arith.extui %lt3A_1363 : i1 to i32
      %cond3A_1365 = arith.constant 0 : i32
      %cond3A_1366 = arith.cmpi ne, %convert_element_type3A_1364, %cond3A_1365 : i32
      scf.if %cond3A_1366 {
        %dma_start3A_1463 = arith.constant 1 : i32
        %dma_start3A_1464 = arith.constant 0 : i32
        %dma_start3A_1465 = arith.constant 0 : i32
        %dma_start3A_1466 = tpu.memref_slice %arg8[%dma_start3A_1463, %dma_start3A_1464, %dma_start3A_1465] : memref<4x128x144xf32, #tpu.memory_space<vmem>> -> memref<1x128x144xf32, #tpu.memory_space<vmem>>
        %dma_start3A_1467 = tpu.memref_squeeze %dma_start3A_1466 : memref<1x128x144xf32, #tpu.memory_space<vmem>> -> memref<128x144xf32, #tpu.memory_space<vmem>>
        %dma_start3A_1468 = arith.constant 0 : i32
        %dma_start3A_1469 = tpu.memref_slice %arg6[%add3A_1361, %dma_start3A_1468] : memref<64x128xi32, #tpu.memory_space<vmem>> -> memref<1x128xi32, #tpu.memory_space<vmem>>
        %dma_start3A_1470 = tpu.memref_squeeze %dma_start3A_1469 : memref<1x128xi32, #tpu.memory_space<vmem>> -> memref<128xi32, #tpu.memory_space<vmem>>
        %dma_start3A_1471 = arith.constant 0 : i32
        %dma_start3A_1472 = arith.constant 0 : i32
        %dma_start3A_1473 = tpu.memref_slice %arg2[%dma_start3A_1471, %dma_start3A_1472] : memref<8192x144xf32, #tpu.memory_space<hbm>> -> memref<8192x144xf32, #tpu.memory_space<hbm>>
        tpu.enqueue_indirect_dma source(%dma_start3A_1473 : memref<8192x144xf32, #tpu.memory_space<hbm>>) target(%dma_start3A_1467 : memref<128x144xf32, #tpu.memory_space<vmem>>) offsets(%dma_start3A_1470 : memref<128xi32, #tpu.memory_space<vmem>>) semaphore(%arg12 : memref<!tpu.dma_semaphore, #tpu.memory_space<semaphore_mem>>)
      } else {
      }
      %mul3A_1367 = arith.constant 4 : i32
      %mul3A_1368 = arith.muli %scan3A_1274, %mul3A_1367 : i32
      %add3A_1369 = arith.constant 2 : i32
      %add3A_1370 = arith.addi %mul3A_1368, %add3A_1369 : i32
      %dma_wait3A_1371 = arith.constant 2 : i32
      %dma_wait3A_1372 = arith.constant 0 : i32
      %dma_wait3A_1373 = arith.constant 0 : i32
      %dma_wait3A_1374 = tpu.memref_slice %arg8[%dma_wait3A_1371, %dma_wait3A_1372, %dma_wait3A_1373] : memref<4x128x144xf32, #tpu.memory_space<vmem>> -> memref<1x128x144xf32, #tpu.memory_space<vmem>>
      %dma_wait3A_1375 = tpu.memref_squeeze %dma_wait3A_1374 : memref<1x128x144xf32, #tpu.memory_space<vmem>> -> memref<128x144xf32, #tpu.memory_space<vmem>>
      %dma_wait3A_1376 = arith.constant 0 : i32
      %dma_wait3A_1377 = arith.constant 0 : i32
      %dma_wait3A_1378 = tpu.memref_slice %arg2[%dma_wait3A_1376, %dma_wait3A_1377] : memref<8192x144xf32, #tpu.memory_space<hbm>> -> memref<128x144xf32, #tpu.memory_space<hbm>>
      %dma_wait3A_1379 = arith.constant 0 : i32
      %dma_wait3A_1380 = arith.constant 0 : i32
      %dma_wait3A_1381 = tpu.memref_slice %arg8[%dma_wait3A_1371, %dma_wait3A_1379, %dma_wait3A_1380] : memref<4x128x144xf32, #tpu.memory_space<vmem>> -> memref<1x128x144xf32, #tpu.memory_space<vmem>>
      %dma_wait3A_1382 = tpu.memref_squeeze %dma_wait3A_1381 : memref<1x128x144xf32, #tpu.memory_space<vmem>> -> memref<128x144xf32, #tpu.memory_space<vmem>>
      %dma_wait3A_1383 = arith.constant 0 : i32
      %dma_wait3A_1384 = arith.constant 0 : i32
      %dma_wait3A_1385 = tpu.memref_slice %arg2[%dma_wait3A_1383, %dma_wait3A_1384] : memref<8192x144xf32, #tpu.memory_space<hbm>> -> memref<128x144xf32, #tpu.memory_space<hbm>>
      tpu.wait_dma2 semaphore(%arg13 : memref<!tpu.dma_semaphore, #tpu.memory_space<semaphore_mem>>) src(%dma_wait3A_1385 : memref<128x144xf32, #tpu.memory_space<hbm>>) dst(%dma_wait3A_1382 : memref<128x144xf32, #tpu.memory_space<vmem>>)
      %dma_start3A_1386 = arith.constant 2 : i32
      %dma_start3A_1387 = arith.constant 0 : i32
      %dma_start3A_1388 = arith.constant 0 : i32
      %dma_start3A_1389 = tpu.memref_slice %arg8[%dma_start3A_1386, %dma_start3A_1387, %dma_start3A_1388] : memref<4x128x144xf32, #tpu.memory_space<vmem>> -> memref<1x128x144xf32, #tpu.memory_space<vmem>>
      %dma_start3A_1390 = tpu.memref_squeeze %dma_start3A_1389 : memref<1x128x144xf32, #tpu.memory_space<vmem>> -> memref<128x144xf32, #tpu.memory_space<vmem>>
      %dma_start3A_1391 = arith.constant 0 : i32
      %dma_start3A_1392 = tpu.memref_slice %arg7[%add3A_1370, %dma_start3A_1391] : memref<64x128xi32, #tpu.memory_space<vmem>> -> memref<1x128xi32, #tpu.memory_space<vmem>>
      %dma_start3A_1393 = tpu.memref_squeeze %dma_start3A_1392 : memref<1x128xi32, #tpu.memory_space<vmem>> -> memref<128xi32, #tpu.memory_space<vmem>>
      %dma_start3A_1394 = arith.constant 0 : i32
      %dma_start3A_1395 = arith.constant 0 : i32
      %dma_start3A_1396 = tpu.memref_slice %arg10[%dma_start3A_1394, %dma_start3A_1395] : memref<4096x144xf32, #tpu.memory_space<vmem_shared>> -> memref<4096x144xf32, #tpu.memory_space<vmem_shared>>
      tpu.enqueue_indirect_dma source(%dma_start3A_1390 : memref<128x144xf32, #tpu.memory_space<vmem>>) target(%dma_start3A_1396 : memref<4096x144xf32, #tpu.memory_space<vmem_shared>>) offsets(%dma_start3A_1393 : memref<128xi32, #tpu.memory_space<vmem>>) semaphore(%arg17 : memref<!tpu.dma_semaphore, #tpu.memory_space<semaphore_mem>>) {add = true}
      %dma_wait3A_1397 = arith.constant 2 : i32
      %dma_wait3A_1398 = arith.constant 0 : i32
      %dma_wait3A_1399 = arith.constant 0 : i32
      %dma_wait3A_1400 = tpu.memref_slice %arg8[%dma_wait3A_1397, %dma_wait3A_1398, %dma_wait3A_1399] : memref<4x128x144xf32, #tpu.memory_space<vmem>> -> memref<1x128x144xf32, #tpu.memory_space<vmem>>
      %dma_wait3A_1401 = tpu.memref_squeeze %dma_wait3A_1400 : memref<1x128x144xf32, #tpu.memory_space<vmem>> -> memref<128x144xf32, #tpu.memory_space<vmem>>
      %dma_wait3A_1402 = arith.constant 0 : i32
      %dma_wait3A_1403 = tpu.memref_slice %arg7[%add3A_1370, %dma_wait3A_1402] : memref<64x128xi32, #tpu.memory_space<vmem>> -> memref<1x128xi32, #tpu.memory_space<vmem>>
      %dma_wait3A_1404 = tpu.memref_squeeze %dma_wait3A_1403 : memref<1x128xi32, #tpu.memory_space<vmem>> -> memref<128xi32, #tpu.memory_space<vmem>>
      %dma_wait3A_1405 = arith.constant 0 : i32
      %dma_wait3A_1406 = arith.constant 0 : i32
      %dma_wait3A_1407 = tpu.memref_slice %arg10[%dma_wait3A_1405, %dma_wait3A_1406] : memref<4096x144xf32, #tpu.memory_space<vmem_shared>> -> memref<4096x144xf32, #tpu.memory_space<vmem_shared>>
      tpu.wait_indirect_dma semaphore(%arg17 : memref<!tpu.dma_semaphore, #tpu.memory_space<semaphore_mem>>) src(%dma_wait3A_1401 : memref<128x144xf32, #tpu.memory_space<vmem>>) dst(%dma_wait3A_1407 : memref<4096x144xf32, #tpu.memory_space<vmem_shared>>)
      %add3A_1408 = arith.constant 4 : i32
      %add3A_1409 = arith.addi %add3A_1370, %add3A_1408 : i32
      %lt3A_1410 = arith.constant 64 : i32
      %lt3A_1411 = arith.cmpi slt, %add3A_1409, %lt3A_1410 : i32
      %convert_element_type3A_1412 = arith.extui %lt3A_1411 : i1 to i32
      %cond3A_1413 = arith.constant 0 : i32
      %cond3A_1414 = arith.cmpi ne, %convert_element_type3A_1412, %cond3A_1413 : i32
      scf.if %cond3A_1414 {
        %dma_start3A_1463 = arith.constant 2 : i32
        %dma_start3A_1464 = arith.constant 0 : i32
        %dma_start3A_1465 = arith.constant 0 : i32
        %dma_start3A_1466 = tpu.memref_slice %arg8[%dma_start3A_1463, %dma_start3A_1464, %dma_start3A_1465] : memref<4x128x144xf32, #tpu.memory_space<vmem>> -> memref<1x128x144xf32, #tpu.memory_space<vmem>>
        %dma_start3A_1467 = tpu.memref_squeeze %dma_start3A_1466 : memref<1x128x144xf32, #tpu.memory_space<vmem>> -> memref<128x144xf32, #tpu.memory_space<vmem>>
        %dma_start3A_1468 = arith.constant 0 : i32
        %dma_start3A_1469 = tpu.memref_slice %arg6[%add3A_1409, %dma_start3A_1468] : memref<64x128xi32, #tpu.memory_space<vmem>> -> memref<1x128xi32, #tpu.memory_space<vmem>>
        %dma_start3A_1470 = tpu.memref_squeeze %dma_start3A_1469 : memref<1x128xi32, #tpu.memory_space<vmem>> -> memref<128xi32, #tpu.memory_space<vmem>>
        %dma_start3A_1471 = arith.constant 0 : i32
        %dma_start3A_1472 = arith.constant 0 : i32
        %dma_start3A_1473 = tpu.memref_slice %arg2[%dma_start3A_1471, %dma_start3A_1472] : memref<8192x144xf32, #tpu.memory_space<hbm>> -> memref<8192x144xf32, #tpu.memory_space<hbm>>
        tpu.enqueue_indirect_dma source(%dma_start3A_1473 : memref<8192x144xf32, #tpu.memory_space<hbm>>) target(%dma_start3A_1467 : memref<128x144xf32, #tpu.memory_space<vmem>>) offsets(%dma_start3A_1470 : memref<128xi32, #tpu.memory_space<vmem>>) semaphore(%arg13 : memref<!tpu.dma_semaphore, #tpu.memory_space<semaphore_mem>>)
      } else {
      }
      %mul3A_1415 = arith.constant 4 : i32
      %mul3A_1416 = arith.muli %scan3A_1274, %mul3A_1415 : i32
      %add3A_1417 = arith.constant 3 : i32
      %add3A_1418 = arith.addi %mul3A_1416, %add3A_1417 : i32
      %dma_wait3A_1419 = arith.constant 3 : i32
      %dma_wait3A_1420 = arith.constant 0 : i32
      %dma_wait3A_1421 = arith.constant 0 : i32
      %dma_wait3A_1422 = tpu.memref_slice %arg8[%dma_wait3A_1419, %dma_wait3A_1420, %dma_wait3A_1421] : memref<4x128x144xf32, #tpu.memory_space<vmem>> -> memref<1x128x144xf32, #tpu.memory_space<vmem>>
      %dma_wait3A_1423 = tpu.memref_squeeze %dma_wait3A_1422 : memref<1x128x144xf32, #tpu.memory_space<vmem>> -> memref<128x144xf32, #tpu.memory_space<vmem>>
      %dma_wait3A_1424 = arith.constant 0 : i32
      %dma_wait3A_1425 = arith.constant 0 : i32
      %dma_wait3A_1426 = tpu.memref_slice %arg2[%dma_wait3A_1424, %dma_wait3A_1425] : memref<8192x144xf32, #tpu.memory_space<hbm>> -> memref<128x144xf32, #tpu.memory_space<hbm>>
      %dma_wait3A_1427 = arith.constant 0 : i32
      %dma_wait3A_1428 = arith.constant 0 : i32
      %dma_wait3A_1429 = tpu.memref_slice %arg8[%dma_wait3A_1419, %dma_wait3A_1427, %dma_wait3A_1428] : memref<4x128x144xf32, #tpu.memory_space<vmem>> -> memref<1x128x144xf32, #tpu.memory_space<vmem>>
      %dma_wait3A_1430 = tpu.memref_squeeze %dma_wait3A_1429 : memref<1x128x144xf32, #tpu.memory_space<vmem>> -> memref<128x144xf32, #tpu.memory_space<vmem>>
      %dma_wait3A_1431 = arith.constant 0 : i32
      %dma_wait3A_1432 = arith.constant 0 : i32
      %dma_wait3A_1433 = tpu.memref_slice %arg2[%dma_wait3A_1431, %dma_wait3A_1432] : memref<8192x144xf32, #tpu.memory_space<hbm>> -> memref<128x144xf32, #tpu.memory_space<hbm>>
      tpu.wait_dma2 semaphore(%arg14 : memref<!tpu.dma_semaphore, #tpu.memory_space<semaphore_mem>>) src(%dma_wait3A_1433 : memref<128x144xf32, #tpu.memory_space<hbm>>) dst(%dma_wait3A_1430 : memref<128x144xf32, #tpu.memory_space<vmem>>)
      %dma_start3A_1434 = arith.constant 3 : i32
      %dma_start3A_1435 = arith.constant 0 : i32
      %dma_start3A_1436 = arith.constant 0 : i32
      %dma_start3A_1437 = tpu.memref_slice %arg8[%dma_start3A_1434, %dma_start3A_1435, %dma_start3A_1436] : memref<4x128x144xf32, #tpu.memory_space<vmem>> -> memref<1x128x144xf32, #tpu.memory_space<vmem>>
      %dma_start3A_1438 = tpu.memref_squeeze %dma_start3A_1437 : memref<1x128x144xf32, #tpu.memory_space<vmem>> -> memref<128x144xf32, #tpu.memory_space<vmem>>
      %dma_start3A_1439 = arith.constant 0 : i32
      %dma_start3A_1440 = tpu.memref_slice %arg7[%add3A_1418, %dma_start3A_1439] : memref<64x128xi32, #tpu.memory_space<vmem>> -> memref<1x128xi32, #tpu.memory_space<vmem>>
      %dma_start3A_1441 = tpu.memref_squeeze %dma_start3A_1440 : memref<1x128xi32, #tpu.memory_space<vmem>> -> memref<128xi32, #tpu.memory_space<vmem>>
      %dma_start3A_1442 = arith.constant 0 : i32
      %dma_start3A_1443 = arith.constant 0 : i32
      %dma_start3A_1444 = tpu.memref_slice %arg10[%dma_start3A_1442, %dma_start3A_1443] : memref<4096x144xf32, #tpu.memory_space<vmem_shared>> -> memref<4096x144xf32, #tpu.memory_space<vmem_shared>>
      tpu.enqueue_indirect_dma source(%dma_start3A_1438 : memref<128x144xf32, #tpu.memory_space<vmem>>) target(%dma_start3A_1444 : memref<4096x144xf32, #tpu.memory_space<vmem_shared>>) offsets(%dma_start3A_1441 : memref<128xi32, #tpu.memory_space<vmem>>) semaphore(%arg18 : memref<!tpu.dma_semaphore, #tpu.memory_space<semaphore_mem>>) {add = true}
      %dma_wait3A_1445 = arith.constant 3 : i32
      %dma_wait3A_1446 = arith.constant 0 : i32
      %dma_wait3A_1447 = arith.constant 0 : i32
      %dma_wait3A_1448 = tpu.memref_slice %arg8[%dma_wait3A_1445, %dma_wait3A_1446, %dma_wait3A_1447] : memref<4x128x144xf32, #tpu.memory_space<vmem>> -> memref<1x128x144xf32, #tpu.memory_space<vmem>>
      %dma_wait3A_1449 = tpu.memref_squeeze %dma_wait3A_1448 : memref<1x128x144xf32, #tpu.memory_space<vmem>> -> memref<128x144xf32, #tpu.memory_space<vmem>>
      %dma_wait3A_1450 = arith.constant 0 : i32
      %dma_wait3A_1451 = tpu.memref_slice %arg7[%add3A_1418, %dma_wait3A_1450] : memref<64x128xi32, #tpu.memory_space<vmem>> -> memref<1x128xi32, #tpu.memory_space<vmem>>
      %dma_wait3A_1452 = tpu.memref_squeeze %dma_wait3A_1451 : memref<1x128xi32, #tpu.memory_space<vmem>> -> memref<128xi32, #tpu.memory_space<vmem>>
      %dma_wait3A_1453 = arith.constant 0 : i32
      %dma_wait3A_1454 = arith.constant 0 : i32
      %dma_wait3A_1455 = tpu.memref_slice %arg10[%dma_wait3A_1453, %dma_wait3A_1454] : memref<4096x144xf32, #tpu.memory_space<vmem_shared>> -> memref<4096x144xf32, #tpu.memory_space<vmem_shared>>
      tpu.wait_indirect_dma semaphore(%arg18 : memref<!tpu.dma_semaphore, #tpu.memory_space<semaphore_mem>>) src(%dma_wait3A_1449 : memref<128x144xf32, #tpu.memory_space<vmem>>) dst(%dma_wait3A_1455 : memref<4096x144xf32, #tpu.memory_space<vmem_shared>>)
      %add3A_1456 = arith.constant 4 : i32
      %add3A_1457 = arith.addi %add3A_1418, %add3A_1456 : i32
      %lt3A_1458 = arith.constant 64 : i32
      %lt3A_1459 = arith.cmpi slt, %add3A_1457, %lt3A_1458 : i32
      %convert_element_type3A_1460 = arith.extui %lt3A_1459 : i1 to i32
      %cond3A_1461 = arith.constant 0 : i32
      %cond3A_1462 = arith.cmpi ne, %convert_element_type3A_1460, %cond3A_1461 : i32
      scf.if %cond3A_1462 {
        %dma_start3A_1463 = arith.constant 3 : i32
        %dma_start3A_1464 = arith.constant 0 : i32
        %dma_start3A_1465 = arith.constant 0 : i32
        %dma_start3A_1466 = tpu.memref_slice %arg8[%dma_start3A_1463, %dma_start3A_1464, %dma_start3A_1465] : memref<4x128x144xf32, #tpu.memory_space<vmem>> -> memref<1x128x144xf32, #tpu.memory_space<vmem>>
        %dma_start3A_1467 = tpu.memref_squeeze %dma_start3A_1466 : memref<1x128x144xf32, #tpu.memory_space<vmem>> -> memref<128x144xf32, #tpu.memory_space<vmem>>
        %dma_start3A_1468 = arith.constant 0 : i32
        %dma_start3A_1469 = tpu.memref_slice %arg6[%add3A_1457, %dma_start3A_1468] : memref<64x128xi32, #tpu.memory_space<vmem>> -> memref<1x128xi32, #tpu.memory_space<vmem>>
        %dma_start3A_1470 = tpu.memref_squeeze %dma_start3A_1469 : memref<1x128xi32, #tpu.memory_space<vmem>> -> memref<128xi32, #tpu.memory_space<vmem>>
        %dma_start3A_1471 = arith.constant 0 : i32
        %dma_start3A_1472 = arith.constant 0 : i32
        %dma_start3A_1473 = tpu.memref_slice %arg2[%dma_start3A_1471, %dma_start3A_1472] : memref<8192x144xf32, #tpu.memory_space<hbm>> -> memref<8192x144xf32, #tpu.memory_space<hbm>>
        tpu.enqueue_indirect_dma source(%dma_start3A_1473 : memref<8192x144xf32, #tpu.memory_space<hbm>>) target(%dma_start3A_1467 : memref<128x144xf32, #tpu.memory_space<vmem>>) offsets(%dma_start3A_1470 : memref<128xi32, #tpu.memory_space<vmem>>) semaphore(%arg14 : memref<!tpu.dma_semaphore, #tpu.memory_space<semaphore_mem>>)
      } else {
      }
    }
    %scan3A_1268 = arith.constant 16 : i32
    %barrier3A_1269 = arith.constant 0 : index
    tpu.barrier barrier_id(%barrier3A_1269)
    %mul3A_1270 = arith.constant 256 : i32
    %mul3A_1271 = arith.muli %arg1, %mul3A_1270 : i32
    %mul3A_1272 = arith.constant 256 : i32
    %mul3A_1273 = arith.muli %arg1, %mul3A_1272 : i32
    "tpu.region"() ({
      %run_scoped3A = tpu.sem_alloc : memref<!tpu.dma_semaphore, #tpu.memory_space<semaphore_mem>>
      %dma_start3A_1274 = arith.constant 0 : i32
      %dma_start3A_1275 = tpu.memref_slice %arg5[%arg0, %mul3A_1273, %dma_start3A_1274] : memref<2x4096x144xf32, #tpu.memory_space<hbm>> -> memref<1x256x144xf32, #tpu.memory_space<hbm>>
      %dma_start3A_1276 = tpu.memref_squeeze %dma_start3A_1275 : memref<1x256x144xf32, #tpu.memory_space<hbm>> -> memref<256x144xf32, #tpu.memory_space<hbm>>
      %dma_start3A_1277 = arith.constant 0 : i32
      %dma_start3A_1278 = tpu.memref_slice %arg10[%mul3A_1271, %dma_start3A_1277] : memref<4096x144xf32, #tpu.memory_space<vmem_shared>> -> memref<256x144xf32, #tpu.memory_space<vmem_shared>>
      tpu.enqueue_dma source(%dma_start3A_1278 : memref<256x144xf32, #tpu.memory_space<vmem_shared>>) target(%dma_start3A_1276 : memref<256x144xf32, #tpu.memory_space<hbm>>) target_semaphore(%run_scoped3A : memref<!tpu.dma_semaphore, #tpu.memory_space<semaphore_mem>>)
      %dma_wait3A = arith.constant 0 : i32
      %dma_wait3A_1279 = tpu.memref_slice %arg5[%arg0, %mul3A_1273, %dma_wait3A] : memref<2x4096x144xf32, #tpu.memory_space<hbm>> -> memref<1x256x144xf32, #tpu.memory_space<hbm>>
      %dma_wait3A_1280 = tpu.memref_squeeze %dma_wait3A_1279 : memref<1x256x144xf32, #tpu.memory_space<hbm>> -> memref<256x144xf32, #tpu.memory_space<hbm>>
      %dma_wait3A_1281 = arith.constant 0 : i32
      %dma_wait3A_1282 = tpu.memref_slice %arg10[%mul3A_1271, %dma_wait3A_1281] : memref<4096x144xf32, #tpu.memory_space<vmem_shared>> -> memref<256x144xf32, #tpu.memory_space<vmem_shared>>
      tpu.wait_dma2 semaphore(%run_scoped3A : memref<!tpu.dma_semaphore, #tpu.memory_space<semaphore_mem>>) src(%dma_wait3A_1282 : memref<256x144xf32, #tpu.memory_space<vmem_shared>>) dst(%dma_wait3A_1280 : memref<256x144xf32, #tpu.memory_space<hbm>>)
      tpu.yield
    }) : () -> ()
    return
  }
}

module attributes {stable_mosaic.version = 14 : i64} {
  func.func @body(%arg0: i32, %arg1: memref<512x144xf32, #tpu.memory_space<vmem>>, %arg2: memref<512x144xf32, #tpu.memory_space<vmem>>, %arg3: memref<1x128x128xf32, #tpu.memory_space<vmem>>, %arg4: memref<1x1x128xf32, #tpu.memory_space<vmem>>, %arg5: memref<1x128x128xf32, #tpu.memory_space<vmem>>, %arg6: memref<512x144xf32, #tpu.memory_space<vmem>>) attributes {dimension_semantics = [#tpu.dimension_semantics<arbitrary>], iteration_bounds = array<i64: 16>, scalar_prefetch = 0 : i64, scratch_operands = 0 : i64, tpu.core_type = #tpu.core_type<tc>, window_params = [{transform_indices = @transform_0, window_bounds = array<i64: 512, 144>}, {transform_indices = @transform_1, window_bounds = array<i64: 512, 144>}, {transform_indices = @transform_2, window_bounds = array<i64: 1, 128, 128>}, {transform_indices = @transform_3, window_bounds = array<i64: 1, 1, 128>}, {transform_indices = @transform_4, window_bounds = array<i64: 1, 128, 128>}, {transform_indices = @transform_5, window_bounds = array<i64: 512, 144>}]} {
    %get3A = arith.constant 0 : index
    %get3A_0 = arith.constant 0 : index
    %get3A_1 = vector.load %arg1[%get3A, %get3A_0] : memref<512x144xf32, #tpu.memory_space<vmem>>, vector<512x144xf32>
    %slice3A = vector.extract_strided_slice %get3A_1 {offsets = [0, 128], sizes = [512, 1], strides = [1, 1]} : vector<512x144xf32> to vector<512x1xf32>
    %max3A = arith.constant 1.000000e+00 : f32
    %max3A_2 = vector.broadcast %max3A : f32 to vector<512x1xf32>
    %max3A_3 = arith.maximumf %slice3A, %max3A_2 : vector<512x1xf32>
    %slice3A_4 = vector.extract_strided_slice %get3A_1 {offsets = [0, 0], sizes = [512, 128], strides = [1, 1]} : vector<512x144xf32> to vector<512x128xf32>
    %div3A = vector.broadcast %max3A_3 : vector<512x1xf32> to vector<512x128xf32>
    %div3A_5 = arith.divf %slice3A_4, %div3A : vector<512x128xf32>
    %get3A_6 = arith.constant 0 : index
    %get3A_7 = arith.constant 0 : index
    %get3A_8 = vector.load %arg2[%get3A_6, %get3A_7] : memref<512x144xf32, #tpu.memory_space<vmem>>, vector<512x128xf32>
    %get3A_9 = arith.constant 0 : index
    %get3A_10 = arith.constant 0 : index
    %get3A_11 = arith.constant 0 : index
    %get3A_12 = vector.load %arg3[%get3A_9, %get3A_10, %get3A_11] : memref<1x128x128xf32, #tpu.memory_space<vmem>>, vector<1x128x128xf32>
    %get3A_13 = vector.shape_cast %get3A_12 : vector<1x128x128xf32> to vector<128x128xf32>
    %dot_general3A = arith.constant dense<0.000000e+00> : vector<512x128xf32>
    %dot_general3A_14 = tpu.matmul %div3A_5, %get3A_13, %dot_general3A {dimension_numbers = #tpu.dot_dimension_numbers<[1], [1], [0], [0], [0, 0, 1, 0], [], []>, transpose_lhs_hint = false} : vector<512x128xf32>, vector<128x128xf32>, vector<512x128xf32> -> vector<512x128xf32>
    %get3A_15 = arith.constant 0 : index
    %get3A_16 = arith.constant 0 : index
    %get3A_17 = arith.constant 0 : index
    %get3A_18 = vector.load %arg4[%get3A_15, %get3A_16, %get3A_17] : memref<1x1x128xf32, #tpu.memory_space<vmem>>, vector<1x1x128xf32>
    %get3A_19 = vector.shape_cast %get3A_18 : vector<1x1x128xf32> to vector<1x128xf32>
    %add3A = vector.broadcast %get3A_19 : vector<1x128xf32> to vector<512x128xf32>
    %add3A_20 = arith.addf %dot_general3A_14, %add3A : vector<512x128xf32>
    %get3A_21 = arith.constant 0 : index
    %get3A_22 = arith.constant 0 : index
    %get3A_23 = arith.constant 0 : index
    %get3A_24 = vector.load %arg5[%get3A_21, %get3A_22, %get3A_23] : memref<1x128x128xf32, #tpu.memory_space<vmem>>, vector<1x128x128xf32>
    %get3A_25 = vector.shape_cast %get3A_24 : vector<1x128x128xf32> to vector<128x128xf32>
    %dot_general3A_26 = arith.constant dense<0.000000e+00> : vector<512x128xf32>
    %dot_general3A_27 = tpu.matmul %get3A_8, %get3A_25, %dot_general3A_26 {dimension_numbers = #tpu.dot_dimension_numbers<[1], [1], [0], [0], [0, 0, 1, 0], [], []>, transpose_lhs_hint = false} : vector<512x128xf32>, vector<128x128xf32>, vector<512x128xf32> -> vector<512x128xf32>
    %add3A_28 = arith.addf %add3A_20, %dot_general3A_27 : vector<512x128xf32>
    %max3A_29 = arith.constant 0.000000e+00 : f32
    %max3A_30 = vector.broadcast %max3A_29 : f32 to vector<512x128xf32>
    %max3A_31 = arith.maximumf %add3A_28, %max3A_30 : vector<512x128xf32>
    %iota3A = tpu.iota {dimensions = array<i32: 1>} : vector<512x16xi32>
    %swap3A = arith.constant 0 : index
    %swap3A_32 = arith.constant 0 : index
    %swap3A_33 = vector.load %arg6[%swap3A, %swap3A_32] : memref<512x144xf32, #tpu.memory_space<vmem>>, vector<512x128xf32>
    tpu.vector_store %arg6[%swap3A, %swap3A_32], %max3A_31 {strides = array<i32>} : memref<512x144xf32, #tpu.memory_space<vmem>>, vector<512x128xf32>,
    %eq3A = arith.constant 0 : i32
    %eq3A_34 = vector.broadcast %eq3A : i32 to vector<512x16xi32>
    %eq3A_35 = arith.cmpi eq, %iota3A, %eq3A_34 : vector<512x16xi32>
    %jit3A = arith.constant 1.000000e+00 : f32
    %jit3A_36 = arith.constant 0.000000e+00 : f32
    %broadcast_in_dim3A = vector.broadcast %jit3A : f32 to vector<512x16xf32>
    %broadcast_in_dim3A_37 = vector.broadcast %jit3A_36 : f32 to vector<512x16xf32>
    %select_n3A = arith.select %eq3A_35, %broadcast_in_dim3A, %broadcast_in_dim3A_37 : vector<512x16xi1>, vector<512x16xf32>
    %swap3A_38 = arith.constant 0 : index
    %swap3A_39 = arith.constant 128 : index
    %swap3A_40 = vector.load %arg6[%swap3A_38, %swap3A_39] : memref<512x144xf32, #tpu.memory_space<vmem>>, vector<512x16xf32>
    tpu.vector_store %arg6[%swap3A_38, %swap3A_39], %select_n3A {strides = array<i32>} : memref<512x144xf32, #tpu.memory_space<vmem>>, vector<512x16xf32>,
    return
  }
  func.func @transform_0(%arg0: i32) -> (i32, i32) {
    %c0_i32 = arith.constant 0 : i32
    %c0_i32_0 = arith.constant 0 : i32
    return %arg0, %c0_i32 : i32, i32
  }
  func.func @transform_1(%arg0: i32) -> (i32, i32) {
    %c0_i32 = arith.constant 0 : i32
    %c0_i32_0 = arith.constant 0 : i32
    return %arg0, %c0_i32 : i32, i32
  }
  func.func @transform_2(%arg0: i32) -> (i32, i32, i32) {
    %jit3A = arith.constant 8 : i32
    %div3A = arith.divsi %arg0, %jit3A : i32
    %sign3A = arith.constant 0 : i32
    %sign3A_0 = arith.cmpi sgt, %arg0, %sign3A : i32
    %sign3A_1 = arith.extui %sign3A_0 : i1 to i32
    %sign3A_2 = arith.constant 0 : i32
    %sign3A_3 = arith.cmpi slt, %arg0, %sign3A_2 : i32
    %sign3A_4 = arith.extui %sign3A_3 : i1 to i32
    %sign3A_5 = arith.subi %sign3A_1, %sign3A_4 : i32
    %sign3A_6 = arith.constant 0 : i32
    %sign3A_7 = arith.cmpi sgt, %jit3A, %sign3A_6 : i32
    %sign3A_8 = arith.extui %sign3A_7 : i1 to i32
    %sign3A_9 = arith.constant 0 : i32
    %sign3A_10 = arith.cmpi slt, %jit3A, %sign3A_9 : i32
    %sign3A_11 = arith.extui %sign3A_10 : i1 to i32
    %sign3A_12 = arith.subi %sign3A_8, %sign3A_11 : i32
    %ne3A = arith.cmpi ne, %sign3A_5, %sign3A_12 : i32
    %rem3A = arith.remsi %arg0, %jit3A : i32
    %ne3A_13 = arith.constant 0 : i32
    %ne3A_14 = arith.cmpi ne, %rem3A, %ne3A_13 : i32
    %and3A = arith.andi %ne3A, %ne3A_14 : i1
    %sub3A = arith.constant 1 : i32
    %sub3A_15 = arith.subi %div3A, %sub3A : i32
    %select_n3A = arith.select %and3A, %sub3A_15, %div3A : i32
    %c0_i32 = arith.constant 0 : i32
    %c0_i32_16 = arith.constant 0 : i32
    %c0_i32_17 = arith.constant 0 : i32
    return %select_n3A, %c0_i32, %c0_i32_16 : i32, i32, i32
  }
  func.func @transform_3(%arg0: i32) -> (i32, i32, i32) {
    %jit3A = arith.constant 8 : i32
    %div3A = arith.divsi %arg0, %jit3A : i32
    %sign3A = arith.constant 0 : i32
    %sign3A_0 = arith.cmpi sgt, %arg0, %sign3A : i32
    %sign3A_1 = arith.extui %sign3A_0 : i1 to i32
    %sign3A_2 = arith.constant 0 : i32
    %sign3A_3 = arith.cmpi slt, %arg0, %sign3A_2 : i32
    %sign3A_4 = arith.extui %sign3A_3 : i1 to i32
    %sign3A_5 = arith.subi %sign3A_1, %sign3A_4 : i32
    %sign3A_6 = arith.constant 0 : i32
    %sign3A_7 = arith.cmpi sgt, %jit3A, %sign3A_6 : i32
    %sign3A_8 = arith.extui %sign3A_7 : i1 to i32
    %sign3A_9 = arith.constant 0 : i32
    %sign3A_10 = arith.cmpi slt, %jit3A, %sign3A_9 : i32
    %sign3A_11 = arith.extui %sign3A_10 : i1 to i32
    %sign3A_12 = arith.subi %sign3A_8, %sign3A_11 : i32
    %ne3A = arith.cmpi ne, %sign3A_5, %sign3A_12 : i32
    %rem3A = arith.remsi %arg0, %jit3A : i32
    %ne3A_13 = arith.constant 0 : i32
    %ne3A_14 = arith.cmpi ne, %rem3A, %ne3A_13 : i32
    %and3A = arith.andi %ne3A, %ne3A_14 : i1
    %sub3A = arith.constant 1 : i32
    %sub3A_15 = arith.subi %div3A, %sub3A : i32
    %select_n3A = arith.select %and3A, %sub3A_15, %div3A : i32
    %c0_i32 = arith.constant 0 : i32
    %c0_i32_16 = arith.constant 0 : i32
    %c0_i32_17 = arith.constant 0 : i32
    return %select_n3A, %c0_i32, %c0_i32_16 : i32, i32, i32
  }
  func.func @transform_4(%arg0: i32) -> (i32, i32, i32) {
    %jit3A = arith.constant 8 : i32
    %div3A = arith.divsi %arg0, %jit3A : i32
    %sign3A = arith.constant 0 : i32
    %sign3A_0 = arith.cmpi sgt, %arg0, %sign3A : i32
    %sign3A_1 = arith.extui %sign3A_0 : i1 to i32
    %sign3A_2 = arith.constant 0 : i32
    %sign3A_3 = arith.cmpi slt, %arg0, %sign3A_2 : i32
    %sign3A_4 = arith.extui %sign3A_3 : i1 to i32
    %sign3A_5 = arith.subi %sign3A_1, %sign3A_4 : i32
    %sign3A_6 = arith.constant 0 : i32
    %sign3A_7 = arith.cmpi sgt, %jit3A, %sign3A_6 : i32
    %sign3A_8 = arith.extui %sign3A_7 : i1 to i32
    %sign3A_9 = arith.constant 0 : i32
    %sign3A_10 = arith.cmpi slt, %jit3A, %sign3A_9 : i32
    %sign3A_11 = arith.extui %sign3A_10 : i1 to i32
    %sign3A_12 = arith.subi %sign3A_8, %sign3A_11 : i32
    %ne3A = arith.cmpi ne, %sign3A_5, %sign3A_12 : i32
    %rem3A = arith.remsi %arg0, %jit3A : i32
    %ne3A_13 = arith.constant 0 : i32
    %ne3A_14 = arith.cmpi ne, %rem3A, %ne3A_13 : i32
    %and3A = arith.andi %ne3A, %ne3A_14 : i1
    %sub3A = arith.constant 1 : i32
    %sub3A_15 = arith.subi %div3A, %sub3A : i32
    %select_n3A = arith.select %and3A, %sub3A_15, %div3A : i32
    %c0_i32 = arith.constant 0 : i32
    %c0_i32_16 = arith.constant 0 : i32
    %c0_i32_17 = arith.constant 0 : i32
    return %select_n3A, %c0_i32, %c0_i32_16 : i32, i32, i32
  }
  func.func @transform_5(%arg0: i32) -> (i32, i32) {
    %c0_i32 = arith.constant 0 : i32
    %c0_i32_0 = arith.constant 0 : i32
    return %arg0, %c0_i32 : i32, i32
  }
}

module attributes {stable_mosaic.version = 14 : i64} {
  func.func @body(%arg0: i32, %arg1: memref<512x144xf32, #tpu.memory_space<vmem>>, %arg2: memref<512x144xf32, #tpu.memory_space<vmem>>, %arg3: memref<1x128x128xf32, #tpu.memory_space<vmem>>, %arg4: memref<1x1x128xf32, #tpu.memory_space<vmem>>, %arg5: memref<1x128x128xf32, #tpu.memory_space<vmem>>, %arg6: memref<512x128xf32, #tpu.memory_space<vmem>>) attributes {dimension_semantics = [#tpu.dimension_semantics<arbitrary>], iteration_bounds = array<i64: 16>, scalar_prefetch = 0 : i64, scratch_operands = 0 : i64, tpu.core_type = #tpu.core_type<tc>, window_params = [{transform_indices = @transform_0, window_bounds = array<i64: 512, 144>}, {transform_indices = @transform_1, window_bounds = array<i64: 512, 144>}, {transform_indices = @transform_2, window_bounds = array<i64: 1, 128, 128>}, {transform_indices = @transform_3, window_bounds = array<i64: 1, 1, 128>}, {transform_indices = @transform_4, window_bounds = array<i64: 1, 128, 128>}, {transform_indices = @transform_5, window_bounds = array<i64: 512, 128>}]} {
    %get3A = arith.constant 0 : index
    %get3A_0 = arith.constant 0 : index
    %get3A_1 = vector.load %arg1[%get3A, %get3A_0] : memref<512x144xf32, #tpu.memory_space<vmem>>, vector<512x144xf32>
    %slice3A = vector.extract_strided_slice %get3A_1 {offsets = [0, 128], sizes = [512, 1], strides = [1, 1]} : vector<512x144xf32> to vector<512x1xf32>
    %max3A = arith.constant 1.000000e+00 : f32
    %max3A_2 = vector.broadcast %max3A : f32 to vector<512x1xf32>
    %max3A_3 = arith.maximumf %slice3A, %max3A_2 : vector<512x1xf32>
    %slice3A_4 = vector.extract_strided_slice %get3A_1 {offsets = [0, 0], sizes = [512, 128], strides = [1, 1]} : vector<512x144xf32> to vector<512x128xf32>
    %div3A = vector.broadcast %max3A_3 : vector<512x1xf32> to vector<512x128xf32>
    %div3A_5 = arith.divf %slice3A_4, %div3A : vector<512x128xf32>
    %get3A_6 = arith.constant 0 : index
    %get3A_7 = arith.constant 0 : index
    %get3A_8 = vector.load %arg2[%get3A_6, %get3A_7] : memref<512x144xf32, #tpu.memory_space<vmem>>, vector<512x128xf32>
    %get3A_9 = arith.constant 0 : index
    %get3A_10 = arith.constant 0 : index
    %get3A_11 = arith.constant 0 : index
    %get3A_12 = vector.load %arg3[%get3A_9, %get3A_10, %get3A_11] : memref<1x128x128xf32, #tpu.memory_space<vmem>>, vector<1x128x128xf32>
    %get3A_13 = vector.shape_cast %get3A_12 : vector<1x128x128xf32> to vector<128x128xf32>
    %dot_general3A = arith.constant dense<0.000000e+00> : vector<512x128xf32>
    %dot_general3A_14 = tpu.matmul %div3A_5, %get3A_13, %dot_general3A {dimension_numbers = #tpu.dot_dimension_numbers<[1], [1], [0], [0], [0, 0, 1, 0], [], []>, transpose_lhs_hint = false} : vector<512x128xf32>, vector<128x128xf32>, vector<512x128xf32> -> vector<512x128xf32>
    %get3A_15 = arith.constant 0 : index
    %get3A_16 = arith.constant 0 : index
    %get3A_17 = arith.constant 0 : index
    %get3A_18 = vector.load %arg4[%get3A_15, %get3A_16, %get3A_17] : memref<1x1x128xf32, #tpu.memory_space<vmem>>, vector<1x1x128xf32>
    %get3A_19 = vector.shape_cast %get3A_18 : vector<1x1x128xf32> to vector<1x128xf32>
    %add3A = vector.broadcast %get3A_19 : vector<1x128xf32> to vector<512x128xf32>
    %add3A_20 = arith.addf %dot_general3A_14, %add3A : vector<512x128xf32>
    %get3A_21 = arith.constant 0 : index
    %get3A_22 = arith.constant 0 : index
    %get3A_23 = arith.constant 0 : index
    %get3A_24 = vector.load %arg5[%get3A_21, %get3A_22, %get3A_23] : memref<1x128x128xf32, #tpu.memory_space<vmem>>, vector<1x128x128xf32>
    %get3A_25 = vector.shape_cast %get3A_24 : vector<1x128x128xf32> to vector<128x128xf32>
    %dot_general3A_26 = arith.constant dense<0.000000e+00> : vector<512x128xf32>
    %dot_general3A_27 = tpu.matmul %get3A_8, %get3A_25, %dot_general3A_26 {dimension_numbers = #tpu.dot_dimension_numbers<[1], [1], [0], [0], [0, 0, 1, 0], [], []>, transpose_lhs_hint = false} : vector<512x128xf32>, vector<128x128xf32>, vector<512x128xf32> -> vector<512x128xf32>
    %add3A_28 = arith.addf %add3A_20, %dot_general3A_27 : vector<512x128xf32>
    %max3A_29 = arith.constant 0.000000e+00 : f32
    %max3A_30 = vector.broadcast %max3A_29 : f32 to vector<512x128xf32>
    %max3A_31 = arith.maximumf %add3A_28, %max3A_30 : vector<512x128xf32>
    %swap3A = arith.constant 0 : index
    %swap3A_32 = arith.constant 0 : index
    %swap3A_33 = vector.load %arg6[%swap3A, %swap3A_32] : memref<512x128xf32, #tpu.memory_space<vmem>>, vector<512x128xf32>
    tpu.vector_store %arg6[%swap3A, %swap3A_32], %max3A_31 {strides = array<i32>} : memref<512x128xf32, #tpu.memory_space<vmem>>, vector<512x128xf32>,
    return
  }
  func.func @transform_0(%arg0: i32) -> (i32, i32) {
    %c0_i32 = arith.constant 0 : i32
    %c0_i32_0 = arith.constant 0 : i32
    return %arg0, %c0_i32 : i32, i32
  }
  func.func @transform_1(%arg0: i32) -> (i32, i32) {
    %c0_i32 = arith.constant 0 : i32
    %c0_i32_0 = arith.constant 0 : i32
    return %arg0, %c0_i32 : i32, i32
  }
  func.func @transform_2(%arg0: i32) -> (i32, i32, i32) {
    %jit3A = arith.constant 8 : i32
    %div3A = arith.divsi %arg0, %jit3A : i32
    %sign3A = arith.constant 0 : i32
    %sign3A_0 = arith.cmpi sgt, %arg0, %sign3A : i32
    %sign3A_1 = arith.extui %sign3A_0 : i1 to i32
    %sign3A_2 = arith.constant 0 : i32
    %sign3A_3 = arith.cmpi slt, %arg0, %sign3A_2 : i32
    %sign3A_4 = arith.extui %sign3A_3 : i1 to i32
    %sign3A_5 = arith.subi %sign3A_1, %sign3A_4 : i32
    %sign3A_6 = arith.constant 0 : i32
    %sign3A_7 = arith.cmpi sgt, %jit3A, %sign3A_6 : i32
    %sign3A_8 = arith.extui %sign3A_7 : i1 to i32
    %sign3A_9 = arith.constant 0 : i32
    %sign3A_10 = arith.cmpi slt, %jit3A, %sign3A_9 : i32
    %sign3A_11 = arith.extui %sign3A_10 : i1 to i32
    %sign3A_12 = arith.subi %sign3A_8, %sign3A_11 : i32
    %ne3A = arith.cmpi ne, %sign3A_5, %sign3A_12 : i32
    %rem3A = arith.remsi %arg0, %jit3A : i32
    %ne3A_13 = arith.constant 0 : i32
    %ne3A_14 = arith.cmpi ne, %rem3A, %ne3A_13 : i32
    %and3A = arith.andi %ne3A, %ne3A_14 : i1
    %sub3A = arith.constant 1 : i32
    %sub3A_15 = arith.subi %div3A, %sub3A : i32
    %select_n3A = arith.select %and3A, %sub3A_15, %div3A : i32
    %c0_i32 = arith.constant 0 : i32
    %c0_i32_16 = arith.constant 0 : i32
    %c0_i32_17 = arith.constant 0 : i32
    return %select_n3A, %c0_i32, %c0_i32_16 : i32, i32, i32
  }
  func.func @transform_3(%arg0: i32) -> (i32, i32, i32) {
    %jit3A = arith.constant 8 : i32
    %div3A = arith.divsi %arg0, %jit3A : i32
    %sign3A = arith.constant 0 : i32
    %sign3A_0 = arith.cmpi sgt, %arg0, %sign3A : i32
    %sign3A_1 = arith.extui %sign3A_0 : i1 to i32
    %sign3A_2 = arith.constant 0 : i32
    %sign3A_3 = arith.cmpi slt, %arg0, %sign3A_2 : i32
    %sign3A_4 = arith.extui %sign3A_3 : i1 to i32
    %sign3A_5 = arith.subi %sign3A_1, %sign3A_4 : i32
    %sign3A_6 = arith.constant 0 : i32
    %sign3A_7 = arith.cmpi sgt, %jit3A, %sign3A_6 : i32
    %sign3A_8 = arith.extui %sign3A_7 : i1 to i32
    %sign3A_9 = arith.constant 0 : i32
    %sign3A_10 = arith.cmpi slt, %jit3A, %sign3A_9 : i32
    %sign3A_11 = arith.extui %sign3A_10 : i1 to i32
    %sign3A_12 = arith.subi %sign3A_8, %sign3A_11 : i32
    %ne3A = arith.cmpi ne, %sign3A_5, %sign3A_12 : i32
    %rem3A = arith.remsi %arg0, %jit3A : i32
    %ne3A_13 = arith.constant 0 : i32
    %ne3A_14 = arith.cmpi ne, %rem3A, %ne3A_13 : i32
    %and3A = arith.andi %ne3A, %ne3A_14 : i1
    %sub3A = arith.constant 1 : i32
    %sub3A_15 = arith.subi %div3A, %sub3A : i32
    %select_n3A = arith.select %and3A, %sub3A_15, %div3A : i32
    %c0_i32 = arith.constant 0 : i32
    %c0_i32_16 = arith.constant 0 : i32
    %c0_i32_17 = arith.constant 0 : i32
    return %select_n3A, %c0_i32, %c0_i32_16 : i32, i32, i32
  }
  func.func @transform_4(%arg0: i32) -> (i32, i32, i32) {
    %jit3A = arith.constant 8 : i32
    %div3A = arith.divsi %arg0, %jit3A : i32
    %sign3A = arith.constant 0 : i32
    %sign3A_0 = arith.cmpi sgt, %arg0, %sign3A : i32
    %sign3A_1 = arith.extui %sign3A_0 : i1 to i32
    %sign3A_2 = arith.constant 0 : i32
    %sign3A_3 = arith.cmpi slt, %arg0, %sign3A_2 : i32
    %sign3A_4 = arith.extui %sign3A_3 : i1 to i32
    %sign3A_5 = arith.subi %sign3A_1, %sign3A_4 : i32
    %sign3A_6 = arith.constant 0 : i32
    %sign3A_7 = arith.cmpi sgt, %jit3A, %sign3A_6 : i32
    %sign3A_8 = arith.extui %sign3A_7 : i1 to i32
    %sign3A_9 = arith.constant 0 : i32
    %sign3A_10 = arith.cmpi slt, %jit3A, %sign3A_9 : i32
    %sign3A_11 = arith.extui %sign3A_10 : i1 to i32
    %sign3A_12 = arith.subi %sign3A_8, %sign3A_11 : i32
    %ne3A = arith.cmpi ne, %sign3A_5, %sign3A_12 : i32
    %rem3A = arith.remsi %arg0, %jit3A : i32
    %ne3A_13 = arith.constant 0 : i32
    %ne3A_14 = arith.cmpi ne, %rem3A, %ne3A_13 : i32
    %and3A = arith.andi %ne3A, %ne3A_14 : i1
    %sub3A = arith.constant 1 : i32
    %sub3A_15 = arith.subi %div3A, %sub3A : i32
    %select_n3A = arith.select %and3A, %sub3A_15, %div3A : i32
    %c0_i32 = arith.constant 0 : i32
    %c0_i32_16 = arith.constant 0 : i32
    %c0_i32_17 = arith.constant 0 : i32
    return %select_n3A, %c0_i32, %c0_i32_16 : i32, i32, i32
  }
  func.func @transform_5(%arg0: i32) -> (i32, i32) {
    %c0_i32 = arith.constant 0 : i32
    %c0_i32_0 = arith.constant 0 : i32
    return %arg0, %c0_i32 : i32, i32
  }
}

module attributes {stable_mosaic.version = 14 : i64} {
  func.func @body(%arg0: i32, %arg1: i32, %arg2: memref<512x128xf32, #tpu.memory_space<vmem>>, %arg3: memref<1x4096x128xf32, #tpu.memory_space<vmem>>, %arg4: memref<1x128x128xf32, #tpu.memory_space<vmem>>, %arg5: memref<1x1x128xf32, #tpu.memory_space<vmem>>, %arg6: memref<1x128x128xf32, #tpu.memory_space<vmem>>, %arg7: memref<1x1x128xf32, #tpu.memory_space<vmem>>, %arg8: memref<1x128x128xf32, #tpu.memory_space<vmem>>, %arg9: memref<1x1x128xf32, #tpu.memory_space<vmem>>, %arg10: memref<512x128xf32, #tpu.memory_space<vmem>>, %arg11: memref<4096x128xbf16, #tpu.memory_space<vmem>>, %arg12: memref<4096x132xbf16, #tpu.memory_space<vmem>>) attributes {dimension_semantics = [#tpu.dimension_semantics<arbitrary>, #tpu.dimension_semantics<arbitrary>], iteration_bounds = array<i64: 2, 8>, scalar_prefetch = 0 : i64, scratch_operands = 2 : i64, tpu.core_type = #tpu.core_type<tc>, window_params = [{transform_indices = @transform_0, window_bounds = array<i64: 512, 128>}, {transform_indices = @transform_1, window_bounds = array<i64: 1, 4096, 128>}, {transform_indices = @transform_2, window_bounds = array<i64: 1, 128, 128>}, {transform_indices = @transform_3, window_bounds = array<i64: 1, 1, 128>}, {transform_indices = @transform_4, window_bounds = array<i64: 1, 128, 128>}, {transform_indices = @transform_5, window_bounds = array<i64: 1, 1, 128>}, {transform_indices = @transform_6, window_bounds = array<i64: 1, 128, 128>}, {transform_indices = @transform_7, window_bounds = array<i64: 1, 1, 128>}, {transform_indices = @transform_8, window_bounds = array<i64: 512, 128>}]} {
    %eq3A = arith.constant 0 : i32
    %eq3A_0 = arith.cmpi eq, %arg1, %eq3A : i32
    %convert_element_type3A = arith.extui %eq3A_0 : i1 to i32
    %cond3A = arith.constant 0 : i32
    %cond3A_1 = arith.cmpi ne, %convert_element_type3A, %cond3A : i32
    scf.if %cond3A_1 {
      %get3A_102 = arith.constant 0 : index
      %get3A_103 = arith.constant 0 : index
      %get3A_104 = arith.constant 0 : index
      %get3A_105 = vector.load %arg3[%get3A_102, %get3A_103, %get3A_104] : memref<1x4096x128xf32, #tpu.memory_space<vmem>>, vector<1x4096x128xf32>
      %get3A_106 = vector.shape_cast %get3A_105 : vector<1x4096x128xf32> to vector<4096x128xf32>
      %get3A_107 = arith.constant 0 : index
      %get3A_108 = arith.constant 0 : index
      %get3A_109 = arith.constant 0 : index
      %get3A_110 = vector.load %arg6[%get3A_107, %get3A_108, %get3A_109] : memref<1x128x128xf32, #tpu.memory_space<vmem>>, vector<1x128x128xf32>
      %get3A_111 = vector.shape_cast %get3A_110 : vector<1x128x128xf32> to vector<128x128xf32>
      %dot_general3A_112 = arith.constant dense<0.000000e+00> : vector<4096x128xf32>
      %dot_general3A_113 = tpu.matmul %get3A_106, %get3A_111, %dot_general3A_112 {dimension_numbers = #tpu.dot_dimension_numbers<[1], [1], [0], [0], [0, 0, 1, 0], [], []>, transpose_lhs_hint = false} : vector<4096x128xf32>, vector<128x128xf32>, vector<4096x128xf32> -> vector<4096x128xf32>
      %get3A_114 = arith.constant 0 : index
      %get3A_115 = arith.constant 0 : index
      %get3A_116 = arith.constant 0 : index
      %get3A_117 = vector.load %arg7[%get3A_114, %get3A_115, %get3A_116] : memref<1x1x128xf32, #tpu.memory_space<vmem>>, vector<1x1x128xf32>
      %get3A_118 = vector.shape_cast %get3A_117 : vector<1x1x128xf32> to vector<1x128xf32>
      %add3A_119 = vector.broadcast %get3A_118 : vector<1x128xf32> to vector<4096x128xf32>
      %add3A_120 = arith.addf %dot_general3A_113, %add3A_119 : vector<4096x128xf32>
      %convert_element_type3A_121 = arith.truncf %add3A_120 : vector<4096x128xf32> to vector<4096x128xbf16>
      %swap3A_122 = arith.constant 0 : index
      %swap3A_123 = arith.constant 0 : index
      %swap3A_124 = vector.load %arg11[%swap3A_122, %swap3A_123] : memref<4096x128xbf16, #tpu.memory_space<vmem>>, vector<4096x128xbf16>
      tpu.vector_store %arg11[%swap3A_122, %swap3A_123], %convert_element_type3A_121 {strides = array<i32>} : memref<4096x128xbf16, #tpu.memory_space<vmem>>, vector<4096x128xbf16>,
      %get3A_125 = arith.constant 0 : index
      %get3A_126 = arith.constant 0 : index
      %get3A_127 = arith.constant 0 : index
      %get3A_128 = vector.load %arg8[%get3A_125, %get3A_126, %get3A_127] : memref<1x128x128xf32, #tpu.memory_space<vmem>>, vector<1x128x128xf32>
      %get3A_129 = vector.shape_cast %get3A_128 : vector<1x128x128xf32> to vector<128x128xf32>
      %dot_general3A_130 = arith.constant dense<0.000000e+00> : vector<4096x128xf32>
      %dot_general3A_131 = tpu.matmul %get3A_106, %get3A_129, %dot_general3A_130 {dimension_numbers = #tpu.dot_dimension_numbers<[1], [1], [0], [0], [0, 0, 1, 0], [], []>, transpose_lhs_hint = false} : vector<4096x128xf32>, vector<128x128xf32>, vector<4096x128xf32> -> vector<4096x128xf32>
      %get3A_132 = arith.constant 0 : index
      %get3A_133 = arith.constant 0 : index
      %get3A_134 = arith.constant 0 : index
      %get3A_135 = vector.load %arg9[%get3A_132, %get3A_133, %get3A_134] : memref<1x1x128xf32, #tpu.memory_space<vmem>>, vector<1x1x128xf32>
      %get3A_136 = vector.shape_cast %get3A_135 : vector<1x1x128xf32> to vector<1x128xf32>
      %add3A_137 = vector.broadcast %get3A_136 : vector<1x128xf32> to vector<4096x128xf32>
      %add3A_138 = arith.addf %dot_general3A_131, %add3A_137 : vector<4096x128xf32>
      %broadcast_in_dim3A_139 = arith.constant 1.000000e+00 : f32
      %broadcast_in_dim3A_140 = vector.broadcast %broadcast_in_dim3A_139 : f32 to vector<4096x1xf32>
      %slice3A_141 = vector.extract_strided_slice %add3A_138 {offsets = [0, 0], sizes = [4096, 32], strides = [1, 1]} : vector<4096x128xf32> to vector<4096x32xf32>
      %slice3A_142 = vector.extract_strided_slice %add3A_138 {offsets = [0, 32], sizes = [4096, 32], strides = [1, 1]} : vector<4096x128xf32> to vector<4096x32xf32>
      %slice3A_143 = vector.extract_strided_slice %add3A_138 {offsets = [0, 64], sizes = [4096, 32], strides = [1, 1]} : vector<4096x128xf32> to vector<4096x32xf32>
      %slice3A_144 = vector.extract_strided_slice %add3A_138 {offsets = [0, 96], sizes = [4096, 32], strides = [1, 1]} : vector<4096x128xf32> to vector<4096x32xf32>
      %concatenate3A_145 = tpu.concatenate %slice3A_141, %broadcast_in_dim3A_140, %slice3A_142, %broadcast_in_dim3A_140, %slice3A_143, %broadcast_in_dim3A_140, %slice3A_144, %broadcast_in_dim3A_140 in 1 : vector<4096x32xf32>, vector<4096x1xf32>, vector<4096x32xf32>, vector<4096x1xf32>, vector<4096x32xf32>, vector<4096x1xf32>, vector<4096x32xf32>, vector<4096x1xf32> -> vector<4096x132xf32>
      %convert_element_type3A_146 = arith.truncf %concatenate3A_145 : vector<4096x132xf32> to vector<4096x132xbf16>
      %swap3A_147 = arith.constant 0 : index
      %swap3A_148 = arith.constant 0 : index
      %swap3A_149 = vector.load %arg12[%swap3A_147, %swap3A_148] : memref<4096x132xbf16, #tpu.memory_space<vmem>>, vector<4096x132xbf16>
      tpu.vector_store %arg12[%swap3A_147, %swap3A_148], %convert_element_type3A_146 {strides = array<i32>} : memref<4096x132xbf16, #tpu.memory_space<vmem>>, vector<4096x132xbf16>,
    } else {
    }
    %get3A = arith.constant 0 : index
    %get3A_2 = arith.constant 0 : index
    %get3A_3 = vector.load %arg2[%get3A, %get3A_2] : memref<512x128xf32, #tpu.memory_space<vmem>>, vector<512x128xf32>
    %get3A_4 = arith.constant 0 : index
    %get3A_5 = arith.constant 0 : index
    %get3A_6 = arith.constant 0 : index
    %get3A_7 = vector.load %arg4[%get3A_4, %get3A_5, %get3A_6] : memref<1x128x128xf32, #tpu.memory_space<vmem>>, vector<1x128x128xf32>
    %get3A_8 = vector.shape_cast %get3A_7 : vector<1x128x128xf32> to vector<128x128xf32>
    %dot_general3A = arith.constant dense<0.000000e+00> : vector<512x128xf32>
    %dot_general3A_9 = tpu.matmul %get3A_3, %get3A_8, %dot_general3A {dimension_numbers = #tpu.dot_dimension_numbers<[1], [1], [0], [0], [0, 0, 1, 0], [], []>, transpose_lhs_hint = false} : vector<512x128xf32>, vector<128x128xf32>, vector<512x128xf32> -> vector<512x128xf32>
    %get3A_10 = arith.constant 0 : index
    %get3A_11 = arith.constant 0 : index
    %get3A_12 = arith.constant 0 : index
    %get3A_13 = vector.load %arg5[%get3A_10, %get3A_11, %get3A_12] : memref<1x1x128xf32, #tpu.memory_space<vmem>>, vector<1x1x128xf32>
    %get3A_14 = vector.shape_cast %get3A_13 : vector<1x1x128xf32> to vector<1x128xf32>
    %add3A = vector.broadcast %get3A_14 : vector<1x128xf32> to vector<512x128xf32>
    %add3A_15 = arith.addf %dot_general3A_9, %add3A : vector<512x128xf32>
    %mul3A = arith.constant 0.176776692 : f32
    %mul3A_16 = vector.broadcast %mul3A : f32 to vector<512x128xf32>
    %mul3A_17 = arith.mulf %add3A_15, %mul3A_16 : vector<512x128xf32>
    %convert_element_type3A_18 = arith.truncf %mul3A_17 : vector<512x128xf32> to vector<512x128xbf16>
    %get3A_19 = arith.constant 0 : index
    %get3A_20 = arith.constant 0 : index
    %get3A_21 = vector.load %arg11[%get3A_19, %get3A_20] : memref<4096x128xbf16, #tpu.memory_space<vmem>>, vector<4096x128xbf16>
    %get3A_22 = arith.constant 0 : index
    %get3A_23 = arith.constant 0 : index
    %get3A_24 = vector.load %arg12[%get3A_22, %get3A_23] : memref<4096x132xbf16, #tpu.memory_space<vmem>>, vector<4096x132xbf16>
    %slice3A = vector.extract_strided_slice %convert_element_type3A_18 {offsets = [0, 0], sizes = [512, 32], strides = [1, 1]} : vector<512x128xbf16> to vector<512x32xbf16>
    %slice3A_25 = vector.extract_strided_slice %get3A_21 {offsets = [0, 0], sizes = [4096, 32], strides = [1, 1]} : vector<4096x128xbf16> to vector<4096x32xbf16>
    %dot_general3A_26 = arith.constant dense<0.000000e+00> : vector<512x4096xf32>
    %dot_general3A_27 = tpu.matmul %slice3A, %slice3A_25, %dot_general3A_26 {dimension_numbers = #tpu.dot_dimension_numbers<[1], [1], [0], [0], [0, 0, 1, 0], [], []>, transpose_lhs_hint = false} : vector<512x32xbf16>, vector<4096x32xbf16>, vector<512x4096xf32> -> vector<512x4096xf32>
    %convert_element_type3A_28 = arith.truncf %dot_general3A_27 : vector<512x4096xf32> to vector<512x4096xbf16>
    %reduce_max3A = arith.constant dense<0xFF80> : vector<512xbf16>
    %reduce_max3A_29 = vector.multi_reduction <maximumf>, %convert_element_type3A_28, %reduce_max3A [1] : vector<512x4096xbf16> to vector<512xbf16>
    %broadcast_in_dim3A = vector.shape_cast %reduce_max3A_29 : vector<512xbf16> to vector<512x1xbf16>
    %sub3A = vector.broadcast %broadcast_in_dim3A : vector<512x1xbf16> to vector<512x4096xbf16>
    %sub3A_30 = arith.subf %convert_element_type3A_28, %sub3A : vector<512x4096xbf16>
    %convert_element_type3A_31 = arith.extf %sub3A_30 : vector<512x4096xbf16> to vector<512x4096xf32>
    %exp3A = math.exp %convert_element_type3A_31 : vector<512x4096xf32>
    %convert_element_type3A_32 = arith.truncf %exp3A : vector<512x4096xf32> to vector<512x4096xbf16>
    %slice3A_33 = vector.extract_strided_slice %get3A_24 {offsets = [0, 0], sizes = [4096, 33], strides = [1, 1]} : vector<4096x132xbf16> to vector<4096x33xbf16>
    %dot_general3A_34 = arith.constant dense<0.000000e+00> : vector<512x33xf32>
    %dot_general3A_35 = tpu.matmul %convert_element_type3A_32, %slice3A_33, %dot_general3A_34 {dimension_numbers = #tpu.dot_dimension_numbers<[1], [0], [0], [1], [0, 0, 1, 1], [], []>, transpose_lhs_hint = false} : vector<512x4096xbf16>, vector<4096x33xbf16>, vector<512x33xf32> -> vector<512x33xf32>
    %slice3A_36 = vector.extract_strided_slice %dot_general3A_35 {offsets = [0, 0], sizes = [512, 32], strides = [1, 1]} : vector<512x33xf32> to vector<512x32xf32>
    %slice3A_37 = vector.extract_strided_slice %dot_general3A_35 {offsets = [0, 32], sizes = [512, 1], strides = [1, 1]} : vector<512x33xf32> to vector<512x1xf32>
    %div3A = vector.broadcast %slice3A_37 : vector<512x1xf32> to vector<512x32xf32>
    %div3A_38 = arith.divf %slice3A_36, %div3A : vector<512x32xf32>
    %slice3A_39 = vector.extract_strided_slice %convert_element_type3A_18 {offsets = [0, 32], sizes = [512, 32], strides = [1, 1]} : vector<512x128xbf16> to vector<512x32xbf16>
    %slice3A_40 = vector.extract_strided_slice %get3A_21 {offsets = [0, 32], sizes = [4096, 32], strides = [1, 1]} : vector<4096x128xbf16> to vector<4096x32xbf16>
    %dot_general3A_41 = arith.constant dense<0.000000e+00> : vector<512x4096xf32>
    %dot_general3A_42 = tpu.matmul %slice3A_39, %slice3A_40, %dot_general3A_41 {dimension_numbers = #tpu.dot_dimension_numbers<[1], [1], [0], [0], [0, 0, 1, 0], [], []>, transpose_lhs_hint = false} : vector<512x32xbf16>, vector<4096x32xbf16>, vector<512x4096xf32> -> vector<512x4096xf32>
    %convert_element_type3A_43 = arith.truncf %dot_general3A_42 : vector<512x4096xf32> to vector<512x4096xbf16>
    %reduce_max3A_44 = arith.constant dense<0xFF80> : vector<512xbf16>
    %reduce_max3A_45 = vector.multi_reduction <maximumf>, %convert_element_type3A_43, %reduce_max3A_44 [1] : vector<512x4096xbf16> to vector<512xbf16>
    %broadcast_in_dim3A_46 = vector.shape_cast %reduce_max3A_45 : vector<512xbf16> to vector<512x1xbf16>
    %sub3A_47 = vector.broadcast %broadcast_in_dim3A_46 : vector<512x1xbf16> to vector<512x4096xbf16>
    %sub3A_48 = arith.subf %convert_element_type3A_43, %sub3A_47 : vector<512x4096xbf16>
    %convert_element_type3A_49 = arith.extf %sub3A_48 : vector<512x4096xbf16> to vector<512x4096xf32>
    %exp3A_50 = math.exp %convert_element_type3A_49 : vector<512x4096xf32>
    %convert_element_type3A_51 = arith.truncf %exp3A_50 : vector<512x4096xf32> to vector<512x4096xbf16>
    %slice3A_52 = vector.extract_strided_slice %get3A_24 {offsets = [0, 33], sizes = [4096, 33], strides = [1, 1]} : vector<4096x132xbf16> to vector<4096x33xbf16>
    %dot_general3A_53 = arith.constant dense<0.000000e+00> : vector<512x33xf32>
    %dot_general3A_54 = tpu.matmul %convert_element_type3A_51, %slice3A_52, %dot_general3A_53 {dimension_numbers = #tpu.dot_dimension_numbers<[1], [0], [0], [1], [0, 0, 1, 1], [], []>, transpose_lhs_hint = false} : vector<512x4096xbf16>, vector<4096x33xbf16>, vector<512x33xf32> -> vector<512x33xf32>
    %slice3A_55 = vector.extract_strided_slice %dot_general3A_54 {offsets = [0, 0], sizes = [512, 32], strides = [1, 1]} : vector<512x33xf32> to vector<512x32xf32>
    %slice3A_56 = vector.extract_strided_slice %dot_general3A_54 {offsets = [0, 32], sizes = [512, 1], strides = [1, 1]} : vector<512x33xf32> to vector<512x1xf32>
    %div3A_57 = vector.broadcast %slice3A_56 : vector<512x1xf32> to vector<512x32xf32>
    %div3A_58 = arith.divf %slice3A_55, %div3A_57 : vector<512x32xf32>
    %slice3A_59 = vector.extract_strided_slice %convert_element_type3A_18 {offsets = [0, 64], sizes = [512, 32], strides = [1, 1]} : vector<512x128xbf16> to vector<512x32xbf16>
    %slice3A_60 = vector.extract_strided_slice %get3A_21 {offsets = [0, 64], sizes = [4096, 32], strides = [1, 1]} : vector<4096x128xbf16> to vector<4096x32xbf16>
    %dot_general3A_61 = arith.constant dense<0.000000e+00> : vector<512x4096xf32>
    %dot_general3A_62 = tpu.matmul %slice3A_59, %slice3A_60, %dot_general3A_61 {dimension_numbers = #tpu.dot_dimension_numbers<[1], [1], [0], [0], [0, 0, 1, 0], [], []>, transpose_lhs_hint = false} : vector<512x32xbf16>, vector<4096x32xbf16>, vector<512x4096xf32> -> vector<512x4096xf32>
    %convert_element_type3A_63 = arith.truncf %dot_general3A_62 : vector<512x4096xf32> to vector<512x4096xbf16>
    %reduce_max3A_64 = arith.constant dense<0xFF80> : vector<512xbf16>
    %reduce_max3A_65 = vector.multi_reduction <maximumf>, %convert_element_type3A_63, %reduce_max3A_64 [1] : vector<512x4096xbf16> to vector<512xbf16>
    %broadcast_in_dim3A_66 = vector.shape_cast %reduce_max3A_65 : vector<512xbf16> to vector<512x1xbf16>
    %sub3A_67 = vector.broadcast %broadcast_in_dim3A_66 : vector<512x1xbf16> to vector<512x4096xbf16>
    %sub3A_68 = arith.subf %convert_element_type3A_63, %sub3A_67 : vector<512x4096xbf16>
    %convert_element_type3A_69 = arith.extf %sub3A_68 : vector<512x4096xbf16> to vector<512x4096xf32>
    %exp3A_70 = math.exp %convert_element_type3A_69 : vector<512x4096xf32>
    %convert_element_type3A_71 = arith.truncf %exp3A_70 : vector<512x4096xf32> to vector<512x4096xbf16>
    %slice3A_72 = vector.extract_strided_slice %get3A_24 {offsets = [0, 66], sizes = [4096, 33], strides = [1, 1]} : vector<4096x132xbf16> to vector<4096x33xbf16>
    %dot_general3A_73 = arith.constant dense<0.000000e+00> : vector<512x33xf32>
    %dot_general3A_74 = tpu.matmul %convert_element_type3A_71, %slice3A_72, %dot_general3A_73 {dimension_numbers = #tpu.dot_dimension_numbers<[1], [0], [0], [1], [0, 0, 1, 1], [], []>, transpose_lhs_hint = false} : vector<512x4096xbf16>, vector<4096x33xbf16>, vector<512x33xf32> -> vector<512x33xf32>
    %slice3A_75 = vector.extract_strided_slice %dot_general3A_74 {offsets = [0, 0], sizes = [512, 32], strides = [1, 1]} : vector<512x33xf32> to vector<512x32xf32>
    %slice3A_76 = vector.extract_strided_slice %dot_general3A_74 {offsets = [0, 32], sizes = [512, 1], strides = [1, 1]} : vector<512x33xf32> to vector<512x1xf32>
    %div3A_77 = vector.broadcast %slice3A_76 : vector<512x1xf32> to vector<512x32xf32>
    %div3A_78 = arith.divf %slice3A_75, %div3A_77 : vector<512x32xf32>
    %slice3A_79 = vector.extract_strided_slice %convert_element_type3A_18 {offsets = [0, 96], sizes = [512, 32], strides = [1, 1]} : vector<512x128xbf16> to vector<512x32xbf16>
    %slice3A_80 = vector.extract_strided_slice %get3A_21 {offsets = [0, 96], sizes = [4096, 32], strides = [1, 1]} : vector<4096x128xbf16> to vector<4096x32xbf16>
    %dot_general3A_81 = arith.constant dense<0.000000e+00> : vector<512x4096xf32>
    %dot_general3A_82 = tpu.matmul %slice3A_79, %slice3A_80, %dot_general3A_81 {dimension_numbers = #tpu.dot_dimension_numbers<[1], [1], [0], [0], [0, 0, 1, 0], [], []>, transpose_lhs_hint = false} : vector<512x32xbf16>, vector<4096x32xbf16>, vector<512x4096xf32> -> vector<512x4096xf32>
    %convert_element_type3A_83 = arith.truncf %dot_general3A_82 : vector<512x4096xf32> to vector<512x4096xbf16>
    %reduce_max3A_84 = arith.constant dense<0xFF80> : vector<512xbf16>
    %reduce_max3A_85 = vector.multi_reduction <maximumf>, %convert_element_type3A_83, %reduce_max3A_84 [1] : vector<512x4096xbf16> to vector<512xbf16>
    %broadcast_in_dim3A_86 = vector.shape_cast %reduce_max3A_85 : vector<512xbf16> to vector<512x1xbf16>
    %sub3A_87 = vector.broadcast %broadcast_in_dim3A_86 : vector<512x1xbf16> to vector<512x4096xbf16>
    %sub3A_88 = arith.subf %convert_element_type3A_83, %sub3A_87 : vector<512x4096xbf16>
    %convert_element_type3A_89 = arith.extf %sub3A_88 : vector<512x4096xbf16> to vector<512x4096xf32>
    %exp3A_90 = math.exp %convert_element_type3A_89 : vector<512x4096xf32>
    %convert_element_type3A_91 = arith.truncf %exp3A_90 : vector<512x4096xf32> to vector<512x4096xbf16>
    %slice3A_92 = vector.extract_strided_slice %get3A_24 {offsets = [0, 99], sizes = [4096, 33], strides = [1, 1]} : vector<4096x132xbf16> to vector<4096x33xbf16>
    %dot_general3A_93 = arith.constant dense<0.000000e+00> : vector<512x33xf32>
    %dot_general3A_94 = tpu.matmul %convert_element_type3A_91, %slice3A_92, %dot_general3A_93 {dimension_numbers = #tpu.dot_dimension_numbers<[1], [0], [0], [1], [0, 0, 1, 1], [], []>, transpose_lhs_hint = false} : vector<512x4096xbf16>, vector<4096x33xbf16>, vector<512x33xf32> -> vector<512x33xf32>
    %slice3A_95 = vector.extract_strided_slice %dot_general3A_94 {offsets = [0, 0], sizes = [512, 32], strides = [1, 1]} : vector<512x33xf32> to vector<512x32xf32>
    %slice3A_96 = vector.extract_strided_slice %dot_general3A_94 {offsets = [0, 32], sizes = [512, 1], strides = [1, 1]} : vector<512x33xf32> to vector<512x1xf32>
    %div3A_97 = vector.broadcast %slice3A_96 : vector<512x1xf32> to vector<512x32xf32>
    %div3A_98 = arith.divf %slice3A_95, %div3A_97 : vector<512x32xf32>
    %concatenate3A = tpu.concatenate %div3A_38, %div3A_58, %div3A_78, %div3A_98 in 1 : vector<512x32xf32>, vector<512x32xf32>, vector<512x32xf32>, vector<512x32xf32> -> vector<512x128xf32>
    %add3A_99 = arith.addf %get3A_3, %concatenate3A : vector<512x128xf32>
    %swap3A = arith.constant 0 : index
    %swap3A_100 = arith.constant 0 : index
    %swap3A_101 = vector.load %arg10[%swap3A, %swap3A_100] : memref<512x128xf32, #tpu.memory_space<vmem>>, vector<512x128xf32>
    tpu.vector_store %arg10[%swap3A, %swap3A_100], %add3A_99 {strides = array<i32>} : memref<512x128xf32, #tpu.memory_space<vmem>>, vector<512x128xf32>,
    return
  }
  func.func @transform_0(%arg0: i32, %arg1: i32) -> (i32, i32) {
    %mul3A = arith.constant 8 : i32
    %mul3A_0 = arith.muli %arg0, %mul3A : i32
    %add3A = arith.addi %mul3A_0, %arg1 : i32
    %c0_i32 = arith.constant 0 : i32
    %c0_i32_1 = arith.constant 0 : i32
    return %add3A, %c0_i32 : i32, i32
  }
  func.func @transform_1(%arg0: i32, %arg1: i32) -> (i32, i32, i32) {
    %sub3A = arith.constant 1 : i32
    %sub3A_0 = arith.subi %sub3A, %arg0 : i32
    %c0_i32 = arith.constant 0 : i32
    %c0_i32_1 = arith.constant 0 : i32
    %c0_i32_2 = arith.constant 0 : i32
    return %sub3A_0, %c0_i32, %c0_i32_1 : i32, i32, i32
  }
  func.func @transform_2(%arg0: i32, %arg1: i32) -> (i32, i32, i32) {
    %c0_i32 = arith.constant 0 : i32
    %c0_i32_0 = arith.constant 0 : i32
    %c0_i32_1 = arith.constant 0 : i32
    return %arg0, %c0_i32, %c0_i32_0 : i32, i32, i32
  }
  func.func @transform_3(%arg0: i32, %arg1: i32) -> (i32, i32, i32) {
    %c0_i32 = arith.constant 0 : i32
    %c0_i32_0 = arith.constant 0 : i32
    %c0_i32_1 = arith.constant 0 : i32
    return %arg0, %c0_i32, %c0_i32_0 : i32, i32, i32
  }
  func.func @transform_4(%arg0: i32, %arg1: i32) -> (i32, i32, i32) {
    %c0_i32 = arith.constant 0 : i32
    %c0_i32_0 = arith.constant 0 : i32
    %c0_i32_1 = arith.constant 0 : i32
    return %arg0, %c0_i32, %c0_i32_0 : i32, i32, i32
  }
  func.func @transform_5(%arg0: i32, %arg1: i32) -> (i32, i32, i32) {
    %c0_i32 = arith.constant 0 : i32
    %c0_i32_0 = arith.constant 0 : i32
    %c0_i32_1 = arith.constant 0 : i32
    return %arg0, %c0_i32, %c0_i32_0 : i32, i32, i32
  }
  func.func @transform_6(%arg0: i32, %arg1: i32) -> (i32, i32, i32) {
    %c0_i32 = arith.constant 0 : i32
    %c0_i32_0 = arith.constant 0 : i32
    %c0_i32_1 = arith.constant 0 : i32
    return %arg0, %c0_i32, %c0_i32_0 : i32, i32, i32
  }
  func.func @transform_7(%arg0: i32, %arg1: i32) -> (i32, i32, i32) {
    %c0_i32 = arith.constant 0 : i32
    %c0_i32_0 = arith.constant 0 : i32
    %c0_i32_1 = arith.constant 0 : i32
    return %arg0, %c0_i32, %c0_i32_0 : i32, i32, i32
  }
  func.func @transform_8(%arg0: i32, %arg1: i32) -> (i32, i32) {
    %mul3A = arith.constant 8 : i32
    %mul3A_0 = arith.muli %arg0, %mul3A : i32
    %add3A = arith.addi %mul3A_0, %arg1 : i32
    %c0_i32 = arith.constant 0 : i32
    %c0_i32_1 = arith.constant 0 : i32
    return %add3A, %c0_i32 : i32, i32
  }
}

module attributes {stable_mosaic.version = 14 : i64} {
  func.func @body(%arg0: i32, %arg1: memref<1x4096x128xf32, #tpu.memory_space<vmem>>, %arg2: memref<1x4096x128xf32, #tpu.memory_space<vmem>>, %arg3: memref<1x4096xi32, #tpu.memory_space<vmem>>, %arg4: memref<1x4096xi32, #tpu.memory_space<vmem>>, %arg5: memref<128x256xf32, #tpu.memory_space<vmem>>, %arg6: memref<1x128xf32, #tpu.memory_space<vmem>>, %arg7: memref<1x128xf32, #tpu.memory_space<vmem>>, %arg8: memref<1x1xf32, #tpu.memory_space<vmem>>, %arg9: memref<64x1xf32, #tpu.memory_space<vmem>>) attributes {dimension_semantics = [#tpu.dimension_semantics<arbitrary>], iteration_bounds = array<i64: 1>, scalar_prefetch = 0 : i64, scratch_operands = 0 : i64, tpu.core_type = #tpu.core_type<tc>, window_params = [{transform_indices = @transform_0, window_bounds = array<i64: 1, 4096, 128>}, {transform_indices = @transform_1, window_bounds = array<i64: 1, 4096, 128>}, {pipeline_mode = #tpu.pipeline_mode<synchronous>, transform_indices = @transform_2, window_bounds = array<i64: 1, 4096>}, {pipeline_mode = #tpu.pipeline_mode<synchronous>, transform_indices = @transform_3, window_bounds = array<i64: 1, 4096>}, {pipeline_mode = #tpu.pipeline_mode<synchronous>, transform_indices = @transform_4, window_bounds = array<i64: 128, 256>}, {pipeline_mode = #tpu.pipeline_mode<synchronous>, transform_indices = @transform_5, window_bounds = array<i64: 1, 128>}, {pipeline_mode = #tpu.pipeline_mode<synchronous>, transform_indices = @transform_6, window_bounds = array<i64: 1, 128>}, {pipeline_mode = #tpu.pipeline_mode<synchronous>, transform_indices = @transform_7, window_bounds = array<i64: 1, 1>}, {pipeline_mode = #tpu.pipeline_mode<synchronous>, transform_indices = @transform_8, window_bounds = array<i64: 64, 1>}]} {
    %iota3A = tpu.iota {dimensions = array<i32: 0>} : vector<64x4096xi32>
    %get3A = arith.constant 0 : index
    %get3A_0 = arith.constant 0 : index
    %get3A_1 = arith.constant 0 : index
    %get3A_2 = vector.load %arg1[%get3A, %get3A_0, %get3A_1] : memref<1x4096x128xf32, #tpu.memory_space<vmem>>, vector<1x4096x128xf32>
    %get3A_3 = vector.shape_cast %get3A_2 : vector<1x4096x128xf32> to vector<4096x128xf32>
    %get3A_4 = arith.constant 0 : index
    %get3A_5 = arith.constant 0 : index
    %get3A_6 = vector.load %arg3[%get3A_4, %get3A_5] : memref<1x4096xi32, #tpu.memory_space<vmem>>, vector<1x4096xi32>
    %eq3A = vector.broadcast %get3A_6 : vector<1x4096xi32> to vector<64x4096xi32>
    %eq3A_7 = arith.cmpi eq, %iota3A, %eq3A : vector<64x4096xi32>
    %convert_element_type3A = arith.extui %eq3A_7 : vector<64x4096xi1> to vector<64x4096xi32>
    %convert_element_type3A_8 = arith.sitofp %convert_element_type3A : vector<64x4096xi32> to vector<64x4096xf32>
    %dot_general3A = arith.constant dense<0.000000e+00> : vector<64x128xf32>
    %dot_general3A_9 = tpu.matmul %convert_element_type3A_8, %get3A_3, %dot_general3A {dimension_numbers = #tpu.dot_dimension_numbers<[1], [0], [0], [1], [0, 0, 1, 1], [], []>, transpose_lhs_hint = false} : vector<64x4096xf32>, vector<4096x128xf32>, vector<64x128xf32> -> vector<64x128xf32>
    %reduce_sum3A = arith.constant dense<0.000000e+00> : vector<64xf32>
    %reduce_sum3A_10 = vector.multi_reduction <add>, %convert_element_type3A_8, %reduce_sum3A [1] : vector<64x4096xf32> to vector<64xf32>
    %broadcast_in_dim3A = vector.shape_cast %reduce_sum3A_10 : vector<64xf32> to vector<64x1xf32>
    %max3A = arith.constant 1.000000e+00 : f32
    %max3A_11 = vector.broadcast %max3A : f32 to vector<64x1xf32>
    %max3A_12 = arith.maximumf %broadcast_in_dim3A, %max3A_11 : vector<64x1xf32>
    %div3A = vector.broadcast %max3A_12 : vector<64x1xf32> to vector<64x128xf32>
    %div3A_13 = arith.divf %dot_general3A_9, %div3A : vector<64x128xf32>
    %get3A_14 = arith.constant 0 : index
    %get3A_15 = arith.constant 0 : index
    %get3A_16 = arith.constant 0 : index
    %get3A_17 = vector.load %arg2[%get3A_14, %get3A_15, %get3A_16] : memref<1x4096x128xf32, #tpu.memory_space<vmem>>, vector<1x4096x128xf32>
    %get3A_18 = vector.shape_cast %get3A_17 : vector<1x4096x128xf32> to vector<4096x128xf32>
    %get3A_19 = arith.constant 0 : index
    %get3A_20 = arith.constant 0 : index
    %get3A_21 = vector.load %arg4[%get3A_19, %get3A_20] : memref<1x4096xi32, #tpu.memory_space<vmem>>, vector<1x4096xi32>
    %eq3A_22 = vector.broadcast %get3A_21 : vector<1x4096xi32> to vector<64x4096xi32>
    %eq3A_23 = arith.cmpi eq, %iota3A, %eq3A_22 : vector<64x4096xi32>
    %convert_element_type3A_24 = arith.extui %eq3A_23 : vector<64x4096xi1> to vector<64x4096xi32>
    %convert_element_type3A_25 = arith.sitofp %convert_element_type3A_24 : vector<64x4096xi32> to vector<64x4096xf32>
    %dot_general3A_26 = arith.constant dense<0.000000e+00> : vector<64x128xf32>
    %dot_general3A_27 = tpu.matmul %convert_element_type3A_25, %get3A_18, %dot_general3A_26 {dimension_numbers = #tpu.dot_dimension_numbers<[1], [0], [0], [1], [0, 0, 1, 1], [], []>, transpose_lhs_hint = false} : vector<64x4096xf32>, vector<4096x128xf32>, vector<64x128xf32> -> vector<64x128xf32>
    %reduce_sum3A_28 = arith.constant dense<0.000000e+00> : vector<64xf32>
    %reduce_sum3A_29 = vector.multi_reduction <add>, %convert_element_type3A_25, %reduce_sum3A_28 [1] : vector<64x4096xf32> to vector<64xf32>
    %broadcast_in_dim3A_30 = vector.shape_cast %reduce_sum3A_29 : vector<64xf32> to vector<64x1xf32>
    %max3A_31 = arith.constant 1.000000e+00 : f32
    %max3A_32 = vector.broadcast %max3A_31 : f32 to vector<64x1xf32>
    %max3A_33 = arith.maximumf %broadcast_in_dim3A_30, %max3A_32 : vector<64x1xf32>
    %div3A_34 = vector.broadcast %max3A_33 : vector<64x1xf32> to vector<64x128xf32>
    %div3A_35 = arith.divf %dot_general3A_27, %div3A_34 : vector<64x128xf32>
    %concatenate3A = tpu.concatenate %div3A_13, %div3A_35 in 1 : vector<64x128xf32>, vector<64x128xf32> -> vector<64x256xf32>
    %get3A_36 = arith.constant 0 : index
    %get3A_37 = arith.constant 0 : index
    %get3A_38 = vector.load %arg5[%get3A_36, %get3A_37] : memref<128x256xf32, #tpu.memory_space<vmem>>, vector<128x256xf32>
    %dot_general3A_39 = arith.constant dense<0.000000e+00> : vector<64x128xf32>
    %dot_general3A_40 = tpu.matmul %concatenate3A, %get3A_38, %dot_general3A_39 {dimension_numbers = #tpu.dot_dimension_numbers<[1], [1], [0], [0], [0, 0, 1, 0], [], []>, transpose_lhs_hint = false} : vector<64x256xf32>, vector<128x256xf32>, vector<64x128xf32> -> vector<64x128xf32>
    %get3A_41 = arith.constant 0 : index
    %get3A_42 = arith.constant 0 : index
    %get3A_43 = vector.load %arg6[%get3A_41, %get3A_42] : memref<1x128xf32, #tpu.memory_space<vmem>>, vector<1x128xf32>
    %add3A = vector.broadcast %get3A_43 : vector<1x128xf32> to vector<64x128xf32>
    %add3A_44 = arith.addf %dot_general3A_40, %add3A : vector<64x128xf32>
    %max3A_45 = arith.constant 0.000000e+00 : f32
    %max3A_46 = vector.broadcast %max3A_45 : f32 to vector<64x128xf32>
    %max3A_47 = arith.maximumf %add3A_44, %max3A_46 : vector<64x128xf32>
    %get3A_48 = arith.constant 0 : index
    %get3A_49 = arith.constant 0 : index
    %get3A_50 = vector.load %arg7[%get3A_48, %get3A_49] : memref<1x128xf32, #tpu.memory_space<vmem>>, vector<1x128xf32>
    %mul3A = vector.broadcast %get3A_50 : vector<1x128xf32> to vector<64x128xf32>
    %mul3A_51 = arith.mulf %max3A_47, %mul3A : vector<64x128xf32>
    %reduce_sum3A_52 = arith.constant dense<0.000000e+00> : vector<64xf32>
    %reduce_sum3A_53 = vector.multi_reduction <add>, %mul3A_51, %reduce_sum3A_52 [1] : vector<64x128xf32> to vector<64xf32>
    %broadcast_in_dim3A_54 = vector.shape_cast %reduce_sum3A_53 : vector<64xf32> to vector<64x1xf32>
    %get3A_55 = arith.constant 0 : index
    %get3A_56 = arith.constant 0 : index
    %get3A_57 = vector.load %arg8[%get3A_55, %get3A_56] : memref<1x1xf32, #tpu.memory_space<vmem>>, vector<1x1xf32>
    %get3A_58 = vector.extract %get3A_57[0, 0] : f32 from vector<1x1xf32>
    %add3A_59 = vector.broadcast %get3A_58 : f32 to vector<64x1xf32>
    %add3A_60 = arith.addf %broadcast_in_dim3A_54, %add3A_59 : vector<64x1xf32>
    %neg3A = arith.constant 0.000000e+00 : f32
    %neg3A_61 = vector.broadcast %neg3A : f32 to vector<64x1xf32>
    %neg3A_62 = arith.subf %neg3A_61, %add3A_60 : vector<64x1xf32>
    %exp3A = math.exp %neg3A_62 : vector<64x1xf32>
    %add3A_63 = arith.constant 1.000000e+00 : f32
    %add3A_64 = vector.broadcast %add3A_63 : f32 to vector<64x1xf32>
    %add3A_65 = arith.addf %add3A_64, %exp3A : vector<64x1xf32>
    %div3A_66 = arith.constant 1.000000e+00 : f32
    %div3A_67 = vector.broadcast %div3A_66 : f32 to vector<64x1xf32>
    %div3A_68 = arith.divf %div3A_67, %add3A_65 : vector<64x1xf32>
    %swap3A = arith.constant 0 : index
    %swap3A_69 = arith.constant 0 : index
    %swap3A_70 = vector.load %arg9[%swap3A, %swap3A_69] : memref<64x1xf32, #tpu.memory_space<vmem>>, vector<64x1xf32>
    tpu.vector_store %arg9[%swap3A, %swap3A_69], %div3A_68 {strides = array<i32>} : memref<64x1xf32, #tpu.memory_space<vmem>>, vector<64x1xf32>,
    return
  }
  func.func @transform_0(%arg0: i32) -> (i32, i32, i32) {
    %c0_i32 = arith.constant 0 : i32
    %c0_i32_0 = arith.constant 0 : i32
    %c0_i32_1 = arith.constant 0 : i32
    %c0_i32_2 = arith.constant 0 : i32
    return %c0_i32, %c0_i32_0, %c0_i32_1 : i32, i32, i32
  }
  func.func @transform_1(%arg0: i32) -> (i32, i32, i32) {
    %c1_i32 = arith.constant 1 : i32
    %c0_i32 = arith.constant 0 : i32
    %c0_i32_0 = arith.constant 0 : i32
    %c0_i32_1 = arith.constant 0 : i32
    return %c1_i32, %c0_i32, %c0_i32_0 : i32, i32, i32
  }
  func.func @transform_2(%arg0: i32) -> (i32, i32) {
    %c0_i32 = arith.constant 0 : i32
    %c0_i32_0 = arith.constant 0 : i32
    %c0_i32_1 = arith.constant 0 : i32
    return %c0_i32, %c0_i32_0 : i32, i32
  }
  func.func @transform_3(%arg0: i32) -> (i32, i32) {
    %c0_i32 = arith.constant 0 : i32
    %c0_i32_0 = arith.constant 0 : i32
    %c0_i32_1 = arith.constant 0 : i32
    return %c0_i32, %c0_i32_0 : i32, i32
  }
  func.func @transform_4(%arg0: i32) -> (i32, i32) {
    %c0_i32 = arith.constant 0 : i32
    %c0_i32_0 = arith.constant 0 : i32
    %c0_i32_1 = arith.constant 0 : i32
    return %c0_i32, %c0_i32_0 : i32, i32
  }
  func.func @transform_5(%arg0: i32) -> (i32, i32) {
    %c0_i32 = arith.constant 0 : i32
    %c0_i32_0 = arith.constant 0 : i32
    %c0_i32_1 = arith.constant 0 : i32
    return %c0_i32, %c0_i32_0 : i32, i32
  }
  func.func @transform_6(%arg0: i32) -> (i32, i32) {
    %c0_i32 = arith.constant 0 : i32
    %c0_i32_0 = arith.constant 0 : i32
    %c0_i32_1 = arith.constant 0 : i32
    return %c0_i32, %c0_i32_0 : i32, i32
  }
  func.func @transform_7(%arg0: i32) -> (i32, i32) {
    %c0_i32 = arith.constant 0 : i32
    %c0_i32_0 = arith.constant 0 : i32
    %c0_i32_1 = arith.constant 0 : i32
    return %c0_i32, %c0_i32_0 : i32, i32
  }
  func.func @transform_8(%arg0: i32) -> (i32, i32) {
    %c0_i32 = arith.constant 0 : i32
    %c0_i32_0 = arith.constant 0 : i32
    %c0_i32_1 = arith.constant 0 : i32
    return %c0_i32, %c0_i32_0 : i32, i32
  }
}

</mosaic_0001>

<sc_bundles>
// kernel: kernel.11.cloned.1.call-start
scs
__scs_entry_jumppad:
0x0: {  	(pc) =	sbr.rel $0x88, $3  }
0x1: {  	(tag) =	ssettag $0x0;
	lr =	simm.s32 $0x1  }
0x2: {  	[smem:$0x3F7F] =	sst lr;
	_ =	strace $0xD0000000  }
0x3: {  	_ = 	snop  }
0x4: {  	_ = 	snop  }
0x5: {  	_ = 	snop  }
0x6: {  	_ = 	snop  }
0x7: {  	_ = 	snop  }
__scs_overlays_trampoline_lowered:
0x8: {  	[smem:$0x3F8E] =	sst s0  }
0x9: {  	[smem:$0x3F8F] =	sst s1  }
0xa: {  	[smem:$0x3F90] =	sst s2  }
0xb: {  	[smem:$0x3F91] =	sst s3  }
0xc: {  	[smem:$0x3F92] =	sst s4  }
0xd: {  	[smem:$0x3F93] =	sst s5  }
0xe: {  	[smem:$0x3F94] =	sst s6  }
0xf: {  	[smem:$0x3F95] =	sst s7  }
0x10: {  	[smem:$0x3F96] =	sst s8  }
0x11: {  	[smem:$0x3F97] =	sst s9;
	s0 =	simm.s32 @!p0 $0x0  }
0x12: {  	s1 =	sld [smem:$0x3F7D];
	s0 =	simm.s32 @p0 $0x1  }
0x13: {  	[smem:$0x3F98] =	sst s0;
	s0 =	simm.s32 @!p1 $0x0  }
0x14: {  	s2 =	sld [smem:$0x3F7C];
	s0 =	simm.s32 @p1 $0x1  }
0x15: {  	[smem:$0x3F99] =	sst s0;
	s0 =	simm.s32 @!p2 $0x0  }
0x16: {  	s3 =	sld [smem:$0x3FDB];
	s0 =	simm.s32 @p2 $0x1  }
0x17: {  	s4 =	simm.s32 $0x1BF5;
	[smem:$0x3F9B] =	sst s0  }
0x18: {  	s0 =	sld [smem:$0x3F7E];
	_ =	swait.ge [sflag:s4], $0x0  }
0x19: {  	s7 =	sld [smem:$0x3F7F]  }
0x1a: {  	s8 =	sadd.s32 $0xFFFFE003, lr  }
0x1b: {  	s9 =	sadd.s32 $0xFFFFFEF7, lr;
	s5 =	simm.s32 $0xFFFFFFFF;
	p2 =	slt.u32 s8, $0xFFFFF086  }
0x1c: {  	p1 =	slt.u32 s9, $0xF7A;
	s5 =	simm.s32 @!p2 $0x0  }
0x1d: {  	s5 =	simm.s32 @p1 $0x1;
	p0 =	seq.s32 s7, s2  }
0x1e: {  	s7 =	smul.u32 @!p0 $0xF7A, s2;
	p2 =	seq.s32 @!p0 s5, $0x0  }
0x1f: {  	s9 =	smul.u32 $0xF7A, s1;
	s8 =	simm.s32 @!p0 $0x1BF5;
	p2 =	por !p2, p0  }
0x20: {  	[sflag:s8] =	ssyncset.s32 @!p0 $0xFFFFF086;
	s6 =	sadd.s32 @!p0 s3, s7;
	s7 =	simm.s32 @!p0 $0x108  }
0x21: {  	s3 =	sadd.s32 s3, s9;
	s6 =	sadd.s32 @!p0 $0x88, s6;
	s7 =	simm.s32 @p2 $0x1082  }
0x22: {  	[simem:s7], [sflag:s8] =	dma.local @!p0 [hbm:s6], $0xF7A  }
0x23: {  	s9 =	sor.u32 $0xD0000000, s2;
	s6 =	simm.s32 $0x108;
	_ =	swait.ge @!p0 [sflag:s8], $0x0  }
0x24: {  	s3 =	sadd.s32 $0x88, s3;
	s6 =	simm.s32 @!p1 $0x1082;
	[sflag:s4] =	ssyncset.s32 $0xFFFFF086  }
0x25: {  	[simem:s6], [sflag:s4] =	dma.local [hbm:s3], $0xF7A  }
0x26: {  	[smem:$0x3F7F] =	sst s1;
	(tag) =	ssettag s2;
	_ =	strace s9  }
0x27: {  	s1 =	sld [smem:$0x3F8F]  }
0x28: {  	s2 =	sld [smem:$0x3F90]  }
0x29: {  	s4 =	sld [smem:$0x3F92]  }
0x2a: {  	p0 =	seq.s32 s5, $0x0;
	s5 =	sld [smem:$0x3F93]  }
0x2b: {  	s6 =	sld [smem:$0x3F94]  }
0x2c: {  	s7 =	sld [smem:$0x3F95]  }
0x2d: {  	s3 =	simm.s32 $0x108;
	s8 =	sld [smem:$0x3F96]  }
0x2e: {  	s3 =	simm.s32 @!p0 $0x1082;
	s9 =	sld [smem:$0x3F97]  }
0x2f: {  	lr =	sadd.s32 s0, s3;
	s0 =	sld [smem:$0x3F8E]  }
0x30: {  	s3 =	sld [smem:$0x3F91]  }
0x31: {  	[smem:$0x3F9A] =	sst s10  }
0x32: {  	s10 =	sld [smem:$0x3F98];
	_ =	sdelay $0x3  }
0x33: {  	p0 =	seq.s32 s10, $0x1;
	s10 =	sld [smem:$0x3F9A];
	_ =	sdelay $0x3  }
0x34: {  	[smem:$0x3F9A] =	sst s10  }
0x35: {  	s10 =	sld [smem:$0x3F99];
	_ =	sdelay $0x3  }
0x36: {  	p1 =	seq.s32 s10, $0x1;
	s10 =	sld [smem:$0x3F9A];
	_ =	sdelay $0x3  }
0x37: {  	[smem:$0x3F9A] =	sst s10  }
0x38: {  	s10 =	sld [smem:$0x3F9B]  }
0x39: {  	_ = 	snop;
	(pc) =	sbr.ind lr, $3  }
0x3a: {  	_ = 	snop  }
0x3b: {  	_ = 	snop  }
0x3c: {  	p2 =	seq.s32 s10, $0x1;
	s10 =	sld [smem:$0x3F9A]  }
0x3d: {  	_ =	shalt  }
0x3e: {  	_ =	shalt  }
0x3f: {  	_ =	shalt  }
0x40: {  	_ =	shalt  }
0x41: {  	_ =	shalt  }
0x42: {  	_ =	shalt  }
0x43: {  	_ =	shalt  }
0x44: {  	_ =	shalt  }
0x45: {  	_ =	shalt  }
0x46: {  	_ =	shalt  }
0x47: {  	_ =	shalt  }
0x48: {  	_ =	shalt  }
0x49: {  	_ =	shalt  }
0x4a: {  	_ =	shalt  }
0x4b: {  	_ =	shalt  }
0x4c: {  	_ =	shalt  }
0x4d: {  	_ =	shalt  }
0x4e: {  	_ =	shalt  }
0x4f: {  	_ =	shalt  }
0x50: {  	_ =	shalt  }
0x51: {  	_ =	shalt  }
0x52: {  	_ =	shalt  }
0x53: {  	_ =	shalt  }
0x54: {  	_ =	shalt  }
0x55: {  	_ =	shalt  }
0x56: {  	_ =	shalt  }
0x57: {  	_ =	shalt  }
0x58: {  	_ =	shalt  }
0x59: {  	_ =	shalt  }
0x5a: {  	_ =	shalt  }
0x5b: {  	_ =	shalt  }
0x5c: {  	_ =	shalt  }
0x5d: {  	_ =	shalt  }
0x5e: {  	_ =	shalt  }
0x5f: {  	_ =	shalt  }
0x60: {  	_ =	shalt  }
0x61: {  	_ =	shalt  }
0x62: {  	_ =	shalt  }
0x63: {  	_ =	shalt  }
0x64: {  	_ =	shalt  }
0x65: {  	_ =	shalt  }
0x66: {  	_ =	shalt  }
0x67: {  	_ =	shalt  }
0x68: {  	_ =	shalt  }
0x69: {  	_ =	shalt  }
0x6a: {  	_ =	shalt  }
0x6b: {  	_ =	shalt  }
0x6c: {  	_ =	shalt  }
0x6d: {  	_ =	shalt  }
0x6e: {  	_ =	shalt  }
0x6f: {  	_ =	shalt  }
0x70: {  	_ =	shalt  }
0x71: {  	_ =	shalt  }
0x72: {  	_ =	shalt  }
0x73: {  	_ =	shalt  }
0x74: {  	_ =	shalt  }
0x75: {  	_ =	shalt  }
0x76: {  	_ =	shalt  }
0x77: {  	_ =	shalt  }
0x78: {  	_ =	shalt  }
0x79: {  	_ =	shalt  }
0x7a: {  	_ =	shalt  }
0x7b: {  	_ =	shalt  }
0x7c: {  	_ =	shalt  }
0x7d: {  	_ =	shalt  }
0x7e: {  	_ =	shalt  }
0x7f: {  	_ =	shalt  }
0x80: {  	_ =	shalt  }
0x81: {  	_ =	shalt  }
0x82: {  	_ =	shalt  }
0x83: {  	_ =	shalt  }
0x84: {  	_ =	shalt  }
0x85: {  	_ =	shalt  }
0x86: {  	_ =	shalt  }
0x87: {  	_ =	shalt  }
.Lfunc_end0:
.L_simem_size_0:
called_computation.1_lowered:
.L_overlay_start_0:
0x88: {  	s2 =	sld [smem:$0x3FD9]  }
0x89: {  	s3 =	sld [smem:$0x3FFE];
	_ =	sdelay $0x1  }
0x8a: {  	s1 =	srdreg.scid  }
0x8b: {  	s0 =	sand.u32 $0x1, s1  }
0x8c: {  	s16 =	sshll.u32 s0, $0xA;
	s2 =	sadd.s32 s3, s2  }
0x8d: {  	s2 =	sadd.s32 s2, s16  }
0x8e: {  	[smem:$0x3FA6] =	sst s2  }
0x8f: {  	_ = 	snop  }
0x90: {  	(tm) =	ssettm $0x1  }
0x91: {  	s17 =	sld [smem:$0x3FFB];
	_ =	sdelay $0x3  }
0x92: {  	_ =	strace s17  }
0x93: {  	s2 =	sld [smem:$0x3FFC];
	_ =	sdelay $0x3  }
0x94: {  	_ =	strace s2  }
0x95: {  	s2 =	sld [smem:$0x3FFD];
	_ =	sdelay $0x3  }
0x96: {  	_ =	strace s2  }
0x97: {  	_ =	strace $0x8FFFFFFF  }
0x98: {  	s18 =	sld [smem:$0x3FDB];
	_ =	sdelay $0x1  }
0x99: {  	s19 =	simm.s32 $_scs_section_size  }
0x9a: {  	s4 =	simm.s32 $_size__tile_overlayer_lowered;
	s5 =	simm.s32 $_tile_overlayer_lowered  }
0x9b: {  	s22 =	simm.s32 $0x1BFF;
	s21 =	sshll.u32 s5, $0x1;
	s2 =	sadd.s32 s19, s18  }
0x9c: {  	s6 =	simm.s32 $0x0;
	s20 =	sshll.u32 s4, $0x1;
	s4 =	sadd.s32 s21, s2  }
0x9d: {  	[timem:s6], [sflag:s22] =	dma.local [hbm:s4], s20  }
0x9e: {  	_ =	swait.ge [sflag:s22], s20  }
0x9f: {  	s3 =	ssub.s32 $0x0, s20;
	[sflag:s22] =	ssyncset.done $0x0  }
0xa0: {  	[sflag:s22] =	ssyncadd.s32 s3;
	_ =	sdelay $0x1  }
0xa1: {  	s23 =	simm.s32 $0x1B8B  }
0xa2: {  	_ =	swait.ge [sflag:s23], $0x1  }
0xa3: {  	[sflag:s23] =	ssyncset.done $0x0  }
0xa4: {  	s25 =	simm.s32 $0x1B8E;
	s24 =	sld [smem:$0x3FFE];
	[sflag:s23] =	ssyncadd.s32 $0xFFFFFFFF  }
0xa5: {  	s26 =	simm.s32 $execute0_lowered;
	[smem:$0x3FD2] =	sst s25  }
0xa6: {  	s4 =	sshll.u32 s26, $0x1;
	_ =	strace $0x80000049;
	[dreg:$0x1] =	wrdreg $0xFFFFFFFF  }
0xa7: {  	s28 =	simm.s32 $_size_execute0_lowered;
	s2 =	sadd.s32 s2, s4;
	[dreg:$0x0] =	wrdreg $0x0  }
0xa8: {  	s4 =	sshll.u32 s28, $0x1;
	[dreg:$0x2] =	wrdreg s2  }
0xa9: {  	[dreg:$0x3] =	wrdreg s4  }
0xaa: {  	[dreg:$0x4] =	wrdreg $0xC0  }
0xab: {  	_ =	task [dreg:s6], $0x5FFFF  }
0xac: {  	[dreg:$0x1] =	wrdreg $0xFFFFFFFF  }
0xad: {  	[dreg:$0x0] =	wrdreg $0x60  }
0xae: {  	[dreg:$0x2] =	wrdreg s24  }
0xaf: {  	[dreg:$0x3] =	wrdreg $0x169000  }
0xb0: {  	[dreg:$0x4] =	wrdreg $0x9  }
0xb1: {  	_ =	task.clear_ibuf [dreg:s6], $0x5FFFF;
	_ =	strace $0x90000049  }
0xb2: {  	s29 =	simm.s32 $0x9;
	_ =	strace $0x8000004B  }
0xb3: {  	_ =	swait.ge [sflag:s29], $0x1  }
0xb4: {  	[sflag:s29] =	ssyncadd.s32 $0xFFFFFFFF  }
0xb5: {  	_ =	strace $0x9000004B  }
0xb6: {  	_ =	sfence  }
0xb7: {  	s30 =	sld [smem:$0x0];
	_ =	sdelay $0x2  }
0xb8: {  	s31 =	sshll.u32 s1, $0xD;
	s1 =	sshrl.u32 s1, $0x2  }
0xb9: {  	s3 =	sand.u32 $0x4000, s31;
	s1 =	sadd.s32 s1, s30  }
0xba: {  	s0 =	sor.u32 s3, s0;
	s1 =	sshll.u32 s1, $0x11  }
0xbb: {  	s0 =	sor.u32 s1, s0  }
0xbc: {  	s0 =	sadd.s32 $0x8F2B, s0  }
0xbd: {  	[sflag:s0] =	ssyncadd.remote.s32 $0x1  }
0xbe: {  	_ =	sfence.sel $0xFFFF  }
0xbf: {  	[dreg:$0x0] =	wrdreg $0xFFFFFFFF;
	(pc) =	sbr.abs _section_cstart, $3  }
0xc0: {  	[dreg:$0x1] =	wrdreg $0xFFFFFFFF  }
0xc1: {  	_ =	task.clear_ibuf [dreg:s6], $0x2FFFF;
	_ =	strace $0x9FFFFFFF  }
0xc2: {  	(tm) =	ssettm $0x7FFFFFFF  }
0xc3: {  	_ =	shalt  }
tec
execute0_lowered:
.L_overlay_start_1:
0x0: {  	(tag) =	ssettag $0x1  }
0x1: {  	s0 =	rddreg [dreg:$0x0]  }
0x2: {  	s2 =	rddreg [dreg:$0x1]  }
0x3: {  	s3 =	simm.s32 $0x0;
	s1 =	srdreg.scid;
	s9 =	stileid.u32  }
0x4: {  	s29 =	simm.s32 $0x80;
	s30 =	simm.s32 $0x4000;
	s31 =	simm.s32 $0x8800  }
0x5: {  	s28 =	simm.s32 $0xD000;
	s1 =	sand.u32 $0x1, s1;
	s14 =	smul.u32 $0x24000, s9  }
0x6: {  	s10 =	simm.s32 $0x7;
	s8 =	sshll.u32 s9, $0xA;
	s7 =	sshll.u32 s1, $0xE  }
0x7: {  	s11 =	simm.s32 $0x4;
	s7 =	sor.u32 s8, s7;
	s8 =	sshrl.u32 s14, $0x2  }
0x8: {  	s12 =	simm.s32 $0x8;
	s13 =	simm.s32 $0x0;
	s16 =	sadd.s32 s8, s2  }
0x9: {  	[smem:$0x7FF] =	sst s3;
	s5 =	smul.u32 $0x9000, s9;
	s8 =	sadd.s32 $0x900, s16  }
0xa: {  	_ =	strace $0x8000004A;
	s17 =	sadd.s32 $0x1200, s16;
	[dreg:$0x3] =	wrdreg s8  }
0xb: {  	s4 =	sadd.s32 $0x4E00, s0;
	s18 =	sadd.s32 $0x1B00, s16;
	[dreg:$0x4] =	wrdreg s17  }
0xc: {  	s9 =	simm.s32 $0x3;
	s19 =	sadd.s32 $0x2400, s16;
	[dreg:$0x5] =	wrdreg s18  }
0xd: {  	s6 =	smul.u32 $0x90000, s1;
	s20 =	sadd.s32 $0x2D00, s16;
	[dreg:$0x6] =	wrdreg s19  }
0xe: {  	s1 =	ssub.s32 $0x2, s1;
	s21 =	sadd.s32 $0x3600, s16;
	[dreg:$0x7] =	wrdreg s20  }
0xf: {  	s15 =	sshrl.u32 s1, $0x1;
	s22 =	sadd.s32 $0x3F00, s16;
	[dreg:$0x8] =	wrdreg s21  }
0x10: {  	s6 =	sadd.s32 s5, s6;
	s23 =	sadd.s32 $0x4800, s16;
	[dreg:$0x9] =	wrdreg s22  }
0x11: {  	s7 =	sadd.s32 s7, s0;
	s24 =	sadd.s32 $0x5100, s16;
	[dreg:$0xa] =	wrdreg s23  }
0x12: {  	s1 =	ssub.s32 s1, s15;
	s25 =	sadd.s32 $0x5A00, s16;
	[dreg:$0xb] =	wrdreg s24  }
0x13: {  	s6 =	sshrl.u32 s6, $0x3;
	s26 =	sadd.s32 $0x6300, s16;
	[dreg:$0xc] =	wrdreg s25  }
0x14: {  	s5 =	sadd.s32 s5, s2;
	s0 =	sadd.s32 s6, s0;
	[dreg:$0xd] =	wrdreg s26  }
0x15: {  	s17 =	sadd.s32 $0x6C00, s16;
	s18 =	sadd.s32 $0x7500, s16;
	s19 =	sadd.s32 $0x7E00, s16  }
0x16: {  	s20 =	sadd.s32 $0x8700, s16;
	s21 =	sadd.s32 $0x70E00, s7;
	s22 =	sadd.s32 $0x68E00, s7  }
0x17: {  	s24 =	smax.u32 s1, $0x1;
	s25 =	simm.s32 $0x16000;
	s26 =	simm.s32 $0x9  }
0x18: {  	s1 =	simm.s32 $0x11800;
	s6 =	simm.s32 $0x5;
	s7 =	simm.s32 $0x2  }
0x19: {  	v0 =	vimm.f32 $0.0e+00;
	s8 =	simm.s32 $0x6;
	s23 =	sadd.s32 $0x28E00, s0;
	s0 =	simm.s32 $0x1  }
.LBB2_1:
0x1a: {  	[tilespmem:$0x16000] =	vst v0  }
0x1b: {  	[tilespmem:$0x16010] =	vst v0  }
0x1c: {  	[tilespmem:$0x16020] =	vst v0  }
0x1d: {  	[tilespmem:$0x16030] =	vst v0  }
0x1e: {  	[tilespmem:$0x16040] =	vst v0  }
0x1f: {  	[tilespmem:$0x16050] =	vst v0  }
0x20: {  	[tilespmem:$0x16060] =	vst v0  }
0x21: {  	[tilespmem:$0x16070] =	vst v0  }
0x22: {  	[tilespmem:$0x16080] =	vst v0  }
0x23: {  	[tilespmem:$0x16090] =	vst v0  }
0x24: {  	[tilespmem:$0x160A0] =	vst v0  }
0x25: {  	[tilespmem:$0x160B0] =	vst v0  }
0x26: {  	[tilespmem:$0x160C0] =	vst v0  }
0x27: {  	[tilespmem:$0x160D0] =	vst v0  }
0x28: {  	[tilespmem:$0x160E0] =	vst v0  }
0x29: {  	[tilespmem:$0x160F0] =	vst v0  }
0x2a: {  	[tilespmem:$0x16100] =	vst v0  }
0x2b: {  	[tilespmem:$0x16110] =	vst v0  }
0x2c: {  	[tilespmem:$0x16120] =	vst v0  }
0x2d: {  	[tilespmem:$0x16130] =	vst v0  }
0x2e: {  	[tilespmem:$0x16140] =	vst v0  }
0x2f: {  	[tilespmem:$0x16150] =	vst v0  }
0x30: {  	[tilespmem:$0x16160] =	vst v0  }
0x31: {  	[tilespmem:$0x16170] =	vst v0  }
0x32: {  	[tilespmem:$0x16180] =	vst v0  }
0x33: {  	[tilespmem:$0x16190] =	vst v0  }
0x34: {  	[tilespmem:$0x161A0] =	vst v0  }
0x35: {  	[tilespmem:$0x161B0] =	vst v0  }
0x36: {  	[tilespmem:$0x161C0] =	vst v0  }
0x37: {  	[tilespmem:$0x161D0] =	vst v0  }
0x38: {  	[tilespmem:$0x161E0] =	vst v0  }
0x39: {  	[tilespmem:$0x161F0] =	vst v0  }
0x3a: {  	[tilespmem:$0x16200] =	vst v0  }
0x3b: {  	[tilespmem:$0x16210] =	vst v0  }
0x3c: {  	[tilespmem:$0x16220] =	vst v0  }
0x3d: {  	[tilespmem:$0x16230] =	vst v0  }
0x3e: {  	[tilespmem:$0x16240] =	vst v0  }
0x3f: {  	[tilespmem:$0x16250] =	vst v0  }
0x40: {  	[tilespmem:$0x16260] =	vst v0  }
0x41: {  	[tilespmem:$0x16270] =	vst v0  }
0x42: {  	[tilespmem:$0x16280] =	vst v0  }
0x43: {  	[tilespmem:$0x16290] =	vst v0  }
0x44: {  	[tilespmem:$0x162A0] =	vst v0  }
0x45: {  	[tilespmem:$0x162B0] =	vst v0  }
0x46: {  	[tilespmem:$0x162C0] =	vst v0  }
0x47: {  	[tilespmem:$0x162D0] =	vst v0  }
0x48: {  	[tilespmem:$0x162E0] =	vst v0  }
0x49: {  	[tilespmem:$0x162F0] =	vst v0  }
0x4a: {  	[tilespmem:$0x16300] =	vst v0  }
0x4b: {  	[tilespmem:$0x16310] =	vst v0  }
0x4c: {  	[tilespmem:$0x16320] =	vst v0  }
0x4d: {  	[tilespmem:$0x16330] =	vst v0  }
0x4e: {  	[tilespmem:$0x16340] =	vst v0  }
0x4f: {  	[tilespmem:$0x16350] =	vst v0  }
0x50: {  	[tilespmem:$0x16360] =	vst v0  }
0x51: {  	[tilespmem:$0x16370] =	vst v0  }
0x52: {  	[tilespmem:$0x16380] =	vst v0  }
0x53: {  	[tilespmem:$0x16390] =	vst v0  }
0x54: {  	[tilespmem:$0x163A0] =	vst v0  }
0x55: {  	[tilespmem:$0x163B0] =	vst v0  }
0x56: {  	[tilespmem:$0x163C0] =	vst v0  }
0x57: {  	[tilespmem:$0x163D0] =	vst v0  }
0x58: {  	[tilespmem:$0x163E0] =	vst v0  }
0x59: {  	[tilespmem:$0x163F0] =	vst v0  }
0x5a: {  	[tilespmem:$0x16400] =	vst v0  }
0x5b: {  	[tilespmem:$0x16410] =	vst v0  }
0x5c: {  	[tilespmem:$0x16420] =	vst v0  }
0x5d: {  	[tilespmem:$0x16430] =	vst v0  }
0x5e: {  	[tilespmem:$0x16440] =	vst v0  }
0x5f: {  	[tilespmem:$0x16450] =	vst v0  }
0x60: {  	[tilespmem:$0x16460] =	vst v0  }
0x61: {  	[tilespmem:$0x16470] =	vst v0  }
0x62: {  	[tilespmem:$0x16480] =	vst v0  }
0x63: {  	[tilespmem:$0x16490] =	vst v0  }
0x64: {  	[tilespmem:$0x164A0] =	vst v0  }
0x65: {  	[tilespmem:$0x164B0] =	vst v0  }
0x66: {  	[tilespmem:$0x164C0] =	vst v0  }
0x67: {  	[tilespmem:$0x164D0] =	vst v0  }
0x68: {  	[tilespmem:$0x164E0] =	vst v0  }
0x69: {  	[tilespmem:$0x164F0] =	vst v0  }
0x6a: {  	[tilespmem:$0x16500] =	vst v0  }
0x6b: {  	[tilespmem:$0x16510] =	vst v0  }
0x6c: {  	[tilespmem:$0x16520] =	vst v0  }
0x6d: {  	[tilespmem:$0x16530] =	vst v0  }
0x6e: {  	[tilespmem:$0x16540] =	vst v0  }
0x6f: {  	[tilespmem:$0x16550] =	vst v0  }
0x70: {  	[tilespmem:$0x16560] =	vst v0  }
0x71: {  	[tilespmem:$0x16570] =	vst v0  }
0x72: {  	[tilespmem:$0x16580] =	vst v0  }
0x73: {  	[tilespmem:$0x16590] =	vst v0  }
0x74: {  	[tilespmem:$0x165A0] =	vst v0  }
0x75: {  	[tilespmem:$0x165B0] =	vst v0  }
0x76: {  	[tilespmem:$0x165C0] =	vst v0  }
0x77: {  	[tilespmem:$0x165D0] =	vst v0  }
0x78: {  	[tilespmem:$0x165E0] =	vst v0  }
0x79: {  	[tilespmem:$0x165F0] =	vst v0  }
0x7a: {  	[tilespmem:$0x16600] =	vst v0  }
0x7b: {  	[tilespmem:$0x16610] =	vst v0  }
0x7c: {  	[tilespmem:$0x16620] =	vst v0  }
0x7d: {  	[tilespmem:$0x16630] =	vst v0  }
0x7e: {  	[tilespmem:$0x16640] =	vst v0  }
0x7f: {  	[tilespmem:$0x16650] =	vst v0  }
0x80: {  	[tilespmem:$0x16660] =	vst v0  }
0x81: {  	[tilespmem:$0x16670] =	vst v0  }
0x82: {  	[tilespmem:$0x16680] =	vst v0  }
0x83: {  	[tilespmem:$0x16690] =	vst v0  }
0x84: {  	[tilespmem:$0x166A0] =	vst v0  }
0x85: {  	[tilespmem:$0x166B0] =	vst v0  }
0x86: {  	[tilespmem:$0x166C0] =	vst v0  }
0x87: {  	[tilespmem:$0x166D0] =	vst v0  }
0x88: {  	[tilespmem:$0x166E0] =	vst v0  }
0x89: {  	[tilespmem:$0x166F0] =	vst v0  }
0x8a: {  	[tilespmem:$0x16700] =	vst v0  }
0x8b: {  	[tilespmem:$0x16710] =	vst v0  }
0x8c: {  	[tilespmem:$0x16720] =	vst v0  }
0x8d: {  	[tilespmem:$0x16730] =	vst v0  }
0x8e: {  	[tilespmem:$0x16740] =	vst v0  }
0x8f: {  	[tilespmem:$0x16750] =	vst v0  }
0x90: {  	[tilespmem:$0x16760] =	vst v0  }
0x91: {  	[tilespmem:$0x16770] =	vst v0  }
0x92: {  	[tilespmem:$0x16780] =	vst v0  }
0x93: {  	[tilespmem:$0x16790] =	vst v0  }
0x94: {  	[tilespmem:$0x167A0] =	vst v0  }
0x95: {  	[tilespmem:$0x167B0] =	vst v0  }
0x96: {  	[tilespmem:$0x167C0] =	vst v0  }
0x97: {  	[tilespmem:$0x167D0] =	vst v0  }
0x98: {  	[tilespmem:$0x167E0] =	vst v0  }
0x99: {  	[tilespmem:$0x167F0] =	vst v0  }
0x9a: {  	[tilespmem:$0x16800] =	vst v0  }
0x9b: {  	[tilespmem:$0x16810] =	vst v0  }
0x9c: {  	[tilespmem:$0x16820] =	vst v0  }
0x9d: {  	[tilespmem:$0x16830] =	vst v0  }
0x9e: {  	[tilespmem:$0x16840] =	vst v0  }
0x9f: {  	[tilespmem:$0x16850] =	vst v0  }
0xa0: {  	[tilespmem:$0x16860] =	vst v0  }
0xa1: {  	[tilespmem:$0x16870] =	vst v0  }
0xa2: {  	[tilespmem:$0x16880] =	vst v0  }
0xa3: {  	[tilespmem:$0x16890] =	vst v0  }
0xa4: {  	[tilespmem:$0x168A0] =	vst v0  }
0xa5: {  	[tilespmem:$0x168B0] =	vst v0  }
0xa6: {  	[tilespmem:$0x168C0] =	vst v0  }
0xa7: {  	[tilespmem:$0x168D0] =	vst v0  }
0xa8: {  	[tilespmem:$0x168E0] =	vst v0  }
0xa9: {  	[tilespmem:$0x168F0] =	vst v0  }
0xaa: {  	[spmem:s5] =	stream.linear.scatter [tilespmem:s25], [sflag:$0x9], $0x900, $0x38;
	[tilespmem:$0x1F900] =	vst v63  }
0xab: {  	_ =	swait.ge [sflag:s26], $0x900  }
0xac: {  	[sflag:s26] =	ssyncset.done $0x0  }
0xad: {  	s14 =	rddreg [dreg:$0x3];
	[sflag:s26] =	ssyncadd.s32 $0xFFFFF700  }
0xae: {  	[spmem:s14] =	stream.linear.scatter [tilespmem:s25], [sflag:$0x9], $0x900, $0x38;
	[tilespmem:$0x1F900] =	vst v63  }
0xaf: {  	_ =	swait.ge [sflag:s26], $0x900  }
0xb0: {  	[sflag:s26] =	ssyncset.done $0x0  }
0xb1: {  	s15 =	rddreg [dreg:$0x4];
	[sflag:s26] =	ssyncadd.s32 $0xFFFFF700  }
0xb2: {  	[spmem:s15] =	stream.linear.scatter [tilespmem:s25], [sflag:$0x9], $0x900, $0x38;
	[tilespmem:$0x1F900] =	vst v63  }
0xb3: {  	_ =	swait.ge [sflag:s26], $0x900  }
0xb4: {  	[sflag:s26] =	ssyncset.done $0x0  }
0xb5: {  	s16 =	rddreg [dreg:$0x5];
	[sflag:s26] =	ssyncadd.s32 $0xFFFFF700  }
0xb6: {  	[spmem:s16] =	stream.linear.scatter [tilespmem:s25], [sflag:$0x9], $0x900, $0x38;
	[tilespmem:$0x1F900] =	vst v63  }
0xb7: {  	_ =	swait.ge [sflag:s26], $0x900  }
0xb8: {  	[sflag:s26] =	ssyncset.done $0x0  }
0xb9: {  	s15 =	rddreg [dreg:$0x6];
	[sflag:s26] =	ssyncadd.s32 $0xFFFFF700  }
0xba: {  	[spmem:s15] =	stream.linear.scatter [tilespmem:s25], [sflag:$0x9], $0x900, $0x38;
	[tilespmem:$0x1F900] =	vst v63  }
0xbb: {  	_ =	swait.ge [sflag:s26], $0x900  }
0xbc: {  	[sflag:s26] =	ssyncset.done $0x0  }
0xbd: {  	s16 =	rddreg [dreg:$0x7];
	[sflag:s26] =	ssyncadd.s32 $0xFFFFF700  }
0xbe: {  	[spmem:s16] =	stream.linear.scatter [tilespmem:s25], [sflag:$0x9], $0x900, $0x38;
	[tilespmem:$0x1F900] =	vst v63  }
0xbf: {  	_ =	swait.ge [sflag:s26], $0x900  }
0xc0: {  	[sflag:s26] =	ssyncset.done $0x0  }
0xc1: {  	s15 =	rddreg [dreg:$0x8];
	[sflag:s26] =	ssyncadd.s32 $0xFFFFF700  }
0xc2: {  	[spmem:s15] =	stream.linear.scatter [tilespmem:s25], [sflag:$0x9], $0x900, $0x38;
	[tilespmem:$0x1F900] =	vst v63  }
0xc3: {  	_ =	swait.ge [sflag:s26], $0x900  }
0xc4: {  	[sflag:s26] =	ssyncset.done $0x0  }
0xc5: {  	s16 =	rddreg [dreg:$0x9];
	[sflag:s26] =	ssyncadd.s32 $0xFFFFF700  }
0xc6: {  	[spmem:s16] =	stream.linear.scatter [tilespmem:s25], [sflag:$0x9], $0x900, $0x38;
	[tilespmem:$0x1F900] =	vst v63  }
0xc7: {  	_ =	swait.ge [sflag:s26], $0x900  }
0xc8: {  	[sflag:s26] =	ssyncset.done $0x0  }
0xc9: {  	s15 =	rddreg [dreg:$0xa];
	[sflag:s26] =	ssyncadd.s32 $0xFFFFF700  }
0xca: {  	[spmem:s15] =	stream.linear.scatter [tilespmem:s25], [sflag:$0x9], $0x900, $0x38;
	[tilespmem:$0x1F900] =	vst v63  }
0xcb: {  	_ =	swait.ge [sflag:s26], $0x900  }
0xcc: {  	[sflag:s26] =	ssyncset.done $0x0  }
0xcd: {  	s16 =	rddreg [dreg:$0xb];
	[sflag:s26] =	ssyncadd.s32 $0xFFFFF700  }
0xce: {  	[spmem:s16] =	stream.linear.scatter [tilespmem:s25], [sflag:$0x9], $0x900, $0x38;
	[tilespmem:$0x1F900] =	vst v63  }
0xcf: {  	_ =	swait.ge [sflag:s26], $0x900  }
0xd0: {  	[sflag:s26] =	ssyncset.done $0x0  }
0xd1: {  	s15 =	rddreg [dreg:$0xc];
	[sflag:s26] =	ssyncadd.s32 $0xFFFFF700  }
0xd2: {  	[spmem:s15] =	stream.linear.scatter [tilespmem:s25], [sflag:$0x9], $0x900, $0x38;
	[tilespmem:$0x1F900] =	vst v63  }
0xd3: {  	_ =	swait.ge [sflag:s26], $0x900  }
0xd4: {  	[sflag:s26] =	ssyncset.done $0x0  }
0xd5: {  	s16 =	rddreg [dreg:$0xd];
	[sflag:s26] =	ssyncadd.s32 $0xFFFFF700  }
0xd6: {  	[spmem:s16] =	stream.linear.scatter [tilespmem:s25], [sflag:$0x9], $0x900, $0x38;
	[tilespmem:$0x1F900] =	vst v63  }
0xd7: {  	_ =	swait.ge [sflag:s26], $0x900  }
0xd8: {  	[sflag:s26] =	ssyncset.done $0x0  }
0xd9: {  	[sflag:s26] =	ssyncadd.s32 $0xFFFFF700  }
0xda: {  	[spmem:s17] =	stream.linear.scatter [tilespmem:s25], [sflag:$0x9], $0x900, $0x38;
	[tilespmem:$0x1F900] =	vst v63  }
0xdb: {  	_ =	swait.ge [sflag:s26], $0x900  }
0xdc: {  	[sflag:s26] =	ssyncset.done $0x0  }
0xdd: {  	[sflag:s26] =	ssyncadd.s32 $0xFFFFF700  }
0xde: {  	[spmem:s18] =	stream.linear.scatter [tilespmem:s25], [sflag:$0x9], $0x900, $0x38;
	[tilespmem:$0x1F900] =	vst v63  }
0xdf: {  	_ =	swait.ge [sflag:s26], $0x900  }
0xe0: {  	[sflag:s26] =	ssyncset.done $0x0  }
0xe1: {  	[sflag:s26] =	ssyncadd.s32 $0xFFFFF700  }
0xe2: {  	[spmem:s19] =	stream.linear.scatter [tilespmem:s25], [sflag:$0x9], $0x900, $0x38;
	[tilespmem:$0x1F900] =	vst v63  }
0xe3: {  	_ =	swait.ge [sflag:s26], $0x900  }
0xe4: {  	[sflag:s26] =	ssyncset.done $0x0  }
0xe5: {  	[sflag:s26] =	ssyncadd.s32 $0xFFFFF700  }
0xe6: {  	[spmem:s20] =	stream.linear.scatter [tilespmem:s25], [sflag:$0x9], $0x900, $0x38;
	[tilespmem:$0x1F900] =	vst v63  }
0xe7: {  	_ =	swait.ge [sflag:s26], $0x900  }
0xe8: {  	[sflag:s26] =	ssyncset.done $0x0  }
0xe9: {  	[sflag:s26] =	ssyncadd.s32 $0xFFFFF700  }
0xea: {  	[tilespmem:s3], [sflag:$0x9] =	stream.linear.gather [hbm4b:s21+s3], $0x2000, $0x38;
	[tilespmem:$0x1F900] =	vst v63  }
0xeb: {  	_ =	swait.ge [sflag:s26], $0x2000  }
0xec: {  	[sflag:s26] =	ssyncset.done $0x0  }
0xed: {  	s15 =	simm.s32 $0x2000;
	[sflag:s26] =	ssyncadd.s32 $0xFFFFE000  }
0xee: {  	[tilespmem:s15], [sflag:$0x9] =	stream.linear.gather [hbm4b:s22+s3], $0x2000, $0x38;
	[tilespmem:$0x1F900] =	vst v63  }
0xef: {  	_ =	swait.ge [sflag:s26], $0x2000  }
0xf0: {  	[sflag:s26] =	ssyncset.done $0x0  }
0xf1: {  	[sflag:s26] =	ssyncadd.s32 $0xFFFFE000  }
0xf2: {  	[tilespmem:s30], [sflag:$0x1] =	stream.indirect.gather [hbm4b:s4+s29], $0x90, s3, s29, $0xb8;
	[tilespmem:$0x1F900] =	vst v63  }
0xf3: {  	_ = 	snop  }
0xf4: {  	[tilespmem:s31], [sflag:$0x2] =	stream.indirect.gather [hbm4b:s4+s29], $0x90, s29, s29, $0xb8;
	[tilespmem:$0x1F900] =	vst v63  }
0xf5: {  	s16 =	simm.s32 $0x100  }
0xf6: {  	[tilespmem:s28], [sflag:$0x3] =	stream.indirect.gather [hbm4b:s4+s29], $0x90, s16, s29, $0xb8;
	[tilespmem:$0x1F900] =	vst v63  }
0xf7: {  	s15 =	simm.s32 $0x180  }
0xf8: {  	[tilespmem:s1], [sflag:$0x4] =	stream.indirect.gather [hbm4b:s4+s29], $0x90, s15, s29, $0xb8;
	[tilespmem:$0x1F900] =	vst v63  }
0xf9: {  	[bflag:$0x0] =	sbarrier.arrive $0xFFFF  }
0xfa: {  	_ =	swait.ge [sflag:s0], $0x4800  }
0xfb: {  	[sflag:s0] =	ssyncset.done $0x0  }
0xfc: {  	s16 =	simm.s32 $0x2000;
	[sflag:s0] =	ssyncadd.s32 $0xFFFFB800  }
0xfd: {  	[spmem:s2] =	stream.indirect.scatter.add.f32 [tilespmem:s30], [sflag:$0x5], $0x90, s16, s29, $0xb8;
	[tilespmem:$0x1F900] =	vst v63  }
0xfe: {  	_ =	swait.ge [sflag:s6], $0x4800  }
0xff: {  	[sflag:s6] =	ssyncset.done $0x0  }
0x100: {  	s15 =	simm.s32 $0x200;
	[sflag:s6] =	ssyncadd.s32 $0xFFFFB800  }
0x101: {  	[tilespmem:s30], [sflag:$0x1] =	stream.indirect.gather [hbm4b:s4+s29], $0x90, s15, s29, $0xb8;
	[tilespmem:$0x1F900] =	vst v63  }
0x102: {  	_ =	swait.ge [sflag:s7], $0x4800  }
0x103: {  	[sflag:s7] =	ssyncset.done $0x0  }
0x104: {  	s16 =	simm.s32 $0x2080;
	[sflag:s7] =	ssyncadd.s32 $0xFFFFB800  }
0x105: {  	[spmem:s2] =	stream.indirect.scatter.add.f32 [tilespmem:s31], [sflag:$0x6], $0x90, s16, s29, $0xb8;
	[tilespmem:$0x1F900] =	vst v63  }
0x106: {  	_ =	swait.ge [sflag:s8], $0x4800  }
0x107: {  	[sflag:s8] =	ssyncset.done $0x0  }
0x108: {  	s15 =	simm.s32 $0x280;
	[sflag:s8] =	ssyncadd.s32 $0xFFFFB800  }
0x109: {  	[tilespmem:s31], [sflag:$0x2] =	stream.indirect.gather [hbm4b:s4+s29], $0x90, s15, s29, $0xb8;
	[tilespmem:$0x1F900] =	vst v63  }
0x10a: {  	_ =	swait.ge [sflag:s9], $0x4800  }
0x10b: {  	[sflag:s9] =	ssyncset.done $0x0  }
0x10c: {  	s16 =	simm.s32 $0x2100;
	[sflag:s9] =	ssyncadd.s32 $0xFFFFB800  }
0x10d: {  	[spmem:s2] =	stream.indirect.scatter.add.f32 [tilespmem:s28], [sflag:$0x7], $0x90, s16, s29, $0xb8;
	[tilespmem:$0x1F900] =	vst v63  }
0x10e: {  	_ =	swait.ge [sflag:s10], $0x4800  }
0x10f: {  	[sflag:s10] =	ssyncset.done $0x0  }
0x110: {  	s15 =	simm.s32 $0x300;
	[sflag:s10] =	ssyncadd.s32 $0xFFFFB800  }
0x111: {  	[tilespmem:s28], [sflag:$0x3] =	stream.indirect.gather [hbm4b:s4+s29], $0x90, s15, s29, $0xb8;
	[tilespmem:$0x1F900] =	vst v63  }
0x112: {  	_ =	swait.ge [sflag:s11], $0x4800  }
0x113: {  	[sflag:s11] =	ssyncset.done $0x0  }
0x114: {  	s16 =	simm.s32 $0x2180;
	[sflag:s11] =	ssyncadd.s32 $0xFFFFB800  }
0x115: {  	[spmem:s2] =	stream.indirect.scatter.add.f32 [tilespmem:s1], [sflag:$0x8], $0x90, s16, s29, $0xb8;
	[tilespmem:$0x1F900] =	vst v63  }
0x116: {  	_ =	swait.ge [sflag:s12], $0x4800  }
0x117: {  	[sflag:s12] =	ssyncset.done $0x0  }
0x118: {  	s14 =	simm.s32 $0x800;
	s15 =	simm.s32 $0x380;
	[sflag:s12] =	ssyncadd.s32 $0xFFFFB800  }
.LBB2_2:
0x119: {  	[tilespmem:s1], [sflag:$0x4] =	stream.indirect.gather [hbm4b:s4+s29], $0x90, s15, s29, $0xb8;
	[tilespmem:$0x1F900] =	vst v63  }
0x11a: {  	s15 =	smov.u32 s14  }
0x11b: {  	p0 =	sne.s32 s14, $0x7000;
	s14 =	sadd.s32 $0x800, s14;
	_ =	swait.ge [sflag:s0], $0x4800  }
0x11c: {  	s15 =	sshra.s32 s15, $0x2;
	[sflag:s0] =	ssyncset.done $0x0  }
0x11d: {  	s16 =	sadd.s32 $0x2000, s15;
	[sflag:s0] =	ssyncadd.s32 $0xFFFFB800  }
0x11e: {  	[spmem:s2] =	stream.indirect.scatter.add.f32 [tilespmem:s30], [sflag:$0x5], $0x90, s16, s29, $0xb8;
	[tilespmem:$0x1F900] =	vst v63  }
0x11f: {  	_ =	swait.ge [sflag:s6], $0x4800  }
0x120: {  	[sflag:s6] =	ssyncset.done $0x0  }
0x121: {  	s16 =	sadd.s32 $0x200, s15;
	[sflag:s6] =	ssyncadd.s32 $0xFFFFB800  }
0x122: {  	[tilespmem:s30], [sflag:$0x1] =	stream.indirect.gather [hbm4b:s4+s29], $0x90, s16, s29, $0xb8;
	[tilespmem:$0x1F900] =	vst v63  }
0x123: {  	_ =	swait.ge [sflag:s7], $0x4800  }
0x124: {  	[sflag:s7] =	ssyncset.done $0x0  }
0x125: {  	s16 =	sadd.s32 $0x2080, s15;
	[sflag:s7] =	ssyncadd.s32 $0xFFFFB800  }
0x126: {  	[spmem:s2] =	stream.indirect.scatter.add.f32 [tilespmem:s31], [sflag:$0x6], $0x90, s16, s29, $0xb8;
	[tilespmem:$0x1F900] =	vst v63  }
0x127: {  	_ =	swait.ge [sflag:s8], $0x4800  }
0x128: {  	[sflag:s8] =	ssyncset.done $0x0  }
0x129: {  	s16 =	sadd.s32 $0x280, s15;
	[sflag:s8] =	ssyncadd.s32 $0xFFFFB800  }
0x12a: {  	[tilespmem:s31], [sflag:$0x2] =	stream.indirect.gather [hbm4b:s4+s29], $0x90, s16, s29, $0xb8;
	[tilespmem:$0x1F900] =	vst v63  }
0x12b: {  	_ =	swait.ge [sflag:s9], $0x4800  }
0x12c: {  	[sflag:s9] =	ssyncset.done $0x0  }
0x12d: {  	s16 =	sadd.s32 $0x2100, s15;
	[sflag:s9] =	ssyncadd.s32 $0xFFFFB800  }
0x12e: {  	[spmem:s2] =	stream.indirect.scatter.add.f32 [tilespmem:s28], [sflag:$0x7], $0x90, s16, s29, $0xb8;
	[tilespmem:$0x1F900] =	vst v63  }
0x12f: {  	_ =	swait.ge [sflag:s10], $0x4800  }
0x130: {  	[sflag:s10] =	ssyncset.done $0x0  }
0x131: {  	s16 =	sadd.s32 $0x300, s15;
	[sflag:s10] =	ssyncadd.s32 $0xFFFFB800  }
0x132: {  	[tilespmem:s28], [sflag:$0x3] =	stream.indirect.gather [hbm4b:s4+s29], $0x90, s16, s29, $0xb8;
	[tilespmem:$0x1F900] =	vst v63  }
0x133: {  	_ =	swait.ge [sflag:s11], $0x4800  }
0x134: {  	[sflag:s11] =	ssyncset.done $0x0  }
.Ltmp0:
0x135: {  	s16 =	sadd.s32 $0x2180, s15;
	[sflag:s11] =	ssyncadd.s32 $0xFFFFB800;
	(pc) =	sbr.rel @p0 .LBB2_2-.Ltmp0, $4  }
0x136: {  	[spmem:s2] =	stream.indirect.scatter.add.f32 [tilespmem:s1], [sflag:$0x8], $0x90, s16, s29, $0xb8;
	[tilespmem:$0x1F900] =	vst v63  }
0x137: {  	_ =	swait.ge [sflag:s12], $0x4800  }
0x138: {  	[sflag:s12] =	ssyncset.done $0x0  }
0x139: {  	s15 =	sadd.s32 $0x380, s15;
	[sflag:s12] =	ssyncadd.s32 $0xFFFFB800  }
0x13a: {  	[tilespmem:s1], [sflag:$0x4] =	stream.indirect.gather [hbm4b:s4+s29], $0x90, s15, s29, $0xb8;
	[tilespmem:$0x1F900] =	vst v63  }
0x13b: {  	_ =	swait.ge [sflag:s0], $0x4800  }
0x13c: {  	[sflag:s0] =	ssyncset.done $0x0  }
0x13d: {  	s14 =	simm.s32 $0x3E00;
	[sflag:s0] =	ssyncadd.s32 $0xFFFFB800  }
0x13e: {  	[spmem:s2] =	stream.indirect.scatter.add.f32 [tilespmem:s30], [sflag:$0x5], $0x90, s14, s29, $0xb8;
	[tilespmem:$0x1F900] =	vst v63  }
0x13f: {  	_ =	swait.ge [sflag:s6], $0x4800  }
0x140: {  	[sflag:s6] =	ssyncset.done $0x0  }
0x141: {  	[sflag:s6] =	ssyncadd.s32 $0xFFFFB800  }
0x142: {  	_ =	swait.ge [sflag:s7], $0x4800  }
0x143: {  	[sflag:s7] =	ssyncset.done $0x0  }
0x144: {  	s16 =	simm.s32 $0x3E80;
	[sflag:s7] =	ssyncadd.s32 $0xFFFFB800  }
0x145: {  	[spmem:s2] =	stream.indirect.scatter.add.f32 [tilespmem:s31], [sflag:$0x6], $0x90, s16, s29, $0xb8;
	[tilespmem:$0x1F900] =	vst v63  }
0x146: {  	_ =	swait.ge [sflag:s8], $0x4800  }
0x147: {  	[sflag:s8] =	ssyncset.done $0x0  }
0x148: {  	[sflag:s8] =	ssyncadd.s32 $0xFFFFB800  }
0x149: {  	_ =	swait.ge [sflag:s9], $0x4800  }
0x14a: {  	[sflag:s9] =	ssyncset.done $0x0  }
0x14b: {  	s15 =	simm.s32 $0x3F00;
	[sflag:s9] =	ssyncadd.s32 $0xFFFFB800  }
0x14c: {  	[spmem:s2] =	stream.indirect.scatter.add.f32 [tilespmem:s28], [sflag:$0x7], $0x90, s15, s29, $0xb8;
	[tilespmem:$0x1F900] =	vst v63  }
0x14d: {  	_ =	swait.ge [sflag:s10], $0x4800  }
0x14e: {  	[sflag:s10] =	ssyncset.done $0x0  }
0x14f: {  	[sflag:s10] =	ssyncadd.s32 $0xFFFFB800  }
0x150: {  	_ =	swait.ge [sflag:s11], $0x4800  }
0x151: {  	[sflag:s11] =	ssyncset.done $0x0  }
0x152: {  	s16 =	simm.s32 $0x3F80;
	[sflag:s11] =	ssyncadd.s32 $0xFFFFB800  }
0x153: {  	[spmem:s2] =	stream.indirect.scatter.add.f32 [tilespmem:s1], [sflag:$0x8], $0x90, s16, s29, $0xb8;
	[tilespmem:$0x1F900] =	vst v63  }
0x154: {  	s15 =	stileid.u32;
	_ =	swait.ge [sflag:s12], $0x4800  }
0x155: {  	s13 =	sadd.s32 $0x1, s13;
	s14 =	sshll.u32 s15, $0x6;
	[sflag:s12] =	ssyncset.done $0x0  }
0x156: {  	p0 =	sne.s32 s13, s24;
	s14 =	sor.u32 $0x1C09, s14;
	[sflag:s12] =	ssyncadd.s32 $0xFFFFB800  }
.Ltmp1:
0x157: {  	s16 =	sshrl.u32 s5, $0x3;
	[bflag:$0x0] =	sbarrier.arrive $0xFFFF;
	(pc) =	sbr.rel @p0 .LBB2_1-.Ltmp1, $4  }
0x158: {  	[hbm:s23], [sflag:s14] =	dma.local [spmem:s16], $0x1200  }
0x159: {  	_ =	swait.ge [sflag:s26], $0x1200  }
0x15a: {  	[sflag:s26] =	ssyncset.done $0x0  }
0x15b: {  	[sflag:s26] =	ssyncadd.s32 $0xFFFFEE00  }
0x15c: {  	_ =	sfence.sel $0x180000  }
0x15d: {  	[bflag:$0x0] =	sbarrier.arrive $0xFFFF  }
0x15e: {  	_ =	strace $0x9000004A  }
0x15f: {  	s0 =	stileid.u32;
	[bflag:$0x2] =	sbarrier.arrive $0xFFFF  }
0x160: {  	p0 =	sne.s32 s0, $0x0;
	s0 =	rddreg [dreg:$0x2]  }
0x161: {  	s0 =	sadd.s32 @!p0 $0x100000, s0  }
0x162: {  	[sflag:s0] =	ssyncadd.tile.s32 @!p0 $0x1;
	_ =	shalt  }
.Lfunc_end2:
_tile_overlayer_lowered:
.L_overlay_start_2:
0x163: {  	(tag) =	ssettag $0x2  }
0x164: {  	s0 =	rddreg [dreg:$0x0];
	s2 =	stileid.u32  }
0x165: {  	s1 =	rddreg [dreg:$0x1];
	p0 =	sne.s32 s2, $0x0  }
0x166: {  	s3 =	rddreg [dreg:$0x2];
	[bflag:$0x3] =	sbarrier.arrive $0xFFFF;
	s2 =	simm.s32 @!p0 $0x1C09  }
0x167: {  	[timem:s3], [sflag:s2] =	dma.local @!p0 [hbm:s0], s1  }
0x168: {  	s0 =	simm.s32 @!p0 $0x9  }
0x169: {  	_ =	swait.ge @!p0 [sflag:s0], s1  }
0x16a: {  	s1 =	ssub.s32 @!p0 $0x0, s1;
	[sflag:s0] =	ssyncset.done @!p0 $0x0  }
0x16b: {  	[sflag:s0] =	ssyncadd.s32 @!p0 s1  }
0x16c: {  	[bflag:$0x3] =	sbarrier.arrive $0xFFFF  }
0x16d: {  	_ =	shalt  }

// kernel: kernel.8.cloned.1.call-start
scs
__scs_entry_jumppad:
0x0: {  	(pc) =	sbr.rel $0x88, $3  }
0x1: {  	(tag) =	ssettag $0x0;
	lr =	simm.s32 $0x1  }
0x2: {  	[smem:$0x3F7F] =	sst lr;
	_ =	strace $0xD0000000  }
0x3: {  	_ = 	snop  }
0x4: {  	_ = 	snop  }
0x5: {  	_ = 	snop  }
0x6: {  	_ = 	snop  }
0x7: {  	_ = 	snop  }
__scs_overlays_trampoline_lowered:
0x8: {  	[smem:$0x3F8E] =	sst s0  }
0x9: {  	[smem:$0x3F8F] =	sst s1  }
0xa: {  	[smem:$0x3F90] =	sst s2  }
0xb: {  	[smem:$0x3F91] =	sst s3  }
0xc: {  	[smem:$0x3F92] =	sst s4  }
0xd: {  	[smem:$0x3F93] =	sst s5  }
0xe: {  	[smem:$0x3F94] =	sst s6  }
0xf: {  	[smem:$0x3F95] =	sst s7  }
0x10: {  	[smem:$0x3F96] =	sst s8  }
0x11: {  	[smem:$0x3F97] =	sst s9;
	s0 =	simm.s32 @!p0 $0x0  }
0x12: {  	s1 =	sld [smem:$0x3F7D];
	s0 =	simm.s32 @p0 $0x1  }
0x13: {  	[smem:$0x3F98] =	sst s0;
	s0 =	simm.s32 @!p1 $0x0  }
0x14: {  	s2 =	sld [smem:$0x3F7C];
	s0 =	simm.s32 @p1 $0x1  }
0x15: {  	[smem:$0x3F99] =	sst s0;
	s0 =	simm.s32 @!p2 $0x0  }
0x16: {  	s3 =	sld [smem:$0x3FDB];
	s0 =	simm.s32 @p2 $0x1  }
0x17: {  	s4 =	simm.s32 $0x1BF5;
	[smem:$0x3F9B] =	sst s0  }
0x18: {  	s0 =	sld [smem:$0x3F7E];
	_ =	swait.ge [sflag:s4], $0x0  }
0x19: {  	s7 =	sld [smem:$0x3F7F]  }
0x1a: {  	s8 =	sadd.s32 $0xFFFFE003, lr  }
0x1b: {  	s9 =	sadd.s32 $0xFFFFFEF7, lr;
	s5 =	simm.s32 $0xFFFFFFFF;
	p2 =	slt.u32 s8, $0xFFFFF086  }
0x1c: {  	p1 =	slt.u32 s9, $0xF7A;
	s5 =	simm.s32 @!p2 $0x0  }
0x1d: {  	s5 =	simm.s32 @p1 $0x1;
	p0 =	seq.s32 s7, s2  }
0x1e: {  	s7 =	smul.u32 @!p0 $0xF7A, s2;
	p2 =	seq.s32 @!p0 s5, $0x0  }
0x1f: {  	s9 =	smul.u32 $0xF7A, s1;
	s8 =	simm.s32 @!p0 $0x1BF5;
	p2 =	por !p2, p0  }
0x20: {  	[sflag:s8] =	ssyncset.s32 @!p0 $0xFFFFF086;
	s6 =	sadd.s32 @!p0 s3, s7;
	s7 =	simm.s32 @!p0 $0x108  }
0x21: {  	s3 =	sadd.s32 s3, s9;
	s6 =	sadd.s32 @!p0 $0x88, s6;
	s7 =	simm.s32 @p2 $0x1082  }
0x22: {  	[simem:s7], [sflag:s8] =	dma.local @!p0 [hbm:s6], $0xF7A  }
0x23: {  	s9 =	sor.u32 $0xD0000000, s2;
	s6 =	simm.s32 $0x108;
	_ =	swait.ge @!p0 [sflag:s8], $0x0  }
0x24: {  	s3 =	sadd.s32 $0x88, s3;
	s6 =	simm.s32 @!p1 $0x1082;
	[sflag:s4] =	ssyncset.s32 $0xFFFFF086  }
0x25: {  	[simem:s6], [sflag:s4] =	dma.local [hbm:s3], $0xF7A  }
0x26: {  	[smem:$0x3F7F] =	sst s1;
	(tag) =	ssettag s2;
	_ =	strace s9  }
0x27: {  	s1 =	sld [smem:$0x3F8F]  }
0x28: {  	s2 =	sld [smem:$0x3F90]  }
0x29: {  	s4 =	sld [smem:$0x3F92]  }
0x2a: {  	p0 =	seq.s32 s5, $0x0;
	s5 =	sld [smem:$0x3F93]  }
0x2b: {  	s6 =	sld [smem:$0x3F94]  }
0x2c: {  	s7 =	sld [smem:$0x3F95]  }
0x2d: {  	s3 =	simm.s32 $0x108;
	s8 =	sld [smem:$0x3F96]  }
0x2e: {  	s3 =	simm.s32 @!p0 $0x1082;
	s9 =	sld [smem:$0x3F97]  }
0x2f: {  	lr =	sadd.s32 s0, s3;
	s0 =	sld [smem:$0x3F8E]  }
0x30: {  	s3 =	sld [smem:$0x3F91]  }
0x31: {  	[smem:$0x3F9A] =	sst s10  }
0x32: {  	s10 =	sld [smem:$0x3F98];
	_ =	sdelay $0x3  }
0x33: {  	p0 =	seq.s32 s10, $0x1;
	s10 =	sld [smem:$0x3F9A];
	_ =	sdelay $0x3  }
0x34: {  	[smem:$0x3F9A] =	sst s10  }
0x35: {  	s10 =	sld [smem:$0x3F99];
	_ =	sdelay $0x3  }
0x36: {  	p1 =	seq.s32 s10, $0x1;
	s10 =	sld [smem:$0x3F9A];
	_ =	sdelay $0x3  }
0x37: {  	[smem:$0x3F9A] =	sst s10  }
0x38: {  	s10 =	sld [smem:$0x3F9B]  }
0x39: {  	_ = 	snop;
	(pc) =	sbr.ind lr, $3  }
0x3a: {  	_ = 	snop  }
0x3b: {  	_ = 	snop  }
0x3c: {  	p2 =	seq.s32 s10, $0x1;
	s10 =	sld [smem:$0x3F9A]  }
0x3d: {  	_ =	shalt  }
0x3e: {  	_ =	shalt  }
0x3f: {  	_ =	shalt  }
0x40: {  	_ =	shalt  }
0x41: {  	_ =	shalt  }
0x42: {  	_ =	shalt  }
0x43: {  	_ =	shalt  }
0x44: {  	_ =	shalt  }
0x45: {  	_ =	shalt  }
0x46: {  	_ =	shalt  }
0x47: {  	_ =	shalt  }
0x48: {  	_ =	shalt  }
0x49: {  	_ =	shalt  }
0x4a: {  	_ =	shalt  }
0x4b: {  	_ =	shalt  }
0x4c: {  	_ =	shalt  }
0x4d: {  	_ =	shalt  }
0x4e: {  	_ =	shalt  }
0x4f: {  	_ =	shalt  }
0x50: {  	_ =	shalt  }
0x51: {  	_ =	shalt  }
0x52: {  	_ =	shalt  }
0x53: {  	_ =	shalt  }
0x54: {  	_ =	shalt  }
0x55: {  	_ =	shalt  }
0x56: {  	_ =	shalt  }
0x57: {  	_ =	shalt  }
0x58: {  	_ =	shalt  }
0x59: {  	_ =	shalt  }
0x5a: {  	_ =	shalt  }
0x5b: {  	_ =	shalt  }
0x5c: {  	_ =	shalt  }
0x5d: {  	_ =	shalt  }
0x5e: {  	_ =	shalt  }
0x5f: {  	_ =	shalt  }
0x60: {  	_ =	shalt  }
0x61: {  	_ =	shalt  }
0x62: {  	_ =	shalt  }
0x63: {  	_ =	shalt  }
0x64: {  	_ =	shalt  }
0x65: {  	_ =	shalt  }
0x66: {  	_ =	shalt  }
0x67: {  	_ =	shalt  }
0x68: {  	_ =	shalt  }
0x69: {  	_ =	shalt  }
0x6a: {  	_ =	shalt  }
0x6b: {  	_ =	shalt  }
0x6c: {  	_ =	shalt  }
0x6d: {  	_ =	shalt  }
0x6e: {  	_ =	shalt  }
0x6f: {  	_ =	shalt  }
0x70: {  	_ =	shalt  }
0x71: {  	_ =	shalt  }
0x72: {  	_ =	shalt  }
0x73: {  	_ =	shalt  }
0x74: {  	_ =	shalt  }
0x75: {  	_ =	shalt  }
0x76: {  	_ =	shalt  }
0x77: {  	_ =	shalt  }
0x78: {  	_ =	shalt  }
0x79: {  	_ =	shalt  }
0x7a: {  	_ =	shalt  }
0x7b: {  	_ =	shalt  }
0x7c: {  	_ =	shalt  }
0x7d: {  	_ =	shalt  }
0x7e: {  	_ =	shalt  }
0x7f: {  	_ =	shalt  }
0x80: {  	_ =	shalt  }
0x81: {  	_ =	shalt  }
0x82: {  	_ =	shalt  }
0x83: {  	_ =	shalt  }
0x84: {  	_ =	shalt  }
0x85: {  	_ =	shalt  }
0x86: {  	_ =	shalt  }
0x87: {  	_ =	shalt  }
.Lfunc_end0:
.L_simem_size_0:
called_computation_lowered:
.L_overlay_start_0:
0x88: {  	s2 =	sld [smem:$0x3FD9]  }
0x89: {  	s3 =	sld [smem:$0x3FFE];
	_ =	sdelay $0x1  }
0x8a: {  	s1 =	srdreg.scid  }
0x8b: {  	s0 =	sand.u32 $0x1, s1  }
0x8c: {  	s16 =	sshll.u32 s0, $0xA;
	s2 =	sadd.s32 s3, s2  }
0x8d: {  	s2 =	sadd.s32 s2, s16  }
0x8e: {  	[smem:$0x3FA6] =	sst s2  }
0x8f: {  	_ = 	snop  }
0x90: {  	(tm) =	ssettm $0x1  }
0x91: {  	s17 =	sld [smem:$0x3FFB];
	_ =	sdelay $0x3  }
0x92: {  	_ =	strace s17  }
0x93: {  	s2 =	sld [smem:$0x3FFC];
	_ =	sdelay $0x3  }
0x94: {  	_ =	strace s2  }
0x95: {  	s2 =	sld [smem:$0x3FFD];
	_ =	sdelay $0x3  }
0x96: {  	_ =	strace s2  }
0x97: {  	_ =	strace $0x8FFFFFFF  }
0x98: {  	s18 =	sld [smem:$0x3FDB];
	_ =	sdelay $0x1  }
0x99: {  	s19 =	simm.s32 $_scs_section_size  }
0x9a: {  	s4 =	simm.s32 $_size__tile_overlayer_lowered;
	s5 =	simm.s32 $_tile_overlayer_lowered  }
0x9b: {  	s22 =	simm.s32 $0x1BFF;
	s21 =	sshll.u32 s5, $0x1;
	s2 =	sadd.s32 s19, s18  }
0x9c: {  	s6 =	simm.s32 $0x0;
	s20 =	sshll.u32 s4, $0x1;
	s4 =	sadd.s32 s21, s2  }
0x9d: {  	[timem:s6], [sflag:s22] =	dma.local [hbm:s4], s20  }
0x9e: {  	_ =	swait.ge [sflag:s22], s20  }
0x9f: {  	s3 =	ssub.s32 $0x0, s20;
	[sflag:s22] =	ssyncset.done $0x0  }
0xa0: {  	[sflag:s22] =	ssyncadd.s32 s3;
	_ =	sdelay $0x1  }
0xa1: {  	s23 =	simm.s32 $0x1B8B  }
0xa2: {  	_ =	swait.ge [sflag:s23], $0x1  }
0xa3: {  	[sflag:s23] =	ssyncset.done $0x0  }
0xa4: {  	s25 =	simm.s32 $0x1B8E;
	s24 =	sld [smem:$0x3FFE];
	[sflag:s23] =	ssyncadd.s32 $0xFFFFFFFF  }
0xa5: {  	s26 =	simm.s32 $execute0_lowered;
	[smem:$0x3FD2] =	sst s25  }
0xa6: {  	s4 =	sshll.u32 s26, $0x1;
	_ =	strace $0x80000046;
	[dreg:$0x1] =	wrdreg $0xFFFFFFFF  }
0xa7: {  	s28 =	simm.s32 $_size_execute0_lowered;
	s2 =	sadd.s32 s2, s4;
	[dreg:$0x0] =	wrdreg $0x0  }
0xa8: {  	s4 =	sshll.u32 s28, $0x1;
	[dreg:$0x2] =	wrdreg s2  }
0xa9: {  	[dreg:$0x3] =	wrdreg s4  }
0xaa: {  	[dreg:$0x4] =	wrdreg $0xC0  }
0xab: {  	_ =	task [dreg:s6], $0x5FFFF  }
0xac: {  	[dreg:$0x1] =	wrdreg $0xFFFFFFFF  }
0xad: {  	[dreg:$0x0] =	wrdreg $0x60  }
0xae: {  	[dreg:$0x2] =	wrdreg s24  }
0xaf: {  	[dreg:$0x3] =	wrdreg $0x169000  }
0xb0: {  	[dreg:$0x4] =	wrdreg $0x9  }
0xb1: {  	_ =	task.clear_ibuf [dreg:s6], $0x5FFFF;
	_ =	strace $0x90000046  }
0xb2: {  	s29 =	simm.s32 $0x9;
	_ =	strace $0x80000048  }
0xb3: {  	_ =	swait.ge [sflag:s29], $0x1  }
0xb4: {  	[sflag:s29] =	ssyncadd.s32 $0xFFFFFFFF  }
0xb5: {  	_ =	strace $0x90000048  }
0xb6: {  	_ =	sfence  }
0xb7: {  	s30 =	sld [smem:$0x0];
	_ =	sdelay $0x2  }
0xb8: {  	s31 =	sshll.u32 s1, $0xD;
	s1 =	sshrl.u32 s1, $0x2  }
0xb9: {  	s3 =	sand.u32 $0x4000, s31;
	s1 =	sadd.s32 s1, s30  }
0xba: {  	s0 =	sor.u32 s3, s0;
	s1 =	sshll.u32 s1, $0x11  }
0xbb: {  	s0 =	sor.u32 s1, s0  }
0xbc: {  	s0 =	sadd.s32 $0x8F2B, s0  }
0xbd: {  	[sflag:s0] =	ssyncadd.remote.s32 $0x1  }
0xbe: {  	_ =	sfence.sel $0xFFFF  }
0xbf: {  	[dreg:$0x0] =	wrdreg $0xFFFFFFFF;
	(pc) =	sbr.abs _section_cstart, $3  }
0xc0: {  	[dreg:$0x1] =	wrdreg $0xFFFFFFFF  }
0xc1: {  	_ =	task.clear_ibuf [dreg:s6], $0x2FFFF;
	_ =	strace $0x9FFFFFFF  }
0xc2: {  	(tm) =	ssettm $0x7FFFFFFF  }
0xc3: {  	_ =	shalt  }
tec
execute0_lowered:
.L_overlay_start_1:
0x0: {  	(tag) =	ssettag $0x1  }
0x1: {  	s0 =	rddreg [dreg:$0x0]  }
0x2: {  	s2 =	rddreg [dreg:$0x1]  }
0x3: {  	s3 =	simm.s32 $0x0;
	s1 =	srdreg.scid;
	s9 =	stileid.u32  }
0x4: {  	s29 =	simm.s32 $0x80;
	s30 =	simm.s32 $0x4000;
	s31 =	simm.s32 $0x8800  }
0x5: {  	s28 =	simm.s32 $0xD000;
	s1 =	sand.u32 $0x1, s1;
	s14 =	smul.u32 $0x24000, s9  }
0x6: {  	s10 =	simm.s32 $0x7;
	s8 =	sshll.u32 s9, $0xA;
	s7 =	sshll.u32 s1, $0xE  }
0x7: {  	s11 =	simm.s32 $0x4;
	s7 =	sor.u32 s8, s7;
	s8 =	sshrl.u32 s14, $0x2  }
0x8: {  	s12 =	simm.s32 $0x8;
	s13 =	simm.s32 $0x0;
	s16 =	sadd.s32 s8, s2  }
0x9: {  	[smem:$0x7FF] =	sst s3;
	s5 =	smul.u32 $0x9000, s9;
	s8 =	sadd.s32 $0x900, s16  }
0xa: {  	_ =	strace $0x80000047;
	s17 =	sadd.s32 $0x1200, s16;
	[dreg:$0x3] =	wrdreg s8  }
0xb: {  	s4 =	sadd.s32 $0x44E00, s0;
	s18 =	sadd.s32 $0x1B00, s16;
	[dreg:$0x4] =	wrdreg s17  }
0xc: {  	s9 =	simm.s32 $0x3;
	s19 =	sadd.s32 $0x2400, s16;
	[dreg:$0x5] =	wrdreg s18  }
0xd: {  	s6 =	smul.u32 $0x90000, s1;
	s20 =	sadd.s32 $0x2D00, s16;
	[dreg:$0x6] =	wrdreg s19  }
0xe: {  	s1 =	ssub.s32 $0x2, s1;
	s21 =	sadd.s32 $0x3600, s16;
	[dreg:$0x7] =	wrdreg s20  }
0xf: {  	s15 =	sshrl.u32 s1, $0x1;
	s22 =	sadd.s32 $0x3F00, s16;
	[dreg:$0x8] =	wrdreg s21  }
0x10: {  	s6 =	sadd.s32 s5, s6;
	s23 =	sadd.s32 $0x4800, s16;
	[dreg:$0x9] =	wrdreg s22  }
0x11: {  	s7 =	sadd.s32 s7, s0;
	s24 =	sadd.s32 $0x5100, s16;
	[dreg:$0xa] =	wrdreg s23  }
0x12: {  	s1 =	ssub.s32 s1, s15;
	s25 =	sadd.s32 $0x5A00, s16;
	[dreg:$0xb] =	wrdreg s24  }
0x13: {  	s6 =	sshrl.u32 s6, $0x3;
	s26 =	sadd.s32 $0x6300, s16;
	[dreg:$0xc] =	wrdreg s25  }
0x14: {  	s5 =	sadd.s32 s5, s2;
	s0 =	sadd.s32 s6, s0;
	[dreg:$0xd] =	wrdreg s26  }
0x15: {  	s17 =	sadd.s32 $0x6C00, s16;
	s18 =	sadd.s32 $0x7500, s16;
	s19 =	sadd.s32 $0x7E00, s16  }
0x16: {  	s20 =	sadd.s32 $0x8700, s16;
	s21 =	sadd.s32 $0x70E00, s7;
	s22 =	sadd.s32 $0x68E00, s7  }
0x17: {  	s24 =	smax.u32 s1, $0x1;
	s25 =	simm.s32 $0x16000;
	s26 =	simm.s32 $0x9  }
0x18: {  	s1 =	simm.s32 $0x11800;
	s6 =	simm.s32 $0x5;
	s7 =	simm.s32 $0x2  }
0x19: {  	v0 =	vimm.f32 $0.0e+00;
	s8 =	simm.s32 $0x6;
	s23 =	sadd.s32 $0x78E00, s0;
	s0 =	simm.s32 $0x1  }
.LBB2_1:
0x1a: {  	[tilespmem:$0x16000] =	vst v0  }
0x1b: {  	[tilespmem:$0x16010] =	vst v0  }
0x1c: {  	[tilespmem:$0x16020] =	vst v0  }
0x1d: {  	[tilespmem:$0x16030] =	vst v0  }
0x1e: {  	[tilespmem:$0x16040] =	vst v0  }
0x1f: {  	[tilespmem:$0x16050] =	vst v0  }
0x20: {  	[tilespmem:$0x16060] =	vst v0  }
0x21: {  	[tilespmem:$0x16070] =	vst v0  }
0x22: {  	[tilespmem:$0x16080] =	vst v0  }
0x23: {  	[tilespmem:$0x16090] =	vst v0  }
0x24: {  	[tilespmem:$0x160A0] =	vst v0  }
0x25: {  	[tilespmem:$0x160B0] =	vst v0  }
0x26: {  	[tilespmem:$0x160C0] =	vst v0  }
0x27: {  	[tilespmem:$0x160D0] =	vst v0  }
0x28: {  	[tilespmem:$0x160E0] =	vst v0  }
0x29: {  	[tilespmem:$0x160F0] =	vst v0  }
0x2a: {  	[tilespmem:$0x16100] =	vst v0  }
0x2b: {  	[tilespmem:$0x16110] =	vst v0  }
0x2c: {  	[tilespmem:$0x16120] =	vst v0  }
0x2d: {  	[tilespmem:$0x16130] =	vst v0  }
0x2e: {  	[tilespmem:$0x16140] =	vst v0  }
0x2f: {  	[tilespmem:$0x16150] =	vst v0  }
0x30: {  	[tilespmem:$0x16160] =	vst v0  }
0x31: {  	[tilespmem:$0x16170] =	vst v0  }
0x32: {  	[tilespmem:$0x16180] =	vst v0  }
0x33: {  	[tilespmem:$0x16190] =	vst v0  }
0x34: {  	[tilespmem:$0x161A0] =	vst v0  }
0x35: {  	[tilespmem:$0x161B0] =	vst v0  }
0x36: {  	[tilespmem:$0x161C0] =	vst v0  }
0x37: {  	[tilespmem:$0x161D0] =	vst v0  }
0x38: {  	[tilespmem:$0x161E0] =	vst v0  }
0x39: {  	[tilespmem:$0x161F0] =	vst v0  }
0x3a: {  	[tilespmem:$0x16200] =	vst v0  }
0x3b: {  	[tilespmem:$0x16210] =	vst v0  }
0x3c: {  	[tilespmem:$0x16220] =	vst v0  }
0x3d: {  	[tilespmem:$0x16230] =	vst v0  }
0x3e: {  	[tilespmem:$0x16240] =	vst v0  }
0x3f: {  	[tilespmem:$0x16250] =	vst v0  }
0x40: {  	[tilespmem:$0x16260] =	vst v0  }
0x41: {  	[tilespmem:$0x16270] =	vst v0  }
0x42: {  	[tilespmem:$0x16280] =	vst v0  }
0x43: {  	[tilespmem:$0x16290] =	vst v0  }
0x44: {  	[tilespmem:$0x162A0] =	vst v0  }
0x45: {  	[tilespmem:$0x162B0] =	vst v0  }
0x46: {  	[tilespmem:$0x162C0] =	vst v0  }
0x47: {  	[tilespmem:$0x162D0] =	vst v0  }
0x48: {  	[tilespmem:$0x162E0] =	vst v0  }
0x49: {  	[tilespmem:$0x162F0] =	vst v0  }
0x4a: {  	[tilespmem:$0x16300] =	vst v0  }
0x4b: {  	[tilespmem:$0x16310] =	vst v0  }
0x4c: {  	[tilespmem:$0x16320] =	vst v0  }
0x4d: {  	[tilespmem:$0x16330] =	vst v0  }
0x4e: {  	[tilespmem:$0x16340] =	vst v0  }
0x4f: {  	[tilespmem:$0x16350] =	vst v0  }
0x50: {  	[tilespmem:$0x16360] =	vst v0  }
0x51: {  	[tilespmem:$0x16370] =	vst v0  }
0x52: {  	[tilespmem:$0x16380] =	vst v0  }
0x53: {  	[tilespmem:$0x16390] =	vst v0  }
0x54: {  	[tilespmem:$0x163A0] =	vst v0  }
0x55: {  	[tilespmem:$0x163B0] =	vst v0  }
0x56: {  	[tilespmem:$0x163C0] =	vst v0  }
0x57: {  	[tilespmem:$0x163D0] =	vst v0  }
0x58: {  	[tilespmem:$0x163E0] =	vst v0  }
0x59: {  	[tilespmem:$0x163F0] =	vst v0  }
0x5a: {  	[tilespmem:$0x16400] =	vst v0  }
0x5b: {  	[tilespmem:$0x16410] =	vst v0  }
0x5c: {  	[tilespmem:$0x16420] =	vst v0  }
0x5d: {  	[tilespmem:$0x16430] =	vst v0  }
0x5e: {  	[tilespmem:$0x16440] =	vst v0  }
0x5f: {  	[tilespmem:$0x16450] =	vst v0  }
0x60: {  	[tilespmem:$0x16460] =	vst v0  }
0x61: {  	[tilespmem:$0x16470] =	vst v0  }
0x62: {  	[tilespmem:$0x16480] =	vst v0  }
0x63: {  	[tilespmem:$0x16490] =	vst v0  }
0x64: {  	[tilespmem:$0x164A0] =	vst v0  }
0x65: {  	[tilespmem:$0x164B0] =	vst v0  }
0x66: {  	[tilespmem:$0x164C0] =	vst v0  }
0x67: {  	[tilespmem:$0x164D0] =	vst v0  }
0x68: {  	[tilespmem:$0x164E0] =	vst v0  }
0x69: {  	[tilespmem:$0x164F0] =	vst v0  }
0x6a: {  	[tilespmem:$0x16500] =	vst v0  }
0x6b: {  	[tilespmem:$0x16510] =	vst v0  }
0x6c: {  	[tilespmem:$0x16520] =	vst v0  }
0x6d: {  	[tilespmem:$0x16530] =	vst v0  }
0x6e: {  	[tilespmem:$0x16540] =	vst v0  }
0x6f: {  	[tilespmem:$0x16550] =	vst v0  }
0x70: {  	[tilespmem:$0x16560] =	vst v0  }
0x71: {  	[tilespmem:$0x16570] =	vst v0  }
0x72: {  	[tilespmem:$0x16580] =	vst v0  }
0x73: {  	[tilespmem:$0x16590] =	vst v0  }
0x74: {  	[tilespmem:$0x165A0] =	vst v0  }
0x75: {  	[tilespmem:$0x165B0] =	vst v0  }
0x76: {  	[tilespmem:$0x165C0] =	vst v0  }
0x77: {  	[tilespmem:$0x165D0] =	vst v0  }
0x78: {  	[tilespmem:$0x165E0] =	vst v0  }
0x79: {  	[tilespmem:$0x165F0] =	vst v0  }
0x7a: {  	[tilespmem:$0x16600] =	vst v0  }
0x7b: {  	[tilespmem:$0x16610] =	vst v0  }
0x7c: {  	[tilespmem:$0x16620] =	vst v0  }
0x7d: {  	[tilespmem:$0x16630] =	vst v0  }
0x7e: {  	[tilespmem:$0x16640] =	vst v0  }
0x7f: {  	[tilespmem:$0x16650] =	vst v0  }
0x80: {  	[tilespmem:$0x16660] =	vst v0  }
0x81: {  	[tilespmem:$0x16670] =	vst v0  }
0x82: {  	[tilespmem:$0x16680] =	vst v0  }
0x83: {  	[tilespmem:$0x16690] =	vst v0  }
0x84: {  	[tilespmem:$0x166A0] =	vst v0  }
0x85: {  	[tilespmem:$0x166B0] =	vst v0  }
0x86: {  	[tilespmem:$0x166C0] =	vst v0  }
0x87: {  	[tilespmem:$0x166D0] =	vst v0  }
0x88: {  	[tilespmem:$0x166E0] =	vst v0  }
0x89: {  	[tilespmem:$0x166F0] =	vst v0  }
0x8a: {  	[tilespmem:$0x16700] =	vst v0  }
0x8b: {  	[tilespmem:$0x16710] =	vst v0  }
0x8c: {  	[tilespmem:$0x16720] =	vst v0  }
0x8d: {  	[tilespmem:$0x16730] =	vst v0  }
0x8e: {  	[tilespmem:$0x16740] =	vst v0  }
0x8f: {  	[tilespmem:$0x16750] =	vst v0  }
0x90: {  	[tilespmem:$0x16760] =	vst v0  }
0x91: {  	[tilespmem:$0x16770] =	vst v0  }
0x92: {  	[tilespmem:$0x16780] =	vst v0  }
0x93: {  	[tilespmem:$0x16790] =	vst v0  }
0x94: {  	[tilespmem:$0x167A0] =	vst v0  }
0x95: {  	[tilespmem:$0x167B0] =	vst v0  }
0x96: {  	[tilespmem:$0x167C0] =	vst v0  }
0x97: {  	[tilespmem:$0x167D0] =	vst v0  }
0x98: {  	[tilespmem:$0x167E0] =	vst v0  }
0x99: {  	[tilespmem:$0x167F0] =	vst v0  }
0x9a: {  	[tilespmem:$0x16800] =	vst v0  }
0x9b: {  	[tilespmem:$0x16810] =	vst v0  }
0x9c: {  	[tilespmem:$0x16820] =	vst v0  }
0x9d: {  	[tilespmem:$0x16830] =	vst v0  }
0x9e: {  	[tilespmem:$0x16840] =	vst v0  }
0x9f: {  	[tilespmem:$0x16850] =	vst v0  }
0xa0: {  	[tilespmem:$0x16860] =	vst v0  }
0xa1: {  	[tilespmem:$0x16870] =	vst v0  }
0xa2: {  	[tilespmem:$0x16880] =	vst v0  }
0xa3: {  	[tilespmem:$0x16890] =	vst v0  }
0xa4: {  	[tilespmem:$0x168A0] =	vst v0  }
0xa5: {  	[tilespmem:$0x168B0] =	vst v0  }
0xa6: {  	[tilespmem:$0x168C0] =	vst v0  }
0xa7: {  	[tilespmem:$0x168D0] =	vst v0  }
0xa8: {  	[tilespmem:$0x168E0] =	vst v0  }
0xa9: {  	[tilespmem:$0x168F0] =	vst v0  }
0xaa: {  	[spmem:s5] =	stream.linear.scatter [tilespmem:s25], [sflag:$0x9], $0x900, $0x38;
	[tilespmem:$0x1F900] =	vst v63  }
0xab: {  	_ =	swait.ge [sflag:s26], $0x900  }
0xac: {  	[sflag:s26] =	ssyncset.done $0x0  }
0xad: {  	s14 =	rddreg [dreg:$0x3];
	[sflag:s26] =	ssyncadd.s32 $0xFFFFF700  }
0xae: {  	[spmem:s14] =	stream.linear.scatter [tilespmem:s25], [sflag:$0x9], $0x900, $0x38;
	[tilespmem:$0x1F900] =	vst v63  }
0xaf: {  	_ =	swait.ge [sflag:s26], $0x900  }
0xb0: {  	[sflag:s26] =	ssyncset.done $0x0  }
0xb1: {  	s15 =	rddreg [dreg:$0x4];
	[sflag:s26] =	ssyncadd.s32 $0xFFFFF700  }
0xb2: {  	[spmem:s15] =	stream.linear.scatter [tilespmem:s25], [sflag:$0x9], $0x900, $0x38;
	[tilespmem:$0x1F900] =	vst v63  }
0xb3: {  	_ =	swait.ge [sflag:s26], $0x900  }
0xb4: {  	[sflag:s26] =	ssyncset.done $0x0  }
0xb5: {  	s16 =	rddreg [dreg:$0x5];
	[sflag:s26] =	ssyncadd.s32 $0xFFFFF700  }
0xb6: {  	[spmem:s16] =	stream.linear.scatter [tilespmem:s25], [sflag:$0x9], $0x900, $0x38;
	[tilespmem:$0x1F900] =	vst v63  }
0xb7: {  	_ =	swait.ge [sflag:s26], $0x900  }
0xb8: {  	[sflag:s26] =	ssyncset.done $0x0  }
0xb9: {  	s15 =	rddreg [dreg:$0x6];
	[sflag:s26] =	ssyncadd.s32 $0xFFFFF700  }
0xba: {  	[spmem:s15] =	stream.linear.scatter [tilespmem:s25], [sflag:$0x9], $0x900, $0x38;
	[tilespmem:$0x1F900] =	vst v63  }
0xbb: {  	_ =	swait.ge [sflag:s26], $0x900  }
0xbc: {  	[sflag:s26] =	ssyncset.done $0x0  }
0xbd: {  	s16 =	rddreg [dreg:$0x7];
	[sflag:s26] =	ssyncadd.s32 $0xFFFFF700  }
0xbe: {  	[spmem:s16] =	stream.linear.scatter [tilespmem:s25], [sflag:$0x9], $0x900, $0x38;
	[tilespmem:$0x1F900] =	vst v63  }
0xbf: {  	_ =	swait.ge [sflag:s26], $0x900  }
0xc0: {  	[sflag:s26] =	ssyncset.done $0x0  }
0xc1: {  	s15 =	rddreg [dreg:$0x8];
	[sflag:s26] =	ssyncadd.s32 $0xFFFFF700  }
0xc2: {  	[spmem:s15] =	stream.linear.scatter [tilespmem:s25], [sflag:$0x9], $0x900, $0x38;
	[tilespmem:$0x1F900] =	vst v63  }
0xc3: {  	_ =	swait.ge [sflag:s26], $0x900  }
0xc4: {  	[sflag:s26] =	ssyncset.done $0x0  }
0xc5: {  	s16 =	rddreg [dreg:$0x9];
	[sflag:s26] =	ssyncadd.s32 $0xFFFFF700  }
0xc6: {  	[spmem:s16] =	stream.linear.scatter [tilespmem:s25], [sflag:$0x9], $0x900, $0x38;
	[tilespmem:$0x1F900] =	vst v63  }
0xc7: {  	_ =	swait.ge [sflag:s26], $0x900  }
0xc8: {  	[sflag:s26] =	ssyncset.done $0x0  }
0xc9: {  	s15 =	rddreg [dreg:$0xa];
	[sflag:s26] =	ssyncadd.s32 $0xFFFFF700  }
0xca: {  	[spmem:s15] =	stream.linear.scatter [tilespmem:s25], [sflag:$0x9], $0x900, $0x38;
	[tilespmem:$0x1F900] =	vst v63  }
0xcb: {  	_ =	swait.ge [sflag:s26], $0x900  }
0xcc: {  	[sflag:s26] =	ssyncset.done $0x0  }
0xcd: {  	s16 =	rddreg [dreg:$0xb];
	[sflag:s26] =	ssyncadd.s32 $0xFFFFF700  }
0xce: {  	[spmem:s16] =	stream.linear.scatter [tilespmem:s25], [sflag:$0x9], $0x900, $0x38;
	[tilespmem:$0x1F900] =	vst v63  }
0xcf: {  	_ =	swait.ge [sflag:s26], $0x900  }
0xd0: {  	[sflag:s26] =	ssyncset.done $0x0  }
0xd1: {  	s15 =	rddreg [dreg:$0xc];
	[sflag:s26] =	ssyncadd.s32 $0xFFFFF700  }
0xd2: {  	[spmem:s15] =	stream.linear.scatter [tilespmem:s25], [sflag:$0x9], $0x900, $0x38;
	[tilespmem:$0x1F900] =	vst v63  }
0xd3: {  	_ =	swait.ge [sflag:s26], $0x900  }
0xd4: {  	[sflag:s26] =	ssyncset.done $0x0  }
0xd5: {  	s16 =	rddreg [dreg:$0xd];
	[sflag:s26] =	ssyncadd.s32 $0xFFFFF700  }
0xd6: {  	[spmem:s16] =	stream.linear.scatter [tilespmem:s25], [sflag:$0x9], $0x900, $0x38;
	[tilespmem:$0x1F900] =	vst v63  }
0xd7: {  	_ =	swait.ge [sflag:s26], $0x900  }
0xd8: {  	[sflag:s26] =	ssyncset.done $0x0  }
0xd9: {  	[sflag:s26] =	ssyncadd.s32 $0xFFFFF700  }
0xda: {  	[spmem:s17] =	stream.linear.scatter [tilespmem:s25], [sflag:$0x9], $0x900, $0x38;
	[tilespmem:$0x1F900] =	vst v63  }
0xdb: {  	_ =	swait.ge [sflag:s26], $0x900  }
0xdc: {  	[sflag:s26] =	ssyncset.done $0x0  }
0xdd: {  	[sflag:s26] =	ssyncadd.s32 $0xFFFFF700  }
0xde: {  	[spmem:s18] =	stream.linear.scatter [tilespmem:s25], [sflag:$0x9], $0x900, $0x38;
	[tilespmem:$0x1F900] =	vst v63  }
0xdf: {  	_ =	swait.ge [sflag:s26], $0x900  }
0xe0: {  	[sflag:s26] =	ssyncset.done $0x0  }
0xe1: {  	[sflag:s26] =	ssyncadd.s32 $0xFFFFF700  }
0xe2: {  	[spmem:s19] =	stream.linear.scatter [tilespmem:s25], [sflag:$0x9], $0x900, $0x38;
	[tilespmem:$0x1F900] =	vst v63  }
0xe3: {  	_ =	swait.ge [sflag:s26], $0x900  }
0xe4: {  	[sflag:s26] =	ssyncset.done $0x0  }
0xe5: {  	[sflag:s26] =	ssyncadd.s32 $0xFFFFF700  }
0xe6: {  	[spmem:s20] =	stream.linear.scatter [tilespmem:s25], [sflag:$0x9], $0x900, $0x38;
	[tilespmem:$0x1F900] =	vst v63  }
0xe7: {  	_ =	swait.ge [sflag:s26], $0x900  }
0xe8: {  	[sflag:s26] =	ssyncset.done $0x0  }
0xe9: {  	[sflag:s26] =	ssyncadd.s32 $0xFFFFF700  }
0xea: {  	[tilespmem:s3], [sflag:$0x9] =	stream.linear.gather [hbm4b:s21+s3], $0x2000, $0x38;
	[tilespmem:$0x1F900] =	vst v63  }
0xeb: {  	_ =	swait.ge [sflag:s26], $0x2000  }
0xec: {  	[sflag:s26] =	ssyncset.done $0x0  }
0xed: {  	s15 =	simm.s32 $0x2000;
	[sflag:s26] =	ssyncadd.s32 $0xFFFFE000  }
0xee: {  	[tilespmem:s15], [sflag:$0x9] =	stream.linear.gather [hbm4b:s22+s3], $0x2000, $0x38;
	[tilespmem:$0x1F900] =	vst v63  }
0xef: {  	_ =	swait.ge [sflag:s26], $0x2000  }
0xf0: {  	[sflag:s26] =	ssyncset.done $0x0  }
0xf1: {  	[sflag:s26] =	ssyncadd.s32 $0xFFFFE000  }
0xf2: {  	[tilespmem:s30], [sflag:$0x1] =	stream.indirect.gather [hbm4b:s4+s29], $0x90, s3, s29, $0xb8;
	[tilespmem:$0x1F900] =	vst v63  }
0xf3: {  	_ = 	snop  }
0xf4: {  	[tilespmem:s31], [sflag:$0x2] =	stream.indirect.gather [hbm4b:s4+s29], $0x90, s29, s29, $0xb8;
	[tilespmem:$0x1F900] =	vst v63  }
0xf5: {  	s16 =	simm.s32 $0x100  }
0xf6: {  	[tilespmem:s28], [sflag:$0x3] =	stream.indirect.gather [hbm4b:s4+s29], $0x90, s16, s29, $0xb8;
	[tilespmem:$0x1F900] =	vst v63  }
0xf7: {  	s15 =	simm.s32 $0x180  }
0xf8: {  	[tilespmem:s1], [sflag:$0x4] =	stream.indirect.gather [hbm4b:s4+s29], $0x90, s15, s29, $0xb8;
	[tilespmem:$0x1F900] =	vst v63  }
0xf9: {  	[bflag:$0x0] =	sbarrier.arrive $0xFFFF  }
0xfa: {  	_ =	swait.ge [sflag:s0], $0x4800  }
0xfb: {  	[sflag:s0] =	ssyncset.done $0x0  }
0xfc: {  	s16 =	simm.s32 $0x2000;
	[sflag:s0] =	ssyncadd.s32 $0xFFFFB800  }
0xfd: {  	[spmem:s2] =	stream.indirect.scatter.add.f32 [tilespmem:s30], [sflag:$0x5], $0x90, s16, s29, $0xb8;
	[tilespmem:$0x1F900] =	vst v63  }
0xfe: {  	_ =	swait.ge [sflag:s6], $0x4800  }
0xff: {  	[sflag:s6] =	ssyncset.done $0x0  }
0x100: {  	s15 =	simm.s32 $0x200;
	[sflag:s6] =	ssyncadd.s32 $0xFFFFB800  }
0x101: {  	[tilespmem:s30], [sflag:$0x1] =	stream.indirect.gather [hbm4b:s4+s29], $0x90, s15, s29, $0xb8;
	[tilespmem:$0x1F900] =	vst v63  }
0x102: {  	_ =	swait.ge [sflag:s7], $0x4800  }
0x103: {  	[sflag:s7] =	ssyncset.done $0x0  }
0x104: {  	s16 =	simm.s32 $0x2080;
	[sflag:s7] =	ssyncadd.s32 $0xFFFFB800  }
0x105: {  	[spmem:s2] =	stream.indirect.scatter.add.f32 [tilespmem:s31], [sflag:$0x6], $0x90, s16, s29, $0xb8;
	[tilespmem:$0x1F900] =	vst v63  }
0x106: {  	_ =	swait.ge [sflag:s8], $0x4800  }
0x107: {  	[sflag:s8] =	ssyncset.done $0x0  }
0x108: {  	s15 =	simm.s32 $0x280;
	[sflag:s8] =	ssyncadd.s32 $0xFFFFB800  }
0x109: {  	[tilespmem:s31], [sflag:$0x2] =	stream.indirect.gather [hbm4b:s4+s29], $0x90, s15, s29, $0xb8;
	[tilespmem:$0x1F900] =	vst v63  }
0x10a: {  	_ =	swait.ge [sflag:s9], $0x4800  }
0x10b: {  	[sflag:s9] =	ssyncset.done $0x0  }
0x10c: {  	s16 =	simm.s32 $0x2100;
	[sflag:s9] =	ssyncadd.s32 $0xFFFFB800  }
0x10d: {  	[spmem:s2] =	stream.indirect.scatter.add.f32 [tilespmem:s28], [sflag:$0x7], $0x90, s16, s29, $0xb8;
	[tilespmem:$0x1F900] =	vst v63  }
0x10e: {  	_ =	swait.ge [sflag:s10], $0x4800  }
0x10f: {  	[sflag:s10] =	ssyncset.done $0x0  }
0x110: {  	s15 =	simm.s32 $0x300;
	[sflag:s10] =	ssyncadd.s32 $0xFFFFB800  }
0x111: {  	[tilespmem:s28], [sflag:$0x3] =	stream.indirect.gather [hbm4b:s4+s29], $0x90, s15, s29, $0xb8;
	[tilespmem:$0x1F900] =	vst v63  }
0x112: {  	_ =	swait.ge [sflag:s11], $0x4800  }
0x113: {  	[sflag:s11] =	ssyncset.done $0x0  }
0x114: {  	s16 =	simm.s32 $0x2180;
	[sflag:s11] =	ssyncadd.s32 $0xFFFFB800  }
0x115: {  	[spmem:s2] =	stream.indirect.scatter.add.f32 [tilespmem:s1], [sflag:$0x8], $0x90, s16, s29, $0xb8;
	[tilespmem:$0x1F900] =	vst v63  }
0x116: {  	_ =	swait.ge [sflag:s12], $0x4800  }
0x117: {  	[sflag:s12] =	ssyncset.done $0x0  }
0x118: {  	s14 =	simm.s32 $0x800;
	s15 =	simm.s32 $0x380;
	[sflag:s12] =	ssyncadd.s32 $0xFFFFB800  }
.LBB2_2:
0x119: {  	[tilespmem:s1], [sflag:$0x4] =	stream.indirect.gather [hbm4b:s4+s29], $0x90, s15, s29, $0xb8;
	[tilespmem:$0x1F900] =	vst v63  }
0x11a: {  	s15 =	smov.u32 s14  }
0x11b: {  	p0 =	sne.s32 s14, $0x7000;
	s14 =	sadd.s32 $0x800, s14;
	_ =	swait.ge [sflag:s0], $0x4800  }
0x11c: {  	s15 =	sshra.s32 s15, $0x2;
	[sflag:s0] =	ssyncset.done $0x0  }
0x11d: {  	s16 =	sadd.s32 $0x2000, s15;
	[sflag:s0] =	ssyncadd.s32 $0xFFFFB800  }
0x11e: {  	[spmem:s2] =	stream.indirect.scatter.add.f32 [tilespmem:s30], [sflag:$0x5], $0x90, s16, s29, $0xb8;
	[tilespmem:$0x1F900] =	vst v63  }
0x11f: {  	_ =	swait.ge [sflag:s6], $0x4800  }
0x120: {  	[sflag:s6] =	ssyncset.done $0x0  }
0x121: {  	s16 =	sadd.s32 $0x200, s15;
	[sflag:s6] =	ssyncadd.s32 $0xFFFFB800  }
0x122: {  	[tilespmem:s30], [sflag:$0x1] =	stream.indirect.gather [hbm4b:s4+s29], $0x90, s16, s29, $0xb8;
	[tilespmem:$0x1F900] =	vst v63  }
0x123: {  	_ =	swait.ge [sflag:s7], $0x4800  }
0x124: {  	[sflag:s7] =	ssyncset.done $0x0  }
0x125: {  	s16 =	sadd.s32 $0x2080, s15;
	[sflag:s7] =	ssyncadd.s32 $0xFFFFB800  }
0x126: {  	[spmem:s2] =	stream.indirect.scatter.add.f32 [tilespmem:s31], [sflag:$0x6], $0x90, s16, s29, $0xb8;
	[tilespmem:$0x1F900] =	vst v63  }
0x127: {  	_ =	swait.ge [sflag:s8], $0x4800  }
0x128: {  	[sflag:s8] =	ssyncset.done $0x0  }
0x129: {  	s16 =	sadd.s32 $0x280, s15;
	[sflag:s8] =	ssyncadd.s32 $0xFFFFB800  }
0x12a: {  	[tilespmem:s31], [sflag:$0x2] =	stream.indirect.gather [hbm4b:s4+s29], $0x90, s16, s29, $0xb8;
	[tilespmem:$0x1F900] =	vst v63  }
0x12b: {  	_ =	swait.ge [sflag:s9], $0x4800  }
0x12c: {  	[sflag:s9] =	ssyncset.done $0x0  }
0x12d: {  	s16 =	sadd.s32 $0x2100, s15;
	[sflag:s9] =	ssyncadd.s32 $0xFFFFB800  }
0x12e: {  	[spmem:s2] =	stream.indirect.scatter.add.f32 [tilespmem:s28], [sflag:$0x7], $0x90, s16, s29, $0xb8;
	[tilespmem:$0x1F900] =	vst v63  }
0x12f: {  	_ =	swait.ge [sflag:s10], $0x4800  }
0x130: {  	[sflag:s10] =	ssyncset.done $0x0  }
0x131: {  	s16 =	sadd.s32 $0x300, s15;
	[sflag:s10] =	ssyncadd.s32 $0xFFFFB800  }
0x132: {  	[tilespmem:s28], [sflag:$0x3] =	stream.indirect.gather [hbm4b:s4+s29], $0x90, s16, s29, $0xb8;
	[tilespmem:$0x1F900] =	vst v63  }
0x133: {  	_ =	swait.ge [sflag:s11], $0x4800  }
0x134: {  	[sflag:s11] =	ssyncset.done $0x0  }
.Ltmp0:
0x135: {  	s16 =	sadd.s32 $0x2180, s15;
	[sflag:s11] =	ssyncadd.s32 $0xFFFFB800;
	(pc) =	sbr.rel @p0 .LBB2_2-.Ltmp0, $4  }
0x136: {  	[spmem:s2] =	stream.indirect.scatter.add.f32 [tilespmem:s1], [sflag:$0x8], $0x90, s16, s29, $0xb8;
	[tilespmem:$0x1F900] =	vst v63  }
0x137: {  	_ =	swait.ge [sflag:s12], $0x4800  }
0x138: {  	[sflag:s12] =	ssyncset.done $0x0  }
0x139: {  	s15 =	sadd.s32 $0x380, s15;
	[sflag:s12] =	ssyncadd.s32 $0xFFFFB800  }
0x13a: {  	[tilespmem:s1], [sflag:$0x4] =	stream.indirect.gather [hbm4b:s4+s29], $0x90, s15, s29, $0xb8;
	[tilespmem:$0x1F900] =	vst v63  }
0x13b: {  	_ =	swait.ge [sflag:s0], $0x4800  }
0x13c: {  	[sflag:s0] =	ssyncset.done $0x0  }
0x13d: {  	s14 =	simm.s32 $0x3E00;
	[sflag:s0] =	ssyncadd.s32 $0xFFFFB800  }
0x13e: {  	[spmem:s2] =	stream.indirect.scatter.add.f32 [tilespmem:s30], [sflag:$0x5], $0x90, s14, s29, $0xb8;
	[tilespmem:$0x1F900] =	vst v63  }
0x13f: {  	_ =	swait.ge [sflag:s6], $0x4800  }
0x140: {  	[sflag:s6] =	ssyncset.done $0x0  }
0x141: {  	[sflag:s6] =	ssyncadd.s32 $0xFFFFB800  }
0x142: {  	_ =	swait.ge [sflag:s7], $0x4800  }
0x143: {  	[sflag:s7] =	ssyncset.done $0x0  }
0x144: {  	s16 =	simm.s32 $0x3E80;
	[sflag:s7] =	ssyncadd.s32 $0xFFFFB800  }
0x145: {  	[spmem:s2] =	stream.indirect.scatter.add.f32 [tilespmem:s31], [sflag:$0x6], $0x90, s16, s29, $0xb8;
	[tilespmem:$0x1F900] =	vst v63  }
0x146: {  	_ =	swait.ge [sflag:s8], $0x4800  }
0x147: {  	[sflag:s8] =	ssyncset.done $0x0  }
0x148: {  	[sflag:s8] =	ssyncadd.s32 $0xFFFFB800  }
0x149: {  	_ =	swait.ge [sflag:s9], $0x4800  }
0x14a: {  	[sflag:s9] =	ssyncset.done $0x0  }
0x14b: {  	s15 =	simm.s32 $0x3F00;
	[sflag:s9] =	ssyncadd.s32 $0xFFFFB800  }
0x14c: {  	[spmem:s2] =	stream.indirect.scatter.add.f32 [tilespmem:s28], [sflag:$0x7], $0x90, s15, s29, $0xb8;
	[tilespmem:$0x1F900] =	vst v63  }
0x14d: {  	_ =	swait.ge [sflag:s10], $0x4800  }
0x14e: {  	[sflag:s10] =	ssyncset.done $0x0  }
0x14f: {  	[sflag:s10] =	ssyncadd.s32 $0xFFFFB800  }
0x150: {  	_ =	swait.ge [sflag:s11], $0x4800  }
0x151: {  	[sflag:s11] =	ssyncset.done $0x0  }
0x152: {  	s16 =	simm.s32 $0x3F80;
	[sflag:s11] =	ssyncadd.s32 $0xFFFFB800  }
0x153: {  	[spmem:s2] =	stream.indirect.scatter.add.f32 [tilespmem:s1], [sflag:$0x8], $0x90, s16, s29, $0xb8;
	[tilespmem:$0x1F900] =	vst v63  }
0x154: {  	s15 =	stileid.u32;
	_ =	swait.ge [sflag:s12], $0x4800  }
0x155: {  	s13 =	sadd.s32 $0x1, s13;
	s14 =	sshll.u32 s15, $0x6;
	[sflag:s12] =	ssyncset.done $0x0  }
0x156: {  	p0 =	sne.s32 s13, s24;
	s14 =	sor.u32 $0x1C09, s14;
	[sflag:s12] =	ssyncadd.s32 $0xFFFFB800  }
.Ltmp1:
0x157: {  	s16 =	sshrl.u32 s5, $0x3;
	[bflag:$0x0] =	sbarrier.arrive $0xFFFF;
	(pc) =	sbr.rel @p0 .LBB2_1-.Ltmp1, $4  }
0x158: {  	[hbm:s23], [sflag:s14] =	dma.local [spmem:s16], $0x1200  }
0x159: {  	_ =	swait.ge [sflag:s26], $0x1200  }
0x15a: {  	[sflag:s26] =	ssyncset.done $0x0  }
0x15b: {  	[sflag:s26] =	ssyncadd.s32 $0xFFFFEE00  }
0x15c: {  	_ =	sfence.sel $0x180000  }
0x15d: {  	[bflag:$0x0] =	sbarrier.arrive $0xFFFF  }
0x15e: {  	_ =	strace $0x90000047  }
0x15f: {  	s0 =	stileid.u32;
	[bflag:$0x2] =	sbarrier.arrive $0xFFFF  }
0x160: {  	p0 =	sne.s32 s0, $0x0;
	s0 =	rddreg [dreg:$0x2]  }
0x161: {  	s0 =	sadd.s32 @!p0 $0x100000, s0  }
0x162: {  	[sflag:s0] =	ssyncadd.tile.s32 @!p0 $0x1;
	_ =	shalt  }
.Lfunc_end2:
_tile_overlayer_lowered:
.L_overlay_start_2:
0x163: {  	(tag) =	ssettag $0x2  }
0x164: {  	s0 =	rddreg [dreg:$0x0];
	s2 =	stileid.u32  }
0x165: {  	s1 =	rddreg [dreg:$0x1];
	p0 =	sne.s32 s2, $0x0  }
0x166: {  	s3 =	rddreg [dreg:$0x2];
	[bflag:$0x3] =	sbarrier.arrive $0xFFFF;
	s2 =	simm.s32 @!p0 $0x1C09  }
0x167: {  	[timem:s3], [sflag:s2] =	dma.local @!p0 [hbm:s0], s1  }
0x168: {  	s0 =	simm.s32 @!p0 $0x9  }
0x169: {  	_ =	swait.ge @!p0 [sflag:s0], s1  }
0x16a: {  	s1 =	ssub.s32 @!p0 $0x0, s1;
	[sflag:s0] =	ssyncset.done @!p0 $0x0  }
0x16b: {  	[sflag:s0] =	ssyncadd.s32 @!p0 s1  }
0x16c: {  	[bflag:$0x3] =	sbarrier.arrive $0xFFFF  }
0x16d: {  	_ =	shalt  }

</sc_bundles>
